<compile_context>
chip_gen: v7x
topology: tpu7x:2x2x1
jax: 0.10.2.dev20260603
libtpu: 0.0.44.dev20260713+nightly
codegen_flags: <defaults>
</compile_context>

<pallas_src>
import functools

import jax
import jax.numpy as jnp
from jax import lax
from jax.experimental import pallas as pl
from jax.experimental.pallas import tpu as pltpu
from jax.experimental.pallas import tpu_sc as plsc

B = 128
N = 32768
K = 64
L = 16
NC = 2
NS = 16
NW = NC * NS
RPW = B // NW
NV = N // L
NB1 = 256
MASK31 = 0x7FFFFFFF


def _lanes():
    return lax.broadcasted_iota(jnp.int32, (L,), 0)


def _abs_bits(v):
    return jnp.bitwise_and(lax.bitcast_convert_type(v, jnp.int32), MASK31)


def _reduce_and_cross(hist_v, tot_v, nbins, m):
    lanes = _lanes()
    stride = nbins + 1

    @plsc.parallel_loop(0, nbins // L, unroll=2)
    def _(i):
        acc = jnp.zeros((L,), jnp.int32)
        for l in range(L):
            acc = acc + hist_v[pl.ds(l * stride + i * L, L)]
        tot_v[pl.ds(i * L, L)] = acc

    def coarse_body(j, carry):
        above, found, jstar, above_at = carry
        jj = nbins // L - 1 - j
        s = jnp.sum(tot_v[pl.ds(jj * L, L)])
        hit = jnp.logical_and(found == 0, above + s >= m)
        jstar = jnp.where(hit, jj, jstar)
        above_at = jnp.where(hit, above, above_at)
        found = jnp.where(hit, 1, found)
        return (above + s, found, jstar, above_at)

    init = (jnp.int32(0), jnp.int32(0), jnp.int32(0), jnp.int32(0))
    _, _, jstar, above_at = lax.fori_loop(0, nbins // L, coarse_body, init)

    tv = tot_v[pl.ds(jstar * L, L)]
    r = lax.rev(tv, (0,))
    incl = plsc.cumsum(r) + above_at
    crossm = incl >= m
    cm_i = crossm.astype(jnp.int32)
    fs = jnp.logical_and(crossm, plsc.cumsum(cm_i) == 1)
    incl_k = jnp.sum(jnp.where(fs, incl, 0))
    r_k = jnp.sum(jnp.where(fs, r, 0))
    lane_k = jnp.sum(jnp.where(fs, lanes, 0))
    bstar = jstar * L + (L - 1) - lane_k
    gt_excl = incl_k - r_k
    return bstar, gt_excl


def _zero_hist(hist_v, nwords_div_l):
    @plsc.parallel_loop(0, nwords_div_l, unroll=8)
    def _(i):
        hist_v[pl.ds(i * L, L)] = jnp.zeros((L,), jnp.int32)


def _topk_body(z_hbm, out_hbm, row_v, ci_v, cb_v, hist_v, tot_v, outi_v,
               dma_sem):
    wid = lax.axis_index("s") * NC + lax.axis_index("c")
    lanes = _lanes()
    ones = jnp.ones((L,), jnp.int32)
    r0 = wid * RPW
    pltpu.make_async_copy(z_hbm.at[r0], row_v, dma_sem).start()

    def do_row(k, _):
        r = r0 + k
        pltpu.make_async_copy(z_hbm.at[r], row_v, dma_sem).wait()

        _zero_hist(hist_v, NB1 + 1)

        lane_base1 = lanes * (NB1 + 1)

        @plsc.parallel_loop(0, NV, unroll=16)
        def _(i):
            b = _abs_bits(row_v[pl.ds(i * L, L)])
            binv = jnp.right_shift(b, 23)
            plsc.addupdate_scatter(hist_v, [lane_base1 + binv], ones)
        b1, gt1 = _reduce_and_cross(hist_v, tot_v, NB1, jnp.int32(K))

        @plsc.parallel_loop(0, NV, unroll=16, carry=jnp.zeros((L,), jnp.int32))
        def cnt_vec(i, cnt):
            b = _abs_bits(row_v[pl.ds(i * L, L)])
            binv = jnp.right_shift(b, 23)
            m_ge = binv >= b1
            mi = m_ge.astype(jnp.int32)
            ranks = plsc.cumsum(mi) - mi
            addr = cnt + ranks
            plsc.store_scatter(ci_v, [addr], i * L + lanes, mask=m_ge)
            plsc.store_scatter(cb_v, [addr], b, mask=m_ge)
            return cnt + plsc.all_reduce_population_count(m_ge)

        n_c = cnt_vec[0]
        n_cv = jnp.right_shift(n_c + (L - 1), 4)

        rnext = r0 + jnp.minimum(k + 1, RPW - 1)
        pltpu.make_async_copy(z_hbm.at[rnext], row_v, dma_sem).start()

        def cand_bits(i):
            idxs = ci_v[pl.ds(i * L, L)]
            valid = (i * L + lanes) < n_c
            b = cb_v[pl.ds(i * L, L)]
            return idxs, valid, b

        def level(shift, width, pfx, m):
            nb = 1 << width
            _zero_hist(hist_v, nb + 1)

            lane_base = lanes * (nb + 1)

            @plsc.parallel_loop(0, n_cv, unroll=4)
            def _(i):
                _, valid, b = cand_bits(i)
                okp = jnp.logical_and(
                    valid, jnp.right_shift(b, shift + width) == pfx)
                binv = jnp.bitwise_and(jnp.right_shift(b, shift), nb - 1)
                plsc.addupdate_scatter(hist_v, [lane_base + binv], ones,
                                       mask=okp)
            bs, gt = _reduce_and_cross(hist_v, tot_v, nb, m)
            return jnp.bitwise_or(lax.shift_left(pfx, width), bs), m - gt

        pfx, m = level(15, 8, b1, jnp.int32(K) - gt1)

        @plsc.parallel_loop(0, n_cv, unroll=4,
                            carry=jnp.zeros((L,), jnp.int32))
        def cnt2_vec(i, cnt):
            idxs = ci_v[pl.ds(i * L, L)]
            b = cb_v[pl.ds(i * L, L)]
            valid = (i * L + lanes) < n_c
            keep = jnp.logical_and(valid, jnp.right_shift(b, 15) >= pfx)
            ki = keep.astype(jnp.int32)
            addr = cnt + plsc.cumsum(ki) - ki
            plsc.store_scatter(ci_v, [addr], idxs, mask=keep)
            plsc.store_scatter(cb_v, [addr], b, mask=keep)
            return cnt + plsc.all_reduce_population_count(keep)

        n_c = cnt2_vec[0]
        n_cv = jnp.right_shift(n_c + (L - 1), 4)

        pfx, m = level(7, 8, pfx, m)
        t_bits, m_eq = level(0, 7, pfx, m)

        zc = (jnp.zeros((L,), jnp.int32), jnp.zeros((L,), jnp.int32))

        @plsc.parallel_loop(0, n_cv, unroll=4, carry=zc)
        def _(i, carry):
            ocnt, eqc = carry
            idxs_s, valid, b = cand_bits(i)
            gt = jnp.logical_and(valid, b > t_bits)
            eq = jnp.logical_and(valid, b == t_bits)
            eqi = eq.astype(jnp.int32)
            rank_eq = plsc.cumsum(eqi) + eqc
            sel = jnp.logical_or(gt, jnp.logical_and(eq, rank_eq <= m_eq))
            si = sel.astype(jnp.int32)
            ranks = plsc.cumsum(si) - si
            plsc.store_scatter(outi_v, [ocnt + ranks], idxs_s, mask=sel)
            return (ocnt + plsc.all_reduce_population_count(sel),
                    eqc + plsc.all_reduce_population_count(eq))
        pltpu.sync_copy(outi_v, out_hbm.at[r])
        return 0

    lax.fori_loop(0, RPW, do_row, 0)
    pltpu.make_async_copy(z_hbm.at[r0 + RPW - 1], row_v, dma_sem).wait()


def _labels_body(topk_hbm, out_hbm, a_v, lrow_v):
    wid = lax.axis_index("s") * NC + lax.axis_index("c")
    lanes = _lanes()
    pltpu.sync_copy(topk_hbm, a_v)
    rvecs = [wid * RPW + k + jnp.zeros((L,), jnp.int32) for k in range(RPW)]

    @plsc.parallel_loop(0, B // L, unroll=1)
    def _(jb):
        jvec = jb * L + lanes
        mism = [jnp.zeros((L,), jnp.int32) for _ in range(RPW)]
        for t in range(K):
            tv = jnp.bitwise_and(jvec + t, K - 1)
            other = plsc.load_gather(a_v, [jvec, tv])
            for k in range(RPW):
                mine = plsc.load_gather(a_v, [rvecs[k], tv])
                mism[k] = jnp.bitwise_or(mism[k],
                                         jnp.bitwise_xor(other, mine))
        for k in range(RPW):
            lrow_v[k, pl.ds(jb * L, L)] = jnp.where(
                mism[k] == 0, jnp.float32(1.0), jnp.float32(0.0))

    for k in range(RPW):
        pltpu.sync_copy(lrow_v.at[k], out_hbm.at[wid * RPW + k])


_MESH = plsc.VectorSubcoreMesh(core_axis_name="c", subcore_axis_name="s")
_PARAMS = pltpu.CompilerParams(
    needs_layout_passes=False,
    disable_bounds_checks=True,
    disable_semaphore_checks=True,
)

_topk_call = pl.kernel(
    _topk_body,
    out_type=jax.ShapeDtypeStruct((B, K), jnp.int32),
    mesh=_MESH,
    compiler_params=_PARAMS,
    scratch_types=[
        pltpu.VMEM((N,), jnp.float32),
        pltpu.VMEM((N,), jnp.int32),
        pltpu.VMEM((N,), jnp.int32),
        pltpu.VMEM(((NB1 + 1) * L,), jnp.int32),
        pltpu.VMEM((NB1,), jnp.int32),
        pltpu.VMEM((K,), jnp.int32),
        pltpu.SemaphoreType.DMA,
    ],
)

_labels_call = pl.kernel(
    _labels_body,
    out_type=jax.ShapeDtypeStruct((B, B), jnp.float32),
    mesh=_MESH,
    compiler_params=_PARAMS,
    scratch_types=[
        pltpu.VMEM((B, K), jnp.int32),
        pltpu.VMEM((RPW, B), jnp.float32),
    ],
)


def _labels_tc_body(topk_ref, out_ref):
    a = topk_ref[...]
    at = jnp.transpose(a)
    acc = jnp.ones((B, B), jnp.float32)
    for t in range(K):
        col = jax.lax.slice(a, (0, t), (B, t + 1))
        row = jax.lax.slice(at, (t, 0), (t + 1, B))
        acc = acc * (col == row).astype(jnp.float32)
    out_ref[...] = acc


_labels_tc_call = pl.pallas_call(
    _labels_tc_body,
    out_shape=jax.ShapeDtypeStruct((B, B), jnp.float32),
)


@jax.jit
def kernel(z):
    topk = _topk_call(z)
    return _labels_tc_call(topk)

# --- scband reference (transcript-rebuilt; emitter-appended) ---
"""Pipeline reference for scband-ranking-statistics-85512798863833 (READ-ONLY COPY).

The authoritative reference and input builder live on the scoring server;
editing this copy changes nothing except your own understanding.
"""

import jax, jax.numpy as jnp
import numpy as np

K_NUM = 64

def setup_inputs(seed: int = 0) -> dict:
    key = jax.random.key(seed)
    z = jax.random.normal(key, (128, 32768), dtype=jnp.float32)
    return {"z": z}

def reference(z):
    # torch: topk_z = sort(topk(flatten(|z|,1), k).indices).values
    zf = jnp.abs(z.reshape(z.shape[0], -1))
    _, idx = jax.lax.top_k(zf, K_NUM)
    topk_z = jnp.sort(idx, axis=-1)
    # labels = (topk_z == topk_z[:, None, :]).all(-1).float()
    # broadcasting: [1,B,k] vs [B,1,k] -> [B,B,k]
    labels = jnp.all(topk_z[None, :, :] == topk_z[:, None, :], axis=-1).astype(jnp.float32)
    return labels

if __name__ == "__main__":
    import jax
    _d = setup_inputs()
    print(jax.jit(kernel)(*tuple(_d.values())))

</pallas_src>

<mosaic_0001>
#map = affine_map<(d0, d1) -> (0, 0)>
module attributes {stable_mosaic.version = 14 : i64} {
  func.func @_topk_body(%arg0: i32, %arg1: i32, %arg2: memref<128x32768xf32, #tpu.memory_space<hbm>>, %arg3: memref<128x64xi32, #tpu.memory_space<hbm>>, %arg4: memref<32768xf32, #tpu.memory_space<vmem>>, %arg5: memref<32768xi32, #tpu.memory_space<vmem>>, %arg6: memref<32768xi32, #tpu.memory_space<vmem>>, %arg7: memref<4112xi32, #tpu.memory_space<vmem>>, %arg8: memref<256xi32, #tpu.memory_space<vmem>>, %arg9: memref<64xi32, #tpu.memory_space<vmem>>, %arg10: memref<!tpu.dma_semaphore, #tpu.memory_space<semaphore_mem>>) attributes {dimension_semantics = [#tpu.dimension_semantics<core_parallel>, #tpu.dimension_semantics<subcore_parallel>], iteration_bounds = array<i64: 2, 16>, scalar_prefetch = 0 : i64, scratch_operands = 7 : i64, tpu.core_type = #tpu.core_type<sc_vector_subcore>, window_params = [{transform_indices = #map}, {transform_indices = #map}]} {
    %mul3A = arith.constant 2 : i32
    %mul3A_0 = arith.muli %arg1, %mul3A : i32
    %add3A = arith.addi %mul3A_0, %arg0 : i32
    %iota3A = tpu.iota {dimensions = array<i32: 0>} : vector<16xi32>
    %broadcast_in_dim3A = arith.constant 1 : i32
    %broadcast_in_dim3A_1 = vector.broadcast %broadcast_in_dim3A : i32 to vector<16xi32>
    %mul3A_2 = arith.constant 4 : i32
    %mul3A_3 = arith.muli %add3A, %mul3A_2 : i32
    %dma_start3A = arith.constant 0 : i32
    %dma_start3A_4 = tpu.memref_slice %arg2[%mul3A_3, %dma_start3A] : memref<128x32768xf32, #tpu.memory_space<hbm>> -> memref<1x32768xf32, #tpu.memory_space<hbm>>
    %dma_start3A_5 = tpu.memref_squeeze %dma_start3A_4 : memref<1x32768xf32, #tpu.memory_space<hbm>> -> memref<32768xf32, #tpu.memory_space<hbm>>
    %dma_start3A_6 = arith.constant 0 : i32
    %dma_start3A_7 = tpu.memref_slice %arg2[%mul3A_3, %dma_start3A_6] : memref<128x32768xf32, #tpu.memory_space<hbm>> -> memref<1x32768xf32, #tpu.memory_space<hbm>>
    %dma_start3A_8 = tpu.memref_squeeze %dma_start3A_7 : memref<1x32768xf32, #tpu.memory_space<hbm>> -> memref<32768xf32, #tpu.memory_space<hbm>>
    tpu.enqueue_dma source(%dma_start3A_8 : memref<32768xf32, #tpu.memory_space<hbm>>) target(%arg4 : memref<32768xf32, #tpu.memory_space<vmem>>) target_semaphore(%arg10 : memref<!tpu.dma_semaphore, #tpu.memory_space<semaphore_mem>>)
    %scan3A = arith.constant 0 : i32
    %scan3A_9 = arith.constant 0 : i32
    %scan3A_10 = arith.constant 4 : i32
    %scan3A_11 = arith.addi %scan3A_9, %scan3A_10 : i32
    %scan3A_12 = arith.constant 1 : i32
    %scan3A_13 = scf.for %scan3A_23 = %scan3A_9 to %scan3A_11 step %scan3A_12 iter_args(%scan3A_24 = %scan3A) -> (i32)  : i32 {
      %add3A_25 = arith.addi %mul3A_3, %scan3A_23 : i32
      %dma_wait3A_26 = arith.constant 0 : i32
      %dma_wait3A_27 = tpu.memref_slice %arg2[%add3A_25, %dma_wait3A_26] : memref<128x32768xf32, #tpu.memory_space<hbm>> -> memref<1x32768xf32, #tpu.memory_space<hbm>>
      %dma_wait3A_28 = tpu.memref_squeeze %dma_wait3A_27 : memref<1x32768xf32, #tpu.memory_space<hbm>> -> memref<32768xf32, #tpu.memory_space<hbm>>
      %dma_wait3A_29 = arith.constant 0 : i32
      %dma_wait3A_30 = tpu.memref_slice %arg2[%add3A_25, %dma_wait3A_29] : memref<128x32768xf32, #tpu.memory_space<hbm>> -> memref<1x32768xf32, #tpu.memory_space<hbm>>
      %dma_wait3A_31 = tpu.memref_squeeze %dma_wait3A_30 : memref<1x32768xf32, #tpu.memory_space<hbm>> -> memref<32768xf32, #tpu.memory_space<hbm>>
      tpu.wait_dma2 semaphore(%arg10 : memref<!tpu.dma_semaphore, #tpu.memory_space<semaphore_mem>>) src(%dma_wait3A_31 : memref<32768xf32, #tpu.memory_space<hbm>>) dst(%arg4 : memref<32768xf32, #tpu.memory_space<vmem>>)
      %parallel_loop3A = arith.constant 0 : i32
      %parallel_loop3A_32 = arith.constant 257 : i32
      %parallel_loop3A_33 = arith.constant 1 : i32
      scf.for %parallel_loop3A_366 = %parallel_loop3A to %parallel_loop3A_32 step %parallel_loop3A_33  : i32 {
        %parallel_loop3A_367 = arith.constant 0 : i32
        %parallel_loop3A_368 = vector.broadcast %parallel_loop3A_367 : i32 to vector<16xi32>
        %parallel_loop3A_369 = arith.constant 16 : i32
        %parallel_loop3A_370 = arith.muli %parallel_loop3A_366, %parallel_loop3A_369 : i32
        %parallel_loop3A_371 = arith.index_cast %parallel_loop3A_370 : i32 to index
        %parallel_loop3A_372 = tpu.vector_load %arg7[%parallel_loop3A_371] {strides = array<i32>} : memref<4112xi32, #tpu.memory_space<vmem>>, vector<16xi32>,
        tpu.vector_store %arg7[%parallel_loop3A_371], %parallel_loop3A_368 {strides = array<i32>} : memref<4112xi32, #tpu.memory_space<vmem>>, vector<16xi32>,
      } {sc.loop_unroll_factor = 8 : i64, sc.parallel_access}
      %mul3A_34 = arith.constant 257 : i32
      %mul3A_35 = vector.broadcast %mul3A_34 : i32 to vector<16xi32>
      %mul3A_36 = arith.muli %iota3A, %mul3A_35 : vector<16xi32>
      %parallel_loop3A_37 = arith.constant 0 : i32
      %parallel_loop3A_38 = arith.constant 2048 : i32
      %parallel_loop3A_39 = arith.constant 1 : i32
      scf.for %parallel_loop3A_366 = %parallel_loop3A_37 to %parallel_loop3A_38 step %parallel_loop3A_39  : i32 {
        %parallel_loop3A_367 = arith.constant 16 : i32
        %parallel_loop3A_368 = arith.muli %parallel_loop3A_366, %parallel_loop3A_367 : i32
        %parallel_loop3A_369 = arith.index_cast %parallel_loop3A_368 : i32 to index
        %parallel_loop3A_370 = tpu.vector_load %arg4[%parallel_loop3A_369] {strides = array<i32>} : memref<32768xf32, #tpu.memory_space<vmem>>, vector<16xf32>,
        %parallel_loop3A_371 = tpu.bitcast %parallel_loop3A_370 : vector<16xf32> -> vector<16xi32>
        %parallel_loop3A_372 = arith.constant 2147483647 : i32
        %parallel_loop3A_373 = vector.broadcast %parallel_loop3A_372 : i32 to vector<16xi32>
        %parallel_loop3A_374 = arith.andi %parallel_loop3A_371, %parallel_loop3A_373 : vector<16xi32>
        %parallel_loop3A_375 = arith.constant 23 : i32
        %parallel_loop3A_376 = vector.broadcast %parallel_loop3A_375 : i32 to vector<16xi32>
        %parallel_loop3A_377 = arith.shrsi %parallel_loop3A_374, %parallel_loop3A_376 : vector<16xi32>
        %parallel_loop3A_378 = arith.addi %mul3A_36, %parallel_loop3A_377 : vector<16xi32>
        tpu.vector_store_idx %arg7[%parallel_loop3A_378], %broadcast_in_dim3A_1 {add = true} : memref<4112xi32, #tpu.memory_space<vmem>>[vector<16xi32>], vector<16xi32>,
      } {sc.loop_unroll_factor = 16 : i64, sc.parallel_access}
      %iota3A_40 = tpu.iota {dimensions = array<i32: 0>} : vector<16xi32>
      %parallel_loop3A_41 = arith.constant 0 : i32
      %parallel_loop3A_42 = arith.constant 16 : i32
      %parallel_loop3A_43 = arith.constant 1 : i32
      scf.for %parallel_loop3A_366 = %parallel_loop3A_41 to %parallel_loop3A_42 step %parallel_loop3A_43  : i32 {
        %parallel_loop3A_367 = arith.constant 0 : i32
        %parallel_loop3A_368 = vector.broadcast %parallel_loop3A_367 : i32 to vector<16xi32>
        %parallel_loop3A_369 = arith.constant 16 : i32
        %parallel_loop3A_370 = arith.muli %parallel_loop3A_366, %parallel_loop3A_369 : i32
        %parallel_loop3A_371 = arith.constant 0 : i32
        %parallel_loop3A_372 = arith.addi %parallel_loop3A_371, %parallel_loop3A_370 : i32
        %parallel_loop3A_373 = arith.index_cast %parallel_loop3A_372 : i32 to index
        %parallel_loop3A_374 = tpu.vector_load %arg7[%parallel_loop3A_373] {strides = array<i32>} : memref<4112xi32, #tpu.memory_space<vmem>>, vector<16xi32>,
        %parallel_loop3A_375 = arith.addi %parallel_loop3A_368, %parallel_loop3A_374 : vector<16xi32>
        %parallel_loop3A_376 = arith.constant 16 : i32
        %parallel_loop3A_377 = arith.muli %parallel_loop3A_366, %parallel_loop3A_376 : i32
        %parallel_loop3A_378 = arith.constant 257 : i32
        %parallel_loop3A_379 = arith.addi %parallel_loop3A_378, %parallel_loop3A_377 : i32
        %parallel_loop3A_380 = arith.index_cast %parallel_loop3A_379 : i32 to index
        %parallel_loop3A_381 = tpu.vector_load %arg7[%parallel_loop3A_380] {strides = array<i32>} : memref<4112xi32, #tpu.memory_space<vmem>>, vector<16xi32>,
        %parallel_loop3A_382 = arith.addi %parallel_loop3A_375, %parallel_loop3A_381 : vector<16xi32>
        %parallel_loop3A_383 = arith.constant 16 : i32
        %parallel_loop3A_384 = arith.muli %parallel_loop3A_366, %parallel_loop3A_383 : i32
        %parallel_loop3A_385 = arith.constant 514 : i32
        %parallel_loop3A_386 = arith.addi %parallel_loop3A_385, %parallel_loop3A_384 : i32
        %parallel_loop3A_387 = arith.index_cast %parallel_loop3A_386 : i32 to index
        %parallel_loop3A_388 = tpu.vector_load %arg7[%parallel_loop3A_387] {strides = array<i32>} : memref<4112xi32, #tpu.memory_space<vmem>>, vector<16xi32>,
        %parallel_loop3A_389 = arith.addi %parallel_loop3A_382, %parallel_loop3A_388 : vector<16xi32>
        %parallel_loop3A_390 = arith.constant 16 : i32
        %parallel_loop3A_391 = arith.muli %parallel_loop3A_366, %parallel_loop3A_390 : i32
        %parallel_loop3A_392 = arith.constant 771 : i32
        %parallel_loop3A_393 = arith.addi %parallel_loop3A_392, %parallel_loop3A_391 : i32
        %parallel_loop3A_394 = arith.index_cast %parallel_loop3A_393 : i32 to index
        %parallel_loop3A_395 = tpu.vector_load %arg7[%parallel_loop3A_394] {strides = array<i32>} : memref<4112xi32, #tpu.memory_space<vmem>>, vector<16xi32>,
        %parallel_loop3A_396 = arith.addi %parallel_loop3A_389, %parallel_loop3A_395 : vector<16xi32>
        %parallel_loop3A_397 = arith.constant 16 : i32
        %parallel_loop3A_398 = arith.muli %parallel_loop3A_366, %parallel_loop3A_397 : i32
        %parallel_loop3A_399 = arith.constant 1028 : i32
        %parallel_loop3A_400 = arith.addi %parallel_loop3A_399, %parallel_loop3A_398 : i32
        %parallel_loop3A_401 = arith.index_cast %parallel_loop3A_400 : i32 to index
        %parallel_loop3A_402 = tpu.vector_load %arg7[%parallel_loop3A_401] {strides = array<i32>} : memref<4112xi32, #tpu.memory_space<vmem>>, vector<16xi32>,
        %parallel_loop3A_403 = arith.addi %parallel_loop3A_396, %parallel_loop3A_402 : vector<16xi32>
        %parallel_loop3A_404 = arith.constant 16 : i32
        %parallel_loop3A_405 = arith.muli %parallel_loop3A_366, %parallel_loop3A_404 : i32
        %parallel_loop3A_406 = arith.constant 1285 : i32
        %parallel_loop3A_407 = arith.addi %parallel_loop3A_406, %parallel_loop3A_405 : i32
        %parallel_loop3A_408 = arith.index_cast %parallel_loop3A_407 : i32 to index
        %parallel_loop3A_409 = tpu.vector_load %arg7[%parallel_loop3A_408] {strides = array<i32>} : memref<4112xi32, #tpu.memory_space<vmem>>, vector<16xi32>,
        %parallel_loop3A_410 = arith.addi %parallel_loop3A_403, %parallel_loop3A_409 : vector<16xi32>
        %parallel_loop3A_411 = arith.constant 16 : i32
        %parallel_loop3A_412 = arith.muli %parallel_loop3A_366, %parallel_loop3A_411 : i32
        %parallel_loop3A_413 = arith.constant 1542 : i32
        %parallel_loop3A_414 = arith.addi %parallel_loop3A_413, %parallel_loop3A_412 : i32
        %parallel_loop3A_415 = arith.index_cast %parallel_loop3A_414 : i32 to index
        %parallel_loop3A_416 = tpu.vector_load %arg7[%parallel_loop3A_415] {strides = array<i32>} : memref<4112xi32, #tpu.memory_space<vmem>>, vector<16xi32>,
        %parallel_loop3A_417 = arith.addi %parallel_loop3A_410, %parallel_loop3A_416 : vector<16xi32>
        %parallel_loop3A_418 = arith.constant 16 : i32
        %parallel_loop3A_419 = arith.muli %parallel_loop3A_366, %parallel_loop3A_418 : i32
        %parallel_loop3A_420 = arith.constant 1799 : i32
        %parallel_loop3A_421 = arith.addi %parallel_loop3A_420, %parallel_loop3A_419 : i32
        %parallel_loop3A_422 = arith.index_cast %parallel_loop3A_421 : i32 to index
        %parallel_loop3A_423 = tpu.vector_load %arg7[%parallel_loop3A_422] {strides = array<i32>} : memref<4112xi32, #tpu.memory_space<vmem>>, vector<16xi32>,
        %parallel_loop3A_424 = arith.addi %parallel_loop3A_417, %parallel_loop3A_423 : vector<16xi32>
        %parallel_loop3A_425 = arith.constant 16 : i32
        %parallel_loop3A_426 = arith.muli %parallel_loop3A_366, %parallel_loop3A_425 : i32
        %parallel_loop3A_427 = arith.constant 2056 : i32
        %parallel_loop3A_428 = arith.addi %parallel_loop3A_427, %parallel_loop3A_426 : i32
        %parallel_loop3A_429 = arith.index_cast %parallel_loop3A_428 : i32 to index
        %parallel_loop3A_430 = tpu.vector_load %arg7[%parallel_loop3A_429] {strides = array<i32>} : memref<4112xi32, #tpu.memory_space<vmem>>, vector<16xi32>,
        %parallel_loop3A_431 = arith.addi %parallel_loop3A_424, %parallel_loop3A_430 : vector<16xi32>
        %parallel_loop3A_432 = arith.constant 16 : i32
        %parallel_loop3A_433 = arith.muli %parallel_loop3A_366, %parallel_loop3A_432 : i32
        %parallel_loop3A_434 = arith.constant 2313 : i32
        %parallel_loop3A_435 = arith.addi %parallel_loop3A_434, %parallel_loop3A_433 : i32
        %parallel_loop3A_436 = arith.index_cast %parallel_loop3A_435 : i32 to index
        %parallel_loop3A_437 = tpu.vector_load %arg7[%parallel_loop3A_436] {strides = array<i32>} : memref<4112xi32, #tpu.memory_space<vmem>>, vector<16xi32>,
        %parallel_loop3A_438 = arith.addi %parallel_loop3A_431, %parallel_loop3A_437 : vector<16xi32>
        %parallel_loop3A_439 = arith.constant 16 : i32
        %parallel_loop3A_440 = arith.muli %parallel_loop3A_366, %parallel_loop3A_439 : i32
        %parallel_loop3A_441 = arith.constant 2570 : i32
        %parallel_loop3A_442 = arith.addi %parallel_loop3A_441, %parallel_loop3A_440 : i32
        %parallel_loop3A_443 = arith.index_cast %parallel_loop3A_442 : i32 to index
        %parallel_loop3A_444 = tpu.vector_load %arg7[%parallel_loop3A_443] {strides = array<i32>} : memref<4112xi32, #tpu.memory_space<vmem>>, vector<16xi32>,
        %parallel_loop3A_445 = arith.addi %parallel_loop3A_438, %parallel_loop3A_444 : vector<16xi32>
        %parallel_loop3A_446 = arith.constant 16 : i32
        %parallel_loop3A_447 = arith.muli %parallel_loop3A_366, %parallel_loop3A_446 : i32
        %parallel_loop3A_448 = arith.constant 2827 : i32
        %parallel_loop3A_449 = arith.addi %parallel_loop3A_448, %parallel_loop3A_447 : i32
        %parallel_loop3A_450 = arith.index_cast %parallel_loop3A_449 : i32 to index
        %parallel_loop3A_451 = tpu.vector_load %arg7[%parallel_loop3A_450] {strides = array<i32>} : memref<4112xi32, #tpu.memory_space<vmem>>, vector<16xi32>,
        %parallel_loop3A_452 = arith.addi %parallel_loop3A_445, %parallel_loop3A_451 : vector<16xi32>
        %parallel_loop3A_453 = arith.constant 16 : i32
        %parallel_loop3A_454 = arith.muli %parallel_loop3A_366, %parallel_loop3A_453 : i32
        %parallel_loop3A_455 = arith.constant 3084 : i32
        %parallel_loop3A_456 = arith.addi %parallel_loop3A_455, %parallel_loop3A_454 : i32
        %parallel_loop3A_457 = arith.index_cast %parallel_loop3A_456 : i32 to index
        %parallel_loop3A_458 = tpu.vector_load %arg7[%parallel_loop3A_457] {strides = array<i32>} : memref<4112xi32, #tpu.memory_space<vmem>>, vector<16xi32>,
        %parallel_loop3A_459 = arith.addi %parallel_loop3A_452, %parallel_loop3A_458 : vector<16xi32>
        %parallel_loop3A_460 = arith.constant 16 : i32
        %parallel_loop3A_461 = arith.muli %parallel_loop3A_366, %parallel_loop3A_460 : i32
        %parallel_loop3A_462 = arith.constant 3341 : i32
        %parallel_loop3A_463 = arith.addi %parallel_loop3A_462, %parallel_loop3A_461 : i32
        %parallel_loop3A_464 = arith.index_cast %parallel_loop3A_463 : i32 to index
        %parallel_loop3A_465 = tpu.vector_load %arg7[%parallel_loop3A_464] {strides = array<i32>} : memref<4112xi32, #tpu.memory_space<vmem>>, vector<16xi32>,
        %parallel_loop3A_466 = arith.addi %parallel_loop3A_459, %parallel_loop3A_465 : vector<16xi32>
        %parallel_loop3A_467 = arith.constant 16 : i32
        %parallel_loop3A_468 = arith.muli %parallel_loop3A_366, %parallel_loop3A_467 : i32
        %parallel_loop3A_469 = arith.constant 3598 : i32
        %parallel_loop3A_470 = arith.addi %parallel_loop3A_469, %parallel_loop3A_468 : i32
        %parallel_loop3A_471 = arith.index_cast %parallel_loop3A_470 : i32 to index
        %parallel_loop3A_472 = tpu.vector_load %arg7[%parallel_loop3A_471] {strides = array<i32>} : memref<4112xi32, #tpu.memory_space<vmem>>, vector<16xi32>,
        %parallel_loop3A_473 = arith.addi %parallel_loop3A_466, %parallel_loop3A_472 : vector<16xi32>
        %parallel_loop3A_474 = arith.constant 16 : i32
        %parallel_loop3A_475 = arith.muli %parallel_loop3A_366, %parallel_loop3A_474 : i32
        %parallel_loop3A_476 = arith.constant 3855 : i32
        %parallel_loop3A_477 = arith.addi %parallel_loop3A_476, %parallel_loop3A_475 : i32
        %parallel_loop3A_478 = arith.index_cast %parallel_loop3A_477 : i32 to index
        %parallel_loop3A_479 = tpu.vector_load %arg7[%parallel_loop3A_478] {strides = array<i32>} : memref<4112xi32, #tpu.memory_space<vmem>>, vector<16xi32>,
        %parallel_loop3A_480 = arith.addi %parallel_loop3A_473, %parallel_loop3A_479 : vector<16xi32>
        %parallel_loop3A_481 = arith.constant 16 : i32
        %parallel_loop3A_482 = arith.muli %parallel_loop3A_366, %parallel_loop3A_481 : i32
        %parallel_loop3A_483 = arith.index_cast %parallel_loop3A_482 : i32 to index
        %parallel_loop3A_484 = tpu.vector_load %arg8[%parallel_loop3A_483] {strides = array<i32>} : memref<256xi32, #tpu.memory_space<vmem>>, vector<16xi32>,
        tpu.vector_store %arg8[%parallel_loop3A_483], %parallel_loop3A_480 {strides = array<i32>} : memref<256xi32, #tpu.memory_space<vmem>>, vector<16xi32>,
      } {sc.loop_unroll_factor = 2 : i64, sc.parallel_access}
      %scan3A_44 = arith.constant 64 : i32
      %scan3A_45 = arith.constant 0 : i32
      %scan3A_46 = arith.constant 0 : i32
      %scan3A_47 = arith.constant 0 : i32
      %scan3A_48 = arith.constant 0 : i32
      %scan3A_49 = arith.constant 0 : i32
      %scan3A_50 = arith.constant 16 : i32
      %scan3A_51 = arith.addi %scan3A_49, %scan3A_50 : i32
      %scan3A_52 = arith.constant 1 : i32
      %scan3A_53:4 = scf.for %scan3A_366 = %scan3A_49 to %scan3A_51 step %scan3A_52 iter_args(%scan3A_367 = %scan3A_45, %scan3A_368 = %scan3A_46, %scan3A_369 = %scan3A_47, %scan3A_370 = %scan3A_48) -> (i32, i32, i32, i32)  : i32 {
        %sub3A_371 = arith.constant 15 : i32
        %sub3A_372 = arith.subi %sub3A_371, %scan3A_366 : i32
        %mul3A_373 = arith.constant 16 : i32
        %mul3A_374 = arith.muli %sub3A_372, %mul3A_373 : i32
        %get3A_375 = arith.index_cast %mul3A_374 : i32 to index
        %get3A_376 = tpu.vector_load %arg8[%get3A_375] {strides = array<i32>} : memref<256xi32, #tpu.memory_space<vmem>>, vector<16xi32>,
        %reduce_sum3A_377 = arith.constant true
        %reduce_sum3A_378 = vector.broadcast %reduce_sum3A_377 : i1 to vector<16xi1>
        %reduce_sum3A_379 = tpu.scan <sum>, %get3A_376 masked %reduce_sum3A_378 : vector<16xi32>, vector<16xi1> -> vector<16xi32>
        %reduce_sum3A_380 = vector.extract %reduce_sum3A_379[15] : i32 from vector<16xi32>
        %eq3A_381 = arith.constant 0 : i32
        %eq3A_382 = arith.cmpi eq, %scan3A_368, %eq3A_381 : i32
        %add3A_383 = arith.addi %scan3A_367, %reduce_sum3A_380 : i32
        %ge3A_384 = arith.cmpi sge, %add3A_383, %scan3A_44 : i32
        %and3A_385 = arith.andi %eq3A_382, %ge3A_384 : i1
        %select_n3A_386 = arith.select %and3A_385, %sub3A_372, %scan3A_369 : i32
        %select_n3A_387 = arith.select %and3A_385, %scan3A_367, %scan3A_370 : i32
        %jit3A_388 = arith.constant 1 : i32
        %select_n3A_389 = arith.select %and3A_385, %jit3A_388, %scan3A_368 : i32
        %add3A_390 = arith.addi %scan3A_367, %reduce_sum3A_380 : i32
        scf.yield %add3A_390, %select_n3A_389, %select_n3A_386, %select_n3A_387 : i32, i32, i32, i32
      }
      %scan3A_54 = arith.constant 16 : i32
      %mul3A_55 = arith.constant 16 : i32
      %mul3A_56 = arith.muli %scan3A_53#2, %mul3A_55 : i32
      %get3A = arith.index_cast %mul3A_56 : i32 to index
      %get3A_57 = tpu.vector_load %arg8[%get3A] {strides = array<i32>} : memref<256xi32, #tpu.memory_space<vmem>>, vector<16xi32>,
      %rev3A = arith.constant 15 : i32
      %rev3A_58 = vector.broadcast %rev3A : i32 to vector<16xi32>
      %rev3A_59 = tpu.iota {dimensions = array<i32: 0>} : vector<16xi32>
      %rev3A_60 = arith.subi %rev3A_58, %rev3A_59 : vector<16xi32>
      %rev3A_61 = tpu.dynamic_gather %get3A_57[%rev3A_60] in [0] : vector<16xi32>, vector<16xi32> -> vector<16xi32>
      %broadcast_in_dim3A_62 = arith.constant true
      %broadcast_in_dim3A_63 = vector.broadcast %broadcast_in_dim3A_62 : i1 to vector<16xi1>
      %masked_cumsum3A = tpu.scan <sum>, %rev3A_61 masked %broadcast_in_dim3A_63 : vector<16xi32>, vector<16xi1> -> vector<16xi32>
      %add3A_64 = vector.broadcast %scan3A_53#3 : i32 to vector<16xi32>
      %add3A_65 = arith.addi %masked_cumsum3A, %add3A_64 : vector<16xi32>
      %ge3A = arith.constant 64 : i32
      %ge3A_66 = vector.broadcast %ge3A : i32 to vector<16xi32>
      %ge3A_67 = arith.cmpi sge, %add3A_65, %ge3A_66 : vector<16xi32>
      %convert_element_type3A = arith.extui %ge3A_67 : vector<16xi1> to vector<16xi32>
      %broadcast_in_dim3A_68 = arith.constant true
      %broadcast_in_dim3A_69 = vector.broadcast %broadcast_in_dim3A_68 : i1 to vector<16xi1>
      %masked_cumsum3A_70 = tpu.scan <sum>, %convert_element_type3A masked %broadcast_in_dim3A_69 : vector<16xi32>, vector<16xi1> -> vector<16xi32>
      %eq3A = arith.constant 1 : i32
      %eq3A_71 = vector.broadcast %eq3A : i32 to vector<16xi32>
      %eq3A_72 = arith.cmpi eq, %masked_cumsum3A_70, %eq3A_71 : vector<16xi32>
      %and3A = arith.andi %ge3A_67, %eq3A_72 : vector<16xi1>
      %jit3A = arith.constant 0 : i32
      %broadcast_in_dim3A_73 = vector.broadcast %jit3A : i32 to vector<16xi32>
      %select_n3A = arith.select %and3A, %add3A_65, %broadcast_in_dim3A_73 : vector<16xi1>, vector<16xi32>
      %reduce_sum3A = arith.constant true
      %reduce_sum3A_74 = vector.broadcast %reduce_sum3A : i1 to vector<16xi1>
      %reduce_sum3A_75 = tpu.scan <sum>, %select_n3A masked %reduce_sum3A_74 : vector<16xi32>, vector<16xi1> -> vector<16xi32>
      %reduce_sum3A_76 = vector.extract %reduce_sum3A_75[15] : i32 from vector<16xi32>
      %jit3A_77 = arith.constant 0 : i32
      %broadcast_in_dim3A_78 = vector.broadcast %jit3A_77 : i32 to vector<16xi32>
      %select_n3A_79 = arith.select %and3A, %rev3A_61, %broadcast_in_dim3A_78 : vector<16xi1>, vector<16xi32>
      %reduce_sum3A_80 = arith.constant true
      %reduce_sum3A_81 = vector.broadcast %reduce_sum3A_80 : i1 to vector<16xi1>
      %reduce_sum3A_82 = tpu.scan <sum>, %select_n3A_79 masked %reduce_sum3A_81 : vector<16xi32>, vector<16xi1> -> vector<16xi32>
      %reduce_sum3A_83 = vector.extract %reduce_sum3A_82[15] : i32 from vector<16xi32>
      %jit3A_84 = arith.constant 0 : i32
      %broadcast_in_dim3A_85 = vector.broadcast %jit3A_84 : i32 to vector<16xi32>
      %select_n3A_86 = arith.select %and3A, %iota3A_40, %broadcast_in_dim3A_85 : vector<16xi1>, vector<16xi32>
      %reduce_sum3A_87 = arith.constant true
      %reduce_sum3A_88 = vector.broadcast %reduce_sum3A_87 : i1 to vector<16xi1>
      %reduce_sum3A_89 = tpu.scan <sum>, %select_n3A_86 masked %reduce_sum3A_88 : vector<16xi32>, vector<16xi1> -> vector<16xi32>
      %reduce_sum3A_90 = vector.extract %reduce_sum3A_89[15] : i32 from vector<16xi32>
      %mul3A_91 = arith.constant 16 : i32
      %mul3A_92 = arith.muli %scan3A_53#2, %mul3A_91 : i32
      %add3A_93 = arith.constant 15 : i32
      %add3A_94 = arith.addi %mul3A_92, %add3A_93 : i32
      %sub3A_95 = arith.subi %add3A_94, %reduce_sum3A_90 : i32
      %sub3A_96 = arith.subi %reduce_sum3A_76, %reduce_sum3A_83 : i32
      %broadcast_in_dim3A_97 = arith.constant 0 : i32
      %broadcast_in_dim3A_98 = vector.broadcast %broadcast_in_dim3A_97 : i32 to vector<16xi32>
      %parallel_loop3A_99 = arith.constant 0 : i32
      %parallel_loop3A_100 = arith.constant 2048 : i32
      %parallel_loop3A_101 = arith.constant 1 : i32
      %parallel_loop3A_102 = scf.for %parallel_loop3A_366 = %parallel_loop3A_99 to %parallel_loop3A_100 step %parallel_loop3A_101 iter_args(%parallel_loop3A_367 = %broadcast_in_dim3A_98) -> (vector<16xi32>)  : i32 {
        %parallel_loop3A_368 = arith.constant 16 : i32
        %parallel_loop3A_369 = arith.muli %parallel_loop3A_366, %parallel_loop3A_368 : i32
        %parallel_loop3A_370 = arith.index_cast %parallel_loop3A_369 : i32 to index
        %parallel_loop3A_371 = tpu.vector_load %arg4[%parallel_loop3A_370] {strides = array<i32>} : memref<32768xf32, #tpu.memory_space<vmem>>, vector<16xf32>,
        %parallel_loop3A_372 = tpu.bitcast %parallel_loop3A_371 : vector<16xf32> -> vector<16xi32>
        %parallel_loop3A_373 = arith.constant 2147483647 : i32
        %parallel_loop3A_374 = vector.broadcast %parallel_loop3A_373 : i32 to vector<16xi32>
        %parallel_loop3A_375 = arith.andi %parallel_loop3A_372, %parallel_loop3A_374 : vector<16xi32>
        %parallel_loop3A_376 = arith.constant 23 : i32
        %parallel_loop3A_377 = vector.broadcast %parallel_loop3A_376 : i32 to vector<16xi32>
        %parallel_loop3A_378 = arith.shrsi %parallel_loop3A_375, %parallel_loop3A_377 : vector<16xi32>
        %parallel_loop3A_379 = vector.broadcast %sub3A_95 : i32 to vector<16xi32>
        %parallel_loop3A_380 = arith.cmpi sge, %parallel_loop3A_378, %parallel_loop3A_379 : vector<16xi32>
        %parallel_loop3A_381 = arith.extui %parallel_loop3A_380 : vector<16xi1> to vector<16xi32>
        %parallel_loop3A_382 = arith.constant true
        %parallel_loop3A_383 = vector.broadcast %parallel_loop3A_382 : i1 to vector<16xi1>
        %parallel_loop3A_384 = tpu.scan <sum>, %parallel_loop3A_381 masked %parallel_loop3A_383 : vector<16xi32>, vector<16xi1> -> vector<16xi32>
        %parallel_loop3A_385 = arith.subi %parallel_loop3A_384, %parallel_loop3A_381 : vector<16xi32>
        %parallel_loop3A_386 = arith.addi %parallel_loop3A_367, %parallel_loop3A_385 : vector<16xi32>
        %parallel_loop3A_387 = arith.constant 16 : i32
        %parallel_loop3A_388 = arith.muli %parallel_loop3A_366, %parallel_loop3A_387 : i32
        %parallel_loop3A_389 = vector.broadcast %parallel_loop3A_388 : i32 to vector<16xi32>
        %parallel_loop3A_390 = arith.addi %parallel_loop3A_389, %iota3A : vector<16xi32>
        tpu.vector_store_idx %arg5[%parallel_loop3A_386], %parallel_loop3A_390 masked %parallel_loop3A_380 : memref<32768xi32, #tpu.memory_space<vmem>>[vector<16xi32>], vector<16xi32>, vector<16xi1>
        tpu.vector_store_idx %arg6[%parallel_loop3A_386], %parallel_loop3A_375 masked %parallel_loop3A_380 : memref<32768xi32, #tpu.memory_space<vmem>>[vector<16xi32>], vector<16xi32>, vector<16xi1>
        %parallel_loop3A_391 = tpu.all_reduce %parallel_loop3A_380 {dim = 0 : i64, kind = #tpu.reduction_kind<sum>} : vector<16xi1> -> vector<16xi32>
        %parallel_loop3A_392 = arith.addi %parallel_loop3A_367, %parallel_loop3A_391 : vector<16xi32>
        scf.yield %parallel_loop3A_392 : vector<16xi32>
      } {sc.loop_unroll_factor = 16 : i64, sc.parallel_access}
      %slice3A = vector.extract_strided_slice %parallel_loop3A_102 {offsets = [0], sizes = [1], strides = [1]} : vector<16xi32> to vector<1xi32>
      %squeeze3A = vector.extract %slice3A[0] : i32 from vector<1xi32>
      %add3A_103 = arith.constant 15 : i32
      %add3A_104 = arith.addi %squeeze3A, %add3A_103 : i32
      %shift_right_arithmetic3A = arith.constant 4 : i32
      %shift_right_arithmetic3A_105 = arith.shrsi %add3A_104, %shift_right_arithmetic3A : i32
      %add3A_106 = arith.constant 1 : i32
      %add3A_107 = arith.addi %scan3A_23, %add3A_106 : i32
      %min3A = arith.constant 3 : i32
      %min3A_108 = arith.minsi %add3A_107, %min3A : i32
      %add3A_109 = arith.addi %mul3A_3, %min3A_108 : i32
      %dma_start3A_110 = arith.constant 0 : i32
      %dma_start3A_111 = tpu.memref_slice %arg2[%add3A_109, %dma_start3A_110] : memref<128x32768xf32, #tpu.memory_space<hbm>> -> memref<1x32768xf32, #tpu.memory_space<hbm>>
      %dma_start3A_112 = tpu.memref_squeeze %dma_start3A_111 : memref<1x32768xf32, #tpu.memory_space<hbm>> -> memref<32768xf32, #tpu.memory_space<hbm>>
      %dma_start3A_113 = arith.constant 0 : i32
      %dma_start3A_114 = tpu.memref_slice %arg2[%add3A_109, %dma_start3A_113] : memref<128x32768xf32, #tpu.memory_space<hbm>> -> memref<1x32768xf32, #tpu.memory_space<hbm>>
      %dma_start3A_115 = tpu.memref_squeeze %dma_start3A_114 : memref<1x32768xf32, #tpu.memory_space<hbm>> -> memref<32768xf32, #tpu.memory_space<hbm>>
      tpu.enqueue_dma source(%dma_start3A_115 : memref<32768xf32, #tpu.memory_space<hbm>>) target(%arg4 : memref<32768xf32, #tpu.memory_space<vmem>>) target_semaphore(%arg10 : memref<!tpu.dma_semaphore, #tpu.memory_space<semaphore_mem>>)
      %sub3A_116 = arith.constant 64 : i32
      %sub3A_117 = arith.subi %sub3A_116, %sub3A_96 : i32
      %parallel_loop3A_118 = arith.constant 0 : i32
      %parallel_loop3A_119 = arith.constant 257 : i32
      %parallel_loop3A_120 = arith.constant 1 : i32
      scf.for %parallel_loop3A_366 = %parallel_loop3A_118 to %parallel_loop3A_119 step %parallel_loop3A_120  : i32 {
        %parallel_loop3A_367 = arith.constant 0 : i32
        %parallel_loop3A_368 = vector.broadcast %parallel_loop3A_367 : i32 to vector<16xi32>
        %parallel_loop3A_369 = arith.constant 16 : i32
        %parallel_loop3A_370 = arith.muli %parallel_loop3A_366, %parallel_loop3A_369 : i32
        %parallel_loop3A_371 = arith.index_cast %parallel_loop3A_370 : i32 to index
        %parallel_loop3A_372 = tpu.vector_load %arg7[%parallel_loop3A_371] {strides = array<i32>} : memref<4112xi32, #tpu.memory_space<vmem>>, vector<16xi32>,
        tpu.vector_store %arg7[%parallel_loop3A_371], %parallel_loop3A_368 {strides = array<i32>} : memref<4112xi32, #tpu.memory_space<vmem>>, vector<16xi32>,
      } {sc.loop_unroll_factor = 8 : i64, sc.parallel_access}
      %mul3A_121 = arith.constant 257 : i32
      %mul3A_122 = vector.broadcast %mul3A_121 : i32 to vector<16xi32>
      %mul3A_123 = arith.muli %iota3A, %mul3A_122 : vector<16xi32>
      %parallel_loop3A_124 = arith.constant 0 : i32
      %parallel_loop3A_125 = arith.constant 1 : i32
      scf.for %parallel_loop3A_366 = %parallel_loop3A_124 to %shift_right_arithmetic3A_105 step %parallel_loop3A_125  : i32 {
        %parallel_loop3A_367 = arith.constant 16 : i32
        %parallel_loop3A_368 = arith.muli %parallel_loop3A_366, %parallel_loop3A_367 : i32
        %parallel_loop3A_369 = arith.index_cast %parallel_loop3A_368 : i32 to index
        %parallel_loop3A_370 = tpu.vector_load %arg5[%parallel_loop3A_369] {strides = array<i32>} : memref<32768xi32, #tpu.memory_space<vmem>>, vector<16xi32>,
        %parallel_loop3A_371 = arith.constant 16 : i32
        %parallel_loop3A_372 = arith.muli %parallel_loop3A_366, %parallel_loop3A_371 : i32
        %parallel_loop3A_373 = vector.broadcast %parallel_loop3A_372 : i32 to vector<16xi32>
        %parallel_loop3A_374 = arith.addi %parallel_loop3A_373, %iota3A : vector<16xi32>
        %parallel_loop3A_375 = vector.broadcast %squeeze3A : i32 to vector<16xi32>
        %parallel_loop3A_376 = arith.cmpi slt, %parallel_loop3A_374, %parallel_loop3A_375 : vector<16xi32>
        %parallel_loop3A_377 = arith.constant 16 : i32
        %parallel_loop3A_378 = arith.muli %parallel_loop3A_366, %parallel_loop3A_377 : i32
        %parallel_loop3A_379 = arith.index_cast %parallel_loop3A_378 : i32 to index
        %parallel_loop3A_380 = tpu.vector_load %arg6[%parallel_loop3A_379] {strides = array<i32>} : memref<32768xi32, #tpu.memory_space<vmem>>, vector<16xi32>,
        %parallel_loop3A_381 = arith.constant 23 : i32
        %parallel_loop3A_382 = vector.broadcast %parallel_loop3A_381 : i32 to vector<16xi32>
        %parallel_loop3A_383 = arith.shrsi %parallel_loop3A_380, %parallel_loop3A_382 : vector<16xi32>
        %parallel_loop3A_384 = vector.broadcast %sub3A_95 : i32 to vector<16xi32>
        %parallel_loop3A_385 = arith.cmpi eq, %parallel_loop3A_383, %parallel_loop3A_384 : vector<16xi32>
        %parallel_loop3A_386 = arith.andi %parallel_loop3A_376, %parallel_loop3A_385 : vector<16xi1>
        %parallel_loop3A_387 = arith.constant 15 : i32
        %parallel_loop3A_388 = vector.broadcast %parallel_loop3A_387 : i32 to vector<16xi32>
        %parallel_loop3A_389 = arith.shrsi %parallel_loop3A_380, %parallel_loop3A_388 : vector<16xi32>
        %parallel_loop3A_390 = arith.constant 255 : i32
        %parallel_loop3A_391 = vector.broadcast %parallel_loop3A_390 : i32 to vector<16xi32>
        %parallel_loop3A_392 = arith.andi %parallel_loop3A_389, %parallel_loop3A_391 : vector<16xi32>
        %parallel_loop3A_393 = arith.addi %mul3A_123, %parallel_loop3A_392 : vector<16xi32>
        tpu.vector_store_idx %arg7[%parallel_loop3A_393], %broadcast_in_dim3A_1 masked %parallel_loop3A_386 {add = true} : memref<4112xi32, #tpu.memory_space<vmem>>[vector<16xi32>], vector<16xi32>, vector<16xi1>
      } {sc.loop_unroll_factor = 4 : i64, sc.parallel_access}
      %iota3A_126 = tpu.iota {dimensions = array<i32: 0>} : vector<16xi32>
      %parallel_loop3A_127 = arith.constant 0 : i32
      %parallel_loop3A_128 = arith.constant 16 : i32
      %parallel_loop3A_129 = arith.constant 1 : i32
      scf.for %parallel_loop3A_366 = %parallel_loop3A_127 to %parallel_loop3A_128 step %parallel_loop3A_129  : i32 {
        %parallel_loop3A_367 = arith.constant 0 : i32
        %parallel_loop3A_368 = vector.broadcast %parallel_loop3A_367 : i32 to vector<16xi32>
        %parallel_loop3A_369 = arith.constant 16 : i32
        %parallel_loop3A_370 = arith.muli %parallel_loop3A_366, %parallel_loop3A_369 : i32
        %parallel_loop3A_371 = arith.constant 0 : i32
        %parallel_loop3A_372 = arith.addi %parallel_loop3A_371, %parallel_loop3A_370 : i32
        %parallel_loop3A_373 = arith.index_cast %parallel_loop3A_372 : i32 to index
        %parallel_loop3A_374 = tpu.vector_load %arg7[%parallel_loop3A_373] {strides = array<i32>} : memref<4112xi32, #tpu.memory_space<vmem>>, vector<16xi32>,
        %parallel_loop3A_375 = arith.addi %parallel_loop3A_368, %parallel_loop3A_374 : vector<16xi32>
        %parallel_loop3A_376 = arith.constant 16 : i32
        %parallel_loop3A_377 = arith.muli %parallel_loop3A_366, %parallel_loop3A_376 : i32
        %parallel_loop3A_378 = arith.constant 257 : i32
        %parallel_loop3A_379 = arith.addi %parallel_loop3A_378, %parallel_loop3A_377 : i32
        %parallel_loop3A_380 = arith.index_cast %parallel_loop3A_379 : i32 to index
        %parallel_loop3A_381 = tpu.vector_load %arg7[%parallel_loop3A_380] {strides = array<i32>} : memref<4112xi32, #tpu.memory_space<vmem>>, vector<16xi32>,
        %parallel_loop3A_382 = arith.addi %parallel_loop3A_375, %parallel_loop3A_381 : vector<16xi32>
        %parallel_loop3A_383 = arith.constant 16 : i32
        %parallel_loop3A_384 = arith.muli %parallel_loop3A_366, %parallel_loop3A_383 : i32
        %parallel_loop3A_385 = arith.constant 514 : i32
        %parallel_loop3A_386 = arith.addi %parallel_loop3A_385, %parallel_loop3A_384 : i32
        %parallel_loop3A_387 = arith.index_cast %parallel_loop3A_386 : i32 to index
        %parallel_loop3A_388 = tpu.vector_load %arg7[%parallel_loop3A_387] {strides = array<i32>} : memref<4112xi32, #tpu.memory_space<vmem>>, vector<16xi32>,
        %parallel_loop3A_389 = arith.addi %parallel_loop3A_382, %parallel_loop3A_388 : vector<16xi32>
        %parallel_loop3A_390 = arith.constant 16 : i32
        %parallel_loop3A_391 = arith.muli %parallel_loop3A_366, %parallel_loop3A_390 : i32
        %parallel_loop3A_392 = arith.constant 771 : i32
        %parallel_loop3A_393 = arith.addi %parallel_loop3A_392, %parallel_loop3A_391 : i32
        %parallel_loop3A_394 = arith.index_cast %parallel_loop3A_393 : i32 to index
        %parallel_loop3A_395 = tpu.vector_load %arg7[%parallel_loop3A_394] {strides = array<i32>} : memref<4112xi32, #tpu.memory_space<vmem>>, vector<16xi32>,
        %parallel_loop3A_396 = arith.addi %parallel_loop3A_389, %parallel_loop3A_395 : vector<16xi32>
        %parallel_loop3A_397 = arith.constant 16 : i32
        %parallel_loop3A_398 = arith.muli %parallel_loop3A_366, %parallel_loop3A_397 : i32
        %parallel_loop3A_399 = arith.constant 1028 : i32
        %parallel_loop3A_400 = arith.addi %parallel_loop3A_399, %parallel_loop3A_398 : i32
        %parallel_loop3A_401 = arith.index_cast %parallel_loop3A_400 : i32 to index
        %parallel_loop3A_402 = tpu.vector_load %arg7[%parallel_loop3A_401] {strides = array<i32>} : memref<4112xi32, #tpu.memory_space<vmem>>, vector<16xi32>,
        %parallel_loop3A_403 = arith.addi %parallel_loop3A_396, %parallel_loop3A_402 : vector<16xi32>
        %parallel_loop3A_404 = arith.constant 16 : i32
        %parallel_loop3A_405 = arith.muli %parallel_loop3A_366, %parallel_loop3A_404 : i32
        %parallel_loop3A_406 = arith.constant 1285 : i32
        %parallel_loop3A_407 = arith.addi %parallel_loop3A_406, %parallel_loop3A_405 : i32
        %parallel_loop3A_408 = arith.index_cast %parallel_loop3A_407 : i32 to index
        %parallel_loop3A_409 = tpu.vector_load %arg7[%parallel_loop3A_408] {strides = array<i32>} : memref<4112xi32, #tpu.memory_space<vmem>>, vector<16xi32>,
        %parallel_loop3A_410 = arith.addi %parallel_loop3A_403, %parallel_loop3A_409 : vector<16xi32>
        %parallel_loop3A_411 = arith.constant 16 : i32
        %parallel_loop3A_412 = arith.muli %parallel_loop3A_366, %parallel_loop3A_411 : i32
        %parallel_loop3A_413 = arith.constant 1542 : i32
        %parallel_loop3A_414 = arith.addi %parallel_loop3A_413, %parallel_loop3A_412 : i32
        %parallel_loop3A_415 = arith.index_cast %parallel_loop3A_414 : i32 to index
        %parallel_loop3A_416 = tpu.vector_load %arg7[%parallel_loop3A_415] {strides = array<i32>} : memref<4112xi32, #tpu.memory_space<vmem>>, vector<16xi32>,
        %parallel_loop3A_417 = arith.addi %parallel_loop3A_410, %parallel_loop3A_416 : vector<16xi32>
        %parallel_loop3A_418 = arith.constant 16 : i32
        %parallel_loop3A_419 = arith.muli %parallel_loop3A_366, %parallel_loop3A_418 : i32
        %parallel_loop3A_420 = arith.constant 1799 : i32
        %parallel_loop3A_421 = arith.addi %parallel_loop3A_420, %parallel_loop3A_419 : i32
        %parallel_loop3A_422 = arith.index_cast %parallel_loop3A_421 : i32 to index
        %parallel_loop3A_423 = tpu.vector_load %arg7[%parallel_loop3A_422] {strides = array<i32>} : memref<4112xi32, #tpu.memory_space<vmem>>, vector<16xi32>,
        %parallel_loop3A_424 = arith.addi %parallel_loop3A_417, %parallel_loop3A_423 : vector<16xi32>
        %parallel_loop3A_425 = arith.constant 16 : i32
        %parallel_loop3A_426 = arith.muli %parallel_loop3A_366, %parallel_loop3A_425 : i32
        %parallel_loop3A_427 = arith.constant 2056 : i32
        %parallel_loop3A_428 = arith.addi %parallel_loop3A_427, %parallel_loop3A_426 : i32
        %parallel_loop3A_429 = arith.index_cast %parallel_loop3A_428 : i32 to index
        %parallel_loop3A_430 = tpu.vector_load %arg7[%parallel_loop3A_429] {strides = array<i32>} : memref<4112xi32, #tpu.memory_space<vmem>>, vector<16xi32>,
        %parallel_loop3A_431 = arith.addi %parallel_loop3A_424, %parallel_loop3A_430 : vector<16xi32>
        %parallel_loop3A_432 = arith.constant 16 : i32
        %parallel_loop3A_433 = arith.muli %parallel_loop3A_366, %parallel_loop3A_432 : i32
        %parallel_loop3A_434 = arith.constant 2313 : i32
        %parallel_loop3A_435 = arith.addi %parallel_loop3A_434, %parallel_loop3A_433 : i32
        %parallel_loop3A_436 = arith.index_cast %parallel_loop3A_435 : i32 to index
        %parallel_loop3A_437 = tpu.vector_load %arg7[%parallel_loop3A_436] {strides = array<i32>} : memref<4112xi32, #tpu.memory_space<vmem>>, vector<16xi32>,
        %parallel_loop3A_438 = arith.addi %parallel_loop3A_431, %parallel_loop3A_437 : vector<16xi32>
        %parallel_loop3A_439 = arith.constant 16 : i32
        %parallel_loop3A_440 = arith.muli %parallel_loop3A_366, %parallel_loop3A_439 : i32
        %parallel_loop3A_441 = arith.constant 2570 : i32
        %parallel_loop3A_442 = arith.addi %parallel_loop3A_441, %parallel_loop3A_440 : i32
        %parallel_loop3A_443 = arith.index_cast %parallel_loop3A_442 : i32 to index
        %parallel_loop3A_444 = tpu.vector_load %arg7[%parallel_loop3A_443] {strides = array<i32>} : memref<4112xi32, #tpu.memory_space<vmem>>, vector<16xi32>,
        %parallel_loop3A_445 = arith.addi %parallel_loop3A_438, %parallel_loop3A_444 : vector<16xi32>
        %parallel_loop3A_446 = arith.constant 16 : i32
        %parallel_loop3A_447 = arith.muli %parallel_loop3A_366, %parallel_loop3A_446 : i32
        %parallel_loop3A_448 = arith.constant 2827 : i32
        %parallel_loop3A_449 = arith.addi %parallel_loop3A_448, %parallel_loop3A_447 : i32
        %parallel_loop3A_450 = arith.index_cast %parallel_loop3A_449 : i32 to index
        %parallel_loop3A_451 = tpu.vector_load %arg7[%parallel_loop3A_450] {strides = array<i32>} : memref<4112xi32, #tpu.memory_space<vmem>>, vector<16xi32>,
        %parallel_loop3A_452 = arith.addi %parallel_loop3A_445, %parallel_loop3A_451 : vector<16xi32>
        %parallel_loop3A_453 = arith.constant 16 : i32
        %parallel_loop3A_454 = arith.muli %parallel_loop3A_366, %parallel_loop3A_453 : i32
        %parallel_loop3A_455 = arith.constant 3084 : i32
        %parallel_loop3A_456 = arith.addi %parallel_loop3A_455, %parallel_loop3A_454 : i32
        %parallel_loop3A_457 = arith.index_cast %parallel_loop3A_456 : i32 to index
        %parallel_loop3A_458 = tpu.vector_load %arg7[%parallel_loop3A_457] {strides = array<i32>} : memref<4112xi32, #tpu.memory_space<vmem>>, vector<16xi32>,
        %parallel_loop3A_459 = arith.addi %parallel_loop3A_452, %parallel_loop3A_458 : vector<16xi32>
        %parallel_loop3A_460 = arith.constant 16 : i32
        %parallel_loop3A_461 = arith.muli %parallel_loop3A_366, %parallel_loop3A_460 : i32
        %parallel_loop3A_462 = arith.constant 3341 : i32
        %parallel_loop3A_463 = arith.addi %parallel_loop3A_462, %parallel_loop3A_461 : i32
        %parallel_loop3A_464 = arith.index_cast %parallel_loop3A_463 : i32 to index
        %parallel_loop3A_465 = tpu.vector_load %arg7[%parallel_loop3A_464] {strides = array<i32>} : memref<4112xi32, #tpu.memory_space<vmem>>, vector<16xi32>,
        %parallel_loop3A_466 = arith.addi %parallel_loop3A_459, %parallel_loop3A_465 : vector<16xi32>
        %parallel_loop3A_467 = arith.constant 16 : i32
        %parallel_loop3A_468 = arith.muli %parallel_loop3A_366, %parallel_loop3A_467 : i32
        %parallel_loop3A_469 = arith.constant 3598 : i32
        %parallel_loop3A_470 = arith.addi %parallel_loop3A_469, %parallel_loop3A_468 : i32
        %parallel_loop3A_471 = arith.index_cast %parallel_loop3A_470 : i32 to index
        %parallel_loop3A_472 = tpu.vector_load %arg7[%parallel_loop3A_471] {strides = array<i32>} : memref<4112xi32, #tpu.memory_space<vmem>>, vector<16xi32>,
        %parallel_loop3A_473 = arith.addi %parallel_loop3A_466, %parallel_loop3A_472 : vector<16xi32>
        %parallel_loop3A_474 = arith.constant 16 : i32
        %parallel_loop3A_475 = arith.muli %parallel_loop3A_366, %parallel_loop3A_474 : i32
        %parallel_loop3A_476 = arith.constant 3855 : i32
        %parallel_loop3A_477 = arith.addi %parallel_loop3A_476, %parallel_loop3A_475 : i32
        %parallel_loop3A_478 = arith.index_cast %parallel_loop3A_477 : i32 to index
        %parallel_loop3A_479 = tpu.vector_load %arg7[%parallel_loop3A_478] {strides = array<i32>} : memref<4112xi32, #tpu.memory_space<vmem>>, vector<16xi32>,
        %parallel_loop3A_480 = arith.addi %parallel_loop3A_473, %parallel_loop3A_479 : vector<16xi32>
        %parallel_loop3A_481 = arith.constant 16 : i32
        %parallel_loop3A_482 = arith.muli %parallel_loop3A_366, %parallel_loop3A_481 : i32
        %parallel_loop3A_483 = arith.index_cast %parallel_loop3A_482 : i32 to index
        %parallel_loop3A_484 = tpu.vector_load %arg8[%parallel_loop3A_483] {strides = array<i32>} : memref<256xi32, #tpu.memory_space<vmem>>, vector<16xi32>,
        tpu.vector_store %arg8[%parallel_loop3A_483], %parallel_loop3A_480 {strides = array<i32>} : memref<256xi32, #tpu.memory_space<vmem>>, vector<16xi32>,
      } {sc.loop_unroll_factor = 2 : i64, sc.parallel_access}
      %scan3A_130 = arith.constant 0 : i32
      %scan3A_131 = arith.constant 0 : i32
      %scan3A_132 = arith.constant 0 : i32
      %scan3A_133 = arith.constant 0 : i32
      %scan3A_134 = arith.constant 0 : i32
      %scan3A_135 = arith.constant 16 : i32
      %scan3A_136 = arith.addi %scan3A_134, %scan3A_135 : i32
      %scan3A_137 = arith.constant 1 : i32
      %scan3A_138:4 = scf.for %scan3A_366 = %scan3A_134 to %scan3A_136 step %scan3A_137 iter_args(%scan3A_367 = %scan3A_130, %scan3A_368 = %scan3A_131, %scan3A_369 = %scan3A_132, %scan3A_370 = %scan3A_133) -> (i32, i32, i32, i32)  : i32 {
        %sub3A_371 = arith.constant 15 : i32
        %sub3A_372 = arith.subi %sub3A_371, %scan3A_366 : i32
        %mul3A_373 = arith.constant 16 : i32
        %mul3A_374 = arith.muli %sub3A_372, %mul3A_373 : i32
        %get3A_375 = arith.index_cast %mul3A_374 : i32 to index
        %get3A_376 = tpu.vector_load %arg8[%get3A_375] {strides = array<i32>} : memref<256xi32, #tpu.memory_space<vmem>>, vector<16xi32>,
        %reduce_sum3A_377 = arith.constant true
        %reduce_sum3A_378 = vector.broadcast %reduce_sum3A_377 : i1 to vector<16xi1>
        %reduce_sum3A_379 = tpu.scan <sum>, %get3A_376 masked %reduce_sum3A_378 : vector<16xi32>, vector<16xi1> -> vector<16xi32>
        %reduce_sum3A_380 = vector.extract %reduce_sum3A_379[15] : i32 from vector<16xi32>
        %eq3A_381 = arith.constant 0 : i32
        %eq3A_382 = arith.cmpi eq, %scan3A_368, %eq3A_381 : i32
        %add3A_383 = arith.addi %scan3A_367, %reduce_sum3A_380 : i32
        %ge3A_384 = arith.cmpi sge, %add3A_383, %sub3A_117 : i32
        %and3A_385 = arith.andi %eq3A_382, %ge3A_384 : i1
        %select_n3A_386 = arith.select %and3A_385, %sub3A_372, %scan3A_369 : i32
        %select_n3A_387 = arith.select %and3A_385, %scan3A_367, %scan3A_370 : i32
        %jit3A_388 = arith.constant 1 : i32
        %select_n3A_389 = arith.select %and3A_385, %jit3A_388, %scan3A_368 : i32
        %add3A_390 = arith.addi %scan3A_367, %reduce_sum3A_380 : i32
        scf.yield %add3A_390, %select_n3A_389, %select_n3A_386, %select_n3A_387 : i32, i32, i32, i32
      }
      %scan3A_139 = arith.constant 16 : i32
      %mul3A_140 = arith.constant 16 : i32
      %mul3A_141 = arith.muli %scan3A_138#2, %mul3A_140 : i32
      %get3A_142 = arith.index_cast %mul3A_141 : i32 to index
      %get3A_143 = tpu.vector_load %arg8[%get3A_142] {strides = array<i32>} : memref<256xi32, #tpu.memory_space<vmem>>, vector<16xi32>,
      %rev3A_144 = arith.constant 15 : i32
      %rev3A_145 = vector.broadcast %rev3A_144 : i32 to vector<16xi32>
      %rev3A_146 = tpu.iota {dimensions = array<i32: 0>} : vector<16xi32>
      %rev3A_147 = arith.subi %rev3A_145, %rev3A_146 : vector<16xi32>
      %rev3A_148 = tpu.dynamic_gather %get3A_143[%rev3A_147] in [0] : vector<16xi32>, vector<16xi32> -> vector<16xi32>
      %broadcast_in_dim3A_149 = arith.constant true
      %broadcast_in_dim3A_150 = vector.broadcast %broadcast_in_dim3A_149 : i1 to vector<16xi1>
      %masked_cumsum3A_151 = tpu.scan <sum>, %rev3A_148 masked %broadcast_in_dim3A_150 : vector<16xi32>, vector<16xi1> -> vector<16xi32>
      %add3A_152 = vector.broadcast %scan3A_138#3 : i32 to vector<16xi32>
      %add3A_153 = arith.addi %masked_cumsum3A_151, %add3A_152 : vector<16xi32>
      %ge3A_154 = vector.broadcast %sub3A_117 : i32 to vector<16xi32>
      %ge3A_155 = arith.cmpi sge, %add3A_153, %ge3A_154 : vector<16xi32>
      %convert_element_type3A_156 = arith.extui %ge3A_155 : vector<16xi1> to vector<16xi32>
      %broadcast_in_dim3A_157 = arith.constant true
      %broadcast_in_dim3A_158 = vector.broadcast %broadcast_in_dim3A_157 : i1 to vector<16xi1>
      %masked_cumsum3A_159 = tpu.scan <sum>, %convert_element_type3A_156 masked %broadcast_in_dim3A_158 : vector<16xi32>, vector<16xi1> -> vector<16xi32>
      %eq3A_160 = arith.constant 1 : i32
      %eq3A_161 = vector.broadcast %eq3A_160 : i32 to vector<16xi32>
      %eq3A_162 = arith.cmpi eq, %masked_cumsum3A_159, %eq3A_161 : vector<16xi32>
      %and3A_163 = arith.andi %ge3A_155, %eq3A_162 : vector<16xi1>
      %jit3A_164 = arith.constant 0 : i32
      %broadcast_in_dim3A_165 = vector.broadcast %jit3A_164 : i32 to vector<16xi32>
      %select_n3A_166 = arith.select %and3A_163, %add3A_153, %broadcast_in_dim3A_165 : vector<16xi1>, vector<16xi32>
      %reduce_sum3A_167 = arith.constant true
      %reduce_sum3A_168 = vector.broadcast %reduce_sum3A_167 : i1 to vector<16xi1>
      %reduce_sum3A_169 = tpu.scan <sum>, %select_n3A_166 masked %reduce_sum3A_168 : vector<16xi32>, vector<16xi1> -> vector<16xi32>
      %reduce_sum3A_170 = vector.extract %reduce_sum3A_169[15] : i32 from vector<16xi32>
      %jit3A_171 = arith.constant 0 : i32
      %broadcast_in_dim3A_172 = vector.broadcast %jit3A_171 : i32 to vector<16xi32>
      %select_n3A_173 = arith.select %and3A_163, %rev3A_148, %broadcast_in_dim3A_172 : vector<16xi1>, vector<16xi32>
      %reduce_sum3A_174 = arith.constant true
      %reduce_sum3A_175 = vector.broadcast %reduce_sum3A_174 : i1 to vector<16xi1>
      %reduce_sum3A_176 = tpu.scan <sum>, %select_n3A_173 masked %reduce_sum3A_175 : vector<16xi32>, vector<16xi1> -> vector<16xi32>
      %reduce_sum3A_177 = vector.extract %reduce_sum3A_176[15] : i32 from vector<16xi32>
      %jit3A_178 = arith.constant 0 : i32
      %broadcast_in_dim3A_179 = vector.broadcast %jit3A_178 : i32 to vector<16xi32>
      %select_n3A_180 = arith.select %and3A_163, %iota3A_126, %broadcast_in_dim3A_179 : vector<16xi1>, vector<16xi32>
      %reduce_sum3A_181 = arith.constant true
      %reduce_sum3A_182 = vector.broadcast %reduce_sum3A_181 : i1 to vector<16xi1>
      %reduce_sum3A_183 = tpu.scan <sum>, %select_n3A_180 masked %reduce_sum3A_182 : vector<16xi32>, vector<16xi1> -> vector<16xi32>
      %reduce_sum3A_184 = vector.extract %reduce_sum3A_183[15] : i32 from vector<16xi32>
      %mul3A_185 = arith.constant 16 : i32
      %mul3A_186 = arith.muli %scan3A_138#2, %mul3A_185 : i32
      %add3A_187 = arith.constant 15 : i32
      %add3A_188 = arith.addi %mul3A_186, %add3A_187 : i32
      %sub3A_189 = arith.subi %add3A_188, %reduce_sum3A_184 : i32
      %sub3A_190 = arith.subi %reduce_sum3A_170, %reduce_sum3A_177 : i32
      %shift_left3A = arith.constant 8 : i32
      %shift_left3A_191 = arith.shli %sub3A_95, %shift_left3A : i32
      %or3A = arith.ori %shift_left3A_191, %sub3A_189 : i32
      %sub3A_192 = arith.subi %sub3A_117, %sub3A_190 : i32
      %broadcast_in_dim3A_193 = arith.constant 0 : i32
      %broadcast_in_dim3A_194 = vector.broadcast %broadcast_in_dim3A_193 : i32 to vector<16xi32>
      %parallel_loop3A_195 = arith.constant 0 : i32
      %parallel_loop3A_196 = arith.constant 1 : i32
      %parallel_loop3A_197 = scf.for %parallel_loop3A_366 = %parallel_loop3A_195 to %shift_right_arithmetic3A_105 step %parallel_loop3A_196 iter_args(%parallel_loop3A_367 = %broadcast_in_dim3A_194) -> (vector<16xi32>)  : i32 {
        %parallel_loop3A_368 = arith.constant 16 : i32
        %parallel_loop3A_369 = arith.muli %parallel_loop3A_366, %parallel_loop3A_368 : i32
        %parallel_loop3A_370 = arith.index_cast %parallel_loop3A_369 : i32 to index
        %parallel_loop3A_371 = tpu.vector_load %arg5[%parallel_loop3A_370] {strides = array<i32>} : memref<32768xi32, #tpu.memory_space<vmem>>, vector<16xi32>,
        %parallel_loop3A_372 = arith.constant 16 : i32
        %parallel_loop3A_373 = arith.muli %parallel_loop3A_366, %parallel_loop3A_372 : i32
        %parallel_loop3A_374 = arith.index_cast %parallel_loop3A_373 : i32 to index
        %parallel_loop3A_375 = tpu.vector_load %arg6[%parallel_loop3A_374] {strides = array<i32>} : memref<32768xi32, #tpu.memory_space<vmem>>, vector<16xi32>,
        %parallel_loop3A_376 = arith.constant 16 : i32
        %parallel_loop3A_377 = arith.muli %parallel_loop3A_366, %parallel_loop3A_376 : i32
        %parallel_loop3A_378 = vector.broadcast %parallel_loop3A_377 : i32 to vector<16xi32>
        %parallel_loop3A_379 = arith.addi %parallel_loop3A_378, %iota3A : vector<16xi32>
        %parallel_loop3A_380 = vector.broadcast %squeeze3A : i32 to vector<16xi32>
        %parallel_loop3A_381 = arith.cmpi slt, %parallel_loop3A_379, %parallel_loop3A_380 : vector<16xi32>
        %parallel_loop3A_382 = arith.constant 15 : i32
        %parallel_loop3A_383 = vector.broadcast %parallel_loop3A_382 : i32 to vector<16xi32>
        %parallel_loop3A_384 = arith.shrsi %parallel_loop3A_375, %parallel_loop3A_383 : vector<16xi32>
        %parallel_loop3A_385 = vector.broadcast %or3A : i32 to vector<16xi32>
        %parallel_loop3A_386 = arith.cmpi sge, %parallel_loop3A_384, %parallel_loop3A_385 : vector<16xi32>
        %parallel_loop3A_387 = arith.andi %parallel_loop3A_381, %parallel_loop3A_386 : vector<16xi1>
        %parallel_loop3A_388 = arith.extui %parallel_loop3A_387 : vector<16xi1> to vector<16xi32>
        %parallel_loop3A_389 = arith.constant true
        %parallel_loop3A_390 = vector.broadcast %parallel_loop3A_389 : i1 to vector<16xi1>
        %parallel_loop3A_391 = tpu.scan <sum>, %parallel_loop3A_388 masked %parallel_loop3A_390 : vector<16xi32>, vector<16xi1> -> vector<16xi32>
        %parallel_loop3A_392 = arith.addi %parallel_loop3A_367, %parallel_loop3A_391 : vector<16xi32>
        %parallel_loop3A_393 = arith.subi %parallel_loop3A_392, %parallel_loop3A_388 : vector<16xi32>
        tpu.vector_store_idx %arg5[%parallel_loop3A_393], %parallel_loop3A_371 masked %parallel_loop3A_387 : memref<32768xi32, #tpu.memory_space<vmem>>[vector<16xi32>], vector<16xi32>, vector<16xi1>
        tpu.vector_store_idx %arg6[%parallel_loop3A_393], %parallel_loop3A_375 masked %parallel_loop3A_387 : memref<32768xi32, #tpu.memory_space<vmem>>[vector<16xi32>], vector<16xi32>, vector<16xi1>
        %parallel_loop3A_394 = tpu.all_reduce %parallel_loop3A_387 {dim = 0 : i64, kind = #tpu.reduction_kind<sum>} : vector<16xi1> -> vector<16xi32>
        %parallel_loop3A_395 = arith.addi %parallel_loop3A_367, %parallel_loop3A_394 : vector<16xi32>
        scf.yield %parallel_loop3A_395 : vector<16xi32>
      } {sc.loop_unroll_factor = 4 : i64, sc.parallel_access}
      %slice3A_198 = vector.extract_strided_slice %parallel_loop3A_197 {offsets = [0], sizes = [1], strides = [1]} : vector<16xi32> to vector<1xi32>
      %squeeze3A_199 = vector.extract %slice3A_198[0] : i32 from vector<1xi32>
      %add3A_200 = arith.constant 15 : i32
      %add3A_201 = arith.addi %squeeze3A_199, %add3A_200 : i32
      %shift_right_arithmetic3A_202 = arith.constant 4 : i32
      %shift_right_arithmetic3A_203 = arith.shrsi %add3A_201, %shift_right_arithmetic3A_202 : i32
      %parallel_loop3A_204 = arith.constant 0 : i32
      %parallel_loop3A_205 = arith.constant 257 : i32
      %parallel_loop3A_206 = arith.constant 1 : i32
      scf.for %parallel_loop3A_366 = %parallel_loop3A_204 to %parallel_loop3A_205 step %parallel_loop3A_206  : i32 {
        %parallel_loop3A_367 = arith.constant 0 : i32
        %parallel_loop3A_368 = vector.broadcast %parallel_loop3A_367 : i32 to vector<16xi32>
        %parallel_loop3A_369 = arith.constant 16 : i32
        %parallel_loop3A_370 = arith.muli %parallel_loop3A_366, %parallel_loop3A_369 : i32
        %parallel_loop3A_371 = arith.index_cast %parallel_loop3A_370 : i32 to index
        %parallel_loop3A_372 = tpu.vector_load %arg7[%parallel_loop3A_371] {strides = array<i32>} : memref<4112xi32, #tpu.memory_space<vmem>>, vector<16xi32>,
        tpu.vector_store %arg7[%parallel_loop3A_371], %parallel_loop3A_368 {strides = array<i32>} : memref<4112xi32, #tpu.memory_space<vmem>>, vector<16xi32>,
      } {sc.loop_unroll_factor = 8 : i64, sc.parallel_access}
      %mul3A_207 = arith.constant 257 : i32
      %mul3A_208 = vector.broadcast %mul3A_207 : i32 to vector<16xi32>
      %mul3A_209 = arith.muli %iota3A, %mul3A_208 : vector<16xi32>
      %parallel_loop3A_210 = arith.constant 0 : i32
      %parallel_loop3A_211 = arith.constant 1 : i32
      scf.for %parallel_loop3A_366 = %parallel_loop3A_210 to %shift_right_arithmetic3A_203 step %parallel_loop3A_211  : i32 {
        %parallel_loop3A_367 = arith.constant 16 : i32
        %parallel_loop3A_368 = arith.muli %parallel_loop3A_366, %parallel_loop3A_367 : i32
        %parallel_loop3A_369 = arith.index_cast %parallel_loop3A_368 : i32 to index
        %parallel_loop3A_370 = tpu.vector_load %arg5[%parallel_loop3A_369] {strides = array<i32>} : memref<32768xi32, #tpu.memory_space<vmem>>, vector<16xi32>,
        %parallel_loop3A_371 = arith.constant 16 : i32
        %parallel_loop3A_372 = arith.muli %parallel_loop3A_366, %parallel_loop3A_371 : i32
        %parallel_loop3A_373 = vector.broadcast %parallel_loop3A_372 : i32 to vector<16xi32>
        %parallel_loop3A_374 = arith.addi %parallel_loop3A_373, %iota3A : vector<16xi32>
        %parallel_loop3A_375 = vector.broadcast %squeeze3A_199 : i32 to vector<16xi32>
        %parallel_loop3A_376 = arith.cmpi slt, %parallel_loop3A_374, %parallel_loop3A_375 : vector<16xi32>
        %parallel_loop3A_377 = arith.constant 16 : i32
        %parallel_loop3A_378 = arith.muli %parallel_loop3A_366, %parallel_loop3A_377 : i32
        %parallel_loop3A_379 = arith.index_cast %parallel_loop3A_378 : i32 to index
        %parallel_loop3A_380 = tpu.vector_load %arg6[%parallel_loop3A_379] {strides = array<i32>} : memref<32768xi32, #tpu.memory_space<vmem>>, vector<16xi32>,
        %parallel_loop3A_381 = arith.constant 15 : i32
        %parallel_loop3A_382 = vector.broadcast %parallel_loop3A_381 : i32 to vector<16xi32>
        %parallel_loop3A_383 = arith.shrsi %parallel_loop3A_380, %parallel_loop3A_382 : vector<16xi32>
        %parallel_loop3A_384 = vector.broadcast %or3A : i32 to vector<16xi32>
        %parallel_loop3A_385 = arith.cmpi eq, %parallel_loop3A_383, %parallel_loop3A_384 : vector<16xi32>
        %parallel_loop3A_386 = arith.andi %parallel_loop3A_376, %parallel_loop3A_385 : vector<16xi1>
        %parallel_loop3A_387 = arith.constant 7 : i32
        %parallel_loop3A_388 = vector.broadcast %parallel_loop3A_387 : i32 to vector<16xi32>
        %parallel_loop3A_389 = arith.shrsi %parallel_loop3A_380, %parallel_loop3A_388 : vector<16xi32>
        %parallel_loop3A_390 = arith.constant 255 : i32
        %parallel_loop3A_391 = vector.broadcast %parallel_loop3A_390 : i32 to vector<16xi32>
        %parallel_loop3A_392 = arith.andi %parallel_loop3A_389, %parallel_loop3A_391 : vector<16xi32>
        %parallel_loop3A_393 = arith.addi %mul3A_209, %parallel_loop3A_392 : vector<16xi32>
        tpu.vector_store_idx %arg7[%parallel_loop3A_393], %broadcast_in_dim3A_1 masked %parallel_loop3A_386 {add = true} : memref<4112xi32, #tpu.memory_space<vmem>>[vector<16xi32>], vector<16xi32>, vector<16xi1>
      } {sc.loop_unroll_factor = 4 : i64, sc.parallel_access}
      %iota3A_212 = tpu.iota {dimensions = array<i32: 0>} : vector<16xi32>
      %parallel_loop3A_213 = arith.constant 0 : i32
      %parallel_loop3A_214 = arith.constant 16 : i32
      %parallel_loop3A_215 = arith.constant 1 : i32
      scf.for %parallel_loop3A_366 = %parallel_loop3A_213 to %parallel_loop3A_214 step %parallel_loop3A_215  : i32 {
        %parallel_loop3A_367 = arith.constant 0 : i32
        %parallel_loop3A_368 = vector.broadcast %parallel_loop3A_367 : i32 to vector<16xi32>
        %parallel_loop3A_369 = arith.constant 16 : i32
        %parallel_loop3A_370 = arith.muli %parallel_loop3A_366, %parallel_loop3A_369 : i32
        %parallel_loop3A_371 = arith.constant 0 : i32
        %parallel_loop3A_372 = arith.addi %parallel_loop3A_371, %parallel_loop3A_370 : i32
        %parallel_loop3A_373 = arith.index_cast %parallel_loop3A_372 : i32 to index
        %parallel_loop3A_374 = tpu.vector_load %arg7[%parallel_loop3A_373] {strides = array<i32>} : memref<4112xi32, #tpu.memory_space<vmem>>, vector<16xi32>,
        %parallel_loop3A_375 = arith.addi %parallel_loop3A_368, %parallel_loop3A_374 : vector<16xi32>
        %parallel_loop3A_376 = arith.constant 16 : i32
        %parallel_loop3A_377 = arith.muli %parallel_loop3A_366, %parallel_loop3A_376 : i32
        %parallel_loop3A_378 = arith.constant 257 : i32
        %parallel_loop3A_379 = arith.addi %parallel_loop3A_378, %parallel_loop3A_377 : i32
        %parallel_loop3A_380 = arith.index_cast %parallel_loop3A_379 : i32 to index
        %parallel_loop3A_381 = tpu.vector_load %arg7[%parallel_loop3A_380] {strides = array<i32>} : memref<4112xi32, #tpu.memory_space<vmem>>, vector<16xi32>,
        %parallel_loop3A_382 = arith.addi %parallel_loop3A_375, %parallel_loop3A_381 : vector<16xi32>
        %parallel_loop3A_383 = arith.constant 16 : i32
        %parallel_loop3A_384 = arith.muli %parallel_loop3A_366, %parallel_loop3A_383 : i32
        %parallel_loop3A_385 = arith.constant 514 : i32
        %parallel_loop3A_386 = arith.addi %parallel_loop3A_385, %parallel_loop3A_384 : i32
        %parallel_loop3A_387 = arith.index_cast %parallel_loop3A_386 : i32 to index
        %parallel_loop3A_388 = tpu.vector_load %arg7[%parallel_loop3A_387] {strides = array<i32>} : memref<4112xi32, #tpu.memory_space<vmem>>, vector<16xi32>,
        %parallel_loop3A_389 = arith.addi %parallel_loop3A_382, %parallel_loop3A_388 : vector<16xi32>
        %parallel_loop3A_390 = arith.constant 16 : i32
        %parallel_loop3A_391 = arith.muli %parallel_loop3A_366, %parallel_loop3A_390 : i32
        %parallel_loop3A_392 = arith.constant 771 : i32
        %parallel_loop3A_393 = arith.addi %parallel_loop3A_392, %parallel_loop3A_391 : i32
        %parallel_loop3A_394 = arith.index_cast %parallel_loop3A_393 : i32 to index
        %parallel_loop3A_395 = tpu.vector_load %arg7[%parallel_loop3A_394] {strides = array<i32>} : memref<4112xi32, #tpu.memory_space<vmem>>, vector<16xi32>,
        %parallel_loop3A_396 = arith.addi %parallel_loop3A_389, %parallel_loop3A_395 : vector<16xi32>
        %parallel_loop3A_397 = arith.constant 16 : i32
        %parallel_loop3A_398 = arith.muli %parallel_loop3A_366, %parallel_loop3A_397 : i32
        %parallel_loop3A_399 = arith.constant 1028 : i32
        %parallel_loop3A_400 = arith.addi %parallel_loop3A_399, %parallel_loop3A_398 : i32
        %parallel_loop3A_401 = arith.index_cast %parallel_loop3A_400 : i32 to index
        %parallel_loop3A_402 = tpu.vector_load %arg7[%parallel_loop3A_401] {strides = array<i32>} : memref<4112xi32, #tpu.memory_space<vmem>>, vector<16xi32>,
        %parallel_loop3A_403 = arith.addi %parallel_loop3A_396, %parallel_loop3A_402 : vector<16xi32>
        %parallel_loop3A_404 = arith.constant 16 : i32
        %parallel_loop3A_405 = arith.muli %parallel_loop3A_366, %parallel_loop3A_404 : i32
        %parallel_loop3A_406 = arith.constant 1285 : i32
        %parallel_loop3A_407 = arith.addi %parallel_loop3A_406, %parallel_loop3A_405 : i32
        %parallel_loop3A_408 = arith.index_cast %parallel_loop3A_407 : i32 to index
        %parallel_loop3A_409 = tpu.vector_load %arg7[%parallel_loop3A_408] {strides = array<i32>} : memref<4112xi32, #tpu.memory_space<vmem>>, vector<16xi32>,
        %parallel_loop3A_410 = arith.addi %parallel_loop3A_403, %parallel_loop3A_409 : vector<16xi32>
        %parallel_loop3A_411 = arith.constant 16 : i32
        %parallel_loop3A_412 = arith.muli %parallel_loop3A_366, %parallel_loop3A_411 : i32
        %parallel_loop3A_413 = arith.constant 1542 : i32
        %parallel_loop3A_414 = arith.addi %parallel_loop3A_413, %parallel_loop3A_412 : i32
        %parallel_loop3A_415 = arith.index_cast %parallel_loop3A_414 : i32 to index
        %parallel_loop3A_416 = tpu.vector_load %arg7[%parallel_loop3A_415] {strides = array<i32>} : memref<4112xi32, #tpu.memory_space<vmem>>, vector<16xi32>,
        %parallel_loop3A_417 = arith.addi %parallel_loop3A_410, %parallel_loop3A_416 : vector<16xi32>
        %parallel_loop3A_418 = arith.constant 16 : i32
        %parallel_loop3A_419 = arith.muli %parallel_loop3A_366, %parallel_loop3A_418 : i32
        %parallel_loop3A_420 = arith.constant 1799 : i32
        %parallel_loop3A_421 = arith.addi %parallel_loop3A_420, %parallel_loop3A_419 : i32
        %parallel_loop3A_422 = arith.index_cast %parallel_loop3A_421 : i32 to index
        %parallel_loop3A_423 = tpu.vector_load %arg7[%parallel_loop3A_422] {strides = array<i32>} : memref<4112xi32, #tpu.memory_space<vmem>>, vector<16xi32>,
        %parallel_loop3A_424 = arith.addi %parallel_loop3A_417, %parallel_loop3A_423 : vector<16xi32>
        %parallel_loop3A_425 = arith.constant 16 : i32
        %parallel_loop3A_426 = arith.muli %parallel_loop3A_366, %parallel_loop3A_425 : i32
        %parallel_loop3A_427 = arith.constant 2056 : i32
        %parallel_loop3A_428 = arith.addi %parallel_loop3A_427, %parallel_loop3A_426 : i32
        %parallel_loop3A_429 = arith.index_cast %parallel_loop3A_428 : i32 to index
        %parallel_loop3A_430 = tpu.vector_load %arg7[%parallel_loop3A_429] {strides = array<i32>} : memref<4112xi32, #tpu.memory_space<vmem>>, vector<16xi32>,
        %parallel_loop3A_431 = arith.addi %parallel_loop3A_424, %parallel_loop3A_430 : vector<16xi32>
        %parallel_loop3A_432 = arith.constant 16 : i32
        %parallel_loop3A_433 = arith.muli %parallel_loop3A_366, %parallel_loop3A_432 : i32
        %parallel_loop3A_434 = arith.constant 2313 : i32
        %parallel_loop3A_435 = arith.addi %parallel_loop3A_434, %parallel_loop3A_433 : i32
        %parallel_loop3A_436 = arith.index_cast %parallel_loop3A_435 : i32 to index
        %parallel_loop3A_437 = tpu.vector_load %arg7[%parallel_loop3A_436] {strides = array<i32>} : memref<4112xi32, #tpu.memory_space<vmem>>, vector<16xi32>,
        %parallel_loop3A_438 = arith.addi %parallel_loop3A_431, %parallel_loop3A_437 : vector<16xi32>
        %parallel_loop3A_439 = arith.constant 16 : i32
        %parallel_loop3A_440 = arith.muli %parallel_loop3A_366, %parallel_loop3A_439 : i32
        %parallel_loop3A_441 = arith.constant 2570 : i32
        %parallel_loop3A_442 = arith.addi %parallel_loop3A_441, %parallel_loop3A_440 : i32
        %parallel_loop3A_443 = arith.index_cast %parallel_loop3A_442 : i32 to index
        %parallel_loop3A_444 = tpu.vector_load %arg7[%parallel_loop3A_443] {strides = array<i32>} : memref<4112xi32, #tpu.memory_space<vmem>>, vector<16xi32>,
        %parallel_loop3A_445 = arith.addi %parallel_loop3A_438, %parallel_loop3A_444 : vector<16xi32>
        %parallel_loop3A_446 = arith.constant 16 : i32
        %parallel_loop3A_447 = arith.muli %parallel_loop3A_366, %parallel_loop3A_446 : i32
        %parallel_loop3A_448 = arith.constant 2827 : i32
        %parallel_loop3A_449 = arith.addi %parallel_loop3A_448, %parallel_loop3A_447 : i32
        %parallel_loop3A_450 = arith.index_cast %parallel_loop3A_449 : i32 to index
        %parallel_loop3A_451 = tpu.vector_load %arg7[%parallel_loop3A_450] {strides = array<i32>} : memref<4112xi32, #tpu.memory_space<vmem>>, vector<16xi32>,
        %parallel_loop3A_452 = arith.addi %parallel_loop3A_445, %parallel_loop3A_451 : vector<16xi32>
        %parallel_loop3A_453 = arith.constant 16 : i32
        %parallel_loop3A_454 = arith.muli %parallel_loop3A_366, %parallel_loop3A_453 : i32
        %parallel_loop3A_455 = arith.constant 3084 : i32
        %parallel_loop3A_456 = arith.addi %parallel_loop3A_455, %parallel_loop3A_454 : i32
        %parallel_loop3A_457 = arith.index_cast %parallel_loop3A_456 : i32 to index
        %parallel_loop3A_458 = tpu.vector_load %arg7[%parallel_loop3A_457] {strides = array<i32>} : memref<4112xi32, #tpu.memory_space<vmem>>, vector<16xi32>,
        %parallel_loop3A_459 = arith.addi %parallel_loop3A_452, %parallel_loop3A_458 : vector<16xi32>
        %parallel_loop3A_460 = arith.constant 16 : i32
        %parallel_loop3A_461 = arith.muli %parallel_loop3A_366, %parallel_loop3A_460 : i32
        %parallel_loop3A_462 = arith.constant 3341 : i32
        %parallel_loop3A_463 = arith.addi %parallel_loop3A_462, %parallel_loop3A_461 : i32
        %parallel_loop3A_464 = arith.index_cast %parallel_loop3A_463 : i32 to index
        %parallel_loop3A_465 = tpu.vector_load %arg7[%parallel_loop3A_464] {strides = array<i32>} : memref<4112xi32, #tpu.memory_space<vmem>>, vector<16xi32>,
        %parallel_loop3A_466 = arith.addi %parallel_loop3A_459, %parallel_loop3A_465 : vector<16xi32>
        %parallel_loop3A_467 = arith.constant 16 : i32
        %parallel_loop3A_468 = arith.muli %parallel_loop3A_366, %parallel_loop3A_467 : i32
        %parallel_loop3A_469 = arith.constant 3598 : i32
        %parallel_loop3A_470 = arith.addi %parallel_loop3A_469, %parallel_loop3A_468 : i32
        %parallel_loop3A_471 = arith.index_cast %parallel_loop3A_470 : i32 to index
        %parallel_loop3A_472 = tpu.vector_load %arg7[%parallel_loop3A_471] {strides = array<i32>} : memref<4112xi32, #tpu.memory_space<vmem>>, vector<16xi32>,
        %parallel_loop3A_473 = arith.addi %parallel_loop3A_466, %parallel_loop3A_472 : vector<16xi32>
        %parallel_loop3A_474 = arith.constant 16 : i32
        %parallel_loop3A_475 = arith.muli %parallel_loop3A_366, %parallel_loop3A_474 : i32
        %parallel_loop3A_476 = arith.constant 3855 : i32
        %parallel_loop3A_477 = arith.addi %parallel_loop3A_476, %parallel_loop3A_475 : i32
        %parallel_loop3A_478 = arith.index_cast %parallel_loop3A_477 : i32 to index
        %parallel_loop3A_479 = tpu.vector_load %arg7[%parallel_loop3A_478] {strides = array<i32>} : memref<4112xi32, #tpu.memory_space<vmem>>, vector<16xi32>,
        %parallel_loop3A_480 = arith.addi %parallel_loop3A_473, %parallel_loop3A_479 : vector<16xi32>
        %parallel_loop3A_481 = arith.constant 16 : i32
        %parallel_loop3A_482 = arith.muli %parallel_loop3A_366, %parallel_loop3A_481 : i32
        %parallel_loop3A_483 = arith.index_cast %parallel_loop3A_482 : i32 to index
        %parallel_loop3A_484 = tpu.vector_load %arg8[%parallel_loop3A_483] {strides = array<i32>} : memref<256xi32, #tpu.memory_space<vmem>>, vector<16xi32>,
        tpu.vector_store %arg8[%parallel_loop3A_483], %parallel_loop3A_480 {strides = array<i32>} : memref<256xi32, #tpu.memory_space<vmem>>, vector<16xi32>,
      } {sc.loop_unroll_factor = 2 : i64, sc.parallel_access}
      %scan3A_216 = arith.constant 0 : i32
      %scan3A_217 = arith.constant 0 : i32
      %scan3A_218 = arith.constant 0 : i32
      %scan3A_219 = arith.constant 0 : i32
      %scan3A_220 = arith.constant 0 : i32
      %scan3A_221 = arith.constant 16 : i32
      %scan3A_222 = arith.addi %scan3A_220, %scan3A_221 : i32
      %scan3A_223 = arith.constant 1 : i32
      %scan3A_224:4 = scf.for %scan3A_366 = %scan3A_220 to %scan3A_222 step %scan3A_223 iter_args(%scan3A_367 = %scan3A_216, %scan3A_368 = %scan3A_217, %scan3A_369 = %scan3A_218, %scan3A_370 = %scan3A_219) -> (i32, i32, i32, i32)  : i32 {
        %sub3A_371 = arith.constant 15 : i32
        %sub3A_372 = arith.subi %sub3A_371, %scan3A_366 : i32
        %mul3A_373 = arith.constant 16 : i32
        %mul3A_374 = arith.muli %sub3A_372, %mul3A_373 : i32
        %get3A_375 = arith.index_cast %mul3A_374 : i32 to index
        %get3A_376 = tpu.vector_load %arg8[%get3A_375] {strides = array<i32>} : memref<256xi32, #tpu.memory_space<vmem>>, vector<16xi32>,
        %reduce_sum3A_377 = arith.constant true
        %reduce_sum3A_378 = vector.broadcast %reduce_sum3A_377 : i1 to vector<16xi1>
        %reduce_sum3A_379 = tpu.scan <sum>, %get3A_376 masked %reduce_sum3A_378 : vector<16xi32>, vector<16xi1> -> vector<16xi32>
        %reduce_sum3A_380 = vector.extract %reduce_sum3A_379[15] : i32 from vector<16xi32>
        %eq3A_381 = arith.constant 0 : i32
        %eq3A_382 = arith.cmpi eq, %scan3A_368, %eq3A_381 : i32
        %add3A_383 = arith.addi %scan3A_367, %reduce_sum3A_380 : i32
        %ge3A_384 = arith.cmpi sge, %add3A_383, %sub3A_192 : i32
        %and3A_385 = arith.andi %eq3A_382, %ge3A_384 : i1
        %select_n3A_386 = arith.select %and3A_385, %sub3A_372, %scan3A_369 : i32
        %select_n3A_387 = arith.select %and3A_385, %scan3A_367, %scan3A_370 : i32
        %jit3A_388 = arith.constant 1 : i32
        %select_n3A_389 = arith.select %and3A_385, %jit3A_388, %scan3A_368 : i32
        %add3A_390 = arith.addi %scan3A_367, %reduce_sum3A_380 : i32
        scf.yield %add3A_390, %select_n3A_389, %select_n3A_386, %select_n3A_387 : i32, i32, i32, i32
      }
      %scan3A_225 = arith.constant 16 : i32
      %mul3A_226 = arith.constant 16 : i32
      %mul3A_227 = arith.muli %scan3A_224#2, %mul3A_226 : i32
      %get3A_228 = arith.index_cast %mul3A_227 : i32 to index
      %get3A_229 = tpu.vector_load %arg8[%get3A_228] {strides = array<i32>} : memref<256xi32, #tpu.memory_space<vmem>>, vector<16xi32>,
      %rev3A_230 = arith.constant 15 : i32
      %rev3A_231 = vector.broadcast %rev3A_230 : i32 to vector<16xi32>
      %rev3A_232 = tpu.iota {dimensions = array<i32: 0>} : vector<16xi32>
      %rev3A_233 = arith.subi %rev3A_231, %rev3A_232 : vector<16xi32>
      %rev3A_234 = tpu.dynamic_gather %get3A_229[%rev3A_233] in [0] : vector<16xi32>, vector<16xi32> -> vector<16xi32>
      %broadcast_in_dim3A_235 = arith.constant true
      %broadcast_in_dim3A_236 = vector.broadcast %broadcast_in_dim3A_235 : i1 to vector<16xi1>
      %masked_cumsum3A_237 = tpu.scan <sum>, %rev3A_234 masked %broadcast_in_dim3A_236 : vector<16xi32>, vector<16xi1> -> vector<16xi32>
      %add3A_238 = vector.broadcast %scan3A_224#3 : i32 to vector<16xi32>
      %add3A_239 = arith.addi %masked_cumsum3A_237, %add3A_238 : vector<16xi32>
      %ge3A_240 = vector.broadcast %sub3A_192 : i32 to vector<16xi32>
      %ge3A_241 = arith.cmpi sge, %add3A_239, %ge3A_240 : vector<16xi32>
      %convert_element_type3A_242 = arith.extui %ge3A_241 : vector<16xi1> to vector<16xi32>
      %broadcast_in_dim3A_243 = arith.constant true
      %broadcast_in_dim3A_244 = vector.broadcast %broadcast_in_dim3A_243 : i1 to vector<16xi1>
      %masked_cumsum3A_245 = tpu.scan <sum>, %convert_element_type3A_242 masked %broadcast_in_dim3A_244 : vector<16xi32>, vector<16xi1> -> vector<16xi32>
      %eq3A_246 = arith.constant 1 : i32
      %eq3A_247 = vector.broadcast %eq3A_246 : i32 to vector<16xi32>
      %eq3A_248 = arith.cmpi eq, %masked_cumsum3A_245, %eq3A_247 : vector<16xi32>
      %and3A_249 = arith.andi %ge3A_241, %eq3A_248 : vector<16xi1>
      %jit3A_250 = arith.constant 0 : i32
      %broadcast_in_dim3A_251 = vector.broadcast %jit3A_250 : i32 to vector<16xi32>
      %select_n3A_252 = arith.select %and3A_249, %add3A_239, %broadcast_in_dim3A_251 : vector<16xi1>, vector<16xi32>
      %reduce_sum3A_253 = arith.constant true
      %reduce_sum3A_254 = vector.broadcast %reduce_sum3A_253 : i1 to vector<16xi1>
      %reduce_sum3A_255 = tpu.scan <sum>, %select_n3A_252 masked %reduce_sum3A_254 : vector<16xi32>, vector<16xi1> -> vector<16xi32>
      %reduce_sum3A_256 = vector.extract %reduce_sum3A_255[15] : i32 from vector<16xi32>
      %jit3A_257 = arith.constant 0 : i32
      %broadcast_in_dim3A_258 = vector.broadcast %jit3A_257 : i32 to vector<16xi32>
      %select_n3A_259 = arith.select %and3A_249, %rev3A_234, %broadcast_in_dim3A_258 : vector<16xi1>, vector<16xi32>
      %reduce_sum3A_260 = arith.constant true
      %reduce_sum3A_261 = vector.broadcast %reduce_sum3A_260 : i1 to vector<16xi1>
      %reduce_sum3A_262 = tpu.scan <sum>, %select_n3A_259 masked %reduce_sum3A_261 : vector<16xi32>, vector<16xi1> -> vector<16xi32>
      %reduce_sum3A_263 = vector.extract %reduce_sum3A_262[15] : i32 from vector<16xi32>
      %jit3A_264 = arith.constant 0 : i32
      %broadcast_in_dim3A_265 = vector.broadcast %jit3A_264 : i32 to vector<16xi32>
      %select_n3A_266 = arith.select %and3A_249, %iota3A_212, %broadcast_in_dim3A_265 : vector<16xi1>, vector<16xi32>
      %reduce_sum3A_267 = arith.constant true
      %reduce_sum3A_268 = vector.broadcast %reduce_sum3A_267 : i1 to vector<16xi1>
      %reduce_sum3A_269 = tpu.scan <sum>, %select_n3A_266 masked %reduce_sum3A_268 : vector<16xi32>, vector<16xi1> -> vector<16xi32>
      %reduce_sum3A_270 = vector.extract %reduce_sum3A_269[15] : i32 from vector<16xi32>
      %mul3A_271 = arith.constant 16 : i32
      %mul3A_272 = arith.muli %scan3A_224#2, %mul3A_271 : i32
      %add3A_273 = arith.constant 15 : i32
      %add3A_274 = arith.addi %mul3A_272, %add3A_273 : i32
      %sub3A_275 = arith.subi %add3A_274, %reduce_sum3A_270 : i32
      %sub3A_276 = arith.subi %reduce_sum3A_256, %reduce_sum3A_263 : i32
      %shift_left3A_277 = arith.constant 8 : i32
      %shift_left3A_278 = arith.shli %or3A, %shift_left3A_277 : i32
      %or3A_279 = arith.ori %shift_left3A_278, %sub3A_275 : i32
      %sub3A_280 = arith.subi %sub3A_192, %sub3A_276 : i32
      %parallel_loop3A_281 = arith.constant 0 : i32
      %parallel_loop3A_282 = arith.constant 129 : i32
      %parallel_loop3A_283 = arith.constant 1 : i32
      scf.for %parallel_loop3A_366 = %parallel_loop3A_281 to %parallel_loop3A_282 step %parallel_loop3A_283  : i32 {
        %parallel_loop3A_367 = arith.constant 0 : i32
        %parallel_loop3A_368 = vector.broadcast %parallel_loop3A_367 : i32 to vector<16xi32>
        %parallel_loop3A_369 = arith.constant 16 : i32
        %parallel_loop3A_370 = arith.muli %parallel_loop3A_366, %parallel_loop3A_369 : i32
        %parallel_loop3A_371 = arith.index_cast %parallel_loop3A_370 : i32 to index
        %parallel_loop3A_372 = tpu.vector_load %arg7[%parallel_loop3A_371] {strides = array<i32>} : memref<4112xi32, #tpu.memory_space<vmem>>, vector<16xi32>,
        tpu.vector_store %arg7[%parallel_loop3A_371], %parallel_loop3A_368 {strides = array<i32>} : memref<4112xi32, #tpu.memory_space<vmem>>, vector<16xi32>,
      } {sc.loop_unroll_factor = 8 : i64, sc.parallel_access}
      %mul3A_284 = arith.constant 129 : i32
      %mul3A_285 = vector.broadcast %mul3A_284 : i32 to vector<16xi32>
      %mul3A_286 = arith.muli %iota3A, %mul3A_285 : vector<16xi32>
      %parallel_loop3A_287 = arith.constant 0 : i32
      %parallel_loop3A_288 = arith.constant 1 : i32
      scf.for %parallel_loop3A_366 = %parallel_loop3A_287 to %shift_right_arithmetic3A_203 step %parallel_loop3A_288  : i32 {
        %parallel_loop3A_367 = arith.constant 16 : i32
        %parallel_loop3A_368 = arith.muli %parallel_loop3A_366, %parallel_loop3A_367 : i32
        %parallel_loop3A_369 = arith.index_cast %parallel_loop3A_368 : i32 to index
        %parallel_loop3A_370 = tpu.vector_load %arg5[%parallel_loop3A_369] {strides = array<i32>} : memref<32768xi32, #tpu.memory_space<vmem>>, vector<16xi32>,
        %parallel_loop3A_371 = arith.constant 16 : i32
        %parallel_loop3A_372 = arith.muli %parallel_loop3A_366, %parallel_loop3A_371 : i32
        %parallel_loop3A_373 = vector.broadcast %parallel_loop3A_372 : i32 to vector<16xi32>
        %parallel_loop3A_374 = arith.addi %parallel_loop3A_373, %iota3A : vector<16xi32>
        %parallel_loop3A_375 = vector.broadcast %squeeze3A_199 : i32 to vector<16xi32>
        %parallel_loop3A_376 = arith.cmpi slt, %parallel_loop3A_374, %parallel_loop3A_375 : vector<16xi32>
        %parallel_loop3A_377 = arith.constant 16 : i32
        %parallel_loop3A_378 = arith.muli %parallel_loop3A_366, %parallel_loop3A_377 : i32
        %parallel_loop3A_379 = arith.index_cast %parallel_loop3A_378 : i32 to index
        %parallel_loop3A_380 = tpu.vector_load %arg6[%parallel_loop3A_379] {strides = array<i32>} : memref<32768xi32, #tpu.memory_space<vmem>>, vector<16xi32>,
        %parallel_loop3A_381 = arith.constant 7 : i32
        %parallel_loop3A_382 = vector.broadcast %parallel_loop3A_381 : i32 to vector<16xi32>
        %parallel_loop3A_383 = arith.shrsi %parallel_loop3A_380, %parallel_loop3A_382 : vector<16xi32>
        %parallel_loop3A_384 = vector.broadcast %or3A_279 : i32 to vector<16xi32>
        %parallel_loop3A_385 = arith.cmpi eq, %parallel_loop3A_383, %parallel_loop3A_384 : vector<16xi32>
        %parallel_loop3A_386 = arith.andi %parallel_loop3A_376, %parallel_loop3A_385 : vector<16xi1>
        %parallel_loop3A_387 = arith.constant 0 : i32
        %parallel_loop3A_388 = vector.broadcast %parallel_loop3A_387 : i32 to vector<16xi32>
        %parallel_loop3A_389 = arith.shrsi %parallel_loop3A_380, %parallel_loop3A_388 : vector<16xi32>
        %parallel_loop3A_390 = arith.constant 127 : i32
        %parallel_loop3A_391 = vector.broadcast %parallel_loop3A_390 : i32 to vector<16xi32>
        %parallel_loop3A_392 = arith.andi %parallel_loop3A_389, %parallel_loop3A_391 : vector<16xi32>
        %parallel_loop3A_393 = arith.addi %mul3A_286, %parallel_loop3A_392 : vector<16xi32>
        tpu.vector_store_idx %arg7[%parallel_loop3A_393], %broadcast_in_dim3A_1 masked %parallel_loop3A_386 {add = true} : memref<4112xi32, #tpu.memory_space<vmem>>[vector<16xi32>], vector<16xi32>, vector<16xi1>
      } {sc.loop_unroll_factor = 4 : i64, sc.parallel_access}
      %iota3A_289 = tpu.iota {dimensions = array<i32: 0>} : vector<16xi32>
      %parallel_loop3A_290 = arith.constant 0 : i32
      %parallel_loop3A_291 = arith.constant 8 : i32
      %parallel_loop3A_292 = arith.constant 1 : i32
      scf.for %parallel_loop3A_366 = %parallel_loop3A_290 to %parallel_loop3A_291 step %parallel_loop3A_292  : i32 {
        %parallel_loop3A_367 = arith.constant 0 : i32
        %parallel_loop3A_368 = vector.broadcast %parallel_loop3A_367 : i32 to vector<16xi32>
        %parallel_loop3A_369 = arith.constant 16 : i32
        %parallel_loop3A_370 = arith.muli %parallel_loop3A_366, %parallel_loop3A_369 : i32
        %parallel_loop3A_371 = arith.constant 0 : i32
        %parallel_loop3A_372 = arith.addi %parallel_loop3A_371, %parallel_loop3A_370 : i32
        %parallel_loop3A_373 = arith.index_cast %parallel_loop3A_372 : i32 to index
        %parallel_loop3A_374 = tpu.vector_load %arg7[%parallel_loop3A_373] {strides = array<i32>} : memref<4112xi32, #tpu.memory_space<vmem>>, vector<16xi32>,
        %parallel_loop3A_375 = arith.addi %parallel_loop3A_368, %parallel_loop3A_374 : vector<16xi32>
        %parallel_loop3A_376 = arith.constant 16 : i32
        %parallel_loop3A_377 = arith.muli %parallel_loop3A_366, %parallel_loop3A_376 : i32
        %parallel_loop3A_378 = arith.constant 129 : i32
        %parallel_loop3A_379 = arith.addi %parallel_loop3A_378, %parallel_loop3A_377 : i32
        %parallel_loop3A_380 = arith.index_cast %parallel_loop3A_379 : i32 to index
        %parallel_loop3A_381 = tpu.vector_load %arg7[%parallel_loop3A_380] {strides = array<i32>} : memref<4112xi32, #tpu.memory_space<vmem>>, vector<16xi32>,
        %parallel_loop3A_382 = arith.addi %parallel_loop3A_375, %parallel_loop3A_381 : vector<16xi32>
        %parallel_loop3A_383 = arith.constant 16 : i32
        %parallel_loop3A_384 = arith.muli %parallel_loop3A_366, %parallel_loop3A_383 : i32
        %parallel_loop3A_385 = arith.constant 258 : i32
        %parallel_loop3A_386 = arith.addi %parallel_loop3A_385, %parallel_loop3A_384 : i32
        %parallel_loop3A_387 = arith.index_cast %parallel_loop3A_386 : i32 to index
        %parallel_loop3A_388 = tpu.vector_load %arg7[%parallel_loop3A_387] {strides = array<i32>} : memref<4112xi32, #tpu.memory_space<vmem>>, vector<16xi32>,
        %parallel_loop3A_389 = arith.addi %parallel_loop3A_382, %parallel_loop3A_388 : vector<16xi32>
        %parallel_loop3A_390 = arith.constant 16 : i32
        %parallel_loop3A_391 = arith.muli %parallel_loop3A_366, %parallel_loop3A_390 : i32
        %parallel_loop3A_392 = arith.constant 387 : i32
        %parallel_loop3A_393 = arith.addi %parallel_loop3A_392, %parallel_loop3A_391 : i32
        %parallel_loop3A_394 = arith.index_cast %parallel_loop3A_393 : i32 to index
        %parallel_loop3A_395 = tpu.vector_load %arg7[%parallel_loop3A_394] {strides = array<i32>} : memref<4112xi32, #tpu.memory_space<vmem>>, vector<16xi32>,
        %parallel_loop3A_396 = arith.addi %parallel_loop3A_389, %parallel_loop3A_395 : vector<16xi32>
        %parallel_loop3A_397 = arith.constant 16 : i32
        %parallel_loop3A_398 = arith.muli %parallel_loop3A_366, %parallel_loop3A_397 : i32
        %parallel_loop3A_399 = arith.constant 516 : i32
        %parallel_loop3A_400 = arith.addi %parallel_loop3A_399, %parallel_loop3A_398 : i32
        %parallel_loop3A_401 = arith.index_cast %parallel_loop3A_400 : i32 to index
        %parallel_loop3A_402 = tpu.vector_load %arg7[%parallel_loop3A_401] {strides = array<i32>} : memref<4112xi32, #tpu.memory_space<vmem>>, vector<16xi32>,
        %parallel_loop3A_403 = arith.addi %parallel_loop3A_396, %parallel_loop3A_402 : vector<16xi32>
        %parallel_loop3A_404 = arith.constant 16 : i32
        %parallel_loop3A_405 = arith.muli %parallel_loop3A_366, %parallel_loop3A_404 : i32
        %parallel_loop3A_406 = arith.constant 645 : i32
        %parallel_loop3A_407 = arith.addi %parallel_loop3A_406, %parallel_loop3A_405 : i32
        %parallel_loop3A_408 = arith.index_cast %parallel_loop3A_407 : i32 to index
        %parallel_loop3A_409 = tpu.vector_load %arg7[%parallel_loop3A_408] {strides = array<i32>} : memref<4112xi32, #tpu.memory_space<vmem>>, vector<16xi32>,
        %parallel_loop3A_410 = arith.addi %parallel_loop3A_403, %parallel_loop3A_409 : vector<16xi32>
        %parallel_loop3A_411 = arith.constant 16 : i32
        %parallel_loop3A_412 = arith.muli %parallel_loop3A_366, %parallel_loop3A_411 : i32
        %parallel_loop3A_413 = arith.constant 774 : i32
        %parallel_loop3A_414 = arith.addi %parallel_loop3A_413, %parallel_loop3A_412 : i32
        %parallel_loop3A_415 = arith.index_cast %parallel_loop3A_414 : i32 to index
        %parallel_loop3A_416 = tpu.vector_load %arg7[%parallel_loop3A_415] {strides = array<i32>} : memref<4112xi32, #tpu.memory_space<vmem>>, vector<16xi32>,
        %parallel_loop3A_417 = arith.addi %parallel_loop3A_410, %parallel_loop3A_416 : vector<16xi32>
        %parallel_loop3A_418 = arith.constant 16 : i32
        %parallel_loop3A_419 = arith.muli %parallel_loop3A_366, %parallel_loop3A_418 : i32
        %parallel_loop3A_420 = arith.constant 903 : i32
        %parallel_loop3A_421 = arith.addi %parallel_loop3A_420, %parallel_loop3A_419 : i32
        %parallel_loop3A_422 = arith.index_cast %parallel_loop3A_421 : i32 to index
        %parallel_loop3A_423 = tpu.vector_load %arg7[%parallel_loop3A_422] {strides = array<i32>} : memref<4112xi32, #tpu.memory_space<vmem>>, vector<16xi32>,
        %parallel_loop3A_424 = arith.addi %parallel_loop3A_417, %parallel_loop3A_423 : vector<16xi32>
        %parallel_loop3A_425 = arith.constant 16 : i32
        %parallel_loop3A_426 = arith.muli %parallel_loop3A_366, %parallel_loop3A_425 : i32
        %parallel_loop3A_427 = arith.constant 1032 : i32
        %parallel_loop3A_428 = arith.addi %parallel_loop3A_427, %parallel_loop3A_426 : i32
        %parallel_loop3A_429 = arith.index_cast %parallel_loop3A_428 : i32 to index
        %parallel_loop3A_430 = tpu.vector_load %arg7[%parallel_loop3A_429] {strides = array<i32>} : memref<4112xi32, #tpu.memory_space<vmem>>, vector<16xi32>,
        %parallel_loop3A_431 = arith.addi %parallel_loop3A_424, %parallel_loop3A_430 : vector<16xi32>
        %parallel_loop3A_432 = arith.constant 16 : i32
        %parallel_loop3A_433 = arith.muli %parallel_loop3A_366, %parallel_loop3A_432 : i32
        %parallel_loop3A_434 = arith.constant 1161 : i32
        %parallel_loop3A_435 = arith.addi %parallel_loop3A_434, %parallel_loop3A_433 : i32
        %parallel_loop3A_436 = arith.index_cast %parallel_loop3A_435 : i32 to index
        %parallel_loop3A_437 = tpu.vector_load %arg7[%parallel_loop3A_436] {strides = array<i32>} : memref<4112xi32, #tpu.memory_space<vmem>>, vector<16xi32>,
        %parallel_loop3A_438 = arith.addi %parallel_loop3A_431, %parallel_loop3A_437 : vector<16xi32>
        %parallel_loop3A_439 = arith.constant 16 : i32
        %parallel_loop3A_440 = arith.muli %parallel_loop3A_366, %parallel_loop3A_439 : i32
        %parallel_loop3A_441 = arith.constant 1290 : i32
        %parallel_loop3A_442 = arith.addi %parallel_loop3A_441, %parallel_loop3A_440 : i32
        %parallel_loop3A_443 = arith.index_cast %parallel_loop3A_442 : i32 to index
        %parallel_loop3A_444 = tpu.vector_load %arg7[%parallel_loop3A_443] {strides = array<i32>} : memref<4112xi32, #tpu.memory_space<vmem>>, vector<16xi32>,
        %parallel_loop3A_445 = arith.addi %parallel_loop3A_438, %parallel_loop3A_444 : vector<16xi32>
        %parallel_loop3A_446 = arith.constant 16 : i32
        %parallel_loop3A_447 = arith.muli %parallel_loop3A_366, %parallel_loop3A_446 : i32
        %parallel_loop3A_448 = arith.constant 1419 : i32
        %parallel_loop3A_449 = arith.addi %parallel_loop3A_448, %parallel_loop3A_447 : i32
        %parallel_loop3A_450 = arith.index_cast %parallel_loop3A_449 : i32 to index
        %parallel_loop3A_451 = tpu.vector_load %arg7[%parallel_loop3A_450] {strides = array<i32>} : memref<4112xi32, #tpu.memory_space<vmem>>, vector<16xi32>,
        %parallel_loop3A_452 = arith.addi %parallel_loop3A_445, %parallel_loop3A_451 : vector<16xi32>
        %parallel_loop3A_453 = arith.constant 16 : i32
        %parallel_loop3A_454 = arith.muli %parallel_loop3A_366, %parallel_loop3A_453 : i32
        %parallel_loop3A_455 = arith.constant 1548 : i32
        %parallel_loop3A_456 = arith.addi %parallel_loop3A_455, %parallel_loop3A_454 : i32
        %parallel_loop3A_457 = arith.index_cast %parallel_loop3A_456 : i32 to index
        %parallel_loop3A_458 = tpu.vector_load %arg7[%parallel_loop3A_457] {strides = array<i32>} : memref<4112xi32, #tpu.memory_space<vmem>>, vector<16xi32>,
        %parallel_loop3A_459 = arith.addi %parallel_loop3A_452, %parallel_loop3A_458 : vector<16xi32>
        %parallel_loop3A_460 = arith.constant 16 : i32
        %parallel_loop3A_461 = arith.muli %parallel_loop3A_366, %parallel_loop3A_460 : i32
        %parallel_loop3A_462 = arith.constant 1677 : i32
        %parallel_loop3A_463 = arith.addi %parallel_loop3A_462, %parallel_loop3A_461 : i32
        %parallel_loop3A_464 = arith.index_cast %parallel_loop3A_463 : i32 to index
        %parallel_loop3A_465 = tpu.vector_load %arg7[%parallel_loop3A_464] {strides = array<i32>} : memref<4112xi32, #tpu.memory_space<vmem>>, vector<16xi32>,
        %parallel_loop3A_466 = arith.addi %parallel_loop3A_459, %parallel_loop3A_465 : vector<16xi32>
        %parallel_loop3A_467 = arith.constant 16 : i32
        %parallel_loop3A_468 = arith.muli %parallel_loop3A_366, %parallel_loop3A_467 : i32
        %parallel_loop3A_469 = arith.constant 1806 : i32
        %parallel_loop3A_470 = arith.addi %parallel_loop3A_469, %parallel_loop3A_468 : i32
        %parallel_loop3A_471 = arith.index_cast %parallel_loop3A_470 : i32 to index
        %parallel_loop3A_472 = tpu.vector_load %arg7[%parallel_loop3A_471] {strides = array<i32>} : memref<4112xi32, #tpu.memory_space<vmem>>, vector<16xi32>,
        %parallel_loop3A_473 = arith.addi %parallel_loop3A_466, %parallel_loop3A_472 : vector<16xi32>
        %parallel_loop3A_474 = arith.constant 16 : i32
        %parallel_loop3A_475 = arith.muli %parallel_loop3A_366, %parallel_loop3A_474 : i32
        %parallel_loop3A_476 = arith.constant 1935 : i32
        %parallel_loop3A_477 = arith.addi %parallel_loop3A_476, %parallel_loop3A_475 : i32
        %parallel_loop3A_478 = arith.index_cast %parallel_loop3A_477 : i32 to index
        %parallel_loop3A_479 = tpu.vector_load %arg7[%parallel_loop3A_478] {strides = array<i32>} : memref<4112xi32, #tpu.memory_space<vmem>>, vector<16xi32>,
        %parallel_loop3A_480 = arith.addi %parallel_loop3A_473, %parallel_loop3A_479 : vector<16xi32>
        %parallel_loop3A_481 = arith.constant 16 : i32
        %parallel_loop3A_482 = arith.muli %parallel_loop3A_366, %parallel_loop3A_481 : i32
        %parallel_loop3A_483 = arith.index_cast %parallel_loop3A_482 : i32 to index
        %parallel_loop3A_484 = tpu.vector_load %arg8[%parallel_loop3A_483] {strides = array<i32>} : memref<256xi32, #tpu.memory_space<vmem>>, vector<16xi32>,
        tpu.vector_store %arg8[%parallel_loop3A_483], %parallel_loop3A_480 {strides = array<i32>} : memref<256xi32, #tpu.memory_space<vmem>>, vector<16xi32>,
      } {sc.loop_unroll_factor = 2 : i64, sc.parallel_access}
      %scan3A_293 = arith.constant 0 : i32
      %scan3A_294 = arith.constant 0 : i32
      %scan3A_295 = arith.constant 0 : i32
      %scan3A_296 = arith.constant 0 : i32
      %scan3A_297 = arith.constant 0 : i32
      %scan3A_298 = arith.constant 8 : i32
      %scan3A_299 = arith.addi %scan3A_297, %scan3A_298 : i32
      %scan3A_300 = arith.constant 1 : i32
      %scan3A_301:4 = scf.for %scan3A_366 = %scan3A_297 to %scan3A_299 step %scan3A_300 iter_args(%scan3A_367 = %scan3A_293, %scan3A_368 = %scan3A_294, %scan3A_369 = %scan3A_295, %scan3A_370 = %scan3A_296) -> (i32, i32, i32, i32)  : i32 {
        %sub3A_371 = arith.constant 7 : i32
        %sub3A_372 = arith.subi %sub3A_371, %scan3A_366 : i32
        %mul3A_373 = arith.constant 16 : i32
        %mul3A_374 = arith.muli %sub3A_372, %mul3A_373 : i32
        %get3A_375 = arith.index_cast %mul3A_374 : i32 to index
        %get3A_376 = tpu.vector_load %arg8[%get3A_375] {strides = array<i32>} : memref<256xi32, #tpu.memory_space<vmem>>, vector<16xi32>,
        %reduce_sum3A_377 = arith.constant true
        %reduce_sum3A_378 = vector.broadcast %reduce_sum3A_377 : i1 to vector<16xi1>
        %reduce_sum3A_379 = tpu.scan <sum>, %get3A_376 masked %reduce_sum3A_378 : vector<16xi32>, vector<16xi1> -> vector<16xi32>
        %reduce_sum3A_380 = vector.extract %reduce_sum3A_379[15] : i32 from vector<16xi32>
        %eq3A_381 = arith.constant 0 : i32
        %eq3A_382 = arith.cmpi eq, %scan3A_368, %eq3A_381 : i32
        %add3A_383 = arith.addi %scan3A_367, %reduce_sum3A_380 : i32
        %ge3A_384 = arith.cmpi sge, %add3A_383, %sub3A_280 : i32
        %and3A_385 = arith.andi %eq3A_382, %ge3A_384 : i1
        %select_n3A_386 = arith.select %and3A_385, %sub3A_372, %scan3A_369 : i32
        %select_n3A_387 = arith.select %and3A_385, %scan3A_367, %scan3A_370 : i32
        %jit3A_388 = arith.constant 1 : i32
        %select_n3A_389 = arith.select %and3A_385, %jit3A_388, %scan3A_368 : i32
        %add3A_390 = arith.addi %scan3A_367, %reduce_sum3A_380 : i32
        scf.yield %add3A_390, %select_n3A_389, %select_n3A_386, %select_n3A_387 : i32, i32, i32, i32
      }
      %scan3A_302 = arith.constant 8 : i32
      %mul3A_303 = arith.constant 16 : i32
      %mul3A_304 = arith.muli %scan3A_301#2, %mul3A_303 : i32
      %get3A_305 = arith.index_cast %mul3A_304 : i32 to index
      %get3A_306 = tpu.vector_load %arg8[%get3A_305] {strides = array<i32>} : memref<256xi32, #tpu.memory_space<vmem>>, vector<16xi32>,
      %rev3A_307 = arith.constant 15 : i32
      %rev3A_308 = vector.broadcast %rev3A_307 : i32 to vector<16xi32>
      %rev3A_309 = tpu.iota {dimensions = array<i32: 0>} : vector<16xi32>
      %rev3A_310 = arith.subi %rev3A_308, %rev3A_309 : vector<16xi32>
      %rev3A_311 = tpu.dynamic_gather %get3A_306[%rev3A_310] in [0] : vector<16xi32>, vector<16xi32> -> vector<16xi32>
      %broadcast_in_dim3A_312 = arith.constant true
      %broadcast_in_dim3A_313 = vector.broadcast %broadcast_in_dim3A_312 : i1 to vector<16xi1>
      %masked_cumsum3A_314 = tpu.scan <sum>, %rev3A_311 masked %broadcast_in_dim3A_313 : vector<16xi32>, vector<16xi1> -> vector<16xi32>
      %add3A_315 = vector.broadcast %scan3A_301#3 : i32 to vector<16xi32>
      %add3A_316 = arith.addi %masked_cumsum3A_314, %add3A_315 : vector<16xi32>
      %ge3A_317 = vector.broadcast %sub3A_280 : i32 to vector<16xi32>
      %ge3A_318 = arith.cmpi sge, %add3A_316, %ge3A_317 : vector<16xi32>
      %convert_element_type3A_319 = arith.extui %ge3A_318 : vector<16xi1> to vector<16xi32>
      %broadcast_in_dim3A_320 = arith.constant true
      %broadcast_in_dim3A_321 = vector.broadcast %broadcast_in_dim3A_320 : i1 to vector<16xi1>
      %masked_cumsum3A_322 = tpu.scan <sum>, %convert_element_type3A_319 masked %broadcast_in_dim3A_321 : vector<16xi32>, vector<16xi1> -> vector<16xi32>
      %eq3A_323 = arith.constant 1 : i32
      %eq3A_324 = vector.broadcast %eq3A_323 : i32 to vector<16xi32>
      %eq3A_325 = arith.cmpi eq, %masked_cumsum3A_322, %eq3A_324 : vector<16xi32>
      %and3A_326 = arith.andi %ge3A_318, %eq3A_325 : vector<16xi1>
      %jit3A_327 = arith.constant 0 : i32
      %broadcast_in_dim3A_328 = vector.broadcast %jit3A_327 : i32 to vector<16xi32>
      %select_n3A_329 = arith.select %and3A_326, %add3A_316, %broadcast_in_dim3A_328 : vector<16xi1>, vector<16xi32>
      %reduce_sum3A_330 = arith.constant true
      %reduce_sum3A_331 = vector.broadcast %reduce_sum3A_330 : i1 to vector<16xi1>
      %reduce_sum3A_332 = tpu.scan <sum>, %select_n3A_329 masked %reduce_sum3A_331 : vector<16xi32>, vector<16xi1> -> vector<16xi32>
      %reduce_sum3A_333 = vector.extract %reduce_sum3A_332[15] : i32 from vector<16xi32>
      %jit3A_334 = arith.constant 0 : i32
      %broadcast_in_dim3A_335 = vector.broadcast %jit3A_334 : i32 to vector<16xi32>
      %select_n3A_336 = arith.select %and3A_326, %rev3A_311, %broadcast_in_dim3A_335 : vector<16xi1>, vector<16xi32>
      %reduce_sum3A_337 = arith.constant true
      %reduce_sum3A_338 = vector.broadcast %reduce_sum3A_337 : i1 to vector<16xi1>
      %reduce_sum3A_339 = tpu.scan <sum>, %select_n3A_336 masked %reduce_sum3A_338 : vector<16xi32>, vector<16xi1> -> vector<16xi32>
      %reduce_sum3A_340 = vector.extract %reduce_sum3A_339[15] : i32 from vector<16xi32>
      %jit3A_341 = arith.constant 0 : i32
      %broadcast_in_dim3A_342 = vector.broadcast %jit3A_341 : i32 to vector<16xi32>
      %select_n3A_343 = arith.select %and3A_326, %iota3A_289, %broadcast_in_dim3A_342 : vector<16xi1>, vector<16xi32>
      %reduce_sum3A_344 = arith.constant true
      %reduce_sum3A_345 = vector.broadcast %reduce_sum3A_344 : i1 to vector<16xi1>
      %reduce_sum3A_346 = tpu.scan <sum>, %select_n3A_343 masked %reduce_sum3A_345 : vector<16xi32>, vector<16xi1> -> vector<16xi32>
      %reduce_sum3A_347 = vector.extract %reduce_sum3A_346[15] : i32 from vector<16xi32>
      %mul3A_348 = arith.constant 16 : i32
      %mul3A_349 = arith.muli %scan3A_301#2, %mul3A_348 : i32
      %add3A_350 = arith.constant 15 : i32
      %add3A_351 = arith.addi %mul3A_349, %add3A_350 : i32
      %sub3A_352 = arith.subi %add3A_351, %reduce_sum3A_347 : i32
      %sub3A_353 = arith.subi %reduce_sum3A_333, %reduce_sum3A_340 : i32
      %shift_left3A_354 = arith.constant 7 : i32
      %shift_left3A_355 = arith.shli %or3A_279, %shift_left3A_354 : i32
      %or3A_356 = arith.ori %shift_left3A_355, %sub3A_352 : i32
      %sub3A_357 = arith.subi %sub3A_280, %sub3A_353 : i32
      %broadcast_in_dim3A_358 = arith.constant 0 : i32
      %broadcast_in_dim3A_359 = vector.broadcast %broadcast_in_dim3A_358 : i32 to vector<16xi32>
      %broadcast_in_dim3A_360 = arith.constant 0 : i32
      %broadcast_in_dim3A_361 = vector.broadcast %broadcast_in_dim3A_360 : i32 to vector<16xi32>
      %parallel_loop3A_362 = arith.constant 0 : i32
      %parallel_loop3A_363 = arith.constant 1 : i32
      %parallel_loop3A_364:2 = scf.for %parallel_loop3A_366 = %parallel_loop3A_362 to %shift_right_arithmetic3A_203 step %parallel_loop3A_363 iter_args(%parallel_loop3A_367 = %broadcast_in_dim3A_359, %parallel_loop3A_368 = %broadcast_in_dim3A_361) -> (vector<16xi32>, vector<16xi32>)  : i32 {
        %parallel_loop3A_369 = arith.constant 16 : i32
        %parallel_loop3A_370 = arith.muli %parallel_loop3A_366, %parallel_loop3A_369 : i32
        %parallel_loop3A_371 = arith.index_cast %parallel_loop3A_370 : i32 to index
        %parallel_loop3A_372 = tpu.vector_load %arg5[%parallel_loop3A_371] {strides = array<i32>} : memref<32768xi32, #tpu.memory_space<vmem>>, vector<16xi32>,
        %parallel_loop3A_373 = arith.constant 16 : i32
        %parallel_loop3A_374 = arith.muli %parallel_loop3A_366, %parallel_loop3A_373 : i32
        %parallel_loop3A_375 = vector.broadcast %parallel_loop3A_374 : i32 to vector<16xi32>
        %parallel_loop3A_376 = arith.addi %parallel_loop3A_375, %iota3A : vector<16xi32>
        %parallel_loop3A_377 = vector.broadcast %squeeze3A_199 : i32 to vector<16xi32>
        %parallel_loop3A_378 = arith.cmpi slt, %parallel_loop3A_376, %parallel_loop3A_377 : vector<16xi32>
        %parallel_loop3A_379 = arith.constant 16 : i32
        %parallel_loop3A_380 = arith.muli %parallel_loop3A_366, %parallel_loop3A_379 : i32
        %parallel_loop3A_381 = arith.index_cast %parallel_loop3A_380 : i32 to index
        %parallel_loop3A_382 = tpu.vector_load %arg6[%parallel_loop3A_381] {strides = array<i32>} : memref<32768xi32, #tpu.memory_space<vmem>>, vector<16xi32>,
        %parallel_loop3A_383 = vector.broadcast %or3A_356 : i32 to vector<16xi32>
        %parallel_loop3A_384 = arith.cmpi sgt, %parallel_loop3A_382, %parallel_loop3A_383 : vector<16xi32>
        %parallel_loop3A_385 = arith.andi %parallel_loop3A_378, %parallel_loop3A_384 : vector<16xi1>
        %parallel_loop3A_386 = vector.broadcast %or3A_356 : i32 to vector<16xi32>
        %parallel_loop3A_387 = arith.cmpi eq, %parallel_loop3A_382, %parallel_loop3A_386 : vector<16xi32>
        %parallel_loop3A_388 = arith.andi %parallel_loop3A_378, %parallel_loop3A_387 : vector<16xi1>
        %parallel_loop3A_389 = arith.extui %parallel_loop3A_388 : vector<16xi1> to vector<16xi32>
        %parallel_loop3A_390 = arith.constant true
        %parallel_loop3A_391 = vector.broadcast %parallel_loop3A_390 : i1 to vector<16xi1>
        %parallel_loop3A_392 = tpu.scan <sum>, %parallel_loop3A_389 masked %parallel_loop3A_391 : vector<16xi32>, vector<16xi1> -> vector<16xi32>
        %parallel_loop3A_393 = arith.addi %parallel_loop3A_392, %parallel_loop3A_368 : vector<16xi32>
        %parallel_loop3A_394 = vector.broadcast %sub3A_357 : i32 to vector<16xi32>
        %parallel_loop3A_395 = arith.cmpi sle, %parallel_loop3A_393, %parallel_loop3A_394 : vector<16xi32>
        %parallel_loop3A_396 = arith.andi %parallel_loop3A_388, %parallel_loop3A_395 : vector<16xi1>
        %parallel_loop3A_397 = arith.ori %parallel_loop3A_385, %parallel_loop3A_396 : vector<16xi1>
        %parallel_loop3A_398 = arith.extui %parallel_loop3A_397 : vector<16xi1> to vector<16xi32>
        %parallel_loop3A_399 = arith.constant true
        %parallel_loop3A_400 = vector.broadcast %parallel_loop3A_399 : i1 to vector<16xi1>
        %parallel_loop3A_401 = tpu.scan <sum>, %parallel_loop3A_398 masked %parallel_loop3A_400 : vector<16xi32>, vector<16xi1> -> vector<16xi32>
        %parallel_loop3A_402 = arith.subi %parallel_loop3A_401, %parallel_loop3A_398 : vector<16xi32>
        %parallel_loop3A_403 = arith.addi %parallel_loop3A_367, %parallel_loop3A_402 : vector<16xi32>
        tpu.vector_store_idx %arg9[%parallel_loop3A_403], %parallel_loop3A_372 masked %parallel_loop3A_397 : memref<64xi32, #tpu.memory_space<vmem>>[vector<16xi32>], vector<16xi32>, vector<16xi1>
        %parallel_loop3A_404 = tpu.all_reduce %parallel_loop3A_397 {dim = 0 : i64, kind = #tpu.reduction_kind<sum>} : vector<16xi1> -> vector<16xi32>
        %parallel_loop3A_405 = arith.addi %parallel_loop3A_367, %parallel_loop3A_404 : vector<16xi32>
        %parallel_loop3A_406 = tpu.all_reduce %parallel_loop3A_388 {dim = 0 : i64, kind = #tpu.reduction_kind<sum>} : vector<16xi1> -> vector<16xi32>
        %parallel_loop3A_407 = arith.addi %parallel_loop3A_368, %parallel_loop3A_406 : vector<16xi32>
        scf.yield %parallel_loop3A_405, %parallel_loop3A_407 : vector<16xi32>, vector<16xi32>
      } {sc.loop_unroll_factor = 4 : i64, sc.parallel_access}
      "tpu.region"() ({
        %run_scoped3A = tpu.sem_alloc : memref<!tpu.dma_semaphore, #tpu.memory_space<semaphore_mem>>
        %dma_start3A_366 = arith.constant 0 : i32
        %dma_start3A_367 = tpu.memref_slice %arg3[%add3A_25, %dma_start3A_366] : memref<128x64xi32, #tpu.memory_space<hbm>> -> memref<1x64xi32, #tpu.memory_space<hbm>>
        %dma_start3A_368 = tpu.memref_squeeze %dma_start3A_367 : memref<1x64xi32, #tpu.memory_space<hbm>> -> memref<64xi32, #tpu.memory_space<hbm>>
        %dma_start3A_369 = arith.constant 0 : i32
        %dma_start3A_370 = tpu.memref_slice %arg3[%add3A_25, %dma_start3A_369] : memref<128x64xi32, #tpu.memory_space<hbm>> -> memref<1x64xi32, #tpu.memory_space<hbm>>
        %dma_start3A_371 = tpu.memref_squeeze %dma_start3A_370 : memref<1x64xi32, #tpu.memory_space<hbm>> -> memref<64xi32, #tpu.memory_space<hbm>>
        tpu.enqueue_dma source(%arg9 : memref<64xi32, #tpu.memory_space<vmem>>) target(%dma_start3A_371 : memref<64xi32, #tpu.memory_space<hbm>>) target_semaphore(%run_scoped3A : memref<!tpu.dma_semaphore, #tpu.memory_space<semaphore_mem>>)
        %dma_wait3A_372 = arith.constant 0 : i32
        %dma_wait3A_373 = tpu.memref_slice %arg3[%add3A_25, %dma_wait3A_372] : memref<128x64xi32, #tpu.memory_space<hbm>> -> memref<1x64xi32, #tpu.memory_space<hbm>>
        %dma_wait3A_374 = tpu.memref_squeeze %dma_wait3A_373 : memref<1x64xi32, #tpu.memory_space<hbm>> -> memref<64xi32, #tpu.memory_space<hbm>>
        %dma_wait3A_375 = arith.constant 0 : i32
        %dma_wait3A_376 = tpu.memref_slice %arg3[%add3A_25, %dma_wait3A_375] : memref<128x64xi32, #tpu.memory_space<hbm>> -> memref<1x64xi32, #tpu.memory_space<hbm>>
        %dma_wait3A_377 = tpu.memref_squeeze %dma_wait3A_376 : memref<1x64xi32, #tpu.memory_space<hbm>> -> memref<64xi32, #tpu.memory_space<hbm>>
        tpu.wait_dma2 semaphore(%run_scoped3A : memref<!tpu.dma_semaphore, #tpu.memory_space<semaphore_mem>>) src(%arg9 : memref<64xi32, #tpu.memory_space<vmem>>) dst(%dma_wait3A_377 : memref<64xi32, #tpu.memory_space<hbm>>)
        tpu.yield
      }) : () -> ()
      %scan3A_365 = arith.constant 0 : i32
      scf.yield %scan3A_365 : i32
    }
    %scan3A_14 = arith.constant 4 : i32
    %add3A_15 = arith.constant 4 : i32
    %add3A_16 = arith.addi %mul3A_3, %add3A_15 : i32
    %sub3A = arith.constant 1 : i32
    %sub3A_17 = arith.subi %add3A_16, %sub3A : i32
    %dma_wait3A = arith.constant 0 : i32
    %dma_wait3A_18 = tpu.memref_slice %arg2[%sub3A_17, %dma_wait3A] : memref<128x32768xf32, #tpu.memory_space<hbm>> -> memref<1x32768xf32, #tpu.memory_space<hbm>>
    %dma_wait3A_19 = tpu.memref_squeeze %dma_wait3A_18 : memref<1x32768xf32, #tpu.memory_space<hbm>> -> memref<32768xf32, #tpu.memory_space<hbm>>
    %dma_wait3A_20 = arith.constant 0 : i32
    %dma_wait3A_21 = tpu.memref_slice %arg2[%sub3A_17, %dma_wait3A_20] : memref<128x32768xf32, #tpu.memory_space<hbm>> -> memref<1x32768xf32, #tpu.memory_space<hbm>>
    %dma_wait3A_22 = tpu.memref_squeeze %dma_wait3A_21 : memref<1x32768xf32, #tpu.memory_space<hbm>> -> memref<32768xf32, #tpu.memory_space<hbm>>
    tpu.wait_dma2 semaphore(%arg10 : memref<!tpu.dma_semaphore, #tpu.memory_space<semaphore_mem>>) src(%dma_wait3A_22 : memref<32768xf32, #tpu.memory_space<hbm>>) dst(%arg4 : memref<32768xf32, #tpu.memory_space<vmem>>)
    return
  }
}

module attributes {stable_mosaic.version = 14 : i64} {
  func.func @_labels_tc_body(%arg0: memref<128x64xi32, #tpu.memory_space<vmem>>, %arg1: memref<128x128xf32, #tpu.memory_space<vmem>>) attributes {dimension_semantics = [], scalar_prefetch = 0 : i64, scratch_operands = 0 : i64, tpu.core_type = #tpu.core_type<tc>} {
    %get3A = arith.constant 0 : index
    %get3A_0 = arith.constant 0 : index
    %get3A_1 = vector.load %arg0[%get3A, %get3A_0] : memref<128x64xi32, #tpu.memory_space<vmem>>, vector<128x64xi32>
    %transpose3A = tpu.transpose %get3A_1, [1, 0] : vector<128x64xi32> -> vector<64x128xi32>
    %broadcast_in_dim3A = arith.constant 1.000000e+00 : f32
    %broadcast_in_dim3A_2 = vector.broadcast %broadcast_in_dim3A : f32 to vector<128x128xf32>
    %slice3A = vector.extract_strided_slice %get3A_1 {offsets = [0, 0], sizes = [128, 1], strides = [1, 1]} : vector<128x64xi32> to vector<128x1xi32>
    %slice3A_3 = vector.extract_strided_slice %transpose3A {offsets = [0, 0], sizes = [1, 128], strides = [1, 1]} : vector<64x128xi32> to vector<1x128xi32>
    %eq3A = vector.broadcast %slice3A : vector<128x1xi32> to vector<128x128xi32>
    %eq3A_4 = vector.broadcast %slice3A_3 : vector<1x128xi32> to vector<128x128xi32>
    %eq3A_5 = arith.cmpi eq, %eq3A, %eq3A_4 : vector<128x128xi32>
    %convert_element_type3A = arith.extui %eq3A_5 : vector<128x128xi1> to vector<128x128xi32>
    %convert_element_type3A_6 = arith.sitofp %convert_element_type3A : vector<128x128xi32> to vector<128x128xf32>
    %mul3A = arith.mulf %broadcast_in_dim3A_2, %convert_element_type3A_6 : vector<128x128xf32>
    %slice3A_7 = vector.extract_strided_slice %get3A_1 {offsets = [0, 1], sizes = [128, 1], strides = [1, 1]} : vector<128x64xi32> to vector<128x1xi32>
    %slice3A_8 = vector.extract_strided_slice %transpose3A {offsets = [1, 0], sizes = [1, 128], strides = [1, 1]} : vector<64x128xi32> to vector<1x128xi32>
    %eq3A_9 = vector.broadcast %slice3A_7 : vector<128x1xi32> to vector<128x128xi32>
    %eq3A_10 = vector.broadcast %slice3A_8 : vector<1x128xi32> to vector<128x128xi32>
    %eq3A_11 = arith.cmpi eq, %eq3A_9, %eq3A_10 : vector<128x128xi32>
    %convert_element_type3A_12 = arith.extui %eq3A_11 : vector<128x128xi1> to vector<128x128xi32>
    %convert_element_type3A_13 = arith.sitofp %convert_element_type3A_12 : vector<128x128xi32> to vector<128x128xf32>
    %mul3A_14 = arith.mulf %mul3A, %convert_element_type3A_13 : vector<128x128xf32>
    %slice3A_15 = vector.extract_strided_slice %get3A_1 {offsets = [0, 2], sizes = [128, 1], strides = [1, 1]} : vector<128x64xi32> to vector<128x1xi32>
    %slice3A_16 = vector.extract_strided_slice %transpose3A {offsets = [2, 0], sizes = [1, 128], strides = [1, 1]} : vector<64x128xi32> to vector<1x128xi32>
    %eq3A_17 = vector.broadcast %slice3A_15 : vector<128x1xi32> to vector<128x128xi32>
    %eq3A_18 = vector.broadcast %slice3A_16 : vector<1x128xi32> to vector<128x128xi32>
    %eq3A_19 = arith.cmpi eq, %eq3A_17, %eq3A_18 : vector<128x128xi32>
    %convert_element_type3A_20 = arith.extui %eq3A_19 : vector<128x128xi1> to vector<128x128xi32>
    %convert_element_type3A_21 = arith.sitofp %convert_element_type3A_20 : vector<128x128xi32> to vector<128x128xf32>
    %mul3A_22 = arith.mulf %mul3A_14, %convert_element_type3A_21 : vector<128x128xf32>
    %slice3A_23 = vector.extract_strided_slice %get3A_1 {offsets = [0, 3], sizes = [128, 1], strides = [1, 1]} : vector<128x64xi32> to vector<128x1xi32>
    %slice3A_24 = vector.extract_strided_slice %transpose3A {offsets = [3, 0], sizes = [1, 128], strides = [1, 1]} : vector<64x128xi32> to vector<1x128xi32>
    %eq3A_25 = vector.broadcast %slice3A_23 : vector<128x1xi32> to vector<128x128xi32>
    %eq3A_26 = vector.broadcast %slice3A_24 : vector<1x128xi32> to vector<128x128xi32>
    %eq3A_27 = arith.cmpi eq, %eq3A_25, %eq3A_26 : vector<128x128xi32>
    %convert_element_type3A_28 = arith.extui %eq3A_27 : vector<128x128xi1> to vector<128x128xi32>
    %convert_element_type3A_29 = arith.sitofp %convert_element_type3A_28 : vector<128x128xi32> to vector<128x128xf32>
    %mul3A_30 = arith.mulf %mul3A_22, %convert_element_type3A_29 : vector<128x128xf32>
    %slice3A_31 = vector.extract_strided_slice %get3A_1 {offsets = [0, 4], sizes = [128, 1], strides = [1, 1]} : vector<128x64xi32> to vector<128x1xi32>
    %slice3A_32 = vector.extract_strided_slice %transpose3A {offsets = [4, 0], sizes = [1, 128], strides = [1, 1]} : vector<64x128xi32> to vector<1x128xi32>
    %eq3A_33 = vector.broadcast %slice3A_31 : vector<128x1xi32> to vector<128x128xi32>
    %eq3A_34 = vector.broadcast %slice3A_32 : vector<1x128xi32> to vector<128x128xi32>
    %eq3A_35 = arith.cmpi eq, %eq3A_33, %eq3A_34 : vector<128x128xi32>
    %convert_element_type3A_36 = arith.extui %eq3A_35 : vector<128x128xi1> to vector<128x128xi32>
    %convert_element_type3A_37 = arith.sitofp %convert_element_type3A_36 : vector<128x128xi32> to vector<128x128xf32>
    %mul3A_38 = arith.mulf %mul3A_30, %convert_element_type3A_37 : vector<128x128xf32>
    %slice3A_39 = vector.extract_strided_slice %get3A_1 {offsets = [0, 5], sizes = [128, 1], strides = [1, 1]} : vector<128x64xi32> to vector<128x1xi32>
    %slice3A_40 = vector.extract_strided_slice %transpose3A {offsets = [5, 0], sizes = [1, 128], strides = [1, 1]} : vector<64x128xi32> to vector<1x128xi32>
    %eq3A_41 = vector.broadcast %slice3A_39 : vector<128x1xi32> to vector<128x128xi32>
    %eq3A_42 = vector.broadcast %slice3A_40 : vector<1x128xi32> to vector<128x128xi32>
    %eq3A_43 = arith.cmpi eq, %eq3A_41, %eq3A_42 : vector<128x128xi32>
    %convert_element_type3A_44 = arith.extui %eq3A_43 : vector<128x128xi1> to vector<128x128xi32>
    %convert_element_type3A_45 = arith.sitofp %convert_element_type3A_44 : vector<128x128xi32> to vector<128x128xf32>
    %mul3A_46 = arith.mulf %mul3A_38, %convert_element_type3A_45 : vector<128x128xf32>
    %slice3A_47 = vector.extract_strided_slice %get3A_1 {offsets = [0, 6], sizes = [128, 1], strides = [1, 1]} : vector<128x64xi32> to vector<128x1xi32>
    %slice3A_48 = vector.extract_strided_slice %transpose3A {offsets = [6, 0], sizes = [1, 128], strides = [1, 1]} : vector<64x128xi32> to vector<1x128xi32>
    %eq3A_49 = vector.broadcast %slice3A_47 : vector<128x1xi32> to vector<128x128xi32>
    %eq3A_50 = vector.broadcast %slice3A_48 : vector<1x128xi32> to vector<128x128xi32>
    %eq3A_51 = arith.cmpi eq, %eq3A_49, %eq3A_50 : vector<128x128xi32>
    %convert_element_type3A_52 = arith.extui %eq3A_51 : vector<128x128xi1> to vector<128x128xi32>
    %convert_element_type3A_53 = arith.sitofp %convert_element_type3A_52 : vector<128x128xi32> to vector<128x128xf32>
    %mul3A_54 = arith.mulf %mul3A_46, %convert_element_type3A_53 : vector<128x128xf32>
    %slice3A_55 = vector.extract_strided_slice %get3A_1 {offsets = [0, 7], sizes = [128, 1], strides = [1, 1]} : vector<128x64xi32> to vector<128x1xi32>
    %slice3A_56 = vector.extract_strided_slice %transpose3A {offsets = [7, 0], sizes = [1, 128], strides = [1, 1]} : vector<64x128xi32> to vector<1x128xi32>
    %eq3A_57 = vector.broadcast %slice3A_55 : vector<128x1xi32> to vector<128x128xi32>
    %eq3A_58 = vector.broadcast %slice3A_56 : vector<1x128xi32> to vector<128x128xi32>
    %eq3A_59 = arith.cmpi eq, %eq3A_57, %eq3A_58 : vector<128x128xi32>
    %convert_element_type3A_60 = arith.extui %eq3A_59 : vector<128x128xi1> to vector<128x128xi32>
    %convert_element_type3A_61 = arith.sitofp %convert_element_type3A_60 : vector<128x128xi32> to vector<128x128xf32>
    %mul3A_62 = arith.mulf %mul3A_54, %convert_element_type3A_61 : vector<128x128xf32>
    %slice3A_63 = vector.extract_strided_slice %get3A_1 {offsets = [0, 8], sizes = [128, 1], strides = [1, 1]} : vector<128x64xi32> to vector<128x1xi32>
    %slice3A_64 = vector.extract_strided_slice %transpose3A {offsets = [8, 0], sizes = [1, 128], strides = [1, 1]} : vector<64x128xi32> to vector<1x128xi32>
    %eq3A_65 = vector.broadcast %slice3A_63 : vector<128x1xi32> to vector<128x128xi32>
    %eq3A_66 = vector.broadcast %slice3A_64 : vector<1x128xi32> to vector<128x128xi32>
    %eq3A_67 = arith.cmpi eq, %eq3A_65, %eq3A_66 : vector<128x128xi32>
    %convert_element_type3A_68 = arith.extui %eq3A_67 : vector<128x128xi1> to vector<128x128xi32>
    %convert_element_type3A_69 = arith.sitofp %convert_element_type3A_68 : vector<128x128xi32> to vector<128x128xf32>
    %mul3A_70 = arith.mulf %mul3A_62, %convert_element_type3A_69 : vector<128x128xf32>
    %slice3A_71 = vector.extract_strided_slice %get3A_1 {offsets = [0, 9], sizes = [128, 1], strides = [1, 1]} : vector<128x64xi32> to vector<128x1xi32>
    %slice3A_72 = vector.extract_strided_slice %transpose3A {offsets = [9, 0], sizes = [1, 128], strides = [1, 1]} : vector<64x128xi32> to vector<1x128xi32>
    %eq3A_73 = vector.broadcast %slice3A_71 : vector<128x1xi32> to vector<128x128xi32>
    %eq3A_74 = vector.broadcast %slice3A_72 : vector<1x128xi32> to vector<128x128xi32>
    %eq3A_75 = arith.cmpi eq, %eq3A_73, %eq3A_74 : vector<128x128xi32>
    %convert_element_type3A_76 = arith.extui %eq3A_75 : vector<128x128xi1> to vector<128x128xi32>
    %convert_element_type3A_77 = arith.sitofp %convert_element_type3A_76 : vector<128x128xi32> to vector<128x128xf32>
    %mul3A_78 = arith.mulf %mul3A_70, %convert_element_type3A_77 : vector<128x128xf32>
    %slice3A_79 = vector.extract_strided_slice %get3A_1 {offsets = [0, 10], sizes = [128, 1], strides = [1, 1]} : vector<128x64xi32> to vector<128x1xi32>
    %slice3A_80 = vector.extract_strided_slice %transpose3A {offsets = [10, 0], sizes = [1, 128], strides = [1, 1]} : vector<64x128xi32> to vector<1x128xi32>
    %eq3A_81 = vector.broadcast %slice3A_79 : vector<128x1xi32> to vector<128x128xi32>
    %eq3A_82 = vector.broadcast %slice3A_80 : vector<1x128xi32> to vector<128x128xi32>
    %eq3A_83 = arith.cmpi eq, %eq3A_81, %eq3A_82 : vector<128x128xi32>
    %convert_element_type3A_84 = arith.extui %eq3A_83 : vector<128x128xi1> to vector<128x128xi32>
    %convert_element_type3A_85 = arith.sitofp %convert_element_type3A_84 : vector<128x128xi32> to vector<128x128xf32>
    %mul3A_86 = arith.mulf %mul3A_78, %convert_element_type3A_85 : vector<128x128xf32>
    %slice3A_87 = vector.extract_strided_slice %get3A_1 {offsets = [0, 11], sizes = [128, 1], strides = [1, 1]} : vector<128x64xi32> to vector<128x1xi32>
    %slice3A_88 = vector.extract_strided_slice %transpose3A {offsets = [11, 0], sizes = [1, 128], strides = [1, 1]} : vector<64x128xi32> to vector<1x128xi32>
    %eq3A_89 = vector.broadcast %slice3A_87 : vector<128x1xi32> to vector<128x128xi32>
    %eq3A_90 = vector.broadcast %slice3A_88 : vector<1x128xi32> to vector<128x128xi32>
    %eq3A_91 = arith.cmpi eq, %eq3A_89, %eq3A_90 : vector<128x128xi32>
    %convert_element_type3A_92 = arith.extui %eq3A_91 : vector<128x128xi1> to vector<128x128xi32>
    %convert_element_type3A_93 = arith.sitofp %convert_element_type3A_92 : vector<128x128xi32> to vector<128x128xf32>
    %mul3A_94 = arith.mulf %mul3A_86, %convert_element_type3A_93 : vector<128x128xf32>
    %slice3A_95 = vector.extract_strided_slice %get3A_1 {offsets = [0, 12], sizes = [128, 1], strides = [1, 1]} : vector<128x64xi32> to vector<128x1xi32>
    %slice3A_96 = vector.extract_strided_slice %transpose3A {offsets = [12, 0], sizes = [1, 128], strides = [1, 1]} : vector<64x128xi32> to vector<1x128xi32>
    %eq3A_97 = vector.broadcast %slice3A_95 : vector<128x1xi32> to vector<128x128xi32>
    %eq3A_98 = vector.broadcast %slice3A_96 : vector<1x128xi32> to vector<128x128xi32>
    %eq3A_99 = arith.cmpi eq, %eq3A_97, %eq3A_98 : vector<128x128xi32>
    %convert_element_type3A_100 = arith.extui %eq3A_99 : vector<128x128xi1> to vector<128x128xi32>
    %convert_element_type3A_101 = arith.sitofp %convert_element_type3A_100 : vector<128x128xi32> to vector<128x128xf32>
    %mul3A_102 = arith.mulf %mul3A_94, %convert_element_type3A_101 : vector<128x128xf32>
    %slice3A_103 = vector.extract_strided_slice %get3A_1 {offsets = [0, 13], sizes = [128, 1], strides = [1, 1]} : vector<128x64xi32> to vector<128x1xi32>
    %slice3A_104 = vector.extract_strided_slice %transpose3A {offsets = [13, 0], sizes = [1, 128], strides = [1, 1]} : vector<64x128xi32> to vector<1x128xi32>
    %eq3A_105 = vector.broadcast %slice3A_103 : vector<128x1xi32> to vector<128x128xi32>
    %eq3A_106 = vector.broadcast %slice3A_104 : vector<1x128xi32> to vector<128x128xi32>
    %eq3A_107 = arith.cmpi eq, %eq3A_105, %eq3A_106 : vector<128x128xi32>
    %convert_element_type3A_108 = arith.extui %eq3A_107 : vector<128x128xi1> to vector<128x128xi32>
    %convert_element_type3A_109 = arith.sitofp %convert_element_type3A_108 : vector<128x128xi32> to vector<128x128xf32>
    %mul3A_110 = arith.mulf %mul3A_102, %convert_element_type3A_109 : vector<128x128xf32>
    %slice3A_111 = vector.extract_strided_slice %get3A_1 {offsets = [0, 14], sizes = [128, 1], strides = [1, 1]} : vector<128x64xi32> to vector<128x1xi32>
    %slice3A_112 = vector.extract_strided_slice %transpose3A {offsets = [14, 0], sizes = [1, 128], strides = [1, 1]} : vector<64x128xi32> to vector<1x128xi32>
    %eq3A_113 = vector.broadcast %slice3A_111 : vector<128x1xi32> to vector<128x128xi32>
    %eq3A_114 = vector.broadcast %slice3A_112 : vector<1x128xi32> to vector<128x128xi32>
    %eq3A_115 = arith.cmpi eq, %eq3A_113, %eq3A_114 : vector<128x128xi32>
    %convert_element_type3A_116 = arith.extui %eq3A_115 : vector<128x128xi1> to vector<128x128xi32>
    %convert_element_type3A_117 = arith.sitofp %convert_element_type3A_116 : vector<128x128xi32> to vector<128x128xf32>
    %mul3A_118 = arith.mulf %mul3A_110, %convert_element_type3A_117 : vector<128x128xf32>
    %slice3A_119 = vector.extract_strided_slice %get3A_1 {offsets = [0, 15], sizes = [128, 1], strides = [1, 1]} : vector<128x64xi32> to vector<128x1xi32>
    %slice3A_120 = vector.extract_strided_slice %transpose3A {offsets = [15, 0], sizes = [1, 128], strides = [1, 1]} : vector<64x128xi32> to vector<1x128xi32>
    %eq3A_121 = vector.broadcast %slice3A_119 : vector<128x1xi32> to vector<128x128xi32>
    %eq3A_122 = vector.broadcast %slice3A_120 : vector<1x128xi32> to vector<128x128xi32>
    %eq3A_123 = arith.cmpi eq, %eq3A_121, %eq3A_122 : vector<128x128xi32>
    %convert_element_type3A_124 = arith.extui %eq3A_123 : vector<128x128xi1> to vector<128x128xi32>
    %convert_element_type3A_125 = arith.sitofp %convert_element_type3A_124 : vector<128x128xi32> to vector<128x128xf32>
    %mul3A_126 = arith.mulf %mul3A_118, %convert_element_type3A_125 : vector<128x128xf32>
    %slice3A_127 = vector.extract_strided_slice %get3A_1 {offsets = [0, 16], sizes = [128, 1], strides = [1, 1]} : vector<128x64xi32> to vector<128x1xi32>
    %slice3A_128 = vector.extract_strided_slice %transpose3A {offsets = [16, 0], sizes = [1, 128], strides = [1, 1]} : vector<64x128xi32> to vector<1x128xi32>
    %eq3A_129 = vector.broadcast %slice3A_127 : vector<128x1xi32> to vector<128x128xi32>
    %eq3A_130 = vector.broadcast %slice3A_128 : vector<1x128xi32> to vector<128x128xi32>
    %eq3A_131 = arith.cmpi eq, %eq3A_129, %eq3A_130 : vector<128x128xi32>
    %convert_element_type3A_132 = arith.extui %eq3A_131 : vector<128x128xi1> to vector<128x128xi32>
    %convert_element_type3A_133 = arith.sitofp %convert_element_type3A_132 : vector<128x128xi32> to vector<128x128xf32>
    %mul3A_134 = arith.mulf %mul3A_126, %convert_element_type3A_133 : vector<128x128xf32>
    %slice3A_135 = vector.extract_strided_slice %get3A_1 {offsets = [0, 17], sizes = [128, 1], strides = [1, 1]} : vector<128x64xi32> to vector<128x1xi32>
    %slice3A_136 = vector.extract_strided_slice %transpose3A {offsets = [17, 0], sizes = [1, 128], strides = [1, 1]} : vector<64x128xi32> to vector<1x128xi32>
    %eq3A_137 = vector.broadcast %slice3A_135 : vector<128x1xi32> to vector<128x128xi32>
    %eq3A_138 = vector.broadcast %slice3A_136 : vector<1x128xi32> to vector<128x128xi32>
    %eq3A_139 = arith.cmpi eq, %eq3A_137, %eq3A_138 : vector<128x128xi32>
    %convert_element_type3A_140 = arith.extui %eq3A_139 : vector<128x128xi1> to vector<128x128xi32>
    %convert_element_type3A_141 = arith.sitofp %convert_element_type3A_140 : vector<128x128xi32> to vector<128x128xf32>
    %mul3A_142 = arith.mulf %mul3A_134, %convert_element_type3A_141 : vector<128x128xf32>
    %slice3A_143 = vector.extract_strided_slice %get3A_1 {offsets = [0, 18], sizes = [128, 1], strides = [1, 1]} : vector<128x64xi32> to vector<128x1xi32>
    %slice3A_144 = vector.extract_strided_slice %transpose3A {offsets = [18, 0], sizes = [1, 128], strides = [1, 1]} : vector<64x128xi32> to vector<1x128xi32>
    %eq3A_145 = vector.broadcast %slice3A_143 : vector<128x1xi32> to vector<128x128xi32>
    %eq3A_146 = vector.broadcast %slice3A_144 : vector<1x128xi32> to vector<128x128xi32>
    %eq3A_147 = arith.cmpi eq, %eq3A_145, %eq3A_146 : vector<128x128xi32>
    %convert_element_type3A_148 = arith.extui %eq3A_147 : vector<128x128xi1> to vector<128x128xi32>
    %convert_element_type3A_149 = arith.sitofp %convert_element_type3A_148 : vector<128x128xi32> to vector<128x128xf32>
    %mul3A_150 = arith.mulf %mul3A_142, %convert_element_type3A_149 : vector<128x128xf32>
    %slice3A_151 = vector.extract_strided_slice %get3A_1 {offsets = [0, 19], sizes = [128, 1], strides = [1, 1]} : vector<128x64xi32> to vector<128x1xi32>
    %slice3A_152 = vector.extract_strided_slice %transpose3A {offsets = [19, 0], sizes = [1, 128], strides = [1, 1]} : vector<64x128xi32> to vector<1x128xi32>
    %eq3A_153 = vector.broadcast %slice3A_151 : vector<128x1xi32> to vector<128x128xi32>
    %eq3A_154 = vector.broadcast %slice3A_152 : vector<1x128xi32> to vector<128x128xi32>
    %eq3A_155 = arith.cmpi eq, %eq3A_153, %eq3A_154 : vector<128x128xi32>
    %convert_element_type3A_156 = arith.extui %eq3A_155 : vector<128x128xi1> to vector<128x128xi32>
    %convert_element_type3A_157 = arith.sitofp %convert_element_type3A_156 : vector<128x128xi32> to vector<128x128xf32>
    %mul3A_158 = arith.mulf %mul3A_150, %convert_element_type3A_157 : vector<128x128xf32>
    %slice3A_159 = vector.extract_strided_slice %get3A_1 {offsets = [0, 20], sizes = [128, 1], strides = [1, 1]} : vector<128x64xi32> to vector<128x1xi32>
    %slice3A_160 = vector.extract_strided_slice %transpose3A {offsets = [20, 0], sizes = [1, 128], strides = [1, 1]} : vector<64x128xi32> to vector<1x128xi32>
    %eq3A_161 = vector.broadcast %slice3A_159 : vector<128x1xi32> to vector<128x128xi32>
    %eq3A_162 = vector.broadcast %slice3A_160 : vector<1x128xi32> to vector<128x128xi32>
    %eq3A_163 = arith.cmpi eq, %eq3A_161, %eq3A_162 : vector<128x128xi32>
    %convert_element_type3A_164 = arith.extui %eq3A_163 : vector<128x128xi1> to vector<128x128xi32>
    %convert_element_type3A_165 = arith.sitofp %convert_element_type3A_164 : vector<128x128xi32> to vector<128x128xf32>
    %mul3A_166 = arith.mulf %mul3A_158, %convert_element_type3A_165 : vector<128x128xf32>
    %slice3A_167 = vector.extract_strided_slice %get3A_1 {offsets = [0, 21], sizes = [128, 1], strides = [1, 1]} : vector<128x64xi32> to vector<128x1xi32>
    %slice3A_168 = vector.extract_strided_slice %transpose3A {offsets = [21, 0], sizes = [1, 128], strides = [1, 1]} : vector<64x128xi32> to vector<1x128xi32>
    %eq3A_169 = vector.broadcast %slice3A_167 : vector<128x1xi32> to vector<128x128xi32>
    %eq3A_170 = vector.broadcast %slice3A_168 : vector<1x128xi32> to vector<128x128xi32>
    %eq3A_171 = arith.cmpi eq, %eq3A_169, %eq3A_170 : vector<128x128xi32>
    %convert_element_type3A_172 = arith.extui %eq3A_171 : vector<128x128xi1> to vector<128x128xi32>
    %convert_element_type3A_173 = arith.sitofp %convert_element_type3A_172 : vector<128x128xi32> to vector<128x128xf32>
    %mul3A_174 = arith.mulf %mul3A_166, %convert_element_type3A_173 : vector<128x128xf32>
    %slice3A_175 = vector.extract_strided_slice %get3A_1 {offsets = [0, 22], sizes = [128, 1], strides = [1, 1]} : vector<128x64xi32> to vector<128x1xi32>
    %slice3A_176 = vector.extract_strided_slice %transpose3A {offsets = [22, 0], sizes = [1, 128], strides = [1, 1]} : vector<64x128xi32> to vector<1x128xi32>
    %eq3A_177 = vector.broadcast %slice3A_175 : vector<128x1xi32> to vector<128x128xi32>
    %eq3A_178 = vector.broadcast %slice3A_176 : vector<1x128xi32> to vector<128x128xi32>
    %eq3A_179 = arith.cmpi eq, %eq3A_177, %eq3A_178 : vector<128x128xi32>
    %convert_element_type3A_180 = arith.extui %eq3A_179 : vector<128x128xi1> to vector<128x128xi32>
    %convert_element_type3A_181 = arith.sitofp %convert_element_type3A_180 : vector<128x128xi32> to vector<128x128xf32>
    %mul3A_182 = arith.mulf %mul3A_174, %convert_element_type3A_181 : vector<128x128xf32>
    %slice3A_183 = vector.extract_strided_slice %get3A_1 {offsets = [0, 23], sizes = [128, 1], strides = [1, 1]} : vector<128x64xi32> to vector<128x1xi32>
    %slice3A_184 = vector.extract_strided_slice %transpose3A {offsets = [23, 0], sizes = [1, 128], strides = [1, 1]} : vector<64x128xi32> to vector<1x128xi32>
    %eq3A_185 = vector.broadcast %slice3A_183 : vector<128x1xi32> to vector<128x128xi32>
    %eq3A_186 = vector.broadcast %slice3A_184 : vector<1x128xi32> to vector<128x128xi32>
    %eq3A_187 = arith.cmpi eq, %eq3A_185, %eq3A_186 : vector<128x128xi32>
    %convert_element_type3A_188 = arith.extui %eq3A_187 : vector<128x128xi1> to vector<128x128xi32>
    %convert_element_type3A_189 = arith.sitofp %convert_element_type3A_188 : vector<128x128xi32> to vector<128x128xf32>
    %mul3A_190 = arith.mulf %mul3A_182, %convert_element_type3A_189 : vector<128x128xf32>
    %slice3A_191 = vector.extract_strided_slice %get3A_1 {offsets = [0, 24], sizes = [128, 1], strides = [1, 1]} : vector<128x64xi32> to vector<128x1xi32>
    %slice3A_192 = vector.extract_strided_slice %transpose3A {offsets = [24, 0], sizes = [1, 128], strides = [1, 1]} : vector<64x128xi32> to vector<1x128xi32>
    %eq3A_193 = vector.broadcast %slice3A_191 : vector<128x1xi32> to vector<128x128xi32>
    %eq3A_194 = vector.broadcast %slice3A_192 : vector<1x128xi32> to vector<128x128xi32>
    %eq3A_195 = arith.cmpi eq, %eq3A_193, %eq3A_194 : vector<128x128xi32>
    %convert_element_type3A_196 = arith.extui %eq3A_195 : vector<128x128xi1> to vector<128x128xi32>
    %convert_element_type3A_197 = arith.sitofp %convert_element_type3A_196 : vector<128x128xi32> to vector<128x128xf32>
    %mul3A_198 = arith.mulf %mul3A_190, %convert_element_type3A_197 : vector<128x128xf32>
    %slice3A_199 = vector.extract_strided_slice %get3A_1 {offsets = [0, 25], sizes = [128, 1], strides = [1, 1]} : vector<128x64xi32> to vector<128x1xi32>
    %slice3A_200 = vector.extract_strided_slice %transpose3A {offsets = [25, 0], sizes = [1, 128], strides = [1, 1]} : vector<64x128xi32> to vector<1x128xi32>
    %eq3A_201 = vector.broadcast %slice3A_199 : vector<128x1xi32> to vector<128x128xi32>
    %eq3A_202 = vector.broadcast %slice3A_200 : vector<1x128xi32> to vector<128x128xi32>
    %eq3A_203 = arith.cmpi eq, %eq3A_201, %eq3A_202 : vector<128x128xi32>
    %convert_element_type3A_204 = arith.extui %eq3A_203 : vector<128x128xi1> to vector<128x128xi32>
    %convert_element_type3A_205 = arith.sitofp %convert_element_type3A_204 : vector<128x128xi32> to vector<128x128xf32>
    %mul3A_206 = arith.mulf %mul3A_198, %convert_element_type3A_205 : vector<128x128xf32>
    %slice3A_207 = vector.extract_strided_slice %get3A_1 {offsets = [0, 26], sizes = [128, 1], strides = [1, 1]} : vector<128x64xi32> to vector<128x1xi32>
    %slice3A_208 = vector.extract_strided_slice %transpose3A {offsets = [26, 0], sizes = [1, 128], strides = [1, 1]} : vector<64x128xi32> to vector<1x128xi32>
    %eq3A_209 = vector.broadcast %slice3A_207 : vector<128x1xi32> to vector<128x128xi32>
    %eq3A_210 = vector.broadcast %slice3A_208 : vector<1x128xi32> to vector<128x128xi32>
    %eq3A_211 = arith.cmpi eq, %eq3A_209, %eq3A_210 : vector<128x128xi32>
    %convert_element_type3A_212 = arith.extui %eq3A_211 : vector<128x128xi1> to vector<128x128xi32>
    %convert_element_type3A_213 = arith.sitofp %convert_element_type3A_212 : vector<128x128xi32> to vector<128x128xf32>
    %mul3A_214 = arith.mulf %mul3A_206, %convert_element_type3A_213 : vector<128x128xf32>
    %slice3A_215 = vector.extract_strided_slice %get3A_1 {offsets = [0, 27], sizes = [128, 1], strides = [1, 1]} : vector<128x64xi32> to vector<128x1xi32>
    %slice3A_216 = vector.extract_strided_slice %transpose3A {offsets = [27, 0], sizes = [1, 128], strides = [1, 1]} : vector<64x128xi32> to vector<1x128xi32>
    %eq3A_217 = vector.broadcast %slice3A_215 : vector<128x1xi32> to vector<128x128xi32>
    %eq3A_218 = vector.broadcast %slice3A_216 : vector<1x128xi32> to vector<128x128xi32>
    %eq3A_219 = arith.cmpi eq, %eq3A_217, %eq3A_218 : vector<128x128xi32>
    %convert_element_type3A_220 = arith.extui %eq3A_219 : vector<128x128xi1> to vector<128x128xi32>
    %convert_element_type3A_221 = arith.sitofp %convert_element_type3A_220 : vector<128x128xi32> to vector<128x128xf32>
    %mul3A_222 = arith.mulf %mul3A_214, %convert_element_type3A_221 : vector<128x128xf32>
    %slice3A_223 = vector.extract_strided_slice %get3A_1 {offsets = [0, 28], sizes = [128, 1], strides = [1, 1]} : vector<128x64xi32> to vector<128x1xi32>
    %slice3A_224 = vector.extract_strided_slice %transpose3A {offsets = [28, 0], sizes = [1, 128], strides = [1, 1]} : vector<64x128xi32> to vector<1x128xi32>
    %eq3A_225 = vector.broadcast %slice3A_223 : vector<128x1xi32> to vector<128x128xi32>
    %eq3A_226 = vector.broadcast %slice3A_224 : vector<1x128xi32> to vector<128x128xi32>
    %eq3A_227 = arith.cmpi eq, %eq3A_225, %eq3A_226 : vector<128x128xi32>
    %convert_element_type3A_228 = arith.extui %eq3A_227 : vector<128x128xi1> to vector<128x128xi32>
    %convert_element_type3A_229 = arith.sitofp %convert_element_type3A_228 : vector<128x128xi32> to vector<128x128xf32>
    %mul3A_230 = arith.mulf %mul3A_222, %convert_element_type3A_229 : vector<128x128xf32>
    %slice3A_231 = vector.extract_strided_slice %get3A_1 {offsets = [0, 29], sizes = [128, 1], strides = [1, 1]} : vector<128x64xi32> to vector<128x1xi32>
    %slice3A_232 = vector.extract_strided_slice %transpose3A {offsets = [29, 0], sizes = [1, 128], strides = [1, 1]} : vector<64x128xi32> to vector<1x128xi32>
    %eq3A_233 = vector.broadcast %slice3A_231 : vector<128x1xi32> to vector<128x128xi32>
    %eq3A_234 = vector.broadcast %slice3A_232 : vector<1x128xi32> to vector<128x128xi32>
    %eq3A_235 = arith.cmpi eq, %eq3A_233, %eq3A_234 : vector<128x128xi32>
    %convert_element_type3A_236 = arith.extui %eq3A_235 : vector<128x128xi1> to vector<128x128xi32>
    %convert_element_type3A_237 = arith.sitofp %convert_element_type3A_236 : vector<128x128xi32> to vector<128x128xf32>
    %mul3A_238 = arith.mulf %mul3A_230, %convert_element_type3A_237 : vector<128x128xf32>
    %slice3A_239 = vector.extract_strided_slice %get3A_1 {offsets = [0, 30], sizes = [128, 1], strides = [1, 1]} : vector<128x64xi32> to vector<128x1xi32>
    %slice3A_240 = vector.extract_strided_slice %transpose3A {offsets = [30, 0], sizes = [1, 128], strides = [1, 1]} : vector<64x128xi32> to vector<1x128xi32>
    %eq3A_241 = vector.broadcast %slice3A_239 : vector<128x1xi32> to vector<128x128xi32>
    %eq3A_242 = vector.broadcast %slice3A_240 : vector<1x128xi32> to vector<128x128xi32>
    %eq3A_243 = arith.cmpi eq, %eq3A_241, %eq3A_242 : vector<128x128xi32>
    %convert_element_type3A_244 = arith.extui %eq3A_243 : vector<128x128xi1> to vector<128x128xi32>
    %convert_element_type3A_245 = arith.sitofp %convert_element_type3A_244 : vector<128x128xi32> to vector<128x128xf32>
    %mul3A_246 = arith.mulf %mul3A_238, %convert_element_type3A_245 : vector<128x128xf32>
    %slice3A_247 = vector.extract_strided_slice %get3A_1 {offsets = [0, 31], sizes = [128, 1], strides = [1, 1]} : vector<128x64xi32> to vector<128x1xi32>
    %slice3A_248 = vector.extract_strided_slice %transpose3A {offsets = [31, 0], sizes = [1, 128], strides = [1, 1]} : vector<64x128xi32> to vector<1x128xi32>
    %eq3A_249 = vector.broadcast %slice3A_247 : vector<128x1xi32> to vector<128x128xi32>
    %eq3A_250 = vector.broadcast %slice3A_248 : vector<1x128xi32> to vector<128x128xi32>
    %eq3A_251 = arith.cmpi eq, %eq3A_249, %eq3A_250 : vector<128x128xi32>
    %convert_element_type3A_252 = arith.extui %eq3A_251 : vector<128x128xi1> to vector<128x128xi32>
    %convert_element_type3A_253 = arith.sitofp %convert_element_type3A_252 : vector<128x128xi32> to vector<128x128xf32>
    %mul3A_254 = arith.mulf %mul3A_246, %convert_element_type3A_253 : vector<128x128xf32>
    %slice3A_255 = vector.extract_strided_slice %get3A_1 {offsets = [0, 32], sizes = [128, 1], strides = [1, 1]} : vector<128x64xi32> to vector<128x1xi32>
    %slice3A_256 = vector.extract_strided_slice %transpose3A {offsets = [32, 0], sizes = [1, 128], strides = [1, 1]} : vector<64x128xi32> to vector<1x128xi32>
    %eq3A_257 = vector.broadcast %slice3A_255 : vector<128x1xi32> to vector<128x128xi32>
    %eq3A_258 = vector.broadcast %slice3A_256 : vector<1x128xi32> to vector<128x128xi32>
    %eq3A_259 = arith.cmpi eq, %eq3A_257, %eq3A_258 : vector<128x128xi32>
    %convert_element_type3A_260 = arith.extui %eq3A_259 : vector<128x128xi1> to vector<128x128xi32>
    %convert_element_type3A_261 = arith.sitofp %convert_element_type3A_260 : vector<128x128xi32> to vector<128x128xf32>
    %mul3A_262 = arith.mulf %mul3A_254, %convert_element_type3A_261 : vector<128x128xf32>
    %slice3A_263 = vector.extract_strided_slice %get3A_1 {offsets = [0, 33], sizes = [128, 1], strides = [1, 1]} : vector<128x64xi32> to vector<128x1xi32>
    %slice3A_264 = vector.extract_strided_slice %transpose3A {offsets = [33, 0], sizes = [1, 128], strides = [1, 1]} : vector<64x128xi32> to vector<1x128xi32>
    %eq3A_265 = vector.broadcast %slice3A_263 : vector<128x1xi32> to vector<128x128xi32>
    %eq3A_266 = vector.broadcast %slice3A_264 : vector<1x128xi32> to vector<128x128xi32>
    %eq3A_267 = arith.cmpi eq, %eq3A_265, %eq3A_266 : vector<128x128xi32>
    %convert_element_type3A_268 = arith.extui %eq3A_267 : vector<128x128xi1> to vector<128x128xi32>
    %convert_element_type3A_269 = arith.sitofp %convert_element_type3A_268 : vector<128x128xi32> to vector<128x128xf32>
    %mul3A_270 = arith.mulf %mul3A_262, %convert_element_type3A_269 : vector<128x128xf32>
    %slice3A_271 = vector.extract_strided_slice %get3A_1 {offsets = [0, 34], sizes = [128, 1], strides = [1, 1]} : vector<128x64xi32> to vector<128x1xi32>
    %slice3A_272 = vector.extract_strided_slice %transpose3A {offsets = [34, 0], sizes = [1, 128], strides = [1, 1]} : vector<64x128xi32> to vector<1x128xi32>
    %eq3A_273 = vector.broadcast %slice3A_271 : vector<128x1xi32> to vector<128x128xi32>
    %eq3A_274 = vector.broadcast %slice3A_272 : vector<1x128xi32> to vector<128x128xi32>
    %eq3A_275 = arith.cmpi eq, %eq3A_273, %eq3A_274 : vector<128x128xi32>
    %convert_element_type3A_276 = arith.extui %eq3A_275 : vector<128x128xi1> to vector<128x128xi32>
    %convert_element_type3A_277 = arith.sitofp %convert_element_type3A_276 : vector<128x128xi32> to vector<128x128xf32>
    %mul3A_278 = arith.mulf %mul3A_270, %convert_element_type3A_277 : vector<128x128xf32>
    %slice3A_279 = vector.extract_strided_slice %get3A_1 {offsets = [0, 35], sizes = [128, 1], strides = [1, 1]} : vector<128x64xi32> to vector<128x1xi32>
    %slice3A_280 = vector.extract_strided_slice %transpose3A {offsets = [35, 0], sizes = [1, 128], strides = [1, 1]} : vector<64x128xi32> to vector<1x128xi32>
    %eq3A_281 = vector.broadcast %slice3A_279 : vector<128x1xi32> to vector<128x128xi32>
    %eq3A_282 = vector.broadcast %slice3A_280 : vector<1x128xi32> to vector<128x128xi32>
    %eq3A_283 = arith.cmpi eq, %eq3A_281, %eq3A_282 : vector<128x128xi32>
    %convert_element_type3A_284 = arith.extui %eq3A_283 : vector<128x128xi1> to vector<128x128xi32>
    %convert_element_type3A_285 = arith.sitofp %convert_element_type3A_284 : vector<128x128xi32> to vector<128x128xf32>
    %mul3A_286 = arith.mulf %mul3A_278, %convert_element_type3A_285 : vector<128x128xf32>
    %slice3A_287 = vector.extract_strided_slice %get3A_1 {offsets = [0, 36], sizes = [128, 1], strides = [1, 1]} : vector<128x64xi32> to vector<128x1xi32>
    %slice3A_288 = vector.extract_strided_slice %transpose3A {offsets = [36, 0], sizes = [1, 128], strides = [1, 1]} : vector<64x128xi32> to vector<1x128xi32>
    %eq3A_289 = vector.broadcast %slice3A_287 : vector<128x1xi32> to vector<128x128xi32>
    %eq3A_290 = vector.broadcast %slice3A_288 : vector<1x128xi32> to vector<128x128xi32>
    %eq3A_291 = arith.cmpi eq, %eq3A_289, %eq3A_290 : vector<128x128xi32>
    %convert_element_type3A_292 = arith.extui %eq3A_291 : vector<128x128xi1> to vector<128x128xi32>
    %convert_element_type3A_293 = arith.sitofp %convert_element_type3A_292 : vector<128x128xi32> to vector<128x128xf32>
    %mul3A_294 = arith.mulf %mul3A_286, %convert_element_type3A_293 : vector<128x128xf32>
    %slice3A_295 = vector.extract_strided_slice %get3A_1 {offsets = [0, 37], sizes = [128, 1], strides = [1, 1]} : vector<128x64xi32> to vector<128x1xi32>
    %slice3A_296 = vector.extract_strided_slice %transpose3A {offsets = [37, 0], sizes = [1, 128], strides = [1, 1]} : vector<64x128xi32> to vector<1x128xi32>
    %eq3A_297 = vector.broadcast %slice3A_295 : vector<128x1xi32> to vector<128x128xi32>
    %eq3A_298 = vector.broadcast %slice3A_296 : vector<1x128xi32> to vector<128x128xi32>
    %eq3A_299 = arith.cmpi eq, %eq3A_297, %eq3A_298 : vector<128x128xi32>
    %convert_element_type3A_300 = arith.extui %eq3A_299 : vector<128x128xi1> to vector<128x128xi32>
    %convert_element_type3A_301 = arith.sitofp %convert_element_type3A_300 : vector<128x128xi32> to vector<128x128xf32>
    %mul3A_302 = arith.mulf %mul3A_294, %convert_element_type3A_301 : vector<128x128xf32>
    %slice3A_303 = vector.extract_strided_slice %get3A_1 {offsets = [0, 38], sizes = [128, 1], strides = [1, 1]} : vector<128x64xi32> to vector<128x1xi32>
    %slice3A_304 = vector.extract_strided_slice %transpose3A {offsets = [38, 0], sizes = [1, 128], strides = [1, 1]} : vector<64x128xi32> to vector<1x128xi32>
    %eq3A_305 = vector.broadcast %slice3A_303 : vector<128x1xi32> to vector<128x128xi32>
    %eq3A_306 = vector.broadcast %slice3A_304 : vector<1x128xi32> to vector<128x128xi32>
    %eq3A_307 = arith.cmpi eq, %eq3A_305, %eq3A_306 : vector<128x128xi32>
    %convert_element_type3A_308 = arith.extui %eq3A_307 : vector<128x128xi1> to vector<128x128xi32>
    %convert_element_type3A_309 = arith.sitofp %convert_element_type3A_308 : vector<128x128xi32> to vector<128x128xf32>
    %mul3A_310 = arith.mulf %mul3A_302, %convert_element_type3A_309 : vector<128x128xf32>
    %slice3A_311 = vector.extract_strided_slice %get3A_1 {offsets = [0, 39], sizes = [128, 1], strides = [1, 1]} : vector<128x64xi32> to vector<128x1xi32>
    %slice3A_312 = vector.extract_strided_slice %transpose3A {offsets = [39, 0], sizes = [1, 128], strides = [1, 1]} : vector<64x128xi32> to vector<1x128xi32>
    %eq3A_313 = vector.broadcast %slice3A_311 : vector<128x1xi32> to vector<128x128xi32>
    %eq3A_314 = vector.broadcast %slice3A_312 : vector<1x128xi32> to vector<128x128xi32>
    %eq3A_315 = arith.cmpi eq, %eq3A_313, %eq3A_314 : vector<128x128xi32>
    %convert_element_type3A_316 = arith.extui %eq3A_315 : vector<128x128xi1> to vector<128x128xi32>
    %convert_element_type3A_317 = arith.sitofp %convert_element_type3A_316 : vector<128x128xi32> to vector<128x128xf32>
    %mul3A_318 = arith.mulf %mul3A_310, %convert_element_type3A_317 : vector<128x128xf32>
    %slice3A_319 = vector.extract_strided_slice %get3A_1 {offsets = [0, 40], sizes = [128, 1], strides = [1, 1]} : vector<128x64xi32> to vector<128x1xi32>
    %slice3A_320 = vector.extract_strided_slice %transpose3A {offsets = [40, 0], sizes = [1, 128], strides = [1, 1]} : vector<64x128xi32> to vector<1x128xi32>
    %eq3A_321 = vector.broadcast %slice3A_319 : vector<128x1xi32> to vector<128x128xi32>
    %eq3A_322 = vector.broadcast %slice3A_320 : vector<1x128xi32> to vector<128x128xi32>
    %eq3A_323 = arith.cmpi eq, %eq3A_321, %eq3A_322 : vector<128x128xi32>
    %convert_element_type3A_324 = arith.extui %eq3A_323 : vector<128x128xi1> to vector<128x128xi32>
    %convert_element_type3A_325 = arith.sitofp %convert_element_type3A_324 : vector<128x128xi32> to vector<128x128xf32>
    %mul3A_326 = arith.mulf %mul3A_318, %convert_element_type3A_325 : vector<128x128xf32>
    %slice3A_327 = vector.extract_strided_slice %get3A_1 {offsets = [0, 41], sizes = [128, 1], strides = [1, 1]} : vector<128x64xi32> to vector<128x1xi32>
    %slice3A_328 = vector.extract_strided_slice %transpose3A {offsets = [41, 0], sizes = [1, 128], strides = [1, 1]} : vector<64x128xi32> to vector<1x128xi32>
    %eq3A_329 = vector.broadcast %slice3A_327 : vector<128x1xi32> to vector<128x128xi32>
    %eq3A_330 = vector.broadcast %slice3A_328 : vector<1x128xi32> to vector<128x128xi32>
    %eq3A_331 = arith.cmpi eq, %eq3A_329, %eq3A_330 : vector<128x128xi32>
    %convert_element_type3A_332 = arith.extui %eq3A_331 : vector<128x128xi1> to vector<128x128xi32>
    %convert_element_type3A_333 = arith.sitofp %convert_element_type3A_332 : vector<128x128xi32> to vector<128x128xf32>
    %mul3A_334 = arith.mulf %mul3A_326, %convert_element_type3A_333 : vector<128x128xf32>
    %slice3A_335 = vector.extract_strided_slice %get3A_1 {offsets = [0, 42], sizes = [128, 1], strides = [1, 1]} : vector<128x64xi32> to vector<128x1xi32>
    %slice3A_336 = vector.extract_strided_slice %transpose3A {offsets = [42, 0], sizes = [1, 128], strides = [1, 1]} : vector<64x128xi32> to vector<1x128xi32>
    %eq3A_337 = vector.broadcast %slice3A_335 : vector<128x1xi32> to vector<128x128xi32>
    %eq3A_338 = vector.broadcast %slice3A_336 : vector<1x128xi32> to vector<128x128xi32>
    %eq3A_339 = arith.cmpi eq, %eq3A_337, %eq3A_338 : vector<128x128xi32>
    %convert_element_type3A_340 = arith.extui %eq3A_339 : vector<128x128xi1> to vector<128x128xi32>
    %convert_element_type3A_341 = arith.sitofp %convert_element_type3A_340 : vector<128x128xi32> to vector<128x128xf32>
    %mul3A_342 = arith.mulf %mul3A_334, %convert_element_type3A_341 : vector<128x128xf32>
    %slice3A_343 = vector.extract_strided_slice %get3A_1 {offsets = [0, 43], sizes = [128, 1], strides = [1, 1]} : vector<128x64xi32> to vector<128x1xi32>
    %slice3A_344 = vector.extract_strided_slice %transpose3A {offsets = [43, 0], sizes = [1, 128], strides = [1, 1]} : vector<64x128xi32> to vector<1x128xi32>
    %eq3A_345 = vector.broadcast %slice3A_343 : vector<128x1xi32> to vector<128x128xi32>
    %eq3A_346 = vector.broadcast %slice3A_344 : vector<1x128xi32> to vector<128x128xi32>
    %eq3A_347 = arith.cmpi eq, %eq3A_345, %eq3A_346 : vector<128x128xi32>
    %convert_element_type3A_348 = arith.extui %eq3A_347 : vector<128x128xi1> to vector<128x128xi32>
    %convert_element_type3A_349 = arith.sitofp %convert_element_type3A_348 : vector<128x128xi32> to vector<128x128xf32>
    %mul3A_350 = arith.mulf %mul3A_342, %convert_element_type3A_349 : vector<128x128xf32>
    %slice3A_351 = vector.extract_strided_slice %get3A_1 {offsets = [0, 44], sizes = [128, 1], strides = [1, 1]} : vector<128x64xi32> to vector<128x1xi32>
    %slice3A_352 = vector.extract_strided_slice %transpose3A {offsets = [44, 0], sizes = [1, 128], strides = [1, 1]} : vector<64x128xi32> to vector<1x128xi32>
    %eq3A_353 = vector.broadcast %slice3A_351 : vector<128x1xi32> to vector<128x128xi32>
    %eq3A_354 = vector.broadcast %slice3A_352 : vector<1x128xi32> to vector<128x128xi32>
    %eq3A_355 = arith.cmpi eq, %eq3A_353, %eq3A_354 : vector<128x128xi32>
    %convert_element_type3A_356 = arith.extui %eq3A_355 : vector<128x128xi1> to vector<128x128xi32>
    %convert_element_type3A_357 = arith.sitofp %convert_element_type3A_356 : vector<128x128xi32> to vector<128x128xf32>
    %mul3A_358 = arith.mulf %mul3A_350, %convert_element_type3A_357 : vector<128x128xf32>
    %slice3A_359 = vector.extract_strided_slice %get3A_1 {offsets = [0, 45], sizes = [128, 1], strides = [1, 1]} : vector<128x64xi32> to vector<128x1xi32>
    %slice3A_360 = vector.extract_strided_slice %transpose3A {offsets = [45, 0], sizes = [1, 128], strides = [1, 1]} : vector<64x128xi32> to vector<1x128xi32>
    %eq3A_361 = vector.broadcast %slice3A_359 : vector<128x1xi32> to vector<128x128xi32>
    %eq3A_362 = vector.broadcast %slice3A_360 : vector<1x128xi32> to vector<128x128xi32>
    %eq3A_363 = arith.cmpi eq, %eq3A_361, %eq3A_362 : vector<128x128xi32>
    %convert_element_type3A_364 = arith.extui %eq3A_363 : vector<128x128xi1> to vector<128x128xi32>
    %convert_element_type3A_365 = arith.sitofp %convert_element_type3A_364 : vector<128x128xi32> to vector<128x128xf32>
    %mul3A_366 = arith.mulf %mul3A_358, %convert_element_type3A_365 : vector<128x128xf32>
    %slice3A_367 = vector.extract_strided_slice %get3A_1 {offsets = [0, 46], sizes = [128, 1], strides = [1, 1]} : vector<128x64xi32> to vector<128x1xi32>
    %slice3A_368 = vector.extract_strided_slice %transpose3A {offsets = [46, 0], sizes = [1, 128], strides = [1, 1]} : vector<64x128xi32> to vector<1x128xi32>
    %eq3A_369 = vector.broadcast %slice3A_367 : vector<128x1xi32> to vector<128x128xi32>
    %eq3A_370 = vector.broadcast %slice3A_368 : vector<1x128xi32> to vector<128x128xi32>
    %eq3A_371 = arith.cmpi eq, %eq3A_369, %eq3A_370 : vector<128x128xi32>
    %convert_element_type3A_372 = arith.extui %eq3A_371 : vector<128x128xi1> to vector<128x128xi32>
    %convert_element_type3A_373 = arith.sitofp %convert_element_type3A_372 : vector<128x128xi32> to vector<128x128xf32>
    %mul3A_374 = arith.mulf %mul3A_366, %convert_element_type3A_373 : vector<128x128xf32>
    %slice3A_375 = vector.extract_strided_slice %get3A_1 {offsets = [0, 47], sizes = [128, 1], strides = [1, 1]} : vector<128x64xi32> to vector<128x1xi32>
    %slice3A_376 = vector.extract_strided_slice %transpose3A {offsets = [47, 0], sizes = [1, 128], strides = [1, 1]} : vector<64x128xi32> to vector<1x128xi32>
    %eq3A_377 = vector.broadcast %slice3A_375 : vector<128x1xi32> to vector<128x128xi32>
    %eq3A_378 = vector.broadcast %slice3A_376 : vector<1x128xi32> to vector<128x128xi32>
    %eq3A_379 = arith.cmpi eq, %eq3A_377, %eq3A_378 : vector<128x128xi32>
    %convert_element_type3A_380 = arith.extui %eq3A_379 : vector<128x128xi1> to vector<128x128xi32>
    %convert_element_type3A_381 = arith.sitofp %convert_element_type3A_380 : vector<128x128xi32> to vector<128x128xf32>
    %mul3A_382 = arith.mulf %mul3A_374, %convert_element_type3A_381 : vector<128x128xf32>
    %slice3A_383 = vector.extract_strided_slice %get3A_1 {offsets = [0, 48], sizes = [128, 1], strides = [1, 1]} : vector<128x64xi32> to vector<128x1xi32>
    %slice3A_384 = vector.extract_strided_slice %transpose3A {offsets = [48, 0], sizes = [1, 128], strides = [1, 1]} : vector<64x128xi32> to vector<1x128xi32>
    %eq3A_385 = vector.broadcast %slice3A_383 : vector<128x1xi32> to vector<128x128xi32>
    %eq3A_386 = vector.broadcast %slice3A_384 : vector<1x128xi32> to vector<128x128xi32>
    %eq3A_387 = arith.cmpi eq, %eq3A_385, %eq3A_386 : vector<128x128xi32>
    %convert_element_type3A_388 = arith.extui %eq3A_387 : vector<128x128xi1> to vector<128x128xi32>
    %convert_element_type3A_389 = arith.sitofp %convert_element_type3A_388 : vector<128x128xi32> to vector<128x128xf32>
    %mul3A_390 = arith.mulf %mul3A_382, %convert_element_type3A_389 : vector<128x128xf32>
    %slice3A_391 = vector.extract_strided_slice %get3A_1 {offsets = [0, 49], sizes = [128, 1], strides = [1, 1]} : vector<128x64xi32> to vector<128x1xi32>
    %slice3A_392 = vector.extract_strided_slice %transpose3A {offsets = [49, 0], sizes = [1, 128], strides = [1, 1]} : vector<64x128xi32> to vector<1x128xi32>
    %eq3A_393 = vector.broadcast %slice3A_391 : vector<128x1xi32> to vector<128x128xi32>
    %eq3A_394 = vector.broadcast %slice3A_392 : vector<1x128xi32> to vector<128x128xi32>
    %eq3A_395 = arith.cmpi eq, %eq3A_393, %eq3A_394 : vector<128x128xi32>
    %convert_element_type3A_396 = arith.extui %eq3A_395 : vector<128x128xi1> to vector<128x128xi32>
    %convert_element_type3A_397 = arith.sitofp %convert_element_type3A_396 : vector<128x128xi32> to vector<128x128xf32>
    %mul3A_398 = arith.mulf %mul3A_390, %convert_element_type3A_397 : vector<128x128xf32>
    %slice3A_399 = vector.extract_strided_slice %get3A_1 {offsets = [0, 50], sizes = [128, 1], strides = [1, 1]} : vector<128x64xi32> to vector<128x1xi32>
    %slice3A_400 = vector.extract_strided_slice %transpose3A {offsets = [50, 0], sizes = [1, 128], strides = [1, 1]} : vector<64x128xi32> to vector<1x128xi32>
    %eq3A_401 = vector.broadcast %slice3A_399 : vector<128x1xi32> to vector<128x128xi32>
    %eq3A_402 = vector.broadcast %slice3A_400 : vector<1x128xi32> to vector<128x128xi32>
    %eq3A_403 = arith.cmpi eq, %eq3A_401, %eq3A_402 : vector<128x128xi32>
    %convert_element_type3A_404 = arith.extui %eq3A_403 : vector<128x128xi1> to vector<128x128xi32>
    %convert_element_type3A_405 = arith.sitofp %convert_element_type3A_404 : vector<128x128xi32> to vector<128x128xf32>
    %mul3A_406 = arith.mulf %mul3A_398, %convert_element_type3A_405 : vector<128x128xf32>
    %slice3A_407 = vector.extract_strided_slice %get3A_1 {offsets = [0, 51], sizes = [128, 1], strides = [1, 1]} : vector<128x64xi32> to vector<128x1xi32>
    %slice3A_408 = vector.extract_strided_slice %transpose3A {offsets = [51, 0], sizes = [1, 128], strides = [1, 1]} : vector<64x128xi32> to vector<1x128xi32>
    %eq3A_409 = vector.broadcast %slice3A_407 : vector<128x1xi32> to vector<128x128xi32>
    %eq3A_410 = vector.broadcast %slice3A_408 : vector<1x128xi32> to vector<128x128xi32>
    %eq3A_411 = arith.cmpi eq, %eq3A_409, %eq3A_410 : vector<128x128xi32>
    %convert_element_type3A_412 = arith.extui %eq3A_411 : vector<128x128xi1> to vector<128x128xi32>
    %convert_element_type3A_413 = arith.sitofp %convert_element_type3A_412 : vector<128x128xi32> to vector<128x128xf32>
    %mul3A_414 = arith.mulf %mul3A_406, %convert_element_type3A_413 : vector<128x128xf32>
    %slice3A_415 = vector.extract_strided_slice %get3A_1 {offsets = [0, 52], sizes = [128, 1], strides = [1, 1]} : vector<128x64xi32> to vector<128x1xi32>
    %slice3A_416 = vector.extract_strided_slice %transpose3A {offsets = [52, 0], sizes = [1, 128], strides = [1, 1]} : vector<64x128xi32> to vector<1x128xi32>
    %eq3A_417 = vector.broadcast %slice3A_415 : vector<128x1xi32> to vector<128x128xi32>
    %eq3A_418 = vector.broadcast %slice3A_416 : vector<1x128xi32> to vector<128x128xi32>
    %eq3A_419 = arith.cmpi eq, %eq3A_417, %eq3A_418 : vector<128x128xi32>
    %convert_element_type3A_420 = arith.extui %eq3A_419 : vector<128x128xi1> to vector<128x128xi32>
    %convert_element_type3A_421 = arith.sitofp %convert_element_type3A_420 : vector<128x128xi32> to vector<128x128xf32>
    %mul3A_422 = arith.mulf %mul3A_414, %convert_element_type3A_421 : vector<128x128xf32>
    %slice3A_423 = vector.extract_strided_slice %get3A_1 {offsets = [0, 53], sizes = [128, 1], strides = [1, 1]} : vector<128x64xi32> to vector<128x1xi32>
    %slice3A_424 = vector.extract_strided_slice %transpose3A {offsets = [53, 0], sizes = [1, 128], strides = [1, 1]} : vector<64x128xi32> to vector<1x128xi32>
    %eq3A_425 = vector.broadcast %slice3A_423 : vector<128x1xi32> to vector<128x128xi32>
    %eq3A_426 = vector.broadcast %slice3A_424 : vector<1x128xi32> to vector<128x128xi32>
    %eq3A_427 = arith.cmpi eq, %eq3A_425, %eq3A_426 : vector<128x128xi32>
    %convert_element_type3A_428 = arith.extui %eq3A_427 : vector<128x128xi1> to vector<128x128xi32>
    %convert_element_type3A_429 = arith.sitofp %convert_element_type3A_428 : vector<128x128xi32> to vector<128x128xf32>
    %mul3A_430 = arith.mulf %mul3A_422, %convert_element_type3A_429 : vector<128x128xf32>
    %slice3A_431 = vector.extract_strided_slice %get3A_1 {offsets = [0, 54], sizes = [128, 1], strides = [1, 1]} : vector<128x64xi32> to vector<128x1xi32>
    %slice3A_432 = vector.extract_strided_slice %transpose3A {offsets = [54, 0], sizes = [1, 128], strides = [1, 1]} : vector<64x128xi32> to vector<1x128xi32>
    %eq3A_433 = vector.broadcast %slice3A_431 : vector<128x1xi32> to vector<128x128xi32>
    %eq3A_434 = vector.broadcast %slice3A_432 : vector<1x128xi32> to vector<128x128xi32>
    %eq3A_435 = arith.cmpi eq, %eq3A_433, %eq3A_434 : vector<128x128xi32>
    %convert_element_type3A_436 = arith.extui %eq3A_435 : vector<128x128xi1> to vector<128x128xi32>
    %convert_element_type3A_437 = arith.sitofp %convert_element_type3A_436 : vector<128x128xi32> to vector<128x128xf32>
    %mul3A_438 = arith.mulf %mul3A_430, %convert_element_type3A_437 : vector<128x128xf32>
    %slice3A_439 = vector.extract_strided_slice %get3A_1 {offsets = [0, 55], sizes = [128, 1], strides = [1, 1]} : vector<128x64xi32> to vector<128x1xi32>
    %slice3A_440 = vector.extract_strided_slice %transpose3A {offsets = [55, 0], sizes = [1, 128], strides = [1, 1]} : vector<64x128xi32> to vector<1x128xi32>
    %eq3A_441 = vector.broadcast %slice3A_439 : vector<128x1xi32> to vector<128x128xi32>
    %eq3A_442 = vector.broadcast %slice3A_440 : vector<1x128xi32> to vector<128x128xi32>
    %eq3A_443 = arith.cmpi eq, %eq3A_441, %eq3A_442 : vector<128x128xi32>
    %convert_element_type3A_444 = arith.extui %eq3A_443 : vector<128x128xi1> to vector<128x128xi32>
    %convert_element_type3A_445 = arith.sitofp %convert_element_type3A_444 : vector<128x128xi32> to vector<128x128xf32>
    %mul3A_446 = arith.mulf %mul3A_438, %convert_element_type3A_445 : vector<128x128xf32>
    %slice3A_447 = vector.extract_strided_slice %get3A_1 {offsets = [0, 56], sizes = [128, 1], strides = [1, 1]} : vector<128x64xi32> to vector<128x1xi32>
    %slice3A_448 = vector.extract_strided_slice %transpose3A {offsets = [56, 0], sizes = [1, 128], strides = [1, 1]} : vector<64x128xi32> to vector<1x128xi32>
    %eq3A_449 = vector.broadcast %slice3A_447 : vector<128x1xi32> to vector<128x128xi32>
    %eq3A_450 = vector.broadcast %slice3A_448 : vector<1x128xi32> to vector<128x128xi32>
    %eq3A_451 = arith.cmpi eq, %eq3A_449, %eq3A_450 : vector<128x128xi32>
    %convert_element_type3A_452 = arith.extui %eq3A_451 : vector<128x128xi1> to vector<128x128xi32>
    %convert_element_type3A_453 = arith.sitofp %convert_element_type3A_452 : vector<128x128xi32> to vector<128x128xf32>
    %mul3A_454 = arith.mulf %mul3A_446, %convert_element_type3A_453 : vector<128x128xf32>
    %slice3A_455 = vector.extract_strided_slice %get3A_1 {offsets = [0, 57], sizes = [128, 1], strides = [1, 1]} : vector<128x64xi32> to vector<128x1xi32>
    %slice3A_456 = vector.extract_strided_slice %transpose3A {offsets = [57, 0], sizes = [1, 128], strides = [1, 1]} : vector<64x128xi32> to vector<1x128xi32>
    %eq3A_457 = vector.broadcast %slice3A_455 : vector<128x1xi32> to vector<128x128xi32>
    %eq3A_458 = vector.broadcast %slice3A_456 : vector<1x128xi32> to vector<128x128xi32>
    %eq3A_459 = arith.cmpi eq, %eq3A_457, %eq3A_458 : vector<128x128xi32>
    %convert_element_type3A_460 = arith.extui %eq3A_459 : vector<128x128xi1> to vector<128x128xi32>
    %convert_element_type3A_461 = arith.sitofp %convert_element_type3A_460 : vector<128x128xi32> to vector<128x128xf32>
    %mul3A_462 = arith.mulf %mul3A_454, %convert_element_type3A_461 : vector<128x128xf32>
    %slice3A_463 = vector.extract_strided_slice %get3A_1 {offsets = [0, 58], sizes = [128, 1], strides = [1, 1]} : vector<128x64xi32> to vector<128x1xi32>
    %slice3A_464 = vector.extract_strided_slice %transpose3A {offsets = [58, 0], sizes = [1, 128], strides = [1, 1]} : vector<64x128xi32> to vector<1x128xi32>
    %eq3A_465 = vector.broadcast %slice3A_463 : vector<128x1xi32> to vector<128x128xi32>
    %eq3A_466 = vector.broadcast %slice3A_464 : vector<1x128xi32> to vector<128x128xi32>
    %eq3A_467 = arith.cmpi eq, %eq3A_465, %eq3A_466 : vector<128x128xi32>
    %convert_element_type3A_468 = arith.extui %eq3A_467 : vector<128x128xi1> to vector<128x128xi32>
    %convert_element_type3A_469 = arith.sitofp %convert_element_type3A_468 : vector<128x128xi32> to vector<128x128xf32>
    %mul3A_470 = arith.mulf %mul3A_462, %convert_element_type3A_469 : vector<128x128xf32>
    %slice3A_471 = vector.extract_strided_slice %get3A_1 {offsets = [0, 59], sizes = [128, 1], strides = [1, 1]} : vector<128x64xi32> to vector<128x1xi32>
    %slice3A_472 = vector.extract_strided_slice %transpose3A {offsets = [59, 0], sizes = [1, 128], strides = [1, 1]} : vector<64x128xi32> to vector<1x128xi32>
    %eq3A_473 = vector.broadcast %slice3A_471 : vector<128x1xi32> to vector<128x128xi32>
    %eq3A_474 = vector.broadcast %slice3A_472 : vector<1x128xi32> to vector<128x128xi32>
    %eq3A_475 = arith.cmpi eq, %eq3A_473, %eq3A_474 : vector<128x128xi32>
    %convert_element_type3A_476 = arith.extui %eq3A_475 : vector<128x128xi1> to vector<128x128xi32>
    %convert_element_type3A_477 = arith.sitofp %convert_element_type3A_476 : vector<128x128xi32> to vector<128x128xf32>
    %mul3A_478 = arith.mulf %mul3A_470, %convert_element_type3A_477 : vector<128x128xf32>
    %slice3A_479 = vector.extract_strided_slice %get3A_1 {offsets = [0, 60], sizes = [128, 1], strides = [1, 1]} : vector<128x64xi32> to vector<128x1xi32>
    %slice3A_480 = vector.extract_strided_slice %transpose3A {offsets = [60, 0], sizes = [1, 128], strides = [1, 1]} : vector<64x128xi32> to vector<1x128xi32>
    %eq3A_481 = vector.broadcast %slice3A_479 : vector<128x1xi32> to vector<128x128xi32>
    %eq3A_482 = vector.broadcast %slice3A_480 : vector<1x128xi32> to vector<128x128xi32>
    %eq3A_483 = arith.cmpi eq, %eq3A_481, %eq3A_482 : vector<128x128xi32>
    %convert_element_type3A_484 = arith.extui %eq3A_483 : vector<128x128xi1> to vector<128x128xi32>
    %convert_element_type3A_485 = arith.sitofp %convert_element_type3A_484 : vector<128x128xi32> to vector<128x128xf32>
    %mul3A_486 = arith.mulf %mul3A_478, %convert_element_type3A_485 : vector<128x128xf32>
    %slice3A_487 = vector.extract_strided_slice %get3A_1 {offsets = [0, 61], sizes = [128, 1], strides = [1, 1]} : vector<128x64xi32> to vector<128x1xi32>
    %slice3A_488 = vector.extract_strided_slice %transpose3A {offsets = [61, 0], sizes = [1, 128], strides = [1, 1]} : vector<64x128xi32> to vector<1x128xi32>
    %eq3A_489 = vector.broadcast %slice3A_487 : vector<128x1xi32> to vector<128x128xi32>
    %eq3A_490 = vector.broadcast %slice3A_488 : vector<1x128xi32> to vector<128x128xi32>
    %eq3A_491 = arith.cmpi eq, %eq3A_489, %eq3A_490 : vector<128x128xi32>
    %convert_element_type3A_492 = arith.extui %eq3A_491 : vector<128x128xi1> to vector<128x128xi32>
    %convert_element_type3A_493 = arith.sitofp %convert_element_type3A_492 : vector<128x128xi32> to vector<128x128xf32>
    %mul3A_494 = arith.mulf %mul3A_486, %convert_element_type3A_493 : vector<128x128xf32>
    %slice3A_495 = vector.extract_strided_slice %get3A_1 {offsets = [0, 62], sizes = [128, 1], strides = [1, 1]} : vector<128x64xi32> to vector<128x1xi32>
    %slice3A_496 = vector.extract_strided_slice %transpose3A {offsets = [62, 0], sizes = [1, 128], strides = [1, 1]} : vector<64x128xi32> to vector<1x128xi32>
    %eq3A_497 = vector.broadcast %slice3A_495 : vector<128x1xi32> to vector<128x128xi32>
    %eq3A_498 = vector.broadcast %slice3A_496 : vector<1x128xi32> to vector<128x128xi32>
    %eq3A_499 = arith.cmpi eq, %eq3A_497, %eq3A_498 : vector<128x128xi32>
    %convert_element_type3A_500 = arith.extui %eq3A_499 : vector<128x128xi1> to vector<128x128xi32>
    %convert_element_type3A_501 = arith.sitofp %convert_element_type3A_500 : vector<128x128xi32> to vector<128x128xf32>
    %mul3A_502 = arith.mulf %mul3A_494, %convert_element_type3A_501 : vector<128x128xf32>
    %slice3A_503 = vector.extract_strided_slice %get3A_1 {offsets = [0, 63], sizes = [128, 1], strides = [1, 1]} : vector<128x64xi32> to vector<128x1xi32>
    %slice3A_504 = vector.extract_strided_slice %transpose3A {offsets = [63, 0], sizes = [1, 128], strides = [1, 1]} : vector<64x128xi32> to vector<1x128xi32>
    %eq3A_505 = vector.broadcast %slice3A_503 : vector<128x1xi32> to vector<128x128xi32>
    %eq3A_506 = vector.broadcast %slice3A_504 : vector<1x128xi32> to vector<128x128xi32>
    %eq3A_507 = arith.cmpi eq, %eq3A_505, %eq3A_506 : vector<128x128xi32>
    %convert_element_type3A_508 = arith.extui %eq3A_507 : vector<128x128xi1> to vector<128x128xi32>
    %convert_element_type3A_509 = arith.sitofp %convert_element_type3A_508 : vector<128x128xi32> to vector<128x128xf32>
    %mul3A_510 = arith.mulf %mul3A_502, %convert_element_type3A_509 : vector<128x128xf32>
    %swap3A = arith.constant 0 : index
    %swap3A_511 = arith.constant 0 : index
    %swap3A_512 = vector.load %arg1[%swap3A, %swap3A_511] : memref<128x128xf32, #tpu.memory_space<vmem>>, vector<128x128xf32>
    tpu.vector_store %arg1[%swap3A, %swap3A_511], %mul3A_510 {strides = array<i32>} : memref<128x128xf32, #tpu.memory_space<vmem>>, vector<128x128xf32>,
    return
  }
}

</mosaic_0001>

<sc_bundles>
// kernel: kernel.4.cloned.1.call-start
scs
__scs_entry_jumppad:
0x0: {  	(pc) =	sbr.rel $0x88, $3  }
0x1: {  	(tag) =	ssettag $0x0;
	lr =	simm.s32 $0x1  }
0x2: {  	[smem:$0x3FA0] =	sst lr;
	_ =	strace $0xD0000000  }
0x3: {  	_ = 	snop  }
0x4: {  	_ = 	snop  }
0x5: {  	_ = 	snop  }
0x6: {  	_ = 	snop  }
0x7: {  	_ = 	snop  }
__scs_overlays_trampoline_lowered:
0x8: {  	[smem:$0x3FAF] =	sst s0  }
0x9: {  	[smem:$0x3FB0] =	sst s1  }
0xa: {  	[smem:$0x3FB1] =	sst s2  }
0xb: {  	[smem:$0x3FB2] =	sst s3  }
0xc: {  	[smem:$0x3FB3] =	sst s4  }
0xd: {  	[smem:$0x3FB4] =	sst s5  }
0xe: {  	[smem:$0x3FB5] =	sst s6  }
0xf: {  	[smem:$0x3FB6] =	sst s7  }
0x10: {  	[smem:$0x3FB7] =	sst s8  }
0x11: {  	[smem:$0x3FB8] =	sst s9;
	s0 =	simm.s32 @!p0 $0x0  }
0x12: {  	s1 =	sld [smem:$0x3F9E];
	s0 =	simm.s32 @p0 $0x1  }
0x13: {  	[smem:$0x3FB9] =	sst s0;
	s0 =	simm.s32 @!p1 $0x0  }
0x14: {  	s2 =	sld [smem:$0x3F9D];
	s0 =	simm.s32 @p1 $0x1  }
0x15: {  	[smem:$0x3FBA] =	sst s0;
	s0 =	simm.s32 @!p2 $0x0  }
0x16: {  	s3 =	sld [smem:$0x3FDB];
	s0 =	simm.s32 @p2 $0x1  }
0x17: {  	s4 =	simm.s32 $0x1BF5;
	[smem:$0x3FBC] =	sst s0  }
0x18: {  	s0 =	sld [smem:$0x3F9F];
	_ =	swait.ge [sflag:s4], $0x0  }
0x19: {  	s7 =	sld [smem:$0x3FA0]  }
0x1a: {  	s8 =	sadd.s32 $0xFFFFE003, lr  }
0x1b: {  	s9 =	sadd.s32 $0xFFFFFEF7, lr;
	s5 =	simm.s32 $0xFFFFFFFF;
	p2 =	slt.u32 s8, $0xFFFFF086  }
0x1c: {  	p1 =	slt.u32 s9, $0xF7A;
	s5 =	simm.s32 @!p2 $0x0  }
0x1d: {  	s5 =	simm.s32 @p1 $0x1;
	p0 =	seq.s32 s7, s2  }
0x1e: {  	s7 =	smul.u32 @!p0 $0xF7A, s2;
	p2 =	seq.s32 @!p0 s5, $0x0  }
0x1f: {  	s9 =	smul.u32 $0xF7A, s1;
	s8 =	simm.s32 @!p0 $0x1BF5;
	p2 =	por !p2, p0  }
0x20: {  	[sflag:s8] =	ssyncset.s32 @!p0 $0xFFFFF086;
	s6 =	sadd.s32 @!p0 s3, s7;
	s7 =	simm.s32 @!p0 $0x108  }
0x21: {  	s3 =	sadd.s32 s3, s9;
	s6 =	sadd.s32 @!p0 $0x88, s6;
	s7 =	simm.s32 @p2 $0x1082  }
0x22: {  	[simem:s7], [sflag:s8] =	dma.local @!p0 [hbm:s6], $0xF7A  }
0x23: {  	s9 =	sor.u32 $0xD0000000, s2;
	s6 =	simm.s32 $0x108;
	_ =	swait.ge @!p0 [sflag:s8], $0x0  }
0x24: {  	s3 =	sadd.s32 $0x88, s3;
	s6 =	simm.s32 @!p1 $0x1082;
	[sflag:s4] =	ssyncset.s32 $0xFFFFF086  }
0x25: {  	[simem:s6], [sflag:s4] =	dma.local [hbm:s3], $0xF7A  }
0x26: {  	[smem:$0x3FA0] =	sst s1;
	(tag) =	ssettag s2;
	_ =	strace s9  }
0x27: {  	s1 =	sld [smem:$0x3FB0]  }
0x28: {  	s2 =	sld [smem:$0x3FB1]  }
0x29: {  	s4 =	sld [smem:$0x3FB3]  }
0x2a: {  	p0 =	seq.s32 s5, $0x0;
	s5 =	sld [smem:$0x3FB4]  }
0x2b: {  	s6 =	sld [smem:$0x3FB5]  }
0x2c: {  	s7 =	sld [smem:$0x3FB6]  }
0x2d: {  	s3 =	simm.s32 $0x108;
	s8 =	sld [smem:$0x3FB7]  }
0x2e: {  	s3 =	simm.s32 @!p0 $0x1082;
	s9 =	sld [smem:$0x3FB8]  }
0x2f: {  	lr =	sadd.s32 s0, s3;
	s0 =	sld [smem:$0x3FAF]  }
0x30: {  	s3 =	sld [smem:$0x3FB2]  }
0x31: {  	[smem:$0x3FBB] =	sst s10  }
0x32: {  	s10 =	sld [smem:$0x3FB9];
	_ =	sdelay $0x3  }
0x33: {  	p0 =	seq.s32 s10, $0x1;
	s10 =	sld [smem:$0x3FBB];
	_ =	sdelay $0x3  }
0x34: {  	[smem:$0x3FBB] =	sst s10  }
0x35: {  	s10 =	sld [smem:$0x3FBA];
	_ =	sdelay $0x3  }
0x36: {  	p1 =	seq.s32 s10, $0x1;
	s10 =	sld [smem:$0x3FBB];
	_ =	sdelay $0x3  }
0x37: {  	[smem:$0x3FBB] =	sst s10  }
0x38: {  	s10 =	sld [smem:$0x3FBC]  }
0x39: {  	_ = 	snop;
	(pc) =	sbr.ind lr, $3  }
0x3a: {  	_ = 	snop  }
0x3b: {  	_ = 	snop  }
0x3c: {  	p2 =	seq.s32 s10, $0x1;
	s10 =	sld [smem:$0x3FBB]  }
0x3d: {  	_ =	shalt  }
0x3e: {  	_ =	shalt  }
0x3f: {  	_ =	shalt  }
0x40: {  	_ =	shalt  }
0x41: {  	_ =	shalt  }
0x42: {  	_ =	shalt  }
0x43: {  	_ =	shalt  }
0x44: {  	_ =	shalt  }
0x45: {  	_ =	shalt  }
0x46: {  	_ =	shalt  }
0x47: {  	_ =	shalt  }
0x48: {  	_ =	shalt  }
0x49: {  	_ =	shalt  }
0x4a: {  	_ =	shalt  }
0x4b: {  	_ =	shalt  }
0x4c: {  	_ =	shalt  }
0x4d: {  	_ =	shalt  }
0x4e: {  	_ =	shalt  }
0x4f: {  	_ =	shalt  }
0x50: {  	_ =	shalt  }
0x51: {  	_ =	shalt  }
0x52: {  	_ =	shalt  }
0x53: {  	_ =	shalt  }
0x54: {  	_ =	shalt  }
0x55: {  	_ =	shalt  }
0x56: {  	_ =	shalt  }
0x57: {  	_ =	shalt  }
0x58: {  	_ =	shalt  }
0x59: {  	_ =	shalt  }
0x5a: {  	_ =	shalt  }
0x5b: {  	_ =	shalt  }
0x5c: {  	_ =	shalt  }
0x5d: {  	_ =	shalt  }
0x5e: {  	_ =	shalt  }
0x5f: {  	_ =	shalt  }
0x60: {  	_ =	shalt  }
0x61: {  	_ =	shalt  }
0x62: {  	_ =	shalt  }
0x63: {  	_ =	shalt  }
0x64: {  	_ =	shalt  }
0x65: {  	_ =	shalt  }
0x66: {  	_ =	shalt  }
0x67: {  	_ =	shalt  }
0x68: {  	_ =	shalt  }
0x69: {  	_ =	shalt  }
0x6a: {  	_ =	shalt  }
0x6b: {  	_ =	shalt  }
0x6c: {  	_ =	shalt  }
0x6d: {  	_ =	shalt  }
0x6e: {  	_ =	shalt  }
0x6f: {  	_ =	shalt  }
0x70: {  	_ =	shalt  }
0x71: {  	_ =	shalt  }
0x72: {  	_ =	shalt  }
0x73: {  	_ =	shalt  }
0x74: {  	_ =	shalt  }
0x75: {  	_ =	shalt  }
0x76: {  	_ =	shalt  }
0x77: {  	_ =	shalt  }
0x78: {  	_ =	shalt  }
0x79: {  	_ =	shalt  }
0x7a: {  	_ =	shalt  }
0x7b: {  	_ =	shalt  }
0x7c: {  	_ =	shalt  }
0x7d: {  	_ =	shalt  }
0x7e: {  	_ =	shalt  }
0x7f: {  	_ =	shalt  }
0x80: {  	_ =	shalt  }
0x81: {  	_ =	shalt  }
0x82: {  	_ =	shalt  }
0x83: {  	_ =	shalt  }
0x84: {  	_ =	shalt  }
0x85: {  	_ =	shalt  }
0x86: {  	_ =	shalt  }
0x87: {  	_ =	shalt  }
.Lfunc_end0:
.L_simem_size_0:
called_computation_lowered:
.L_overlay_start_0:
0x88: {  	s2 =	sld [smem:$0x3FD9]  }
0x89: {  	s3 =	sld [smem:$0x3FFE];
	_ =	sdelay $0x1  }
0x8a: {  	s1 =	srdreg.scid  }
0x8b: {  	s0 =	sand.u32 $0x1, s1  }
0x8c: {  	s18 =	sshll.u32 s0, $0xA;
	s2 =	sadd.s32 s3, s2  }
0x8d: {  	s2 =	sadd.s32 s2, s18  }
0x8e: {  	[smem:$0x3FC7] =	sst s2  }
0x8f: {  	_ = 	snop  }
0x90: {  	s2 =	sld [smem:$0x3FC9]  }
0x91: {  	s19 =	sld [smem:$0x3FD0];
	(tm) =	ssettm $0x1  }
0x92: {  	s4 =	sld [smem:$0x3FFB];
	_ =	sdelay $0x3  }
0x93: {  	_ =	strace s4  }
0x94: {  	s4 =	sld [smem:$0x3FFC];
	_ =	sdelay $0x3  }
0x95: {  	_ =	strace s4  }
0x96: {  	s4 =	sld [smem:$0x3FFD];
	_ =	sdelay $0x3  }
0x97: {  	_ =	strace s4  }
0x98: {  	_ =	strace $0x8FFFFFFF  }
0x99: {  	s20 =	sld [smem:$0x3FDB];
	_ =	sdelay $0x1  }
0x9a: {  	s5 =	simm.s32 $_scs_section_size  }
0x9b: {  	s6 =	simm.s32 $_size__tile_overlayer_lowered;
	s7 =	simm.s32 $_tile_overlayer_lowered  }
0x9c: {  	s23 =	simm.s32 $0x1BFF;
	s22 =	sshll.u32 s7, $0x1;
	s4 =	sadd.s32 s5, s20  }
0x9d: {  	s8 =	simm.s32 $0x0;
	s21 =	sshll.u32 s6, $0x1;
	s6 =	sadd.s32 s22, s4  }
0x9e: {  	[timem:s8], [sflag:s23] =	dma.local [hbm:s6], s21  }
0x9f: {  	_ =	swait.ge [sflag:s23], s21  }
0xa0: {  	s5 =	ssub.s32 $0x0, s21;
	[sflag:s23] =	ssyncset.done $0x0  }
0xa1: {  	[sflag:s23] =	ssyncadd.s32 s5;
	_ =	sdelay $0x1  }
0xa2: {  	s24 =	simm.s32 $0x1B8B  }
0xa3: {  	_ =	swait.ge [sflag:s24], $0x1  }
0xa4: {  	[sflag:s24] =	ssyncset.done $0x0  }
0xa5: {  	s25 =	simm.s32 $0x1B8E;
	[sflag:s24] =	ssyncadd.s32 $0xFFFFFFFF  }
0xa6: {  	s26 =	simm.s32 $execute0_lowered;
	[smem:$0x3FD2] =	sst s25  }
0xa7: {  	s5 =	sshll.u32 s26, $0x1;
	_ =	strace $0x80000046;
	[dreg:$0x1] =	wrdreg $0xFFFFFFFF  }
0xa8: {  	s28 =	simm.s32 $_size_execute0_lowered;
	s4 =	sadd.s32 s4, s5;
	[dreg:$0x0] =	wrdreg $0x0  }
0xa9: {  	s5 =	sshll.u32 s28, $0x1;
	[dreg:$0x2] =	wrdreg s4  }
0xaa: {  	[dreg:$0x3] =	wrdreg s5  }
0xab: {  	[dreg:$0x4] =	wrdreg $0xC0  }
0xac: {  	_ =	task [dreg:s8], $0x5FFFF  }
0xad: {  	[dreg:$0x1] =	wrdreg $0xFFFFFFFF  }
0xae: {  	[dreg:$0x0] =	wrdreg $0x60  }
0xaf: {  	[dreg:$0x2] =	wrdreg s2  }
0xb0: {  	[dreg:$0x3] =	wrdreg s19  }
0xb1: {  	[dreg:$0x4] =	wrdreg $0x9  }
0xb2: {  	_ =	task.clear_ibuf [dreg:s8], $0x5FFFF;
	_ =	strace $0x90000046  }
0xb3: {  	s29 =	simm.s32 $0x9;
	_ =	strace $0x80000048  }
0xb4: {  	_ =	swait.ge [sflag:s29], $0x1  }
0xb5: {  	[sflag:s29] =	ssyncadd.s32 $0xFFFFFFFF  }
0xb6: {  	_ =	strace $0x90000048  }
0xb7: {  	_ =	sfence  }
0xb8: {  	s30 =	sld [smem:$0x0];
	_ =	sdelay $0x2  }
0xb9: {  	s31 =	sshll.u32 s1, $0xD;
	s1 =	sshrl.u32 s1, $0x2  }
0xba: {  	s3 =	sand.u32 $0x4000, s31;
	s1 =	sadd.s32 s1, s30  }
0xbb: {  	s0 =	sor.u32 s3, s0;
	s1 =	sshll.u32 s1, $0x11  }
0xbc: {  	s0 =	sor.u32 s1, s0  }
0xbd: {  	s0 =	sadd.s32 $0x8F2B, s0  }
0xbe: {  	[sflag:s0] =	ssyncadd.remote.s32 $0x1  }
0xbf: {  	_ =	sfence.sel $0xFFFF  }
0xc0: {  	[dreg:$0x0] =	wrdreg $0xFFFFFFFF;
	(pc) =	sbr.abs _section_cstart, $3  }
0xc1: {  	[dreg:$0x1] =	wrdreg $0xFFFFFFFF  }
0xc2: {  	_ =	task.clear_ibuf [dreg:s8], $0x2FFFF;
	_ =	strace $0x9FFFFFFF  }
0xc3: {  	(tm) =	ssettm $0x7FFFFFFF  }
tec
execute0_lowered:
.L_overlay_start_1:
0x0: {  	(tag) =	ssettag $0x1  }
0x1: {  	s0 =	rddreg [dreg:$0x0]  }
0x2: {  	s2 =	rddreg [dreg:$0x1]  }
0x3: {  	s28 =	simm.s32 $0x0;
	s3 =	srdreg.scid;
	s1 =	stileid.u32  }
0x4: {  	s10 =	simm.s32 $0x1;
	s11 =	simm.s32 $0x18000;
	s12 =	simm.s32 $0x8000  }
0x5: {  	s13 =	simm.s32 $0x10000;
	s14 =	simm.s32 $0x19180;
	[smem:$0x7FF] =	sst s28  }
0x6: {  	s3 =	sand.u32 $0x1, s3;
	s26 =	sshll.u32 s1, $0xF;
	s29 =	sshll.u32 s1, $0x7  }
0x7: {  	_ =	strace $0x80000047;
	s4 =	ssub.s32 $0x2, s3;
	s6 =	sshll.u32 s3, $0x6  }
.Ltmp0:
0x8: {  	s30 =	sadd.s32 s2, s29;
	s5 =	sshrl.u32 s4, $0x1;
	(pc) =	sbr.rel .LBB2_1-.Ltmp0, $4  }
0x9: {  	v0 =	vlaneseq.u32;
	s6 =	sadd.s32 s0, s6;
	s0 =	sadd.s32 s0, s26;
	[dreg:$0x5] =	wrdreg s30  }
0xa: {  	v4 =	vmul.u32 $0xFFFFFFFF, v0;
	s4 =	ssub.s32 s4, s5;
	s6 =	sadd.s32 s26, s6;
	[dreg:$0x4] =	wrdreg s0  }
0xb: {  	v1 =	vimm.s32 $0x0;
	s15 =	simm.s32 $0x2;
	[dreg:$0x3] =	wrdreg s6;
	s31 =	smax.u32 s4, $0x1  }
0xc: {  	v3 =	vimm.s32 $0x1;
	v2 =	vmul.u32 $0x101, v0;
	s1 =	simm.s32 $0x0;
	s3 =	sshll.u32 s3, $0x2;
	v4 =	vadd.s32 $0xF, v4;
	[dreg:$0x6] =	wrdreg s31  }
.LBB2_66:
0xd: {  	_ =	swait.ge [sflag:s10], $0x8000  }
0xe: {  	s1 =	rddreg [dreg:$0x7]  }
0xf: {  	s0 =	rddreg [dreg:$0x6];
	s1 =	sadd.s32 $0x1, s1  }
0x10: {  	p0 =	sne.s32 s1, s0  }
.Ltmp1:
0x11: {  	_ = 	snop;
	(pc) =	sbr.rel @!p0 .LBB2_67-.Ltmp1, $3  }
0x12: {  	_ =	sdelay $0x1  }
0x13: {  	[sflag:s10] =	ssyncset.done $0x0  }
0x14: {  	[sflag:s10] =	ssyncadd.s32 $0xFFFF8000  }
.LBB2_1:
.Ltmp2:
0x15: {  	(pc) =	sbr.rel .LBB2_2-.Ltmp2, $4  }
0x16: {  	[dreg:$0x7] =	wrdreg s1  }
0x17: {  	s0 =	rddreg [dreg:$0x3]  }
0x18: {  	s31 =	simm.s32 $0x80;
	s2 =	simm.s32 $0x400;
	s17 =	simm.s32 $0x0  }
0x19: {  	[tilespmem:s28], [sflag:$0x1] =	stream.strided.gather [hbm4b:s0+s31], $0x8000, s2, s31, $0x38;
	[tilespmem:$0x19200] =	vst v63  }
.LBB2_65:
0x1a: {  	s0 =	rddreg [dreg:$0x5];
	p0 =	sne.s32 s17, $0x4  }
.Ltmp3:
0x1b: {  	s0 =	sadd.s32 s18, s0;
	(pc) =	sbr.rel @!p0 .LBB2_66-.Ltmp3, $4  }
0x1c: {  	[hbm4b:s0+s28] =	stream.linear.scatter [tilespmem:s14], [sflag:$0x2], $0x80, $0x38;
	[tilespmem:$0x19200] =	vst v63  }
0x1d: {  	_ =	swait.ge [sflag:s15], $0x80  }
0x1e: {  	[sflag:s15] =	ssyncset.done $0x0  }
0x1f: {  	[sflag:s15] =	ssyncadd.s32 $0xFFFFFF80  }
.LBB2_2:
0x20: {  	_ =	swait.ge [sflag:s10], $0x8000  }
0x21: {  	[sflag:s10] =	ssyncset.done $0x0  }
0x22: {  	s0 =	simm.s32 $0x18040;
	[sflag:s10] =	ssyncadd.s32 $0xFFFF8000  }
0x23: {  	[tilespmem:s0+$0xFFFFFFC0] =	vst v1  }
0x24: {  	[tilespmem:s0+$0x30] =	vst v1  }
0x25: {  	[tilespmem:s0+$0x20] =	vst v1  }
0x26: {  	[tilespmem:s0+$0x10] =	vst v1  }
0x27: {  	[tilespmem:s0+$0x0] =	vst v1  }
0x28: {  	[tilespmem:s0+$0xFFFFFFF0] =	vst v1  }
0x29: {  	s18 =	smov.u32 s17;
	s2 =	simm.s32 $0x0;
	[tilespmem:s0+$0xFFFFFFE0] =	vst v1  }
.LBB2_3:
0x2a: {  	s2 =	sadd.s32 $0x8, s2;
	[tilespmem:s0+$0xFFFFFFD0] =	vst v1;
	s0 =	sadd.s32 $0x80, s0  }
0x2b: {  	[tilespmem:s0+$0xFFFFFFC0] =	vst v1;
	p0 =	slt.u32 s2, $0xF8  }
0x2c: {  	[tilespmem:s0+$0x30] =	vst v1  }
.Ltmp4:
0x2d: {  	[tilespmem:s0+$0x20] =	vst v1;
	(pc) =	sbr.rel @p0 .LBB2_3-.Ltmp4, $4  }
0x2e: {  	[tilespmem:s0+$0x10] =	vst v1  }
0x2f: {  	[tilespmem:s0+$0x0] =	vst v1  }
0x30: {  	[tilespmem:s0+$0xFFFFFFF0] =	vst v1  }
0x31: {  	[tilespmem:s0+$0xFFFFFFE0] =	vst v1  }
0x32: {  	[tilespmem:s0+$0xFFFFFFD0] =	vst v1  }
0x33: {  	s19 =	simm.s32 $0x80;
	[tilespmem:$0x19000] =	vst v1  }
0x34: {  	v5 =	vld [tilespmem:s19+$0xFFFFFFA0]  }
0x35: {  	v8 =	vld [tilespmem:s19+$0xFFFFFF80]  }
0x36: {  	v6 =	vld [tilespmem:s19+$0xFFFFFFB0]  }
0x37: {  	v7 =	vld [tilespmem:s19+$0xFFFFFFC0]  }
0x38: {  	v9 =	vld [tilespmem:s19+$0x70]  }
0x39: {  	v10 =	vld [tilespmem:s19+$0x60]  }
0x3a: {  	v13 =	vld [tilespmem:s19+$0x30];
	v8 =	vshrl.u32 v8, $0x17  }
0x3b: {  	v11 =	vld [tilespmem:s19+$0x50];
	v8 =	vand.u32 $0xFF, v8  }
0x3c: {  	v12 =	vld [tilespmem:s19+$0x40];
	v8 =	vadd.s32 v2, v8  }
0x3d: {  	v14 =	vld [tilespmem:s19+$0x20]  }
0x3e: {  	v15 =	vld [tilespmem:s19+$0x10];
	v9 =	vshrl.u32 v9, $0x17  }
0x3f: {  	v19 =	vld [tilespmem:s19+$0xFFFFFFD0];
	v13 =	vshrl.u32 v13, $0x17;
	v9 =	vand.u32 $0xFF, v9  }
0x40: {  	v16 =	vld [tilespmem:s19+$0x0];
	v10 =	vshrl.u32 v10, $0x17;
	v13 =	vand.u32 $0xFF, v13;
	v9 =	vadd.s32 v2, v9  }
0x41: {  	v12 =	vshrl.u32 v12, $0x17;
	v10 =	vand.u32 $0xFF, v10;
	[tilespmem:v8+s11+$0x0] =	vst.idx.add.s32.msk $0xffff, v3;
	v8 =	vadd.s32 v2, v13  }
0x42: {  	v17 =	vld [tilespmem:s19+$0xFFFFFFF0];
	v11 =	vshrl.u32 v11, $0x17;
	v12 =	vand.u32 $0xFF, v12;
	v10 =	vadd.s32 v2, v10  }
0x43: {  	v18 =	vld [tilespmem:s19+$0xFFFFFFE0];
	v14 =	vshrl.u32 v14, $0x17;
	v11 =	vand.u32 $0xFF, v11;
	v12 =	vadd.s32 v2, v12  }
0x44: {  	v59 =	vld [tilespmem:s19+$0xFFFFFF90];
	v61 =	vshrl.u32 v19, $0x17;
	v55 =	vand.u32 $0xFF, v14;
	v11 =	vadd.s32 v2, v11  }
0x45: {  	v7 =	vshrl.u32 v7, $0x17;
	v62 =	vand.u32 $0xFF, v61;
	v57 =	vadd.s32 v2, v55;
	[tilespmem:v9+s11+$0x0] =	vst.idx.add.s32.msk $0xffff, v3  }
0x46: {  	v6 =	vshrl.u32 v6, $0x17;
	v7 =	vand.u32 $0xFF, v7;
	[tilespmem:v8+s11+$0x0] =	vst.idx.add.s32.msk $0xffff, v3;
	v8 =	vadd.s32 v2, v62  }
0x47: {  	v56 =	vshrl.u32 v16, $0x17;
	v6 =	vand.u32 $0xFF, v6;
	v7 =	vadd.s32 v2, v7;
	[tilespmem:v10+s11+$0x0] =	vst.idx.add.s32.msk $0xffff, v3  }
0x48: {  	v60 =	vshrl.u32 v18, $0x17;
	v14 =	vand.u32 $0xFF, v56;
	v6 =	vadd.s32 v2, v6;
	[tilespmem:v12+s11+$0x0] =	vst.idx.add.s32.msk $0xffff, v3  }
0x49: {  	v5 =	vshrl.u32 v5, $0x17;
	v16 =	vand.u32 $0xFF, v60;
	v14 =	vadd.s32 v2, v14;
	[tilespmem:v11+s11+$0x0] =	vst.idx.add.s32.msk $0xffff, v3  }
0x4a: {  	v58 =	vshrl.u32 v17, $0x17;
	v5 =	vand.u32 $0xFF, v5;
	v16 =	vadd.s32 v2, v16;
	[tilespmem:v57+s11+$0x0] =	vst.idx.add.s32.msk $0xffff, v3  }
0x4b: {  	v63 =	vadd.s32 v2, v5;
	v13 =	vand.u32 $0xFF, v58;
	[tilespmem:v8+s11+$0x0] =	vst.idx.add.s32.msk $0xffff, v3;
	v8 =	vshrl.u32 v59, $0x17  }
0x4c: {  	v5 =	vshrl.u32 v15, $0x17;
	[tilespmem:v7+s11+$0x0] =	vst.idx.add.s32.msk $0xffff, v3;
	v13 =	vadd.s32 v2, v13;
	v7 =	vand.u32 $0xFF, v8  }
0x4d: {  	v5 =	vand.u32 $0xFF, v5;
	[tilespmem:v6+s11+$0x0] =	vst.idx.add.s32.msk $0xffff, v3;
	v6 =	vadd.s32 v2, v7  }
0x4e: {  	v5 =	vadd.s32 v2, v5;
	[tilespmem:v14+s11+$0x0] =	vst.idx.add.s32.msk $0xffff, v3  }
0x4f: {  	[tilespmem:v16+s11+$0x0] =	vst.idx.add.s32.msk $0xffff, v3  }
0x50: {  	[tilespmem:v63+s11+$0x0] =	vst.idx.add.s32.msk $0xffff, v3  }
0x51: {  	s0 =	simm.s32 $0x0;
	s20 =	simm.s32 $0x18808;
	s17 =	simm.s32 $0x19090;
	[tilespmem:v13+s11+$0x0] =	vst.idx.add.s32.msk $0xffff, v3  }
.LBB2_5:
0x52: {  	s0 =	sadd.s32 $0x10, s0;
	[tilespmem:v6+s11+$0x0] =	vst.idx.add.s32.msk $0xffff, v3;
	s19 =	sadd.s32 $0x100, s19  }
0x53: {  	p0 =	slt.u32 s0, $0x7F0;
	[tilespmem:v5+s11+$0x0] =	vst.idx.add.s32.msk $0xffff, v3  }
0x54: {  	v5 =	vld [tilespmem:s19+$0xFFFFFFA0]  }
0x55: {  	v6 =	vld [tilespmem:s19+$0xFFFFFFB0]  }
0x56: {  	v7 =	vld [tilespmem:s19+$0xFFFFFFC0]  }
0x57: {  	v8 =	vld [tilespmem:s19+$0xFFFFFF80]  }
0x58: {  	v9 =	vld [tilespmem:s19+$0x70]  }
0x59: {  	v10 =	vld [tilespmem:s19+$0x60]  }
0x5a: {  	v11 =	vld [tilespmem:s19+$0x50]  }
0x5b: {  	v12 =	vld [tilespmem:s19+$0x40]  }
0x5c: {  	v8 =	vshrl.u32 v8, $0x17;
	v13 =	vld [tilespmem:s19+$0x30]  }
0x5d: {  	v8 =	vand.u32 $0xFF, v8;
	v14 =	vld [tilespmem:s19+$0x20];
	v9 =	vshrl.u32 v9, $0x17  }
0x5e: {  	v8 =	vadd.s32 v2, v8;
	v15 =	vld [tilespmem:s19+$0x10];
	v10 =	vshrl.u32 v10, $0x17;
	v9 =	vand.u32 $0xFF, v9  }
0x5f: {  	v16 =	vld [tilespmem:s19+$0x0];
	v11 =	vshrl.u32 v11, $0x17;
	v10 =	vand.u32 $0xFF, v10;
	v9 =	vadd.s32 v2, v9  }
0x60: {  	v17 =	vld [tilespmem:s19+$0xFFFFFFF0];
	v12 =	vshrl.u32 v12, $0x17;
	v10 =	vadd.s32 v2, v10  }
0x61: {  	v11 =	vand.u32 $0xFF, v11;
	v18 =	vld [tilespmem:s19+$0xFFFFFFE0];
	v13 =	vshrl.u32 v13, $0x17;
	v12 =	vand.u32 $0xFF, v12  }
0x62: {  	v19 =	vld [tilespmem:s19+$0xFFFFFFD0];
	v14 =	vshrl.u32 v14, $0x17;
	v13 =	vand.u32 $0xFF, v13;
	v12 =	vadd.s32 v2, v12  }
0x63: {  	[tilespmem:v8+s11+$0x0] =	vst.idx.add.s32.msk $0xffff, v3;
	v8 =	vshrl.u32 v15, $0x17;
	v14 =	vand.u32 $0xFF, v14;
	v13 =	vadd.s32 v2, v13  }
0x64: {  	v11 =	vadd.s32 v2, v11;
	v15 =	vshrl.u32 v16, $0x17;
	v14 =	vadd.s32 v2, v14;
	[tilespmem:v9+s11+$0x0] =	vst.idx.add.s32.msk $0xffff, v3  }
0x65: {  	v8 =	vand.u32 $0xFF, v8;
	v9 =	vshrl.u32 v17, $0x17;
	v15 =	vand.u32 $0xFF, v15;
	[tilespmem:v10+s11+$0x0] =	vst.idx.add.s32.msk $0xffff, v3  }
0x66: {  	v10 =	vld [tilespmem:s19+$0xFFFFFF90];
	v16 =	vshrl.u32 v18, $0x17;
	v9 =	vand.u32 $0xFF, v9;
	v15 =	vadd.s32 v2, v15  }
0x67: {  	v17 =	vshrl.u32 v19, $0x17;
	v16 =	vand.u32 $0xFF, v16;
	v9 =	vadd.s32 v2, v9;
	[tilespmem:v12+s11+$0x0] =	vst.idx.add.s32.msk $0xffff, v3  }
0x68: {  	v7 =	vshrl.u32 v7, $0x17;
	v12 =	vand.u32 $0xFF, v17;
	v16 =	vadd.s32 v2, v16;
	[tilespmem:v13+s11+$0x0] =	vst.idx.add.s32.msk $0xffff, v3  }
0x69: {  	v6 =	vshrl.u32 v6, $0x17;
	v7 =	vand.u32 $0xFF, v7;
	v12 =	vadd.s32 v2, v12;
	[tilespmem:v11+s11+$0x0] =	vst.idx.add.s32.msk $0xffff, v3  }
0x6a: {  	v5 =	vshrl.u32 v5, $0x17;
	v6 =	vand.u32 $0xFF, v6;
	v7 =	vadd.s32 v2, v7;
	[tilespmem:v14+s11+$0x0] =	vst.idx.add.s32.msk $0xffff, v3  }
0x6b: {  	v5 =	vand.u32 $0xFF, v5;
	v11 =	vadd.s32 v2, v6;
	v10 =	vshrl.u32 v10, $0x17;
	[tilespmem:v15+s11+$0x0] =	vst.idx.add.s32.msk $0xffff, v3  }
0x6c: {  	v6 =	vand.u32 $0xFF, v10;
	v10 =	vadd.s32 v2, v5;
	[tilespmem:v9+s11+$0x0] =	vst.idx.add.s32.msk $0xffff, v3  }
.Ltmp5:
0x6d: {  	v5 =	vadd.s32 v2, v8;
	v6 =	vadd.s32 v2, v6;
	[tilespmem:v16+s11+$0x0] =	vst.idx.add.s32.msk $0xffff, v3;
	(pc) =	sbr.rel @p0 .LBB2_5-.Ltmp5, $4  }
0x6e: {  	[tilespmem:v12+s11+$0x0] =	vst.idx.add.s32.msk $0xffff, v3  }
0x6f: {  	[tilespmem:v7+s11+$0x0] =	vst.idx.add.s32.msk $0xffff, v3  }
0x70: {  	[tilespmem:v11+s11+$0x0] =	vst.idx.add.s32.msk $0xffff, v3  }
0x71: {  	[tilespmem:v10+s11+$0x0] =	vst.idx.add.s32.msk $0xffff, v3  }
0x72: {  	_ =	sdelay $0x3  }
0x73: {  	[tilespmem:v6+s11+$0x0] =	vst.idx.add.s32.msk $0xffff, v3  }
0x74: {  	[tilespmem:v5+s11+$0x0] =	vst.idx.add.s32.msk $0xffff, v3  }
0x75: {  	v5 =	vld [tilespmem:s20+$0xFFFFF808]  }
0x76: {  	v6 =	vld [tilespmem:s20+$0xFFFFF909]  }
0x77: {  	v7 =	vld [tilespmem:s20+$0xFFFFFA0A]  }
0x78: {  	v8 =	vld [tilespmem:s20+$0xFFFFFB0B]  }
0x79: {  	v9 =	vld [tilespmem:s20+$0xFFFFFC0C]  }
0x7a: {  	v10 =	vld [tilespmem:s20+$0xFFFFFD0D]  }
0x7b: {  	v11 =	vld [tilespmem:s20+$0xFFFFFE0E]  }
0x7c: {  	v12 =	vld [tilespmem:s20+$0xFFFFFF0F]  }
0x7d: {  	v13 =	vld [tilespmem:s20+$0x10]  }
0x7e: {  	v14 =	vld [tilespmem:s20+$0x111]  }
0x7f: {  	v15 =	vld [tilespmem:s20+$0x212]  }
0x80: {  	v16 =	vld [tilespmem:s20+$0x313]  }
0x81: {  	v17 =	vld [tilespmem:s20+$0x414]  }
0x82: {  	v18 =	vld [tilespmem:s20+$0x515]  }
0x83: {  	v19 =	vld [tilespmem:s20+$0x616]  }
0x84: {  	v20 =	vld [tilespmem:s20+$0x717]  }
0x85: {  	v5 =	vadd.s32 v5, v6;
	v6 =	vld [tilespmem:s20+$0xFFFFF8F9]  }
0x86: {  	v5 =	vadd.s32 v7, v5;
	v7 =	vld [tilespmem:s20+$0xFFFFF7F8]  }
0x87: {  	v5 =	vadd.s32 v8, v5;
	v8 =	vld [tilespmem:s20+$0xFFFFF9FA]  }
0x88: {  	v5 =	vadd.s32 v9, v5;
	v9 =	vld [tilespmem:s20+$0xFFFFFAFB]  }
0x89: {  	v5 =	vadd.s32 v10, v5;
	v10 =	vld [tilespmem:s20+$0xFFFFFBFC]  }
0x8a: {  	v5 =	vadd.s32 v11, v5;
	v11 =	vld [tilespmem:s20+$0xFFFFFCFD]  }
0x8b: {  	v5 =	vadd.s32 v12, v5;
	v6 =	vadd.s32 v7, v6;
	v7 =	vld [tilespmem:s20+$0xFFFFFDFE]  }
0x8c: {  	v5 =	vadd.s32 v13, v5;
	v6 =	vadd.s32 v8, v6;
	v8 =	vld [tilespmem:s20+$0xFFFFFEFF]  }
0x8d: {  	v5 =	vadd.s32 v14, v5;
	v6 =	vadd.s32 v9, v6;
	v9 =	vld [tilespmem:s20+$0x0]  }
0x8e: {  	v5 =	vadd.s32 v15, v5;
	v6 =	vadd.s32 v10, v6;
	v10 =	vld [tilespmem:s20+$0x101]  }
0x8f: {  	v5 =	vadd.s32 v16, v5;
	v6 =	vadd.s32 v11, v6;
	v11 =	vld [tilespmem:s20+$0x202]  }
0x90: {  	v63 =	vadd.s32 v17, v5;
	v6 =	vadd.s32 v7, v6;
	v5 =	vld [tilespmem:s20+$0x303]  }
0x91: {  	v7 =	vadd.s32 v18, v63;
	v8 =	vadd.s32 v8, v6;
	v6 =	vld [tilespmem:s20+$0x404]  }
0x92: {  	v12 =	vadd.s32 v19, v7;
	v8 =	vadd.s32 v9, v8;
	v7 =	vld [tilespmem:s20+$0x505]  }
0x93: {  	s2 =	simm.s32 $0x0;
	v9 =	vadd.s32 v20, v12;
	v10 =	vadd.s32 v10, v8;
	v8 =	vld [tilespmem:s20+$0x606]  }
0x94: {  	s19 =	simm.s32 $0xF;
	s0 =	simm.s32 $0x19170;
	s4 =	simm.s32 $0x18828;
	[tilespmem:s17+$0x0] =	vst v9;
	v10 =	vadd.s32 v11, v10;
	v9 =	vld [tilespmem:s20+$0x707]  }
.LBB2_7:
0x95: {  	v11 =	vld [tilespmem:s4+$0xFFFFF808];
	v5 =	vadd.s32 v5, v10  }
0x96: {  	s2 =	sadd.s32 $0x2, s2;
	v10 =	vld [tilespmem:s4+$0xFFFFF909];
	v5 =	vadd.s32 v6, v5  }
0x97: {  	p0 =	slt.u32 s2, $0xE;
	v6 =	vld [tilespmem:s4+$0xFFFFFA0A];
	v5 =	vadd.s32 v7, v5  }
0x98: {  	v7 =	vld [tilespmem:s4+$0xFFFFFB0B];
	v5 =	vadd.s32 v8, v5  }
0x99: {  	v8 =	vld [tilespmem:s4+$0xFFFFFC0C];
	v5 =	vadd.s32 v9, v5  }
0x9a: {  	v9 =	vld [tilespmem:s4+$0xFFFFFD0D];
	[tilespmem:s17+$0xFFFFFFF0] =	vst v5  }
0x9b: {  	v5 =	vadd.s32 v11, v10;
	v10 =	vld [tilespmem:s4+$0xFFFFFE0E]  }
0x9c: {  	v5 =	vadd.s32 v6, v5;
	v6 =	vld [tilespmem:s4+$0xFFFFFF0F]  }
0x9d: {  	v5 =	vadd.s32 v7, v5;
	v7 =	vld [tilespmem:s4+$0x10]  }
0x9e: {  	v5 =	vadd.s32 v8, v5;
	v8 =	vld [tilespmem:s4+$0x111]  }
0x9f: {  	v5 =	vadd.s32 v9, v5;
	v9 =	vld [tilespmem:s4+$0x212]  }
0xa0: {  	v5 =	vadd.s32 v10, v5;
	v10 =	vld [tilespmem:s4+$0x313]  }
0xa1: {  	v5 =	vadd.s32 v6, v5;
	v6 =	vld [tilespmem:s4+$0x414]  }
0xa2: {  	v5 =	vadd.s32 v7, v5;
	v7 =	vld [tilespmem:s4+$0x515]  }
0xa3: {  	v5 =	vadd.s32 v8, v5;
	v8 =	vld [tilespmem:s4+$0x616]  }
0xa4: {  	v5 =	vadd.s32 v9, v5;
	v9 =	vld [tilespmem:s4+$0x717]  }
0xa5: {  	v11 =	vld [tilespmem:s4+$0xFFFFF8F9];
	v5 =	vadd.s32 v10, v5  }
0xa6: {  	v10 =	vld [tilespmem:s4+$0xFFFFF7F8];
	v5 =	vadd.s32 v6, v5  }
0xa7: {  	v6 =	vld [tilespmem:s4+$0xFFFFF9FA];
	v5 =	vadd.s32 v7, v5  }
0xa8: {  	v7 =	vld [tilespmem:s4+$0xFFFFFAFB];
	v5 =	vadd.s32 v8, v5  }
0xa9: {  	s17 =	sadd.s32 $0x20, s17;
	v8 =	vld [tilespmem:s4+$0xFFFFFBFC];
	v5 =	vadd.s32 v9, v5  }
0xaa: {  	s20 =	simm.s32 $0x0;
	v9 =	vld [tilespmem:s4+$0xFFFFFCFD];
	[tilespmem:s17+$0x0] =	vst v5  }
0xab: {  	v5 =	vadd.s32 v10, v11;
	v10 =	vld [tilespmem:s4+$0xFFFFFDFE]  }
0xac: {  	v5 =	vadd.s32 v6, v5;
	v6 =	vld [tilespmem:s4+$0xFFFFFEFF]  }
0xad: {  	v5 =	vadd.s32 v7, v5;
	v7 =	vld [tilespmem:s4+$0x0]  }
0xae: {  	v5 =	vadd.s32 v8, v5;
	v8 =	vld [tilespmem:s4+$0x101]  }
0xaf: {  	v5 =	vadd.s32 v9, v5;
	v9 =	vld [tilespmem:s4+$0x202]  }
.Ltmp6:
0xb0: {  	v10 =	vadd.s32 v10, v5;
	v5 =	vld [tilespmem:s4+$0x303];
	(pc) =	sbr.rel @p0 .LBB2_7-.Ltmp6, $4  }
0xb1: {  	v10 =	vadd.s32 v6, v10;
	v6 =	vld [tilespmem:s4+$0x404]  }
0xb2: {  	v10 =	vadd.s32 v7, v10;
	v7 =	vld [tilespmem:s4+$0x505]  }
0xb3: {  	v10 =	vadd.s32 v8, v10;
	v8 =	vld [tilespmem:s4+$0x606]  }
0xb4: {  	v10 =	vadd.s32 v9, v10;
	v9 =	vld [tilespmem:s4+$0x707];
	s4 =	sadd.s32 $0x20, s4  }
0xb5: {  	v5 =	vadd.s32 v5, v10  }
0xb6: {  	v5 =	vadd.s32 v6, v5  }
0xb7: {  	v5 =	vadd.s32 v7, v5  }
0xb8: {  	v5 =	vadd.s32 v8, v5  }
0xb9: {  	v5 =	vadd.s32 v9, v5  }
0xba: {  	[tilespmem:s17+$0xFFFFFFF0] =	vst v5  }
0xbb: {  	v5 =	vld [tilespmem:s0+$0x0];
	_ =	sdelay $0x4  }
0xbc: {  	(xrf0) =	vadd.scan.msk.s32 $0xffff, v5;
	_ =	sdelay $0x5  }
0xbd: {  	v5, _, _ =	vpop (xrf0)  }
0xbe: {  	s25 =	simm.s32 $0x19160;
	(v2sf) =	vpush v5, $0xF  }
0xbf: {  	v5 =	vld [tilespmem:s25+$0x0]  }
0xc0: {  	s26 =	simm.s32 $0x19150  }
0xc1: {  	v6 =	vld [tilespmem:s26+$0x0];
	_ =	sdelay $0x2  }
0xc2: {  	(xrf0) =	vadd.scan.msk.s32 $0xffff, v5;
	_ =	sdelay $0x1  }
0xc3: {  	(xrf0) =	vadd.scan.msk.s32 $0xffff, v6;
	_ =	sdelay $0x2  }
0xc4: {  	s29 =	simm.s32 $0x19140  }
0xc5: {  	v7 =	vld [tilespmem:s29+$0x0];
	v6, _, _ =	vpop (xrf0)  }
0xc6: {  	(v2sf) =	vpush v6, $0xF  }
0xc7: {  	v6, _, _ =	vpop (xrf0)  }
0xc8: {  	s31 =	spop (v2sf);
	(v2sf) =	vpush v6, $0xF;
	_ =	sdelay $0x1  }
0xc9: {  	s30 =	simm.s32 $0x19130;
	(xrf0) =	vadd.scan.msk.s32 $0xffff, v7  }
0xca: {  	v5 =	vld [tilespmem:s30+$0x0];
	_ =	sdelay $0x1  }
0xcb: {  	s22 =	simm.s32 $0xE;
	s2 =	simm.s32 $0xC;
	s4 =	simm.s32 $0xB  }
0xcc: {  	s16 =	simm.s32 $0xA;
	s8 =	simm.s32 $0x19120;
	p1 =	por $0x1, $0x1  }
0xcd: {  	s7 =	simm.s32 $0x0;
	s23 =	simm.s32 $0x0;
	s0 =	sadd.s32 $0x0, s31  }
0xce: {  	s21 =	simm.s32 $0x0;
	s17 =	simm.s32 $0xD;
	(xrf0) =	vadd.scan.msk.s32 $0xffff, v5;
	v5, _, _ =	vpop (xrf0);
	p2 =	sgt.s32 s0, $0x3F  }
.LBB2_9:
0xcf: {  	p0 =	sne.s32 s16, $0x0;
	p1 =	por !p1, !p2;
	s9 =	smov.u32 s4  }
0xd0: {  	v6 =	vld [tilespmem:s8+$0x0];
	(v2sf) =	vpush v5, $0xF;
	s4 =	smov.u32 s16;
	s16 =	sadd.s32 $0xFFFFFFFF, s16;
	s24 =	smov.u32 s7  }
.Ltmp7:
0xd1: {  	s7 =	smov.u32 s0;
	p1 =	por !p1, !p1;
	(pc) =	sbr.rel @p0 .LBB2_9-.Ltmp7, $4  }
0xd2: {  	s20 =	smov.u32 @p1 s19;
	s23 =	simm.s32 @p1 $0x1;
	s19 =	smov.u32 s22  }
0xd3: {  	s21 =	smov.u32 @p1 s24;
	s22 =	smov.u32 s17;
	s25 =	spop (v2sf)  }
0xd4: {  	s17 =	smov.u32 s2;
	s2 =	smov.u32 s9;
	s0 =	sadd.s32 s0, s25  }
0xd5: {  	s8 =	sadd.s32 $0xFFFFFFF0, s8;
	p1 =	seq.s32 s23, $0x0;
	(xrf0) =	vadd.scan.msk.s32 $0xffff, v6;
	v5, _, _ =	vpop (xrf0);
	p2 =	sgt.s32 s0, $0x3F  }
0xd6: {  	_ =	sdelay $0x1  }
0xd7: {  	(v2sf) =	vpush v5, $0xF;
	_ =	sdelay $0x2  }
0xd8: {  	v5, _, _ =	vpop (xrf0)  }
0xd9: {  	(v2sf) =	vpush v5, $0xF;
	_ =	sdelay $0x1  }
0xda: {  	p0 =	por !p1, !p2  }
0xdb: {  	s8 =	spop (v2sf);
	p0 =	por !p0, !p0  }
0xdc: {  	s8 =	sadd.s32 s0, s8;
	s23 =	simm.s32 @p0 $0x1  }
0xdd: {  	p3 =	sgt.s32 s8, $0x3F;
	p2 =	seq.s32 s23, $0x0  }
0xde: {  	p1 =	por !p2, !p3  }
0xdf: {  	p1 =	por !p1, !p1;
	s9 =	spop (v2sf)  }
0xe0: {  	s23 =	simm.s32 @p1 $0x1;
	s9 =	sadd.s32 s8, s9  }
0xe1: {  	p4 =	seq.s32 s23, $0x0;
	p3 =	sgt.s32 s9, $0x3F  }
0xe2: {  	p2 =	por !p4, !p3  }
0xe3: {  	p2 =	por !p2, !p2;
	s16 =	spop (v2sf)  }
0xe4: {  	s23 =	simm.s32 @p2 $0x1;
	s16 =	sadd.s32 s9, s16  }
0xe5: {  	p5 =	seq.s32 s23, $0x0;
	p4 =	sgt.s32 s16, $0x3F  }
0xe6: {  	p3 =	por !p5, !p4  }
0xe7: {  	p3 =	por !p3, !p3;
	s24 =	spop (v2sf)  }
0xe8: {  	s20 =	smov.u32 @p0 s19;
	s23 =	simm.s32 @p3 $0x1;
	s6 =	sadd.s32 s16, s24  }
0xe9: {  	s20 =	smov.u32 @p1 s22;
	p6 =	seq.s32 s23, $0x0;
	p5 =	sgt.s32 s6, $0x3F  }
0xea: {  	s20 =	smov.u32 @p2 s17;
	p4 =	por !p6, !p5  }
0xeb: {  	s20 =	smov.u32 @p3 s2;
	p4 =	por !p4, !p4  }
0xec: {  	s20 =	smov.u32 @p4 s4  }
0xed: {  	s19 =	sshll.u32 s20, $0x4  }
0xee: {  	v5 =	vld [tilespmem:s19+$0x19080];
	_ =	sdelay $0x4  }
0xef: {  	v5 =	vperm.xlane v5, v4;
	_ =	sdelay $0x1  }
0xf0: {  	(xrf0) =	vadd.scan.msk.s32 $0xffff, v5;
	_ =	sdelay $0x1  }
0xf1: {  	s21 =	smov.u32 @p0 s7  }
0xf2: {  	s21 =	smov.u32 @p1 s0  }
0xf3: {  	s21 =	smov.u32 @p2 s8  }
0xf4: {  	s21 =	smov.u32 @p3 s9  }
0xf5: {  	s21 =	smov.u32 @p4 s16;
	v6, _, _ =	vpop (xrf0)  }
0xf6: {  	v7 =	vadd.s32 s21, v6  }
0xf7: {  	vm0 =	vgt.s32 v7, $0x3F  }
0xf8: {  	v6 =	vsel vm0, $0x1, v1  }
0xf9: {  	(xrf0) =	vadd.scan.msk.s32 $0xffff, v6;
	_ =	sdelay $0x5  }
0xfa: {  	v6, _, _ =	vpop (xrf0)  }
0xfb: {  	vm1 =	veq.s32 v6, $0x1  }
0xfc: {  	v6 =	vimm.s32 $0x0;
	vm0 =	vmand vm0, vm1  }
0xfd: {  	v6 =	vsel vm0, $0xFFFFFFFF, v6  }
0xfe: {  	[tilespmem:$0x1FFF0] =	vst v6;
	v6 =	vnsel vm0, $0x0, v0  }
0xff: {  	(xrf0) =	vadd.scan.msk.s32 $0xffff, v6;
	_ =	sdelay $0x5  }
0x100: {  	v6, _, _ =	vpop (xrf0)  }
0x101: {  	(v2sf) =	vpush v6, $0xF;
	_ =	sdelay $0x3  }
0x102: {  	s22 =	simm.s32 $0x80  }
0x103: {  	v9 =	vld [tilespmem:s22+$0x40]  }
0x104: {  	v10 =	vld [tilespmem:s22+$0x70]  }
0x105: {  	v11 =	vld [tilespmem:s22+$0x30]  }
0x106: {  	v12 =	vld [tilespmem:s22+$0x10]  }
0x107: {  	v14 =	vld [tilespmem:s22+$0x50]  }
0x108: {  	v25 =	vld [tilespmem:s22+$0xFFFFFF90]  }
0x109: {  	v6 =	vld [tilespmem:s22+$0xFFFFFF80]  }
0x10a: {  	s25 =	simm.s32 $0xE0;
	s26 =	simm.s32 $0x50;
	v15 =	vld [tilespmem:s22+$0x20]  }
0x10b: {  	v20 =	vimm.s32 $0x0;
	s29 =	simm.s32 $0x0;
	s30 =	simm.s32 $0x10;
	v8 =	vor.u32 s25, v0;
	v23 =	vor.u32 s26, v0;
	s24 =	simm.s32 $0x70;
	v16 =	vld [tilespmem:s22+$0xFFFFFFF0]  }
0x10c: {  	v43 =	vor.u32 s29, v0;
	v46 =	vor.u32 s30, v0;
	v17 =	vor.u32 s24, v0;
	v27 =	vld [tilespmem:s22+$0xFFFFFFD0]  }
0x10d: {  	s4 =	sshllo.u32 s20, $0x4;
	v29 =	vld [tilespmem:s22+$0xFFFFFFA0];
	v10 =	vand.u32 $0x7FFFFFFF, v10;
	v11 =	vand.u32 $0x7FFFFFFF, v11;
	v18 =	vand.u32 $0x7FFFFFFF, v9;
	s23 =	spop (v2sf)  }
0x10e: {  	v19 =	vand.u32 $0x7FFFFFFF, v14;
	v25 =	vand.u32 $0x7FFFFFFF, v25;
	v26 =	vand.u32 $0x7FFFFFFF, v6;
	s19 =	ssub.s32 s4, s23  }
0x10f: {  	v14 =	vshrl.u32 v10, $0x17;
	v13 =	vshrl.u32 v26, $0x17;
	v6 =	vmov s19  }
0x110: {  	v21 =	vld [tilespmem:s22+$0xFFFFFFB0];
	vm0 =	vge.s32 v13, v6;
	v13 =	vand.u32 $0x7FFFFFFF, v12;
	v12 =	vand.u32 $0x7FFFFFFF, v15  }
0x111: {  	v15 =	vand.u32 $0x7FFFFFFF, v16;
	v16 =	vand.u32 $0x7FFFFFFF, v27;
	vm15 =	vge.s32 v14, v6  }
0x112: {  	v14 =	vand.u32 $0x7FFFFFFF, v29;
	v22 =	vsel vm0, $0x1, v1;
	v24 =	vmpcnt.ones.xlane vm0  }
0x113: {  	v9 =	vshrl.u32 v13, $0x17;
	v28 =	vshrl.u32 v12, $0x17;
	v30 =	vshrl.u32 v15, $0x17  }
0x114: {  	v35 =	vsel vm15, $0x1, v1;
	v33 =	vshrl.u32 v14, $0x17;
	vm9 =	vge.s32 v9, v6  }
0x115: {  	vm4 =	vge.s32 v28, v6;
	v9 =	vand.u32 $0x7FFFFFFF, v21;
	v21 =	vshrl.u32 v25, $0x17  }
0x116: {  	(xrf0) =	vadd.scan.msk.s32 $0xffff, v22;
	vm1 =	vge.s32 v33, v6;
	vm13 =	vge.s32 v30, v6;
	v28 =	vadd.s32 v20, v24  }
0x117: {  	v32 =	vsel vm4, $0x1, v1;
	v24 =	vshrl.u32 v19, $0x17;
	v27 =	vshrl.u32 v9, $0x17  }
0x118: {  	vm2 =	vge.s32 v21, v6;
	v21 =	vld [tilespmem:s22+$0xFFFFFFC0];
	v38 =	vsel vm9, $0x1, v1;
	vm6 =	vge.s32 v24, v6  }
0x119: {  	v45 =	vmpcnt.ones.xlane vm4;
	v33 =	vmpcnt.ones.xlane vm1;
	(xrf0) =	vadd.scan.msk.s32 $0xffff, v32;
	v29 =	vsel vm6, $0x1, v1  }
0x11a: {  	v40 =	vsel vm1, $0x1, v1;
	v30 =	vsel vm13, $0x1, v1;
	v63 =	vmpcnt.ones.xlane vm9;
	(xrf0) =	vadd.scan.msk.s32 $0xffff, v29  }
0x11b: {  	v24 =	vmpcnt.ones.xlane vm2;
	vm10 =	vge.s32 v27, v6;
	v27 =	vshrl.u32 v11, $0x17  }
0x11c: {  	v34 =	vld [tilespmem:s22+$0xFFFFFFE0];
	v37 =	vsel vm2, $0x1, v1;
	v36 =	vmpcnt.ones.xlane vm10;
	v39 =	vsel vm10, $0x1, v1;
	v31, _, _ =	vpop (xrf0)  }
0x11d: {  	(xrf0) =	vadd.scan.msk.s32 $0xffff, v37;
	v31 =	vsub.s32 v31, v22;
	v22 =	vand.u32 $0x7FFFFFFF, v21;
	v21 =	vshrl.u32 v16, $0x17  }
0x11e: {  	vm5 =	vge.s32 v27, v6;
	v27 =	vshrl.u32 v18, $0x17;
	v50 =	vmpcnt.ones.xlane vm6;
	(xrf0) =	vadd.scan.msk.s32 $0xffff, v39  }
0x11f: {  	v52 =	vld [tilespmem:s22+$0x60];
	v24 =	vadd.s32 v28, v24;
	v41 =	vsel vm5, $0x1, v1;
	vm11 =	vge.s32 v27, v6;
	v42, _, _ =	vpop (xrf0)  }
0x120: {  	v27 =	vld [tilespmem:s22+$0x0];
	v49 =	vmpcnt.ones.xlane vm5;
	v53 =	vmpcnt.ones.xlane vm11;
	vm3 =	vge.s32 v21, v6;
	(xrf0) =	vadd.scan.msk.s32 $0xffff, v41;
	v21, _, _ =	vpop (xrf0)  }
0x121: {  	v47 =	vadd.s32 v20, v31;
	(xrf0) =	vadd.scan.msk.s32 $0xffff, v38;
	v51 =	vsub.s32 v21, v29;
	v21 =	vand.u32 $0x7FFFFFFF, v34  }
0x122: {  	v20 =	vshrl.u32 v22, $0x17;
	v44 =	vsel vm3, $0x1, v1;
	v29 =	vshrl.u32 v21, $0x17  }
0x123: {  	vm12 =	vge.s32 v20, v6;
	v31, _, _ =	vpop (xrf0);
	(xrf0) =	vadd.scan.msk.s32 $0xffff, v44;
	vm8 =	vge.s32 v29, v6;
	v29 =	vsel vm11, $0x1, v1  }
0x124: {  	v20 =	vand.u32 $0x7FFFFFFF, v52;
	v56, _, _ =	vpop (xrf0);
	v37 =	vsub.s32 v31, v37;
	v48 =	vsel vm8, $0x1, v1;
	(xrf0) =	vadd.scan.msk.s32 $0xffff, v29  }
0x125: {  	v27 =	vand.u32 $0x7FFFFFFF, v27;
	v60 =	vshrl.u32 v20, $0x17;
	v28 =	vadd.s32 v28, v37;
	(xrf0) =	vadd.scan.msk.s32 $0xffff, v48  }
0x126: {  	v62 =	vmpcnt.ones.xlane vm3;
	v58 =	vshrl.u32 v27, $0x17;
	vm7 =	vge.s32 v60, v6;
	v57, _, _ =	vpop (xrf0)  }
0x127: {  	v55 =	vmpcnt.ones.xlane vm12;
	vm14 =	vge.s32 v58, v6;
	v58 =	vsel vm7, $0x1, v1;
	v59, _, _ =	vpop (xrf0);
	(xrf0) =	vadd.scan.msk.s32 $0xffff, v40  }
0x128: {  	[tilespmem:v47+s12+$0x0] =	vst.idx.msk vm0, v43;
	v31 =	vsub.s32 v57, v41;
	v41 =	vadd.s32 v24, v33;
	(xrf0) =	vadd.scan.msk.s32 $0xffff, v30  }
0x129: {  	v34 =	vsub.s32 v56, v39;
	v39 =	vsel vm12, $0x1, v1;
	[tilespmem:v47+s13+$0x0] =	vst.idx.msk vm0, v26;
	v33 =	vadd.s32 v41, v36;
	v37, _, _ =	vpop (xrf0)  }
0x12a: {  	s31 =	simm.s32 $0x90;
	v54 =	vmpcnt.ones.xlane vm8;
	vm0 =	vmmov vm15;
	v55 =	vadd.s32 v33, v55;
	[tilespmem:v28+s12+$0x0] =	vst.idx.msk vm2, v46;
	v61, _, _ =	vpop (xrf0)  }
0x12b: {  	v26 =	vor.u32 s31, v0;
	[tilespmem:v28+s13+$0x0] =	vst.idx.msk vm2, v25;
	v25 =	vadd.s32 v55, v62;
	v52 =	vsub.s32 v61, v29;
	v29, _, _ =	vpop (xrf0)  }
0x12c: {  	v57 =	vmpcnt.ones.xlane vm14;
	(xrf0) =	vadd.scan.msk.s32 $0xffff, v35;
	v56 =	vsub.s32 v29, v48;
	v29 =	vmpcnt.ones.xlane vm13  }
0x12d: {  	v28 =	vsub.s32 v37, v44;
	v60 =	vadd.s32 v25, v54;
	(xrf0) =	vadd.scan.msk.s32 $0xffff, v58;
	v61 =	vsub.s32 v42, v32;
	v32, _, _ =	vpop (xrf0)  }
0x12e: {  	v37 =	vadd.s32 v55, v28;
	(xrf0) =	vadd.scan.msk.s32 $0xffff, v39;
	v28 =	vadd.s32 v25, v56;
	v25, _, _ =	vpop (xrf0);
	v42 =	vadd.s32 v60, v29  }
0x12f: {  	v38 =	vsub.s32 v59, v38;
	v30 =	vsub.s32 v25, v30;
	v62 =	vadd.s32 v42, v57  }
0x130: {  	v48 =	vsel vm14, $0x1, v1;
	v29 =	vmpcnt.ones.xlane vm15;
	v36 =	vadd.s32 v62, v63  }
0x131: {  	v46 =	vadd.s32 v60, v30;
	v25 =	vadd.s32 v62, v38;
	v43 =	vadd.s32 v36, v45  }
0x132: {  	v45 =	vmpcnt.ones.xlane vm7;
	v30, _, _ =	vpop (xrf0);
	v44 =	vadd.s32 v36, v61;
	v63 =	vadd.s32 v43, v49  }
0x133: {  	s0 =	simm.s32 $0xA0;
	s17 =	simm.s32 $0xF0;
	v38 =	vsub.s32 v30, v35;
	v30, _, _ =	vpop (xrf0);
	v49 =	vadd.s32 v63, v52;
	v36 =	vadd.s32 v63, v53  }
0x134: {  	s20 =	simm.s32 $0x0;
	s21 =	simm.s32 $0x1F0;
	s22 =	simm.s32 $0x180;
	(xrf0) =	vadd.scan.msk.s32 $0xffff, v48;
	v47 =	vadd.s32 v36, v51;
	v35 =	vadd.s32 v36, v50;
	v36 =	vsub.s32 v30, v58;
	v50, _, _ =	vpop (xrf0)  }
.LBB2_11:
0x135: {  	_ = 	snop  }
0x136: {  	[tilespmem:v37+s12+$0x0] =	vst.idx.msk vm3, v23  }
0x137: {  	v23 =	vor.u32 s0, v0;
	vm2 =	vmmov vm9;
	v61 =	vimm.s32 $0x0;
	[tilespmem:v46+s12+$0x0] =	vst.idx.msk vm13, v17  }
0x138: {  	v30 =	vld [tilespmem:s22+$0xFFFFFF80];
	v51 =	vsub.s32 v32, v40;
	s6 =	sadd.s32 $0xFFFFFFD0, s17;
	v32 =	vsel vm2, $0xFFFFFFFF, v61;
	[tilespmem:v44+s12+$0x0] =	vst.idx.msk vm4, v23  }
0x139: {  	vm9 =	vmmov vm0;
	v52 =	vld [tilespmem:s22+$0x40];
	s16 =	sadd.s32 $0xFFFFFF70, s17;
	v23 =	vor.u32 s6, v0;
	[tilespmem:$0x1FFE0] =	vst v32  }
0x13a: {  	v62 =	vimm.s32 $0x0;
	v54 =	vld [tilespmem:s22+$0x30];
	v51 =	vadd.s32 v24, v51;
	v24 =	vor.u32 s16, v0;
	[tilespmem:v49+s12+$0x0] =	vst.idx.msk vm11, v23  }
0x13b: {  	v34 =	vadd.s32 v41, v34;
	s8 =	sadd.s32 $0xFFFFFFE0, s17;
	v55 =	vld [tilespmem:s22+$0x10];
	v31 =	vadd.s32 v43, v31;
	v32 =	vsel vm9, $0xFFFFFFFF, v62;
	[tilespmem:v28+s12+$0x0] =	vst.idx.msk vm8, v24  }
0x13c: {  	s2 =	sadd.s32 $0xFFFFFF80, s21;
	s7 =	sadd.s32 $0xFFFFFF40, s17;
	vm0 =	vmmov vm10;
	v36 =	vadd.s32 v35, v36;
	v23 =	vor.u32 s8, v0;
	[tilespmem:$0x1FFD0] =	vst v32  }
0x13d: {  	v63 =	vld [tilespmem:s22+$0x70];
	s9 =	sadd.s32 $0xFFFFFF30, s17;
	s23 =	sadd.s32 $0xFFFFFF50, s17;
	s25 =	sadd.s32 $0xFFFFFFC0, s17;
	vm2 =	vmmov vm4;
	v17 =	vor.u32 s2, v0;
	v41 =	vor.u32 s7, v0;
	[tilespmem:v47+s12+$0x0] =	vst.idx.msk vm6, v23  }
0x13e: {  	s4 =	sadd.s32 $0xFFFFFFF0, s21;
	s24 =	sadd.s32 $0xFFFFFF90, s17;
	v56 =	vor.u32 s9, v0;
	v58 =	vor.u32 s23, v0;
	v59 =	vor.u32 s25, v0;
	[tilespmem:v49+s13+$0x0] =	vst.idx.msk vm11, v18  }
0x13f: {  	v62 =	vld [tilespmem:s22+$0xFFFFFFD0];
	v32 =	vor.u32 s4, v0;
	v23 =	vor.u32 s24, v0;
	[tilespmem:v28+s13+$0x0] =	vst.idx.msk vm8, v21;
	v60, _, _ =	vpop (xrf0);
	v30 =	vand.u32 $0x7FFFFFFF, v30  }
0x140: {  	v43 =	vand.u32 $0x7FFFFFFF, v55;
	v61 =	vand.u32 $0x7FFFFFFF, v54;
	[tilespmem:v31+s12+$0x0] =	vst.idx.msk vm5, v59;
	v40 =	vsub.s32 v60, v48  }
0x141: {  	v57 =	vld [tilespmem:s22+$0x50];
	v18 =	vshrl.u32 v30, $0x17;
	[tilespmem:v31+s13+$0x0] =	vst.idx.msk vm5, v11;
	v31 =	vadd.s32 v35, v45;
	v53 =	vadd.s32 v42, v40  }
0x142: {  	[tilespmem:v37+s13+$0x0] =	vst.idx.msk vm3, v16;
	v21 =	vld [tilespmem:s22+$0xFFFFFFE0];
	v11 =	vmovc v61;
	v40 =	vor.u32 s17, v0;
	vm15 =	vge.s32 v18, v6;
	v42 =	vand.u32 $0x7FFFFFFF, v63  }
0x143: {  	v18 =	vsub.s32 v50, v39;
	v50 =	vld [tilespmem:s22+$0xFFFFFFF0];
	v63 =	vshrl.u32 v43, $0x17;
	[tilespmem:v46+s13+$0x0] =	vst.idx.msk vm13, v15;
	v46 =	vadd.s32 v31, v29  }
0x144: {  	s29 =	sadd.s32 $0xFFFFFF10, s21;
	v55 =	vld [tilespmem:s22+$0xFFFFFFA0];
	[tilespmem:v51+s12+$0x0] =	vst.idx.msk vm1, v56;
	v62 =	vand.u32 $0x7FFFFFFF, v62;
	v59 =	vshrl.u32 v11, $0x17;
	v38 =	vadd.s32 v31, v38  }
0x145: {  	v60 =	vld [tilespmem:s22+$0x20];
	[tilespmem:v51+s13+$0x0] =	vst.idx.msk vm1, v14;
	v51 =	vor.u32 s29, v0;
	v39 =	vsel vm15, $0x1, v1;
	v48 =	vmpcnt.ones.xlane vm15  }
0x146: {  	[tilespmem:v47+s13+$0x0] =	vst.idx.msk vm6, v19;
	v33 =	vadd.s32 v33, v18;
	v18 =	vand.u32 $0x7FFFFFFF, v52;
	v54 =	vshrl.u32 v42, $0x17  }
0x147: {  	vm9 =	vge.s32 v63, v6;
	v16 =	vmovc v62;
	vm5 =	vge.s32 v59, v6;
	v19 =	vand.u32 $0x7FFFFFFF, v57  }
0x148: {  	(xrf0) =	vadd.scan.msk.s32 $0xffff, v39;
	v31 =	vshrl.u32 v16, $0x17;
	v21 =	vand.u32 $0x7FFFFFFF, v21;
	v48 =	vadd.s32 v46, v48  }
0x149: {  	v47 =	vld [tilespmem:s22+$0xFFFFFFB0];
	v61 =	vshrl.u32 v19, $0x17;
	vm3 =	vge.s32 v31, v6;
	v31 =	vsel vm5, $0x1, v1;
	[tilespmem:v53+s12+$0x0] =	vst.idx.msk vm14, v23  }
0x14a: {  	s26 =	sadd.s32 $0xFFFFFF60, s21;
	v49 =	vand.u32 $0x7FFFFFFF, v60;
	vm6 =	vge.s32 v61, v6;
	v61 =	vand.u32 $0x7FFFFFFF, v55;
	[tilespmem:v53+s13+$0x0] =	vst.idx.msk vm14, v27;
	v27 =	vld [tilespmem:s22+$0xFFFFFF90]  }
0x14b: {  	v37 =	vsel vm3, $0x1, v1;
	v23 =	vor.u32 s26, v0;
	v60 =	vshrl.u32 v49, $0x17  }
0x14c: {  	[tilespmem:v44+s13+$0x0] =	vst.idx.msk vm2, v12;
	v15 =	vand.u32 $0x7FFFFFFF, v50;
	v62 =	vsel vm6, $0x1, v1;
	vm4 =	vge.s32 v60, v6  }
0x14d: {  	v12 =	vmovc v49;
	v35 =	vmpcnt.ones.xlane vm6;
	v49 =	vmpcnt.ones.xlane vm5;
	[tilespmem:v33+s12+$0x0] =	vst.idx.msk vm12, v58;
	v29 =	vsel vm4, $0x1, v1  }
0x14e: {  	v50 =	vshrl.u32 v15, $0x17;
	[tilespmem:v33+s13+$0x0] =	vst.idx.msk vm12, v22;
	vm12 =	vge.s32 v54, v6;
	v52, _, _ =	vpop (xrf0);
	(xrf0) =	vadd.scan.msk.s32 $0xffff, v29  }
0x14f: {  	[tilespmem:v34+s12+$0x0] =	vst.idx.msk vm0, v41;
	v55 =	vld [tilespmem:s22+$0x0];
	v44 =	vmpcnt.ones.xlane vm4;
	v45 =	vand.u32 $0x7FFFFFFF, v27;
	v27 =	vand.u32 $0x7FFFFFFF, v47  }
0x150: {  	[tilespmem:v34+s13+$0x0] =	vst.idx.msk vm0, v9;
	v22 =	vld [tilespmem:s22+$0xFFFFFFC0];
	v63 =	vshrl.u32 v45, $0x17;
	v57 =	vshrl.u32 v27, $0x17;
	v9 =	vmovc v27;
	v27 =	vshrl.u32 v21, $0x17  }
0x151: {  	vm2 =	vge.s32 v63, v6;
	v63 =	vshrl.u32 v61, $0x17;
	vm8 =	vge.s32 v27, v6;
	v27 =	vld [tilespmem:$0x1FFD0]  }
0x152: {  	(xrf0) =	vadd.scan.msk.s32 $0xffff, v62;
	vm10 =	vge.s32 v57, v6;
	v28 =	vsel vm2, $0x1, v1;
	vm1 =	vge.s32 v63, v6;
	v63 =	vld [tilespmem:$0x1FFE0]  }
0x153: {  	vm0 =	vmmov vm12;
	v39 =	vsub.s32 v52, v39;
	v53 =	vsel vm10, $0x1, v1;
	(xrf0) =	vadd.scan.msk.s32 $0xffff, v28  }
0x154: {  	s30 =	sadd.s32 $0xFFFFFF20, s21;
	v52 =	vsel vm9, $0x1, v1;
	v47 =	vsel vm12, $0x1, v1;
	v60 =	vmpcnt.ones.xlane vm2;
	v54, _, _ =	vpop (xrf0);
	(xrf0) =	vadd.scan.msk.s32 $0xffff, v53  }
0x155: {  	v22 =	vand.u32 $0x7FFFFFFF, v22;
	v57 =	vadd.s32 v46, v39;
	v46 =	vor.u32 s30, v0;
	(xrf0) =	vadd.scan.msk.s32 $0xffff, v31  }
0x156: {  	v33 =	vmpcnt.ones.xlane vm10;
	v24 =	vadd.s32 v48, v60;
	vm13 =	vnez.u8 v27  }
0x157: {  	v14 =	vmovc v61;
	v60 =	vshrl.u32 v18, $0x17;
	v27 =	vand.u32 $0x7FFFFFFF, v55;
	v55 =	vld [tilespmem:s22+$0x60];
	vm12 =	vnez.u8 v63  }
0x158: {  	v39 =	vshrl.u32 v22, $0x17;
	v61, _, _ =	vpop (xrf0);
	v59 =	vmpcnt.ones.xlane vm1;
	vm11 =	vge.s32 v60, v6;
	(xrf0) =	vadd.scan.msk.s32 $0xffff, v52  }
0x159: {  	v54 =	vsub.s32 v54, v29;
	v29 =	vmpcnt.ones.xlane vm0;
	v58 =	vsel vm11, $0x1, v1;
	v41, _, _ =	vpop (xrf0);
	(xrf0) =	vadd.scan.msk.s32 $0xffff, v37  }
0x15a: {  	v56 =	vsub.s32 v61, v62;
	v60 =	vsel vm8, $0x1, v1;
	[tilespmem:v36+s12+$0x0] =	vst.idx.msk vm7, v8;
	v62, _, _ =	vpop (xrf0);
	(xrf0) =	vadd.scan.msk.s32 $0xffff, v58  }
0x15b: {  	[tilespmem:v36+s13+$0x0] =	vst.idx.msk vm7, v20;
	v63 =	vmpcnt.ones.xlane vm3;
	v34 =	vsub.s32 v62, v53;
	(xrf0) =	vadd.scan.msk.s32 $0xffff, v60;
	v61, _, _ =	vpop (xrf0)  }
0x15c: {  	v53 =	vmpcnt.ones.xlane vm11;
	v20 =	vand.u32 $0x7FFFFFFF, v55;
	[tilespmem:v38+s12+$0x0] =	vst.idx.msk vm13, v40;
	v31 =	vsub.s32 v61, v31  }
0x15d: {  	v40 =	vsel vm1, $0x1, v1;
	[tilespmem:v25+s12+$0x0] =	vst.idx.msk vm12, v26;
	v26 =	vsub.s32 v41, v28;
	v41 =	vadd.s32 v24, v59  }
0x15e: {  	[tilespmem:v38+s13+$0x0] =	vst.idx.msk vm13, v10;
	v10 =	vshrl.u32 v27, $0x17;
	v28, _, _ =	vpop (xrf0);
	vm13 =	vge.s32 v50, v6;
	v26 =	vadd.s32 v48, v26  }
0x15f: {  	[tilespmem:v25+s13+$0x0] =	vst.idx.msk vm12, v13;
	vm12 =	vge.s32 v39, v6;
	v25 =	vmpcnt.ones.xlane vm8;
	v38 =	vsub.s32 v28, v52;
	v28, _, _ =	vpop (xrf0)  }
0x160: {  	vm14 =	vge.s32 v10, v6;
	v33 =	vadd.s32 v41, v33;
	v36 =	vsel vm13, $0x1, v1;
	(xrf0) =	vadd.scan.msk.s32 $0xffff, v40;
	v8, _, _ =	vpop (xrf0)  }
0x161: {  	v10 =	vshrl.u32 v20, $0x17;
	v59 =	vmpcnt.ones.xlane vm12;
	v50 =	vsub.s32 v8, v58;
	v8, _, _ =	vpop (xrf0);
	(xrf0) =	vadd.scan.msk.s32 $0xffff, v36  }
0x162: {  	[tilespmem:v57+s12+$0x0] =	vst.idx.msk vm15, v51;
	v39 =	vsel vm12, $0x1, v1;
	v62 =	vmpcnt.ones.xlane vm14;
	vm7 =	vge.s32 v10, v6  }
0x163: {  	v61 =	vadd.s32 v33, v59;
	v59 =	vsel vm7, $0x1, v1;
	v52 =	vsub.s32 v8, v60;
	[tilespmem:v26+s12+$0x0] =	vst.idx.msk vm2, v46  }
0x164: {  	v60 =	vmpcnt.ones.xlane vm13;
	(xrf0) =	vadd.scan.msk.s32 $0xffff, v47;
	[tilespmem:v26+s13+$0x0] =	vst.idx.msk vm2, v45;
	v26 =	vadd.s32 v61, v63  }
0x165: {  	v48 =	vsel vm14, $0x1, v1;
	v28 =	vsub.s32 v28, v37;
	v10 =	vmovc v42;
	(xrf0) =	vadd.scan.msk.s32 $0xffff, v59;
	v46 =	vadd.s32 v26, v25  }
0x166: {  	s20 =	sadd.s32 $0x10, s20;
	v8 =	vmov v32;
	v63 =	vmpcnt.ones.xlane vm9;
	v32, _, _ =	vpop (xrf0);
	(xrf0) =	vadd.scan.msk.s32 $0xffff, v39;
	v42 =	vadd.s32 v46, v60  }
0x167: {  	p0 =	slt.u32 s20, $0x7F0;
	v37 =	vadd.s32 v61, v28;
	v28 =	vadd.s32 v26, v52;
	v26 =	vadd.s32 v42, v62;
	v25, _, _ =	vpop (xrf0)  }
.Ltmp8:
0x168: {  	s31 =	sadd.s32 $0xFFFFFFA0, s21;
	[tilespmem:v57+s13+$0x0] =	vst.idx.msk vm15, v30;
	v45 =	vmpcnt.ones.xlane vm7;
	v60 =	vsub.s32 v25, v36;
	v61 =	vadd.s32 v26, v63;
	(pc) =	sbr.rel @p0 .LBB2_11-.Ltmp8, $4  }
0x169: {  	v13 =	vmovc v43;
	v25 =	vadd.s32 v26, v38;
	v26 =	vor.u32 s31, v0;
	v43 =	vadd.s32 v61, v44  }
0x16a: {  	v62, _, _ =	vpop (xrf0);
	v46 =	vadd.s32 v46, v60;
	v44 =	vadd.s32 v61, v54;
	v30 =	vadd.s32 v43, v49  }
0x16b: {  	s17 =	smov.u32 s21;
	v38 =	vsub.s32 v62, v47;
	v63, _, _ =	vpop (xrf0);
	v49 =	vadd.s32 v30, v50;
	v30 =	vadd.s32 v30, v53  }
0x16c: {  	s21 =	sadd.s32 $0x100, s21;
	s0 =	sadd.s32 $0xFFFFFFB0, s17;
	s22 =	sadd.s32 $0x100, s22;
	(xrf0) =	vadd.scan.msk.s32 $0xffff, v48;
	v36 =	vsub.s32 v63, v59;
	v50, _, _ =	vpop (xrf0);
	v47 =	vadd.s32 v30, v56;
	v35 =	vadd.s32 v30, v35  }
0x16d: {  	_ =	sdelay $0x4  }
0x16e: {  	[tilespmem:v37+s12+$0x0] =	vst.idx.msk vm3, v23  }
0x16f: {  	[tilespmem:v46+s12+$0x0] =	vst.idx.msk vm13, v17  }
0x170: {  	v30 =	vor.u32 s0, v0;
	[tilespmem:v25+s12+$0x0] =	vst.idx.msk vm9, v26  }
0x171: {  	[tilespmem:v44+s12+$0x0] =	vst.idx.msk vm4, v30  }
0x172: {  	[tilespmem:v46+s13+$0x0] =	vst.idx.msk vm13, v15  }
0x173: {  	v51 =	vadd.s32 v43, v31;
	[tilespmem:v37+s13+$0x0] =	vst.idx.msk vm3, v16  }
0x174: {  	s26 =	sadd.s32 $0xFFFFFF70, s17;
	v57 =	vadd.s32 v41, v34;
	[tilespmem:v25+s13+$0x0] =	vst.idx.msk vm9, v13  }
0x175: {  	v58 =	vor.u32 s26, v0;
	[tilespmem:v44+s13+$0x0] =	vst.idx.msk vm4, v12  }
0x176: {  	s24 =	sadd.s32 $0xFFFFFFC0, s17;
	[tilespmem:v28+s12+$0x0] =	vst.idx.msk vm8, v58  }
0x177: {  	v53 =	vsub.s32 v50, v39;
	s30 =	sadd.s32 $0xFFFFFF40, s17;
	v55 =	vor.u32 s24, v0;
	[tilespmem:v28+s13+$0x0] =	vst.idx.msk vm8, v21  }
0x178: {  	v54 =	vadd.s32 v33, v53;
	v62 =	vor.u32 s30, v0;
	[tilespmem:v51+s12+$0x0] =	vst.idx.msk vm5, v55  }
0x179: {  	[tilespmem:v57+s12+$0x0] =	vst.idx.msk vm10, v62  }
0x17a: {  	s22 =	sadd.s32 $0xFFFFFFE0, s17;
	v63, _, _ =	vpop (xrf0);
	[tilespmem:v51+s13+$0x0] =	vst.idx.msk vm5, v11  }
0x17b: {  	s25 =	sadd.s32 $0xFFFFFF50, s17;
	v23 =	vsub.s32 v63, v48;
	v48 =	vor.u32 s22, v0;
	[tilespmem:v57+s13+$0x0] =	vst.idx.msk vm10, v9  }
0x17c: {  	s21 =	sadd.s32 $0xFFFFFFD0, s17;
	v11 =	vor.u32 s25, v0;
	[tilespmem:v47+s12+$0x0] =	vst.idx.msk vm6, v48  }
0x17d: {  	v63 =	vadd.s32 v35, v36;
	v23 =	vadd.s32 v42, v23;
	v42 =	vor.u32 s21, v0;
	[tilespmem:v54+s12+$0x0] =	vst.idx.msk vm12, v11  }
0x17e: {  	v56 =	vsub.s32 v32, v40;
	[tilespmem:v49+s12+$0x0] =	vst.idx.msk vm11, v42  }
0x17f: {  	v11 =	vadd.s32 v24, v56;
	[tilespmem:v47+s13+$0x0] =	vst.idx.msk vm6, v19  }
0x180: {  	[tilespmem:v54+s13+$0x0] =	vst.idx.msk vm12, v22  }
0x181: {  	s23 =	sadd.s32 $0xFFFFFF90, s17;
	[tilespmem:v49+s13+$0x0] =	vst.idx.msk vm11, v18  }
0x182: {  	s29 =	sadd.s32 $0xFFFFFF30, s17;
	v59 =	vadd.s32 v35, v45;
	v52 =	vor.u32 s23, v0;
	vm6 =	vmmov vm0;
	[tilespmem:v63+s12+$0x0] =	vst.idx.msk vm7, v8  }
0x183: {  	v60 =	vor.u32 s29, v0;
	v61 =	vadd.s32 v59, v38;
	[tilespmem:v23+s12+$0x0] =	vst.idx.msk vm14, v52  }
0x184: {  	[tilespmem:v11+s12+$0x0] =	vst.idx.msk vm1, v60  }
0x185: {  	[tilespmem:v63+s13+$0x0] =	vst.idx.msk vm7, v20  }
0x186: {  	[tilespmem:v11+s13+$0x0] =	vst.idx.msk vm1, v14;
	v11 =	vor.u32 s17, v0;
	s17 =	sadd.s32 $0x1, s18  }
0x187: {  	[tilespmem:v23+s13+$0x0] =	vst.idx.msk vm14, v27;
	p0 =	slt.s32 s17, $0x3;
	s0 =	smov.u32 s17  }
0x188: {  	[tilespmem:v61+s12+$0x0] =	vst.idx.msk vm6, v11;
	s0 =	simm.s32 @!p0 $0x3  }
0x189: {  	[tilespmem:v61+s13+$0x0] =	vst.idx.msk vm6, v10;
	s0 =	sor.u32 s3, s0  }
0x18a: {  	s1 =	rddreg [dreg:$0x4];
	s0 =	sshll.u32 s0, $0x4  }
0x18b: {  	s31 =	simm.s32 $0x80;
	s2 =	simm.s32 $0x400;
	s0 =	sadd.s32 s0, s1  }
0x18c: {  	[tilespmem:s28], [sflag:$0x1] =	stream.strided.gather [hbm4b:s0+s31], $0x8000, s2, s31, $0x38;
	[tilespmem:$0x19200] =	vst v63  }
0x18d: {  	s0 =	simm.s32 $0x18040  }
0x18e: {  	[tilespmem:s0+$0xFFFFFFC0] =	vst v1  }
0x18f: {  	[tilespmem:s0+$0x30] =	vst v1  }
0x190: {  	[tilespmem:s0+$0x20] =	vst v1  }
0x191: {  	[tilespmem:s0+$0x10] =	vst v1  }
0x192: {  	[tilespmem:s0+$0x0] =	vst v1  }
0x193: {  	vm2 =	vmmov vm10;
	vm15 =	vmmov vm9;
	[tilespmem:s0+$0xFFFFFFF0] =	vst v1  }
0x194: {  	vm11 =	vmmov vm4;
	vm0 =	vmmov vm6;
	v8 =	vadd.s32 v59, v29;
	s2 =	simm.s32 $0x0;
	[tilespmem:s0+$0xFFFFFFE0] =	vst v1  }
.LBB2_13:
0x195: {  	s2 =	sadd.s32 $0x8, s2;
	[tilespmem:s0+$0xFFFFFFD0] =	vst v1;
	s0 =	sadd.s32 $0x80, s0  }
0x196: {  	[tilespmem:s0+$0xFFFFFFC0] =	vst v1;
	p0 =	slt.u32 s2, $0xF8  }
0x197: {  	[tilespmem:s0+$0x30] =	vst v1  }
.Ltmp9:
0x198: {  	[tilespmem:s0+$0x20] =	vst v1;
	(pc) =	sbr.rel @p0 .LBB2_13-.Ltmp9, $4  }
0x199: {  	[tilespmem:s0+$0x10] =	vst v1  }
0x19a: {  	[tilespmem:s0+$0x0] =	vst v1  }
0x19b: {  	[tilespmem:s0+$0xFFFFFFF0] =	vst v1  }
0x19c: {  	[tilespmem:s0+$0xFFFFFFE0] =	vst v1  }
0x19d: {  	v9 =	vld [tilespmem:$0x1FFF0];
	_ =	sdelay $0x4  }
0x19e: {  	vm0 =	vnez.u8 v9  }
0x19f: {  	v7 =	vnsel vm0, $0x0, v7  }
0x1a0: {  	v5 =	vnsel vm0, $0x0, v5;
	(xrf0) =	vadd.scan.msk.s32 $0xffff, v7  }
0x1a1: {  	(xrf0) =	vadd.scan.msk.s32 $0xffff, v5;
	_ =	sdelay $0x4  }
0x1a2: {  	v5, _, _ =	vpop (xrf0)  }
0x1a3: {  	(v2sf) =	vpush v5, $0xF;
	v5, _, _ =	vpop (xrf0)  }
0x1a4: {  	(v2sf) =	vpush v5, $0xF  }
0x1a5: {  	(v2sf) =	vpush v8, $0x0;
	_ =	sdelay $0xc  }
0x1a6: {  	s22 =	spop (v2sf)  }
0x1a7: {  	s24 =	spop (v2sf)  }
0x1a8: {  	s2 =	spop (v2sf)  }
0x1a9: {  	s2 =	sadd.s32 $0xF, s2  }
0x1aa: {  	s20 =	sshra.s32 s2, $0x4  }
0x1ab: {  	s2 =	sshrl.u32 s20, $0x1E  }
0x1ac: {  	s2 =	sadd.s32 s2, s20  }
0x1ad: {  	s21 =	sand.u32 $0xFFFFFFFC, s2  }
0x1ae: {  	p0 =	slt.s32 s21, $0x1  }
.Ltmp10:
0x1af: {  	_ = 	snop;
	(pc) =	sbr.rel @p0 .LBB2_18-.Ltmp10, $3  }
0x1b0: {  	_ =	sdelay $0x1  }
0x1b1: {  	[tilespmem:s0+$0xFFFFFFD0] =	vst v1  }
0x1b2: {  	[tilespmem:$0x19000] =	vst v1;
	v5 =	vbroadcast v8, $0x0  }
0x1b3: {  	s2 =	simm.s32 $0x10020  }
0x1b4: {  	v9 =	vld [tilespmem:s2+$0x10];
	_ =	sdelay $0x1  }
0x1b5: {  	v10 =	vld [tilespmem:s2+$0xFFFFFFE0]  }
0x1b6: {  	s0 =	simm.s32 $0x0;
	v12 =	vld [tilespmem:s2+$0xFFFFFFF0]  }
0x1b7: {  	s4 =	simm.s32 $0x10;
	s30 =	simm.s32 $0x30;
	v7 =	vor.u32 s0, v0;
	v14 =	vld [tilespmem:s2+$0x0]  }
0x1b8: {  	p1 =	sgt.s32 s21, $0x4;
	v8 =	vor.u32 s4, v0;
	v11 =	vor.u32 s30, v0;
	v13 =	vshra.s32 v9, $0x17  }
.Ltmp11:
0x1b9: {  	vm0 =	vlt.s32 v11, v5;
	v9 =	vshrl.u32 v9, $0xF;
	vm1 =	veq.s32 v13, v6;
	(pc) =	sbr.rel @!p1 .LBB2_17-.Ltmp11, $4  }
0x1ba: {  	v15 =	vshra.s32 v10, $0x17;
	v9 =	vand.u32 $0xFF, v9;
	vm0 =	vmand vm0, vm1  }
0x1bb: {  	v11 =	vshrl.u32 v10, $0xF;
	v16 =	vshra.s32 v12, $0x17;
	v9 =	vadd.s32 v2, v9  }
0x1bc: {  	s31 =	simm.s32 $0x20;
	v10 =	vshrl.u32 v14, $0xF;
	v13 =	vshrl.u32 v12, $0xF;
	v12 =	vshra.s32 v14, $0x17  }
0x1bd: {  	s2 =	simm.s32 $0x4;
	s4 =	simm.s32 $0x10060;
	vm2 =	veq.s32 v15, v6;
	vm3 =	veq.s32 v16, v6;
	v14 =	vor.u32 s31, v0  }
.LBB2_16:
0x1be: {  	v15 =	vld [tilespmem:s4+$0x10];
	s2 =	sadd.s32 $0x4, s2;
	v11 =	vand.u32 $0xFF, v11;
	v13 =	vand.u32 $0xFF, v13;
	vm1 =	veq.s32 v12, v6  }
0x1bf: {  	vm4 =	vlt.s32 v8, v5;
	vm5 =	vlt.s32 v14, v5;
	v8 =	vand.u32 $0xFF, v10;
	v12 =	vld [tilespmem:s4+$0xFFFFFFE0];
	p1 =	slt.s32 s2, s21  }
0x1c0: {  	vm6 =	vlt.s32 v7, v5;
	vm3 =	vmand vm4, vm3;
	vm1 =	vmand vm5, vm1;
	[tilespmem:v9+s11+$0x0] =	vst.idx.add.s32.msk vm0, v3  }
0x1c1: {  	s0 =	sadd.s32 $0x40, s0;
	vm2 =	vmand vm6, vm2;
	v14 =	vadd.s32 v2, v11;
	v13 =	vadd.s32 v2, v13;
	v10 =	vld [tilespmem:s4+$0xFFFFFFF0]  }
0x1c2: {  	v7 =	vor.u32 s0, v0;
	s7 =	sadd.s32 $0x10, s0;
	s8 =	sadd.s32 $0x20, s0;
	s9 =	sadd.s32 $0x30, s0;
	v17 =	vadd.s32 v2, v8;
	v16 =	vld [tilespmem:s4+$0x0]  }
0x1c3: {  	v8 =	vor.u32 s7, v0;
	v9 =	vor.u32 s9, v0;
	v11 =	vshra.s32 v15, $0x17  }
.Ltmp12:
0x1c4: {  	vm0 =	vlt.s32 v9, v5;
	v9 =	vshrl.u32 v15, $0xF;
	vm4 =	veq.s32 v11, v6;
	(pc) =	sbr.rel @p1 .LBB2_16-.Ltmp12, $4  }
0x1c5: {  	v15 =	vshra.s32 v12, $0x17;
	v9 =	vand.u32 $0xFF, v9;
	vm0 =	vmand vm0, vm4  }
0x1c6: {  	v11 =	vshrl.u32 v12, $0xF;
	v9 =	vadd.s32 v2, v9;
	v18 =	vshra.s32 v10, $0x17;
	[tilespmem:v13+s11+$0x0] =	vst.idx.add.s32.msk vm3, v3  }
0x1c7: {  	v13 =	vshrl.u32 v10, $0xF;
	v12 =	vshra.s32 v16, $0x17;
	v10 =	vshrl.u32 v16, $0xF;
	[tilespmem:v14+s11+$0x0] =	vst.idx.add.s32.msk vm2, v3  }
0x1c8: {  	s4 =	sadd.s32 $0x40, s4;
	vm2 =	veq.s32 v15, v6;
	vm3 =	veq.s32 v18, v6;
	v14 =	vor.u32 s8, v0;
	[tilespmem:v17+s11+$0x0] =	vst.idx.add.s32.msk vm1, v3  }
.LBB2_17:
0x1c9: {  	v11 =	vand.u32 $0xFF, v11;
	v13 =	vand.u32 $0xFF, v13;
	vm1 =	vlt.s32 v8, v5  }
0x1ca: {  	vm4 =	veq.s32 v12, v6;
	vm5 =	vlt.s32 v7, v5;
	vm1 =	vmand vm1, vm3  }
0x1cb: {  	vm15 =	vlt.s32 v14, v5;
	vm2 =	vmand vm5, vm2;
	v7 =	vadd.s32 v2, v13  }
0x1cc: {  	v8 =	vand.u32 $0xFF, v10;
	vm3 =	vmand vm15, vm4;
	v63 =	vadd.s32 v2, v11  }
0x1cd: {  	v8 =	vadd.s32 v2, v8;
	_ =	sdelay $0x1  }
0x1ce: {  	[tilespmem:v9+s11+$0x0] =	vst.idx.add.s32.msk vm0, v3  }
0x1cf: {  	[tilespmem:v7+s11+$0x0] =	vst.idx.add.s32.msk vm1, v3  }
0x1d0: {  	[tilespmem:v63+s11+$0x0] =	vst.idx.add.s32.msk vm2, v3  }
0x1d1: {  	[tilespmem:v8+s11+$0x0] =	vst.idx.add.s32.msk vm3, v3  }
.LBB2_18:
0x1d2: {  	s23 =	ssub.s32 s20, s21  }
0x1d3: {  	p1 =	sgt.s32 s23, $0x0  }
.Ltmp13:
0x1d4: {  	_ = 	snop;
	(pc) =	sbr.rel @!p1 .LBB2_19-.Ltmp13, $3  }
0x1d5: {  	_ =	sdelay $0x1  }
0x1d6: {  	s0 =	sshll.u32 s20, $0x6;
	s2 =	sshll.u32 s23, $0x6  }
0x1d7: {  	s25 =	sshll.u32 s20, $0x4;
	s26 =	ssub.s32 s0, s2  }
0x1d8: {  	s0 =	sshra.s32 s26, $0x2;
	s2 =	sshll.u32 s23, $0x4  }
0x1d9: {  	s4 =	smov.u32 s21;
	s0 =	sadd.s32 $0x10000, s0;
	s2 =	ssub.s32 s25, s2  }
.LBB2_45:
0x1da: {  	v7 =	vld [tilespmem:s0+$0x0];
	_ =	sdelay $0x4  }
0x1db: {  	v8 =	vor.u32 s2, v0;
	v9 =	vshra.s32 v7, $0x17  }
0x1dc: {  	vm0 =	vlt.s32 v8, v5;
	v7 =	vshrl.u32 v7, $0xF;
	vm1 =	veq.s32 v9, v6  }
0x1dd: {  	s4 =	sadd.s32 $0x1, s4;
	v7 =	vand.u32 $0xFF, v7;
	vm0 =	vmand vm0, vm1  }
0x1de: {  	p1 =	slt.s32 s4, s20;
	v7 =	vadd.s32 v2, v7  }
.Ltmp14:
0x1df: {  	_ = 	snop;
	(pc) =	sbr.rel @p1 .LBB2_45-.Ltmp14, $2  }
0x1e0: {  	_ =	sdelay $0x2  }
0x1e1: {  	s0 =	sadd.s32 $0x10, s0;
	s2 =	sadd.s32 $0x10, s2;
	[tilespmem:v7+s11+$0x0] =	vst.idx.add.s32.msk vm0, v3  }
.LBB2_19:
0x1e2: {  	s31 =	simm.s32 $0x18808  }
0x1e3: {  	v6 =	vld [tilespmem:s31+$0xFFFFF808]  }
0x1e4: {  	v7 =	vld [tilespmem:s31+$0xFFFFF909]  }
0x1e5: {  	v8 =	vld [tilespmem:s31+$0xFFFFFA0A]  }
0x1e6: {  	v9 =	vld [tilespmem:s31+$0xFFFFFB0B]  }
0x1e7: {  	v10 =	vld [tilespmem:s31+$0xFFFFFC0C]  }
0x1e8: {  	v11 =	vld [tilespmem:s31+$0xFFFFFD0D]  }
0x1e9: {  	v12 =	vld [tilespmem:s31+$0xFFFFFE0E]  }
0x1ea: {  	v13 =	vld [tilespmem:s31+$0xFFFFFF0F]  }
0x1eb: {  	v14 =	vld [tilespmem:s31+$0x10]  }
0x1ec: {  	v15 =	vld [tilespmem:s31+$0x111]  }
0x1ed: {  	v16 =	vld [tilespmem:s31+$0x212]  }
0x1ee: {  	v17 =	vld [tilespmem:s31+$0x313]  }
0x1ef: {  	v18 =	vld [tilespmem:s31+$0x414]  }
0x1f0: {  	v19 =	vld [tilespmem:s31+$0x515]  }
0x1f1: {  	v20 =	vld [tilespmem:s31+$0x616]  }
0x1f2: {  	v21 =	vld [tilespmem:s31+$0x717]  }
0x1f3: {  	v6 =	vadd.s32 v6, v7;
	v7 =	vld [tilespmem:s31+$0xFFFFF8F9]  }
0x1f4: {  	v6 =	vadd.s32 v8, v6;
	v8 =	vld [tilespmem:s31+$0xFFFFF7F8]  }
0x1f5: {  	v6 =	vadd.s32 v9, v6;
	v9 =	vld [tilespmem:s31+$0xFFFFF9FA]  }
0x1f6: {  	v6 =	vadd.s32 v10, v6;
	v10 =	vld [tilespmem:s31+$0xFFFFFAFB]  }
0x1f7: {  	v6 =	vadd.s32 v11, v6;
	v11 =	vld [tilespmem:s31+$0xFFFFFBFC]  }
0x1f8: {  	v61 =	vld [tilespmem:s31+$0xFFFFFCFD];
	v6 =	vadd.s32 v12, v6  }
0x1f9: {  	v6 =	vadd.s32 v13, v6;
	v7 =	vadd.s32 v8, v7;
	v8 =	vld [tilespmem:s31+$0xFFFFFDFE]  }
0x1fa: {  	v6 =	vadd.s32 v14, v6;
	v7 =	vadd.s32 v9, v7;
	v9 =	vld [tilespmem:s31+$0xFFFFFEFF]  }
0x1fb: {  	v6 =	vadd.s32 v15, v6;
	v7 =	vadd.s32 v10, v7;
	v10 =	vld [tilespmem:s31+$0x0]  }
0x1fc: {  	v6 =	vadd.s32 v16, v6;
	v7 =	vadd.s32 v11, v7;
	v11 =	vld [tilespmem:s31+$0x101]  }
0x1fd: {  	v62 =	vld [tilespmem:s31+$0x202];
	v6 =	vadd.s32 v17, v6;
	v7 =	vadd.s32 v61, v7  }
0x1fe: {  	v63 =	vadd.s32 v18, v6;
	v7 =	vadd.s32 v8, v7;
	v6 =	vld [tilespmem:s31+$0x303]  }
0x1ff: {  	v8 =	vadd.s32 v19, v63;
	v9 =	vadd.s32 v9, v7;
	v7 =	vld [tilespmem:s31+$0x404]  }
0x200: {  	s0 =	sadd.s32 s3, s18;
	v13 =	vadd.s32 v20, v8;
	v9 =	vadd.s32 v10, v9;
	v8 =	vld [tilespmem:s31+$0x505]  }
0x201: {  	s30 =	ssub.s32 s24, s22;
	s28 =	simm.s32 $0x19090;
	s2 =	simm.s32 $0x0;
	v10 =	vadd.s32 v21, v13;
	v11 =	vadd.s32 v11, v9;
	v9 =	vld [tilespmem:s31+$0x606]  }
0x202: {  	s4 =	simm.s32 $0x18828;
	s18 =	sshll.u32 s0, $0x4;
	s22 =	sadd.s32 $0x40, s30;
	[tilespmem:s28+$0x0] =	vst v10;
	v11 =	vadd.s32 v62, v11;
	v10 =	vld [tilespmem:s31+$0x707]  }
.LBB2_20:
0x203: {  	v12 =	vld [tilespmem:s4+$0xFFFFF808];
	v6 =	vadd.s32 v6, v11  }
0x204: {  	s2 =	sadd.s32 $0x2, s2;
	v11 =	vld [tilespmem:s4+$0xFFFFF909];
	v6 =	vadd.s32 v7, v6  }
0x205: {  	p1 =	slt.u32 s2, $0xE;
	v7 =	vld [tilespmem:s4+$0xFFFFFA0A];
	v6 =	vadd.s32 v8, v6  }
0x206: {  	v8 =	vld [tilespmem:s4+$0xFFFFFB0B];
	v6 =	vadd.s32 v9, v6  }
0x207: {  	v9 =	vld [tilespmem:s4+$0xFFFFFC0C];
	v6 =	vadd.s32 v10, v6  }
0x208: {  	v10 =	vld [tilespmem:s4+$0xFFFFFD0D];
	[tilespmem:s28+$0xFFFFFFF0] =	vst v6  }
0x209: {  	v6 =	vadd.s32 v12, v11;
	v11 =	vld [tilespmem:s4+$0xFFFFFE0E]  }
0x20a: {  	v6 =	vadd.s32 v7, v6;
	v7 =	vld [tilespmem:s4+$0xFFFFFF0F]  }
0x20b: {  	v6 =	vadd.s32 v8, v6;
	v8 =	vld [tilespmem:s4+$0x10]  }
0x20c: {  	v6 =	vadd.s32 v9, v6;
	v9 =	vld [tilespmem:s4+$0x111]  }
0x20d: {  	v6 =	vadd.s32 v10, v6;
	v10 =	vld [tilespmem:s4+$0x212]  }
0x20e: {  	v6 =	vadd.s32 v11, v6;
	v11 =	vld [tilespmem:s4+$0x313]  }
0x20f: {  	v6 =	vadd.s32 v7, v6;
	v7 =	vld [tilespmem:s4+$0x414]  }
0x210: {  	v6 =	vadd.s32 v8, v6;
	v8 =	vld [tilespmem:s4+$0x515]  }
0x211: {  	v6 =	vadd.s32 v9, v6;
	v9 =	vld [tilespmem:s4+$0x616]  }
0x212: {  	v6 =	vadd.s32 v10, v6;
	v10 =	vld [tilespmem:s4+$0x717]  }
0x213: {  	v12 =	vld [tilespmem:s4+$0xFFFFF8F9];
	v6 =	vadd.s32 v11, v6  }
0x214: {  	v11 =	vld [tilespmem:s4+$0xFFFFF7F8];
	v6 =	vadd.s32 v7, v6  }
0x215: {  	v7 =	vld [tilespmem:s4+$0xFFFFF9FA];
	v6 =	vadd.s32 v8, v6  }
0x216: {  	v8 =	vld [tilespmem:s4+$0xFFFFFAFB];
	v6 =	vadd.s32 v9, v6  }
0x217: {  	s28 =	sadd.s32 $0x20, s28;
	v9 =	vld [tilespmem:s4+$0xFFFFFBFC];
	v6 =	vadd.s32 v10, v6  }
0x218: {  	s24 =	simm.s32 $0x0;
	s0 =	simm.s32 $0xF;
	s7 =	simm.s32 $0x19170;
	v10 =	vld [tilespmem:s4+$0xFFFFFCFD];
	[tilespmem:s28+$0x0] =	vst v6  }
0x219: {  	v6 =	vadd.s32 v11, v12;
	v11 =	vld [tilespmem:s4+$0xFFFFFDFE]  }
0x21a: {  	v6 =	vadd.s32 v7, v6;
	v7 =	vld [tilespmem:s4+$0xFFFFFEFF]  }
0x21b: {  	v6 =	vadd.s32 v8, v6;
	v8 =	vld [tilespmem:s4+$0x0]  }
0x21c: {  	v6 =	vadd.s32 v9, v6;
	v9 =	vld [tilespmem:s4+$0x101]  }
0x21d: {  	v6 =	vadd.s32 v10, v6;
	v10 =	vld [tilespmem:s4+$0x202]  }
.Ltmp15:
0x21e: {  	v11 =	vadd.s32 v11, v6;
	v6 =	vld [tilespmem:s4+$0x303];
	(pc) =	sbr.rel @p1 .LBB2_20-.Ltmp15, $4  }
0x21f: {  	v11 =	vadd.s32 v7, v11;
	v7 =	vld [tilespmem:s4+$0x404]  }
0x220: {  	v11 =	vadd.s32 v8, v11;
	v8 =	vld [tilespmem:s4+$0x505]  }
0x221: {  	v11 =	vadd.s32 v9, v11;
	v9 =	vld [tilespmem:s4+$0x606]  }
0x222: {  	v11 =	vadd.s32 v10, v11;
	v10 =	vld [tilespmem:s4+$0x707];
	s4 =	sadd.s32 $0x20, s4  }
0x223: {  	v6 =	vadd.s32 v6, v11  }
0x224: {  	v6 =	vadd.s32 v7, v6  }
0x225: {  	v6 =	vadd.s32 v8, v6  }
0x226: {  	v6 =	vadd.s32 v9, v6  }
0x227: {  	v6 =	vadd.s32 v10, v6  }
0x228: {  	[tilespmem:s28+$0xFFFFFFF0] =	vst v6  }
0x229: {  	v6 =	vld [tilespmem:s7+$0x0];
	_ =	sdelay $0x4  }
0x22a: {  	(xrf0) =	vadd.scan.msk.s32 $0xffff, v6;
	_ =	sdelay $0x5  }
0x22b: {  	v6, _, _ =	vpop (xrf0)  }
0x22c: {  	s2 =	simm.s32 $0x19160;
	(v2sf) =	vpush v6, $0xF  }
0x22d: {  	v6 =	vld [tilespmem:s2+$0x0]  }
0x22e: {  	s7 =	simm.s32 $0x19150  }
0x22f: {  	v7 =	vld [tilespmem:s7+$0x0];
	_ =	sdelay $0x2  }
0x230: {  	(xrf0) =	vadd.scan.msk.s32 $0xffff, v6;
	_ =	sdelay $0x1  }
0x231: {  	(xrf0) =	vadd.scan.msk.s32 $0xffff, v7;
	_ =	sdelay $0x2  }
0x232: {  	s8 =	simm.s32 $0x19140  }
0x233: {  	v8 =	vld [tilespmem:s8+$0x0];
	v7, _, _ =	vpop (xrf0)  }
0x234: {  	(v2sf) =	vpush v7, $0xF  }
0x235: {  	v7, _, _ =	vpop (xrf0)  }
0x236: {  	s16 =	spop (v2sf);
	(v2sf) =	vpush v7, $0xF;
	_ =	sdelay $0x1  }
0x237: {  	s9 =	simm.s32 $0x19130;
	(xrf0) =	vadd.scan.msk.s32 $0xffff, v8  }
0x238: {  	v6 =	vld [tilespmem:s9+$0x0];
	_ =	sdelay $0x1  }
0x239: {  	s31 =	simm.s32 $0xE;
	s29 =	simm.s32 $0xD;
	s4 =	simm.s32 $0xC  }
0x23a: {  	p2 =	por $0x1, $0x1;
	s30 =	simm.s32 $0x0;
	s28 =	simm.s32 $0xB  }
0x23b: {  	s8 =	simm.s32 $0xA;
	s7 =	simm.s32 $0x0;
	s2 =	sadd.s32 $0x0, s16  }
0x23c: {  	s9 =	simm.s32 $0x19120;
	(xrf0) =	vadd.scan.msk.s32 $0xffff, v6;
	v6, _, _ =	vpop (xrf0);
	s16 =	simm.s32 $0x0;
	p3 =	sge.s32 s2, s22  }
.LBB2_22:
0x23d: {  	p1 =	sne.s32 s8, $0x0;
	p2 =	por !p2, !p3;
	s5 =	smov.u32 s28  }
0x23e: {  	v7 =	vld [tilespmem:s9+$0x0];
	(v2sf) =	vpush v6, $0xF;
	s28 =	smov.u32 s8;
	s8 =	sadd.s32 $0xFFFFFFFF, s8;
	s6 =	smov.u32 s7  }
.Ltmp16:
0x23f: {  	s7 =	smov.u32 s2;
	p2 =	por !p2, !p2;
	(pc) =	sbr.rel @p1 .LBB2_22-.Ltmp16, $4  }
0x240: {  	s24 =	smov.u32 @p2 s0;
	s16 =	simm.s32 @p2 $0x1;
	s0 =	smov.u32 s31  }
0x241: {  	s30 =	smov.u32 @p2 s6;
	s31 =	smov.u32 s29;
	s1 =	spop (v2sf)  }
0x242: {  	s29 =	smov.u32 s4;
	s4 =	smov.u32 s5;
	s2 =	sadd.s32 s2, s1  }
0x243: {  	s9 =	sadd.s32 $0xFFFFFFF0, s9;
	p2 =	seq.s32 s16, $0x0;
	(xrf0) =	vadd.scan.msk.s32 $0xffff, v7;
	v6, _, _ =	vpop (xrf0);
	p3 =	sge.s32 s2, s22  }
0x244: {  	_ =	sdelay $0x1  }
0x245: {  	(v2sf) =	vpush v6, $0xF;
	_ =	sdelay $0x2  }
0x246: {  	v6, _, _ =	vpop (xrf0)  }
0x247: {  	(v2sf) =	vpush v6, $0xF;
	_ =	sdelay $0x1  }
0x248: {  	p1 =	por !p2, !p3  }
0x249: {  	s1 =	spop (v2sf);
	p1 =	por !p1, !p1  }
0x24a: {  	s1 =	sadd.s32 s2, s1;
	s16 =	simm.s32 @p1 $0x1  }
0x24b: {  	p4 =	sge.s32 s1, s22;
	p3 =	seq.s32 s16, $0x0  }
0x24c: {  	p2 =	por !p3, !p4  }
0x24d: {  	p2 =	por !p2, !p2;
	s5 =	spop (v2sf)  }
0x24e: {  	s16 =	simm.s32 @p2 $0x1;
	s5 =	sadd.s32 s1, s5  }
0x24f: {  	p5 =	seq.s32 s16, $0x0;
	p4 =	sge.s32 s5, s22  }
0x250: {  	p3 =	por !p5, !p4  }
0x251: {  	p3 =	por !p3, !p3;
	s6 =	spop (v2sf)  }
0x252: {  	s16 =	simm.s32 @p3 $0x1;
	s6 =	sadd.s32 s5, s6  }
0x253: {  	p6 =	seq.s32 s16, $0x0;
	p5 =	sge.s32 s6, s22  }
0x254: {  	p4 =	por !p6, !p5  }
0x255: {  	p4 =	por !p4, !p4;
	s8 =	spop (v2sf)  }
0x256: {  	s24 =	smov.u32 @p1 s0;
	s16 =	simm.s32 @p4 $0x1;
	s8 =	sadd.s32 s6, s8  }
0x257: {  	s24 =	smov.u32 @p2 s31;
	p5 =	seq.s32 s16, $0x0;
	p6 =	sge.s32 s8, s22  }
0x258: {  	s24 =	smov.u32 @p3 s29;
	p5 =	por !p5, !p6  }
0x259: {  	s24 =	smov.u32 @p4 s4;
	p5 =	por !p5, !p5  }
0x25a: {  	s24 =	smov.u32 @p5 s28  }
0x25b: {  	s9 =	sshll.u32 s24, $0x4  }
0x25c: {  	v6 =	vld [tilespmem:s9+$0x19080];
	_ =	sdelay $0x4  }
0x25d: {  	v6 =	vperm.xlane v6, v4;
	_ =	sdelay $0x1  }
0x25e: {  	(xrf0) =	vadd.scan.msk.s32 $0xffff, v6;
	_ =	sdelay $0x1  }
0x25f: {  	s30 =	smov.u32 @p1 s7  }
0x260: {  	s30 =	smov.u32 @p2 s2  }
0x261: {  	s30 =	smov.u32 @p3 s1  }
0x262: {  	s30 =	smov.u32 @p4 s5  }
0x263: {  	s30 =	smov.u32 @p5 s6;
	v7, _, _ =	vpop (xrf0)  }
0x264: {  	v7 =	vadd.s32 s30, v7  }
0x265: {  	vm0 =	vge.s32 v7, s22  }
0x266: {  	v8 =	vsel vm0, $0x1, v1  }
0x267: {  	(xrf0) =	vadd.scan.msk.s32 $0xffff, v8;
	_ =	sdelay $0x5  }
0x268: {  	v8, _, _ =	vpop (xrf0)  }
0x269: {  	vm1 =	veq.s32 v8, $0x1  }
0x26a: {  	vm0 =	vmand vm0, vm1  }
0x26b: {  	v7 =	vnsel vm0, $0x0, v7  }
0x26c: {  	v6 =	vnsel vm0, $0x0, v6;
	(xrf0) =	vadd.scan.msk.s32 $0xffff, v7  }
0x26d: {  	(xrf0) =	vadd.scan.msk.s32 $0xffff, v6;
	v6 =	vnsel vm0, $0x0, v0  }
0x26e: {  	(xrf0) =	vadd.scan.msk.s32 $0xffff, v6;
	_ =	sdelay $0x3  }
0x26f: {  	v6, _, _ =	vpop (xrf0)  }
0x270: {  	v7, _, _ =	vpop (xrf0);
	(v2sf) =	vpush v6, $0xF  }
0x271: {  	(v2sf) =	vpush v7, $0xF;
	v6, _, _ =	vpop (xrf0)  }
0x272: {  	(v2sf) =	vpush v6, $0xF;
	_ =	sdelay $0xc  }
0x273: {  	s28 =	spop (v2sf)  }
.Ltmp17:
0x274: {  	s29 =	spop (v2sf);
	(pc) =	sbr.rel @p0 .LBB2_24-.Ltmp17, $4  }
0x275: {  	s30 =	sshllo.u32 s24, $0x4;
	s16 =	spop (v2sf)  }
0x276: {  	s31 =	sshll.u32 s19, $0x8;
	s0 =	ssub.s32 s30, s16  }
0x277: {  	s24 =	sor.u32 s31, s0  }
0x278: {  	v6 =	vmov s24  }
0x279: {  	s0 =	simm.s32 $0x10020  }
0x27a: {  	v9 =	vld [tilespmem:s0+$0xFFFFFFE0]  }
0x27b: {  	v8 =	vld [tilespmem:s0+$0xFFFFFFF0]  }
0x27c: {  	s2 =	simm.s32 $0x0;
	v13 =	vld [tilespmem:s0+$0x0]  }
0x27d: {  	s1 =	simm.s32 $0x10;
	v11 =	vor.u32 s2, v0;
	v7 =	vld [tilespmem:s0+$0x10]  }
0x27e: {  	v10 =	vimm.s32 $0x0;
	s30 =	simm.s32 $0x20;
	s31 =	simm.s32 $0x30;
	p2 =	sgt.s32 s21, $0x4;
	vm0 =	vlt.s32 v11, v5;
	v11 =	vor.u32 s1, v0  }
.Ltmp18:
0x27f: {  	v12 =	vor.u32 s31, v0;
	vm1 =	vlt.s32 v11, v5;
	v11 =	vor.u32 s30, v0;
	(pc) =	sbr.rel @!p2 .LBB2_47-.Ltmp18, $4  }
0x280: {  	vm5 =	vlt.s32 v12, v5;
	vm6 =	vlt.s32 v11, v5;
	v14 =	vshra.s32 v9, $0xF  }
0x281: {  	v11 =	vshra.s32 v8, $0xF;
	v12 =	vshra.s32 v13, $0xF;
	vm2 =	vge.s32 v14, v6  }
0x282: {  	v27 =	vshra.s32 v7, $0xF;
	vm8 =	vmand vm0, vm2;
	vm0 =	vge.s32 v11, v6  }
0x283: {  	s19 =	simm.s32 $0x8020;
	p0 =	por $0x0, $0x0;
	p1 =	por $0x0, $0x0;
	vm9 =	vge.s32 v12, v6;
	v26 =	vmpcnt.ones.xlane vm8;
	vm1 =	vmand vm1, vm0  }
0x284: {  	vm3 =	vmmov vm8  }
0x285: {  	v11 =	vmpcnt.ones.xlane vm1;
	vm7 =	vmand vm6, vm9;
	v12 =	vsel vm3, $0x1, v1  }
0x286: {  	vm0 =	vge.s32 v27, v6;
	v14 =	vsel vm1, $0x1, v1;
	v20 =	vsel vm1, $0xFFFFFFFF, v1;
	(xrf0) =	vadd.scan.msk.s32 $0xffff, v12  }
0x287: {  	vm2 =	vmmov vm1;
	v15 =	vmpcnt.ones.xlane vm7;
	vm0 =	vmand vm5, vm0  }
0x288: {  	v16 =	vsel vm7, $0x1, v1;
	v17 =	vsel vm3, $0xFFFFFFFF, v1;
	v21 =	vsel vm7, $0xFFFFFFFF, v1  }
0x289: {  	v18 =	vld [tilespmem:s19+$0xFFFFFFE0];
	s0 =	simm.s32 $0x10060;
	v12 =	vadd.s32 v10, v26;
	v19 =	vsel vm0, $0x1, v1;
	v22 =	vsel vm0, $0xFFFFFFFF, v1;
	(xrf0) =	vadd.scan.msk.s32 $0xffff, v14  }
0x28a: {  	s1 =	simm.s32 $0x40;
	v24 =	vld [tilespmem:s0+$0xFFFFFFE0];
	v10 =	vadd.s32 v17, v10;
	v14 =	vadd.s32 v12, v11;
	v11 =	vmpcnt.ones.xlane vm0  }
0x28b: {  	v17 =	vor.u32 s1, v0;
	v15 =	vadd.s32 v14, v15;
	v21 =	vadd.s32 v21, v14;
	v14 =	vld [tilespmem:s0+$0xFFFFFFF0]  }
0x28c: {  	s16 =	simm.s32 $0x50;
	v20 =	vadd.s32 v20, v12;
	(xrf0) =	vadd.scan.msk.s32 $0xffff, v16;
	v11 =	vadd.s32 v15, v11;
	v25 =	vadd.s32 v22, v15;
	v15 =	vld [tilespmem:s0+$0x10];
	v16, _, _ =	vpop (xrf0)  }
0x28d: {  	s30 =	simm.s32 $0x60;
	v12 =	vld [tilespmem:s0+$0x0];
	vm1 =	vlt.s32 v17, v5;
	v17 =	vor.u32 s16, v0;
	(xrf0) =	vadd.scan.msk.s32 $0xffff, v19;
	v10 =	vadd.s32 v16, v10  }
0x28e: {  	s31 =	simm.s32 $0x70;
	p2 =	sgt.s32 s21, $0x8;
	vm4 =	vlt.s32 v17, v5;
	v17 =	vor.u32 s30, v0  }
.Ltmp19:
0x28f: {  	vm0 =	vmmov vm0;
	vm6 =	vlt.s32 v17, v5;
	v19 =	vor.u32 s31, v0;
	v16, _, _ =	vpop (xrf0);
	(pc) =	sbr.rel @!p2 .LBB2_49-.Ltmp19, $4  }
0x290: {  	vm5 =	vlt.s32 v19, v5;
	v16 =	vadd.s32 v16, v20;
	v20 =	vshra.s32 v24, $0xF  }
0x291: {  	v19 =	vshra.s32 v14, $0xF;
	v27 =	vshra.s32 v15, $0xF;
	vm8 =	vge.s32 v20, v6  }
0x292: {  	v17, _, _ =	vpop (xrf0);
	v20 =	vshra.s32 v12, $0xF;
	vm8 =	vmand vm1, vm8;
	vm1 =	vge.s32 v19, v6;
	[tilespmem:v10+s12+$0x0] =	vst.idx.msk vm3, v18  }
0x293: {  	v23 =	vld [tilespmem:s19+$0xFFFFFFF0];
	p0 =	por $0x1, $0x1;
	vm9 =	vge.s32 v20, v6;
	v26 =	vmpcnt.ones.xlane vm8;
	vm1 =	vmand vm4, vm1;
	v18, _, _ =	vpop (xrf0);
	[tilespmem:v10+s13+$0x0] =	vst.idx.msk vm3, v9  }
0x294: {  	v9 =	vmpcnt.ones.xlane vm1;
	vm3 =	vmand vm6, vm9  }
0x295: {  	vm4 =	vge.s32 v27, v6;
	vm10 =	vmmov vm8;
	vm7 =	vmmov vm7  }
0x296: {  	v22 =	vsel vm1, $0x1, v1;
	v17 =	vadd.s32 v17, v21;
	v10 =	vsel vm10, $0x1, v1  }
0x297: {  	v19 =	vadd.s32 v11, v26;
	v20 =	vmpcnt.ones.xlane vm3;
	vm5 =	vmand vm5, vm4;
	(xrf0) =	vadd.scan.msk.s32 $0xffff, v10  }
0x298: {  	v30 =	vld [tilespmem:s19+$0x0];
	v27 =	vsel vm3, $0x1, v1;
	v26 =	vadd.s32 v19, v9;
	v9 =	vmpcnt.ones.xlane vm5  }
0x299: {  	s31 =	simm.s32 $0x100A0;
	v31 =	vld [tilespmem:s19+$0x10];
	vm4 =	vmmov vm0;
	(xrf0) =	vadd.scan.msk.s32 $0xffff, v22;
	v20 =	vadd.s32 v26, v20;
	v22 =	vsel vm10, $0xFFFFFFFF, v1  }
0x29a: {  	[tilespmem:v16+s12+$0x0] =	vst.idx.msk vm2, v23;
	v10 =	vadd.s32 v20, v9;
	v9 =	vsel vm1, $0xFFFFFFFF, v1;
	v11 =	vadd.s32 v22, v11;
	v22 =	vld [tilespmem:s31+$0x0]  }
0x29b: {  	v29 =	vsel vm5, $0x1, v1;
	v23 =	vsel vm3, $0xFFFFFFFF, v1;
	[tilespmem:v16+s13+$0x0] =	vst.idx.msk vm2, v8;
	v16 =	vadd.s32 v9, v19;
	v9 =	vld [tilespmem:s31+$0xFFFFFFE0]  }
0x29c: {  	s2 =	simm.s32 $0x80;
	v8 =	vsel vm5, $0xFFFFFFFF, v1;
	v21 =	vadd.s32 v23, v26;
	v19 =	vadd.s32 v18, v25;
	v25 =	vld [tilespmem:s31+$0x10]  }
0x29d: {  	s30 =	simm.s32 $0x8060;
	s0 =	simm.s32 $0x90;
	(xrf0) =	vadd.scan.msk.s32 $0xffff, v27;
	vm2 =	vmmov vm1;
	v23 =	vor.u32 s2, v0;
	v20 =	vadd.s32 v8, v20;
	v8 =	vld [tilespmem:s31+$0xFFFFFFF0];
	v18, _, _ =	vpop (xrf0)  }
0x29e: {  	s1 =	simm.s32 $0xB0;
	v28 =	vld [tilespmem:s30+$0xFFFFFFE0];
	vm1 =	vlt.s32 v23, v5;
	v23 =	vor.u32 s0, v0;
	(xrf0) =	vadd.scan.msk.s32 $0xffff, v29;
	v11 =	vadd.s32 v18, v11  }
0x29f: {  	p2 =	sgt.s32 s21, $0xC;
	vm0 =	vmmov vm5;
	vm9 =	vlt.s32 v23, v5;
	v23 =	vor.u32 s1, v0  }
.Ltmp20:
0x2a0: {  	s16 =	simm.s32 $0xA0;
	[tilespmem:v17+s12+$0x0] =	vst.idx.msk vm7, v30;
	vm5 =	vlt.s32 v23, v5;
	v18, _, _ =	vpop (xrf0);
	v29 =	vshra.s32 v22, $0xF;
	v26 =	vshra.s32 v9, $0xF;
	(pc) =	sbr.rel @!p2 .LBB2_51-.Ltmp20, $4  }
0x2a1: {  	[tilespmem:v17+s13+$0x0] =	vst.idx.msk vm7, v13;
	v23 =	vld [tilespmem:s30+$0xFFFFFFF0];
	v16 =	vadd.s32 v18, v16;
	v18 =	vor.u32 s16, v0;
	vm7 =	vge.s32 v26, v6  }
0x2a2: {  	[tilespmem:v19+s12+$0x0] =	vst.idx.msk vm4, v31;
	v27 =	vshra.s32 v25, $0xF;
	v13 =	vshra.s32 v8, $0xF;
	vm8 =	vmand vm1, vm7  }
0x2a3: {  	v17, _, _ =	vpop (xrf0);
	vm6 =	vlt.s32 v18, v5;
	vm1 =	vge.s32 v13, v6;
	v26 =	vmpcnt.ones.xlane vm8;
	[tilespmem:v11+s12+$0x0] =	vst.idx.msk vm10, v28  }
0x2a4: {  	s4 =	simm.s32 $0xC;
	p1 =	por $0x1, $0x1;
	s0 =	simm.s32 $0x8060;
	vm1 =	vmand vm9, vm1;
	vm9 =	vge.s32 v29, v6;
	v18, _, _ =	vpop (xrf0);
	[tilespmem:v11+s13+$0x0] =	vst.idx.msk vm10, v24;
	v11 =	vmov v10  }
.LBB2_52:
0x2a5: {  	v13 =	vmpcnt.ones.xlane vm1;
	vm11 =	vge.s32 v27, v6  }
0x2a6: {  	s4 =	sadd.s32 $0x4, s4;
	[tilespmem:v16+s12+$0x0] =	vst.idx.msk vm2, v23;
	vm10 =	vmmov vm3;
	vm3 =	vmand vm6, vm9;
	vm7 =	vmmov vm8  }
0x2a7: {  	p2 =	slt.s32 s4, s21;
	v23 =	vadd.s32 v10, v26;
	v10 =	vmpcnt.ones.xlane vm3;
	vm5 =	vmand vm5, vm11;
	[tilespmem:v16+s13+$0x0] =	vst.idx.msk vm2, v14;
	v14 =	vmovc v8  }
0x2a8: {  	v8 =	vsel vm7, $0x1, v1;
	v13 =	vadd.s32 v23, v13;
	v16 =	vmpcnt.ones.xlane vm5;
	[tilespmem:v19+s13+$0x0] =	vst.idx.msk vm4, v7;
	v7 =	vmovc v15  }
0x2a9: {  	s30 =	sadd.s32 $0x40, s30;
	v24 =	vsel vm3, $0x1, v1;
	v19 =	vsel vm1, $0x1, v1;
	v15 =	vmovc v25;
	v26 =	vadd.s32 v13, v10;
	(xrf0) =	vadd.scan.msk.s32 $0xffff, v8  }
0x2aa: {  	v25 =	vsel vm5, $0x1, v1;
	v8 =	vsel vm7, $0xFFFFFFFF, v1;
	v28 =	vld [tilespmem:s30+$0xFFFFFFE0];
	v10 =	vadd.s32 v26, v16;
	(xrf0) =	vadd.scan.msk.s32 $0xffff, v19  }
0x2ab: {  	v27 =	vsel vm5, $0xFFFFFFFF, v1;
	v16 =	vsel vm1, $0xFFFFFFFF, v1;
	v19 =	vsel vm3, $0xFFFFFFFF, v1;
	(xrf0) =	vadd.scan.msk.s32 $0xffff, v24;
	v24 =	vld [tilespmem:s0+$0x0]  }
0x2ac: {  	s31 =	sadd.s32 $0x40, s31;
	v16 =	vadd.s32 v16, v23;
	v13 =	vadd.s32 v19, v13;
	v23 =	vadd.s32 v27, v26;
	(xrf0) =	vadd.scan.msk.s32 $0xffff, v25;
	v26 =	vld [tilespmem:s0+$0x10];
	s0 =	smov.u32 s30  }
0x2ad: {  	v30 =	vadd.s32 v17, v21;
	v27 =	vadd.s32 v8, v11;
	v19 =	vadd.s32 v18, v20;
	v11 =	vmovc v10;
	v29 =	vld [tilespmem:s31+$0xFFFFFFE0]  }
0x2ae: {  	vm2 =	vmmov vm1;
	vm4 =	vmmov vm0;
	vm0 =	vmmov vm5;
	v21 =	vmovc v13;
	v20 =	vmovc v23;
	v8 =	vld [tilespmem:s31+$0xFFFFFFF0]  }
0x2af: {  	s2 =	sadd.s32 $0x40, s2;
	v13 =	vld [tilespmem:s31+$0x0];
	v17, _, _ =	vpop (xrf0)  }
0x2b0: {  	v34 =	vor.u32 s2, v0;
	s1 =	sadd.s32 $0x10, s2;
	v25 =	vld [tilespmem:s31+$0x10];
	v31 =	vadd.s32 v17, v27;
	v17, _, _ =	vpop (xrf0)  }
0x2b1: {  	s5 =	sadd.s32 $0x30, s2;
	v33 =	vor.u32 s1, v0;
	s1 =	sadd.s32 $0x20, s2;
	vm1 =	vlt.s32 v34, v5;
	v16 =	vadd.s32 v17, v16;
	v17, _, _ =	vpop (xrf0)  }
.Ltmp21:
0x2b2: {  	v32 =	vor.u32 s5, v0;
	vm9 =	vlt.s32 v33, v5;
	v27 =	vor.u32 s1, v0;
	v23 =	vld [tilespmem:s30+$0xFFFFFFF0];
	v18, _, _ =	vpop (xrf0);
	[tilespmem:v30+s12+$0x0] =	vst.idx.msk vm10, v24;
	(pc) =	sbr.rel @p2 .LBB2_52-.Ltmp21, $4  }
0x2b3: {  	vm5 =	vlt.s32 v32, v5;
	vm6 =	vlt.s32 v27, v5;
	v24 =	vshra.s32 v29, $0xF;
	[tilespmem:v30+s13+$0x0] =	vst.idx.msk vm10, v12  }
0x2b4: {  	vm8 =	vge.s32 v24, v6;
	v24 =	vshra.s32 v8, $0xF;
	v12 =	vmovc v22;
	v30 =	vshra.s32 v13, $0xF;
	[tilespmem:v19+s12+$0x0] =	vst.idx.msk vm4, v26  }
0x2b5: {  	vm8 =	vmand vm1, vm8;
	vm1 =	vge.s32 v24, v6;
	v22 =	vmovc v13;
	v27 =	vshra.s32 v25, $0xF;
	[tilespmem:v31+s12+$0x0] =	vst.idx.msk vm7, v28  }
0x2b6: {  	v26 =	vmpcnt.ones.xlane vm8;
	vm1 =	vmand vm9, vm1;
	vm9 =	vge.s32 v30, v6;
	[tilespmem:v31+s13+$0x0] =	vst.idx.msk vm7, v9;
	v9 =	vmovc v29  }
0x2b7: {  	v29 =	vmov v7;
	vm7 =	vmmov vm3;
	v30 =	vmov v14  }
0x2b8: {  	v28 =	vmovc v15;
	v7 =	vmovc v25;
	v25 =	vmov v20;
	v20 =	vmov v12;
	v13 =	vmov v22  }
.LBB2_54:
0x2b9: {  	vm3 =	vmmov vm8  }
0x2ba: {  	v12 =	vsel vm3, $0x1, v1  }
0x2bb: {  	(xrf0) =	vadd.scan.msk.s32 $0xffff, v12  }
0x2bc: {  	v46 =	vsel vm1, $0x1, v1  }
0x2bd: {  	vm6 =	vmand vm6, vm9;
	(xrf0) =	vadd.scan.msk.s32 $0xffff, v46  }
0x2be: {  	v47 =	vmpcnt.ones.xlane vm1;
	vm7 =	vmmov @p0 vm7;
	v14 =	vsel vm6, $0x1, v1  }
0x2bf: {  	vm15 =	vge.s32 v27, v6;
	v15 =	vld @p0 [tilespmem:s0+$0x0];
	v17 =	vadd.s32 @p0 v17, v21;
	vm0 =	vmmov @p0 vm0;
	(xrf0) =	vadd.scan.msk.s32 $0xffff, v14  }
0x2c0: {  	s1 =	sadd.s32 @p0 $0x40, s30;
	v22 =	vld @p0 [tilespmem:s0+$0x10];
	v18 =	vadd.s32 @p0 v18, v25;
	vm5 =	vmand vm5, vm15;
	v48 =	vsel vm3, $0xFFFFFFFF, v1  }
0x2c1: {  	v10 =	vadd.s32 v10, v26;
	[tilespmem:v16+s12+$0x0] =	vst.idx.msk @p0 vm2, v23;
	s19 =	smov.u32 @p0 s1;
	v49 =	vsel vm5, $0x1, v1;
	v11 =	vadd.s32 v48, v11;
	v50, _, _ =	vpop (xrf0)  }
0x2c2: {  	v52 =	vsel vm1, $0xFFFFFFFF, v1;
	[tilespmem:v19+s13+$0x0] =	vst.idx.msk @p1 vm4, v29;
	v51 =	vld [tilespmem:s19+$0xFFFFFFE0];
	(xrf0) =	vadd.scan.msk.s32 $0xffff, v49;
	v11 =	vadd.s32 v50, v11  }
0x2c3: {  	vm12 =	vmmov vm1;
	[tilespmem:v16+s13+$0x0] =	vst.idx.msk @p0 vm2, v30;
	v53 =	vmpcnt.ones.xlane vm6;
	v54 =	vadd.s32 v52, v10;
	v55, _, _ =	vpop (xrf0)  }
0x2c4: {  	v58 =	vsel vm6, $0xFFFFFFFF, v1;
	v10 =	vadd.s32 v10, v47;
	v57 =	vld [tilespmem:s19+$0xFFFFFFF0];
	[tilespmem:v17+s12+$0x0] =	vst.idx.msk @p0 vm7, v15;
	v56 =	vadd.s32 v55, v54  }
0x2c5: {  	v14 =	vadd.s32 v10, v53;
	v10 =	vadd.s32 v58, v10;
	[tilespmem:v18+s12+$0x0] =	vst.idx.msk @p0 vm0, v22;
	v59, _, _ =	vpop (xrf0)  }
0x2c6: {  	vm2 =	vmmov @p0 vm0;
	v61 =	vld [tilespmem:s19+$0x0];
	[tilespmem:v17+s13+$0x0] =	vst.idx.msk @p0 vm7, v20;
	v10 =	vadd.s32 v59, v10  }
0x2c7: {  	v60 =	vsel vm5, $0xFFFFFFFF, v1;
	v17 =	vpsel p0, v18, v0;
	[tilespmem:v11+s12+$0x0] =	vst.idx.msk vm3, v51  }
0x2c8: {  	vm14 =	vmmov vm5;
	v62 =	vadd.s32 v60, v14;
	v63, _, _ =	vpop (xrf0);
	[tilespmem:v11+s13+$0x0] =	vst.idx.msk vm3, v9  }
0x2c9: {  	[tilespmem:v56+s12+$0x0] =	vst.idx.msk vm12, v57;
	v11 =	vld [tilespmem:s19+$0x10];
	v15 =	vadd.s32 v63, v62  }
0x2ca: {  	v9 =	vmov @p0 v28;
	[tilespmem:v56+s13+$0x0] =	vst.idx.msk vm12, v8  }
.Ltmp22:
0x2cb: {  	v9 =	vpsel p0, v9, v0;
	[tilespmem:v10+s12+$0x0] =	vst.idx.msk vm6, v61;
	(pc) =	sbr.rel .LBB2_25-.Ltmp22, $4  }
0x2cc: {  	[tilespmem:v17+s13+$0x0] =	vst.idx.msk @p0 vm2, v9  }
0x2cd: {  	v8 =	vmpcnt.ones.xlane vm5;
	[tilespmem:v10+s13+$0x0] =	vst.idx.msk vm6, v13  }
0x2ce: {  	[tilespmem:v15+s12+$0x0] =	vst.idx.msk vm14, v11  }
0x2cf: {  	vm13 =	vmmov vm6;
	vm15 =	vmmov vm14;
	v8 =	vadd.s32 v14, v8;
	[tilespmem:v15+s13+$0x0] =	vst.idx.msk vm14, v7  }
.LBB2_24:
0x2d0: {  	v8 =	vimm.s32 $0x0  }
.LBB2_25:
0x2d1: {  	p0 =	slt.s32 s23, $0x1  }
.Ltmp23:
0x2d2: {  	_ = 	snop;
	(pc) =	sbr.rel @p0 .LBB2_28-.Ltmp23, $1  }
0x2d3: {  	_ =	sdelay $0x3  }
0x2d4: {  	s1 =	sshra.s32 s26, $0x2;
	s4 =	sshll.u32 s23, $0x4  }
0x2d5: {  	s0 =	sadd.s32 $0x8000, s1;
	s2 =	sadd.s32 $0x10000, s1;
	s4 =	ssub.s32 s25, s4  }
.LBB2_27:
0x2d6: {  	v7 =	vld [tilespmem:s2+$0x0];
	_ =	sdelay $0x4  }
0x2d7: {  	v9 =	vor.u32 s4, v0;
	v10 =	vshra.s32 v7, $0xF  }
0x2d8: {  	vm0 =	vlt.s32 v9, v5;
	vm1 =	vge.s32 v10, v6  }
0x2d9: {  	vm0 =	vmand vm0, vm1  }
0x2da: {  	v9 =	vsel vm0, $0x1, v1  }
0x2db: {  	(xrf0) =	vadd.scan.msk.s32 $0xffff, v9;
	_ =	sdelay $0x4  }
0x2dc: {  	v9 =	vsel vm0, $0xFFFFFFFF, v1  }
0x2dd: {  	v9 =	vadd.s32 v9, v8;
	v10, _, _ =	vpop (xrf0)  }
0x2de: {  	v11 =	vld [tilespmem:s0+$0x0];
	s21 =	sadd.s32 $0x1, s21;
	v9 =	vadd.s32 v10, v9  }
0x2df: {  	p0 =	slt.s32 s21, s20  }
.Ltmp24:
0x2e0: {  	_ = 	snop;
	(pc) =	sbr.rel @p0 .LBB2_27-.Ltmp24, $4  }
0x2e1: {  	_ = 	snop  }
0x2e2: {  	v10 =	vmpcnt.ones.xlane vm0  }
0x2e3: {  	[tilespmem:v9+s12+$0x0] =	vst.idx.msk vm0, v11  }
0x2e4: {  	s0 =	sadd.s32 $0x10, s0;
	s2 =	sadd.s32 $0x10, s2;
	s4 =	sadd.s32 $0x10, s4;
	v8 =	vadd.s32 v8, v10;
	[tilespmem:v9+s13+$0x0] =	vst.idx.msk vm0, v7  }
.LBB2_28:
0x2e5: {  	s0 =	simm.s32 $0x18040  }
0x2e6: {  	[tilespmem:s0+$0xFFFFFFC0] =	vst v1  }
0x2e7: {  	[tilespmem:s0+$0x30] =	vst v1  }
0x2e8: {  	[tilespmem:s0+$0x20] =	vst v1  }
0x2e9: {  	[tilespmem:s0+$0x10] =	vst v1  }
0x2ea: {  	[tilespmem:s0+$0x0] =	vst v1  }
0x2eb: {  	s1 =	ssub.s32 s29, s28;
	[tilespmem:s0+$0xFFFFFFF0] =	vst v1  }
0x2ec: {  	s2 =	simm.s32 $0x0;
	s25 =	sadd.s32 s22, s1;
	[tilespmem:s0+$0xFFFFFFE0] =	vst v1  }
.LBB2_29:
0x2ed: {  	s2 =	sadd.s32 $0x8, s2;
	[tilespmem:s0+$0xFFFFFFD0] =	vst v1;
	s0 =	sadd.s32 $0x80, s0  }
0x2ee: {  	[tilespmem:s0+$0xFFFFFFC0] =	vst v1;
	p0 =	slt.u32 s2, $0xF8  }
0x2ef: {  	[tilespmem:s0+$0x30] =	vst v1  }
.Ltmp25:
0x2f0: {  	[tilespmem:s0+$0x20] =	vst v1;
	(pc) =	sbr.rel @p0 .LBB2_29-.Ltmp25, $4  }
0x2f1: {  	[tilespmem:s0+$0x10] =	vst v1  }
0x2f2: {  	[tilespmem:s0+$0x0] =	vst v1  }
0x2f3: {  	[tilespmem:s0+$0xFFFFFFF0] =	vst v1  }
0x2f4: {  	[tilespmem:s0+$0xFFFFFFE0] =	vst v1  }
0x2f5: {  	(v2sf) =	vpush v8, $0x0;
	_ =	sdelay $0xe  }
0x2f6: {  	s1 =	spop (v2sf)  }
0x2f7: {  	s1 =	sadd.s32 $0xF, s1  }
0x2f8: {  	s19 =	sshra.s32 s1, $0x4  }
0x2f9: {  	s1 =	sshrl.u32 s19, $0x1E  }
0x2fa: {  	s1 =	sadd.s32 s1, s19  }
0x2fb: {  	s20 =	sand.u32 $0xFFFFFFFC, s1  }
0x2fc: {  	p0 =	slt.s32 s20, $0x1  }
.Ltmp26:
0x2fd: {  	_ = 	snop;
	(pc) =	sbr.rel @p0 .LBB2_34-.Ltmp26, $4  }
0x2fe: {  	_ = 	snop  }
0x2ff: {  	[tilespmem:s0+$0xFFFFFFD0] =	vst v1;
	s0 =	simm.s32 @!p0 $0x0  }
0x300: {  	s0 =	simm.s32 @p0 $0x1  }
0x301: {  	v5 =	vbroadcast v8, $0x0;
	[tilespmem:$0x19000] =	vst v1;
	[smem:$0x7FD] =	sst s0  }
0x302: {  	s2 =	simm.s32 $0x10020  }
0x303: {  	v9 =	vld [tilespmem:s2+$0x10];
	_ =	sdelay $0x1  }
0x304: {  	v10 =	vld [tilespmem:s2+$0xFFFFFFE0]  }
0x305: {  	s0 =	simm.s32 $0x0;
	v12 =	vld [tilespmem:s2+$0xFFFFFFF0]  }
0x306: {  	s1 =	simm.s32 $0x10;
	s30 =	simm.s32 $0x30;
	v7 =	vor.u32 s0, v0;
	v14 =	vld [tilespmem:s2+$0x0]  }
0x307: {  	p0 =	sgt.s32 s20, $0x4;
	v8 =	vor.u32 s1, v0;
	v11 =	vor.u32 s30, v0;
	v13 =	vshra.s32 v9, $0xF  }
.Ltmp27:
0x308: {  	vm0 =	vlt.s32 v11, v5;
	v9 =	vshrl.u32 v9, $0x7;
	vm1 =	veq.s32 v13, v6;
	(pc) =	sbr.rel @!p0 .LBB2_33-.Ltmp27, $4  }
0x309: {  	v15 =	vshra.s32 v10, $0xF;
	v9 =	vand.u32 $0xFF, v9;
	vm0 =	vmand vm0, vm1  }
0x30a: {  	v11 =	vshrl.u32 v10, $0x7;
	v16 =	vshra.s32 v12, $0xF;
	v9 =	vadd.s32 v2, v9  }
0x30b: {  	s31 =	simm.s32 $0x20;
	v10 =	vshrl.u32 v14, $0x7;
	v13 =	vshrl.u32 v12, $0x7;
	v12 =	vshra.s32 v14, $0xF  }
0x30c: {  	s4 =	simm.s32 $0x10060;
	s2 =	simm.s32 $0x4;
	vm2 =	veq.s32 v15, v6;
	vm3 =	veq.s32 v16, v6;
	v14 =	vor.u32 s31, v0  }
.LBB2_32:
0x30d: {  	v15 =	vld [tilespmem:s4+$0x10];
	s2 =	sadd.s32 $0x4, s2;
	v11 =	vand.u32 $0xFF, v11;
	v13 =	vand.u32 $0xFF, v13;
	vm1 =	veq.s32 v12, v6  }
0x30e: {  	vm4 =	vlt.s32 v8, v5;
	vm5 =	vlt.s32 v14, v5;
	v8 =	vand.u32 $0xFF, v10;
	v12 =	vld [tilespmem:s4+$0xFFFFFFE0];
	p1 =	slt.s32 s2, s20  }
0x30f: {  	vm6 =	vlt.s32 v7, v5;
	vm3 =	vmand vm4, vm3;
	vm1 =	vmand vm5, vm1;
	[tilespmem:v9+s11+$0x0] =	vst.idx.add.s32.msk vm0, v3  }
0x310: {  	s0 =	sadd.s32 $0x40, s0;
	vm2 =	vmand vm6, vm2;
	v14 =	vadd.s32 v2, v11;
	v13 =	vadd.s32 v2, v13;
	v10 =	vld [tilespmem:s4+$0xFFFFFFF0]  }
0x311: {  	v7 =	vor.u32 s0, v0;
	s1 =	sadd.s32 $0x10, s0;
	s5 =	sadd.s32 $0x20, s0;
	s6 =	sadd.s32 $0x30, s0;
	v17 =	vadd.s32 v2, v8;
	v16 =	vld [tilespmem:s4+$0x0]  }
0x312: {  	v8 =	vor.u32 s1, v0;
	v9 =	vor.u32 s6, v0;
	v11 =	vshra.s32 v15, $0xF  }
.Ltmp28:
0x313: {  	vm0 =	vlt.s32 v9, v5;
	v9 =	vshrl.u32 v15, $0x7;
	vm4 =	veq.s32 v11, v6;
	(pc) =	sbr.rel @p1 .LBB2_32-.Ltmp28, $4  }
0x314: {  	v15 =	vshra.s32 v12, $0xF;
	v9 =	vand.u32 $0xFF, v9;
	vm0 =	vmand vm0, vm4  }
0x315: {  	v11 =	vshrl.u32 v12, $0x7;
	v9 =	vadd.s32 v2, v9;
	v18 =	vshra.s32 v10, $0xF;
	[tilespmem:v13+s11+$0x0] =	vst.idx.add.s32.msk vm3, v3  }
0x316: {  	v13 =	vshrl.u32 v10, $0x7;
	v12 =	vshra.s32 v16, $0xF;
	v10 =	vshrl.u32 v16, $0x7;
	[tilespmem:v14+s11+$0x0] =	vst.idx.add.s32.msk vm2, v3  }
0x317: {  	s4 =	sadd.s32 $0x40, s4;
	vm2 =	veq.s32 v15, v6;
	vm3 =	veq.s32 v18, v6;
	v14 =	vor.u32 s5, v0;
	[tilespmem:v17+s11+$0x0] =	vst.idx.add.s32.msk vm1, v3  }
.LBB2_33:
0x318: {  	v11 =	vand.u32 $0xFF, v11;
	v13 =	vand.u32 $0xFF, v13;
	vm1 =	vlt.s32 v8, v5  }
0x319: {  	vm4 =	veq.s32 v12, v6;
	vm5 =	vlt.s32 v7, v5;
	vm1 =	vmand vm1, vm3  }
0x31a: {  	vm15 =	vlt.s32 v14, v5;
	vm2 =	vmand vm5, vm2;
	v7 =	vadd.s32 v2, v13  }
0x31b: {  	v8 =	vand.u32 $0xFF, v10;
	vm3 =	vmand vm15, vm4;
	v63 =	vadd.s32 v2, v11  }
0x31c: {  	v8 =	vadd.s32 v2, v8;
	_ =	sdelay $0x1  }
0x31d: {  	[tilespmem:v9+s11+$0x0] =	vst.idx.add.s32.msk vm0, v3  }
0x31e: {  	[tilespmem:v7+s11+$0x0] =	vst.idx.add.s32.msk vm1, v3  }
0x31f: {  	[tilespmem:v63+s11+$0x0] =	vst.idx.add.s32.msk vm2, v3  }
0x320: {  	[tilespmem:v8+s11+$0x0] =	vst.idx.add.s32.msk vm3, v3  }
.LBB2_34:
0x321: {  	s21 =	ssub.s32 s19, s20  }
0x322: {  	p1 =	sgt.s32 s21, $0x0  }
.Ltmp29:
0x323: {  	_ = 	snop;
	(pc) =	sbr.rel @!p1 .LBB2_35-.Ltmp29, $3  }
0x324: {  	_ =	sdelay $0x1  }
0x325: {  	s0 =	sshll.u32 s19, $0x6;
	s1 =	sshll.u32 s21, $0x6  }
0x326: {  	s22 =	sshll.u32 s19, $0x4;
	s23 =	ssub.s32 s0, s1  }
0x327: {  	s0 =	sshra.s32 s23, $0x2;
	s1 =	sshll.u32 s21, $0x4  }
0x328: {  	s4 =	smov.u32 s20;
	s0 =	sadd.s32 $0x10000, s0;
	s2 =	ssub.s32 s22, s1  }
.LBB2_56:
0x329: {  	v7 =	vld [tilespmem:s0+$0x0];
	_ =	sdelay $0x4  }
0x32a: {  	v8 =	vor.u32 s2, v0;
	v9 =	vshra.s32 v7, $0xF  }
0x32b: {  	vm0 =	vlt.s32 v8, v5;
	v7 =	vshrl.u32 v7, $0x7;
	vm1 =	veq.s32 v9, v6  }
0x32c: {  	s4 =	sadd.s32 $0x1, s4;
	v7 =	vand.u32 $0xFF, v7;
	vm0 =	vmand vm0, vm1  }
0x32d: {  	p0 =	slt.s32 s4, s19;
	v7 =	vadd.s32 v2, v7  }
.Ltmp30:
0x32e: {  	_ = 	snop;
	(pc) =	sbr.rel @p0 .LBB2_56-.Ltmp30, $2  }
0x32f: {  	_ =	sdelay $0x2  }
0x330: {  	s0 =	sadd.s32 $0x10, s0;
	s2 =	sadd.s32 $0x10, s2;
	[tilespmem:v7+s11+$0x0] =	vst.idx.add.s32.msk vm0, v3  }
.LBB2_35:
0x331: {  	s0 =	simm.s32 $0x18808  }
0x332: {  	v6 =	vld [tilespmem:s0+$0xFFFFF808]  }
0x333: {  	v7 =	vld [tilespmem:s0+$0xFFFFF909]  }
0x334: {  	v8 =	vld [tilespmem:s0+$0xFFFFFA0A]  }
0x335: {  	v9 =	vld [tilespmem:s0+$0xFFFFFB0B]  }
0x336: {  	v10 =	vld [tilespmem:s0+$0xFFFFFC0C]  }
0x337: {  	v11 =	vld [tilespmem:s0+$0xFFFFFD0D]  }
0x338: {  	v12 =	vld [tilespmem:s0+$0xFFFFFE0E]  }
0x339: {  	v13 =	vld [tilespmem:s0+$0xFFFFFF0F]  }
0x33a: {  	v14 =	vld [tilespmem:s0+$0x10]  }
0x33b: {  	v15 =	vld [tilespmem:s0+$0x111]  }
0x33c: {  	v16 =	vld [tilespmem:s0+$0x212]  }
0x33d: {  	v17 =	vld [tilespmem:s0+$0x313]  }
0x33e: {  	v18 =	vld [tilespmem:s0+$0x414]  }
0x33f: {  	v19 =	vld [tilespmem:s0+$0x515]  }
0x340: {  	v20 =	vld [tilespmem:s0+$0x616]  }
0x341: {  	v21 =	vld [tilespmem:s0+$0x717]  }
0x342: {  	v6 =	vadd.s32 v6, v7;
	v7 =	vld [tilespmem:s0+$0xFFFFF8F9]  }
0x343: {  	v6 =	vadd.s32 v8, v6;
	v8 =	vld [tilespmem:s0+$0xFFFFF7F8]  }
0x344: {  	v6 =	vadd.s32 v9, v6;
	v9 =	vld [tilespmem:s0+$0xFFFFF9FA]  }
0x345: {  	v6 =	vadd.s32 v10, v6;
	v10 =	vld [tilespmem:s0+$0xFFFFFAFB]  }
0x346: {  	v6 =	vadd.s32 v11, v6;
	v11 =	vld [tilespmem:s0+$0xFFFFFBFC]  }
0x347: {  	v61 =	vld [tilespmem:s0+$0xFFFFFCFD];
	v6 =	vadd.s32 v12, v6  }
0x348: {  	v6 =	vadd.s32 v13, v6;
	v7 =	vadd.s32 v8, v7;
	v8 =	vld [tilespmem:s0+$0xFFFFFDFE]  }
0x349: {  	v6 =	vadd.s32 v14, v6;
	v7 =	vadd.s32 v9, v7;
	v9 =	vld [tilespmem:s0+$0xFFFFFEFF]  }
0x34a: {  	v6 =	vadd.s32 v15, v6;
	v7 =	vadd.s32 v10, v7;
	v10 =	vld [tilespmem:s0+$0x0]  }
0x34b: {  	v6 =	vadd.s32 v16, v6;
	v7 =	vadd.s32 v11, v7;
	v11 =	vld [tilespmem:s0+$0x101]  }
0x34c: {  	v62 =	vld [tilespmem:s0+$0x202];
	v6 =	vadd.s32 v17, v6;
	v7 =	vadd.s32 v61, v7  }
0x34d: {  	v63 =	vadd.s32 v18, v6;
	v7 =	vadd.s32 v8, v7;
	v6 =	vld [tilespmem:s0+$0x303]  }
0x34e: {  	v8 =	vadd.s32 v19, v63;
	v9 =	vadd.s32 v9, v7;
	v7 =	vld [tilespmem:s0+$0x404]  }
0x34f: {  	v13 =	vadd.s32 v20, v8;
	v9 =	vadd.s32 v10, v9;
	v8 =	vld [tilespmem:s0+$0x505]  }
0x350: {  	s26 =	simm.s32 $0x19090;
	v10 =	vadd.s32 v21, v13;
	v11 =	vadd.s32 v11, v9;
	v9 =	vld [tilespmem:s0+$0x606]  }
0x351: {  	s4 =	simm.s32 $0x0;
	s28 =	simm.s32 $0x18828;
	[tilespmem:s26+$0x0] =	vst v10;
	v11 =	vadd.s32 v62, v11;
	v10 =	vld [tilespmem:s0+$0x707]  }
.LBB2_36:
0x352: {  	v12 =	vld [tilespmem:s28+$0xFFFFF808];
	v6 =	vadd.s32 v6, v11  }
0x353: {  	s4 =	sadd.s32 $0x2, s4;
	v11 =	vld [tilespmem:s28+$0xFFFFF909];
	v6 =	vadd.s32 v7, v6  }
0x354: {  	p2 =	slt.u32 s4, $0xE;
	v7 =	vld [tilespmem:s28+$0xFFFFFA0A];
	v6 =	vadd.s32 v8, v6  }
0x355: {  	v8 =	vld [tilespmem:s28+$0xFFFFFB0B];
	v6 =	vadd.s32 v9, v6  }
0x356: {  	v9 =	vld [tilespmem:s28+$0xFFFFFC0C];
	v6 =	vadd.s32 v10, v6  }
0x357: {  	v10 =	vld [tilespmem:s28+$0xFFFFFD0D];
	[tilespmem:s26+$0xFFFFFFF0] =	vst v6  }
0x358: {  	v6 =	vadd.s32 v12, v11;
	v11 =	vld [tilespmem:s28+$0xFFFFFE0E]  }
0x359: {  	v6 =	vadd.s32 v7, v6;
	v7 =	vld [tilespmem:s28+$0xFFFFFF0F]  }
0x35a: {  	v6 =	vadd.s32 v8, v6;
	v8 =	vld [tilespmem:s28+$0x10]  }
0x35b: {  	v6 =	vadd.s32 v9, v6;
	v9 =	vld [tilespmem:s28+$0x111]  }
0x35c: {  	v6 =	vadd.s32 v10, v6;
	v10 =	vld [tilespmem:s28+$0x212]  }
0x35d: {  	v6 =	vadd.s32 v11, v6;
	v11 =	vld [tilespmem:s28+$0x313]  }
0x35e: {  	v6 =	vadd.s32 v7, v6;
	v7 =	vld [tilespmem:s28+$0x414]  }
0x35f: {  	v6 =	vadd.s32 v8, v6;
	v8 =	vld [tilespmem:s28+$0x515]  }
0x360: {  	v6 =	vadd.s32 v9, v6;
	v9 =	vld [tilespmem:s28+$0x616]  }
0x361: {  	v6 =	vadd.s32 v10, v6;
	v10 =	vld [tilespmem:s28+$0x717]  }
0x362: {  	v12 =	vld [tilespmem:s28+$0xFFFFF8F9];
	v6 =	vadd.s32 v11, v6  }
0x363: {  	v11 =	vld [tilespmem:s28+$0xFFFFF7F8];
	v6 =	vadd.s32 v7, v6  }
0x364: {  	v7 =	vld [tilespmem:s28+$0xFFFFF9FA];
	v6 =	vadd.s32 v8, v6  }
0x365: {  	v8 =	vld [tilespmem:s28+$0xFFFFFAFB];
	v6 =	vadd.s32 v9, v6  }
0x366: {  	s26 =	sadd.s32 $0x20, s26;
	v9 =	vld [tilespmem:s28+$0xFFFFFBFC];
	v6 =	vadd.s32 v10, v6  }
0x367: {  	s0 =	simm.s32 $0x0;
	s2 =	simm.s32 $0xF;
	s7 =	simm.s32 $0x19170;
	v10 =	vld [tilespmem:s28+$0xFFFFFCFD];
	[tilespmem:s26+$0x0] =	vst v6  }
0x368: {  	v6 =	vadd.s32 v11, v12;
	v11 =	vld [tilespmem:s28+$0xFFFFFDFE]  }
0x369: {  	v6 =	vadd.s32 v7, v6;
	v7 =	vld [tilespmem:s28+$0xFFFFFEFF]  }
0x36a: {  	v6 =	vadd.s32 v8, v6;
	v8 =	vld [tilespmem:s28+$0x0]  }
0x36b: {  	v6 =	vadd.s32 v9, v6;
	v9 =	vld [tilespmem:s28+$0x101]  }
0x36c: {  	v6 =	vadd.s32 v10, v6;
	v10 =	vld [tilespmem:s28+$0x202]  }
.Ltmp31:
0x36d: {  	v11 =	vadd.s32 v11, v6;
	v6 =	vld [tilespmem:s28+$0x303];
	(pc) =	sbr.rel @p2 .LBB2_36-.Ltmp31, $4  }
0x36e: {  	v11 =	vadd.s32 v7, v11;
	v7 =	vld [tilespmem:s28+$0x404]  }
0x36f: {  	v11 =	vadd.s32 v8, v11;
	v8 =	vld [tilespmem:s28+$0x505]  }
0x370: {  	v11 =	vadd.s32 v9, v11;
	v9 =	vld [tilespmem:s28+$0x606]  }
0x371: {  	v11 =	vadd.s32 v10, v11;
	v10 =	vld [tilespmem:s28+$0x707];
	s28 =	sadd.s32 $0x20, s28  }
0x372: {  	v6 =	vadd.s32 v6, v11  }
0x373: {  	v6 =	vadd.s32 v7, v6  }
0x374: {  	v6 =	vadd.s32 v8, v6  }
0x375: {  	v6 =	vadd.s32 v9, v6  }
0x376: {  	v6 =	vadd.s32 v10, v6  }
0x377: {  	[tilespmem:s26+$0xFFFFFFF0] =	vst v6  }
0x378: {  	v6 =	vld [tilespmem:s7+$0x0];
	_ =	sdelay $0x4  }
0x379: {  	(xrf0) =	vadd.scan.msk.s32 $0xffff, v6;
	_ =	sdelay $0x5  }
0x37a: {  	v6, _, _ =	vpop (xrf0)  }
0x37b: {  	s1 =	simm.s32 $0x19160;
	(v2sf) =	vpush v6, $0xF  }
0x37c: {  	v6 =	vld [tilespmem:s1+$0x0]  }
0x37d: {  	s8 =	simm.s32 $0x19150  }
0x37e: {  	v7 =	vld [tilespmem:s8+$0x0];
	_ =	sdelay $0x2  }
0x37f: {  	(xrf0) =	vadd.scan.msk.s32 $0xffff, v6;
	_ =	sdelay $0x1  }
0x380: {  	(xrf0) =	vadd.scan.msk.s32 $0xffff, v7;
	_ =	sdelay $0x2  }
0x381: {  	s9 =	simm.s32 $0x19140  }
0x382: {  	v8 =	vld [tilespmem:s9+$0x0];
	v7, _, _ =	vpop (xrf0)  }
0x383: {  	(v2sf) =	vpush v7, $0xF  }
0x384: {  	v7, _, _ =	vpop (xrf0)  }
0x385: {  	s26 =	spop (v2sf);
	(v2sf) =	vpush v7, $0xF;
	_ =	sdelay $0x1  }
0x386: {  	s16 =	simm.s32 $0x19130;
	(xrf0) =	vadd.scan.msk.s32 $0xffff, v8  }
0x387: {  	v6 =	vld [tilespmem:s16+$0x0];
	_ =	sdelay $0x1  }
0x388: {  	s31 =	simm.s32 $0xE;
	s30 =	simm.s32 $0xD;
	s28 =	simm.s32 $0xC  }
0x389: {  	s29 =	simm.s32 $0xB;
	p3 =	por $0x1, $0x1;
	s4 =	simm.s32 $0x0  }
0x38a: {  	s8 =	simm.s32 $0xA;
	s9 =	simm.s32 $0x19120;
	s26 =	sadd.s32 $0x0, s26  }
0x38b: {  	s7 =	simm.s32 $0x0;
	s16 =	simm.s32 $0x0;
	(xrf0) =	vadd.scan.msk.s32 $0xffff, v6;
	v6, _, _ =	vpop (xrf0);
	p4 =	sge.s32 s26, s25  }
.LBB2_38:
0x38c: {  	p2 =	sne.s32 s8, $0x0;
	p0 =	por !p3, !p4;
	s1 =	smov.u32 s29  }
0x38d: {  	v7 =	vld [tilespmem:s9+$0x0];
	(v2sf) =	vpush v6, $0xF;
	s29 =	smov.u32 s8;
	s8 =	sadd.s32 $0xFFFFFFFF, s8;
	s5 =	smov.u32 s7  }
.Ltmp32:
0x38e: {  	s7 =	smov.u32 s26;
	p0 =	por !p0, !p0;
	(pc) =	sbr.rel @p2 .LBB2_38-.Ltmp32, $4  }
0x38f: {  	s0 =	smov.u32 @p0 s2;
	s16 =	simm.s32 @p0 $0x1;
	s2 =	smov.u32 s31  }
0x390: {  	s4 =	smov.u32 @p0 s5;
	s31 =	smov.u32 s30;
	s6 =	spop (v2sf)  }
0x391: {  	s30 =	smov.u32 s28;
	s28 =	smov.u32 s1;
	s26 =	sadd.s32 s26, s6  }
0x392: {  	s9 =	sadd.s32 $0xFFFFFFF0, s9;
	p3 =	seq.s32 s16, $0x0;
	(xrf0) =	vadd.scan.msk.s32 $0xffff, v7;
	v6, _, _ =	vpop (xrf0);
	p4 =	sge.s32 s26, s25  }
0x393: {  	_ =	sdelay $0x1  }
0x394: {  	(v2sf) =	vpush v6, $0xF;
	_ =	sdelay $0x2  }
0x395: {  	v6, _, _ =	vpop (xrf0)  }
0x396: {  	(v2sf) =	vpush v6, $0xF;
	_ =	sdelay $0x1  }
0x397: {  	p0 =	por !p3, !p4  }
0x398: {  	s1 =	spop (v2sf);
	p2 =	por !p0, !p0  }
0x399: {  	s1 =	sadd.s32 s26, s1;
	s16 =	simm.s32 @p2 $0x1  }
0x39a: {  	p6 =	sge.s32 s1, s25;
	p5 =	seq.s32 s16, $0x0  }
0x39b: {  	p0 =	por !p5, !p6  }
0x39c: {  	p3 =	por !p0, !p0;
	s5 =	spop (v2sf)  }
0x39d: {  	s16 =	simm.s32 @p3 $0x1;
	s5 =	sadd.s32 s1, s5  }
0x39e: {  	p4 =	seq.s32 s16, $0x0;
	p5 =	sge.s32 s5, s25  }
0x39f: {  	p0 =	por !p4, !p5  }
0x3a0: {  	p4 =	por !p0, !p0;
	s6 =	spop (v2sf)  }
0x3a1: {  	s16 =	simm.s32 @p4 $0x1;
	s6 =	sadd.s32 s5, s6  }
0x3a2: {  	p6 =	seq.s32 s16, $0x0;
	p5 =	sge.s32 s6, s25  }
0x3a3: {  	p0 =	por !p6, !p5  }
0x3a4: {  	p5 =	por !p0, !p0;
	s8 =	spop (v2sf)  }
0x3a5: {  	s0 =	smov.u32 @p2 s2;
	s16 =	simm.s32 @p5 $0x1;
	s9 =	sadd.s32 s6, s8  }
0x3a6: {  	s0 =	smov.u32 @p3 s31;
	p0 =	seq.s32 s16, $0x0;
	p6 =	sge.s32 s9, s25  }
0x3a7: {  	s0 =	smov.u32 @p4 s30;
	p0 =	por !p0, !p6  }
0x3a8: {  	s0 =	smov.u32 @p5 s28;
	p0 =	por !p0, !p0  }
0x3a9: {  	s0 =	smov.u32 @p0 s29  }
0x3aa: {  	s2 =	sshll.u32 s0, $0x4;
	s0 =	simm.s32 $0x18040  }
0x3ab: {  	v6 =	vld [tilespmem:s2+$0x19080];
	[tilespmem:s0+$0xFFFFFFC0] =	vst v1  }
0x3ac: {  	[tilespmem:s0+$0x30] =	vst v1  }
0x3ad: {  	s4 =	smov.u32 @p2 s7;
	[tilespmem:s0+$0x20] =	vst v1  }
0x3ae: {  	s4 =	smov.u32 @p3 s26;
	[tilespmem:s0+$0x10] =	vst v1  }
0x3af: {  	s4 =	smov.u32 @p4 s1;
	[tilespmem:s0+$0x0] =	vst v1  }
0x3b0: {  	s4 =	smov.u32 @p5 s5;
	[tilespmem:s0+$0xFFFFFFF0] =	vst v1  }
0x3b1: {  	s7 =	simm.s32 $0x0;
	s4 =	smov.u32 @p0 s6;
	[tilespmem:s0+$0xFFFFFFE0] =	vst v1;
	v6 =	vperm.xlane v6, v4  }
.LBB2_40:
0x3b2: {  	s7 =	sadd.s32 $0x8, s7;
	[tilespmem:s0+$0xFFFFFFD0] =	vst v1;
	s0 =	sadd.s32 $0x80, s0  }
0x3b3: {  	[tilespmem:s0+$0xFFFFFFC0] =	vst v1;
	p0 =	slt.u32 s7, $0x78  }
0x3b4: {  	[tilespmem:s0+$0x30] =	vst v1  }
.Ltmp33:
0x3b5: {  	[tilespmem:s0+$0x20] =	vst v1;
	(pc) =	sbr.rel @p0 .LBB2_40-.Ltmp33, $4  }
0x3b6: {  	[tilespmem:s0+$0x10] =	vst v1  }
0x3b7: {  	[tilespmem:s0+$0x0] =	vst v1  }
0x3b8: {  	[tilespmem:s0+$0xFFFFFFF0] =	vst v1  }
0x3b9: {  	[tilespmem:s0+$0xFFFFFFE0] =	vst v1  }
0x3ba: {  	(xrf0) =	vadd.scan.msk.s32 $0xffff, v6;
	_ =	sdelay $0x5  }
0x3bb: {  	v7, _, _ =	vpop (xrf0)  }
0x3bc: {  	v7 =	vadd.s32 s4, v7  }
0x3bd: {  	vm0 =	vge.s32 v7, s25  }
0x3be: {  	v8 =	vsel vm0, $0x1, v1  }
0x3bf: {  	(xrf0) =	vadd.scan.msk.s32 $0xffff, v8;
	_ =	sdelay $0x5  }
0x3c0: {  	v8, _, _ =	vpop (xrf0)  }
0x3c1: {  	vm1 =	veq.s32 v8, $0x1  }
0x3c2: {  	vm0 =	vmand vm0, vm1  }
0x3c3: {  	v7 =	vnsel vm0, $0x0, v7  }
0x3c4: {  	v6 =	vnsel vm0, $0x0, v6;
	(xrf0) =	vadd.scan.msk.s32 $0xffff, v7  }
0x3c5: {  	(xrf0) =	vadd.scan.msk.s32 $0xffff, v6;
	v6 =	vnsel vm0, $0x0, v0  }
0x3c6: {  	(xrf0) =	vadd.scan.msk.s32 $0xffff, v6;
	_ =	sdelay $0x3  }
0x3c7: {  	v6, _, _ =	vpop (xrf0)  }
0x3c8: {  	v7, _, _ =	vpop (xrf0);
	(v2sf) =	vpush v6, $0xF  }
0x3c9: {  	(v2sf) =	vpush v7, $0xF;
	v6, _, _ =	vpop (xrf0)  }
0x3ca: {  	(v2sf) =	vpush v6, $0xF;
	_ =	sdelay $0x8  }
0x3cb: {  	[tilespmem:s0+$0xFFFFFFD0] =	vst v1  }
0x3cc: {  	s0 =	sld [smem:$0x7FD];
	_ =	sdelay $0x2  }
0x3cd: {  	p0 =	seq.s32 s0, $0x1;
	s26 =	spop (v2sf)  }
.Ltmp34:
0x3ce: {  	s28 =	spop (v2sf);
	(pc) =	sbr.rel @p0 .LBB2_57-.Ltmp34, $4  }
0x3cf: {  	s2 =	sor.u32 $0xF, s2;
	s1 =	spop (v2sf)  }
0x3d0: {  	s31 =	sshll.u32 s24, $0x8;
	s1 =	ssub.s32 s2, s1  }
0x3d1: {  	s24 =	sor.u32 s31, s1  }
0x3d2: {  	[tilespmem:$0x18800] =	vst v1;
	v6 =	vmov s24  }
0x3d3: {  	s0 =	simm.s32 $0x10020  }
0x3d4: {  	v7 =	vld [tilespmem:s0+$0xFFFFFFE0]  }
0x3d5: {  	s2 =	simm.s32 $0x0;
	v9 =	vld [tilespmem:s0+$0x10]  }
0x3d6: {  	s1 =	simm.s32 $0x10;
	s4 =	simm.s32 $0x20;
	p0 =	sgt.s32 s20, $0x4;
	v13 =	vld [tilespmem:s0+$0x0]  }
.Ltmp35:
0x3d7: {  	s5 =	simm.s32 $0x30;
	v8 =	vor.u32 s1, v0;
	v10 =	vor.u32 s4, v0;
	v11 =	vor.u32 s2, v0;
	(pc) =	sbr.rel @!p0 .LBB2_43-.Ltmp35, $4  }
0x3d8: {  	v12 =	vor.u32 s5, v0;
	vm1 =	vlt.s32 v11, v5;
	vm6 =	vlt.s32 v8, v5  }
0x3d9: {  	vm0 =	vlt.s32 v10, v5;
	vm5 =	vlt.s32 v12, v5;
	v15 =	vshra.s32 v7, $0x7  }
0x3da: {  	v10 =	vand.u32 $0x7F, v7;
	v7 =	vmul.u32 $0x81, v0;
	v16 =	vshra.s32 v9, $0x7  }
0x3db: {  	p2 =	por $0x0, $0x0;
	s2 =	simm.s32 $0x40;
	v8 =	vld [tilespmem:s0+$0xFFFFFFF0];
	s0 =	simm.s32 $0x10060;
	v12 =	vand.u32 $0x7F, v9;
	v11 =	vshra.s32 v13, $0x7;
	v9 =	vand.u32 $0x7F, v13  }
0x3dc: {  	vm2 =	veq.s32 v15, v6  }
0x3dd: {  	s1 =	simm.s32 $0x50;
	vm3 =	veq.s32 v16, v6;
	v16 =	vld [tilespmem:s0+$0xFFFFFFE0];
	v18 =	vadd.s32 v7, v10;
	v12 =	vadd.s32 v7, v12  }
0x3de: {  	s4 =	simm.s32 $0x60;
	s5 =	simm.s32 $0x70;
	v19 =	vld [tilespmem:s0+$0x10];
	v10 =	vor.u32 s2, v0;
	v14 =	vor.u32 s1, v0;
	vm7 =	vmand vm5, vm3  }
0x3df: {  	v20 =	vld [tilespmem:s0+$0x0];
	v15 =	vor.u32 s4, v0;
	v17 =	vor.u32 s5, v0;
	vm8 =	vmand vm1, vm2  }
0x3e0: {  	p0 =	sgt.s32 s20, $0x8;
	vm2 =	veq.s32 v11, v6;
	v13 =	vand.u32 $0x7F, v8;
	v8 =	vshra.s32 v8, $0x7  }
.Ltmp36:
0x3e1: {  	vm1 =	vlt.s32 v10, v5;
	vm3 =	vmand vm0, vm2;
	vm5 =	veq.s32 v8, v6;
	v8 =	vld [tilespmem:s0+$0xFFFFFFF0];
	(pc) =	sbr.rel @!p0 .LBB2_69-.Ltmp36, $4  }
0x3e2: {  	vm4 =	vlt.s32 v14, v5;
	v14 =	vadd.s32 v7, v9;
	vm2 =	vmand vm6, vm5  }
0x3e3: {  	vm0 =	vlt.s32 v15, v5;
	v13 =	vadd.s32 v7, v13;
	v15 =	vshra.s32 v16, $0x7  }
0x3e4: {  	s2 =	simm.s32 $0x80;
	v10 =	vand.u32 $0x7F, v16;
	v16 =	vshra.s32 v19, $0x7;
	v11 =	vshra.s32 v20, $0x7;
	[tilespmem:v12+s11+$0x0] =	vst.idx.add.s32.msk vm7, v3  }
0x3e5: {  	p2 =	por $0x1, $0x1;
	s4 =	simm.s32 $0x100A0;
	s0 =	simm.s32 $0x8;
	v9 =	vand.u32 $0x7F, v20;
	vm5 =	vlt.s32 v17, v5;
	v12 =	vand.u32 $0x7F, v19;
	[tilespmem:v18+s11+$0x0] =	vst.idx.add.s32.msk vm8, v3  }
.LBB2_70:
0x3e6: {  	v17 =	vld [tilespmem:s4+$0xFFFFFFE0];
	s1 =	sadd.s32 $0x10, s2;
	s5 =	sadd.s32 $0x20, s2;
	s6 =	sadd.s32 $0x30, s2;
	vm6 =	veq.s32 v15, v6;
	v15 =	vand.u32 $0x7F, v8;
	vm7 =	veq.s32 v16, v6  }
0x3e7: {  	s0 =	sadd.s32 $0x4, s0;
	v16 =	vor.u32 s1, v0;
	v18 =	vor.u32 s5, v0;
	v19 =	vor.u32 s6, v0;
	[tilespmem:v14+s11+$0x0] =	vst.idx.add.s32.msk vm3, v3  }
0x3e8: {  	v20 =	vadd.s32 v7, v10;
	p3 =	slt.s32 s0, s20;
	vm6 =	vmand vm1, vm6;
	vm7 =	vmand vm5, vm7;
	[tilespmem:v13+s11+$0x0] =	vst.idx.add.s32.msk vm2, v3  }
0x3e9: {  	v10 =	vor.u32 s2, v0;
	v8 =	vshra.s32 v8, $0x7;
	v22 =	vadd.s32 v7, v12;
	v21 =	vld [tilespmem:s4+$0x10]  }
0x3ea: {  	vm1 =	vlt.s32 v10, v5;
	vm3 =	veq.s32 v11, v6;
	vm2 =	veq.s32 v8, v6;
	v23 =	vld [tilespmem:s4+$0x0]  }
.Ltmp37:
0x3eb: {  	vm3 =	vmand vm0, vm3;
	vm2 =	vmand vm4, vm2;
	vm4 =	vlt.s32 v16, v5;
	v8 =	vld [tilespmem:s4+$0xFFFFFFF0];
	(pc) =	sbr.rel @p3 .LBB2_70-.Ltmp37, $4  }
0x3ec: {  	v14 =	vadd.s32 v7, v9;
	vm0 =	vlt.s32 v18, v5;
	v13 =	vadd.s32 v7, v15  }
0x3ed: {  	v15 =	vshra.s32 v17, $0x7;
	v10 =	vand.u32 $0x7F, v17  }
0x3ee: {  	vm5 =	vlt.s32 v19, v5;
	v16 =	vshra.s32 v21, $0x7;
	v12 =	vand.u32 $0x7F, v21;
	[tilespmem:v22+s11+$0x0] =	vst.idx.add.s32.msk vm7, v3  }
0x3ef: {  	s2 =	sadd.s32 $0x40, s2;
	s4 =	sadd.s32 $0x40, s4;
	v11 =	vshra.s32 v23, $0x7;
	v9 =	vand.u32 $0x7F, v23;
	[tilespmem:v20+s11+$0x0] =	vst.idx.add.s32.msk vm6, v3  }
0x3f0: {  	vm6 =	vmmov vm4  }
.LBB2_72:
0x3f1: {  	vm7 =	veq.s32 v16, v6  }
0x3f2: {  	vm4 =	veq.s32 v15, v6;
	v63 =	vshra.s32 v8, $0x7;
	vm12 =	vmand vm5, vm7  }
0x3f3: {  	v12 =	vadd.s32 v7, v12;
	vm13 =	veq.s32 v11, v6;
	vm1 =	vmand vm1, vm4  }
0x3f4: {  	v10 =	vadd.s32 v7, v10;
	vm14 =	veq.s32 v63, v6;
	vm0 =	vmand vm0, vm13  }
0x3f5: {  	v8 =	vand.u32 $0x7F, v8;
	v9 =	vadd.s32 v7, v9;
	vm15 =	vmand vm6, vm14  }
0x3f6: {  	[tilespmem:v14+s11+$0x0] =	vst.idx.add.s32.msk @p2 vm3, v3;
	v7 =	vadd.s32 v7, v8  }
0x3f7: {  	[tilespmem:v13+s11+$0x0] =	vst.idx.add.s32.msk @p2 vm2, v3  }
0x3f8: {  	[tilespmem:v12+s11+$0x0] =	vst.idx.add.s32.msk vm12, v3  }
0x3f9: {  	[tilespmem:v10+s11+$0x0] =	vst.idx.add.s32.msk vm1, v3  }
0x3fa: {  	[tilespmem:v9+s11+$0x0] =	vst.idx.add.s32.msk vm0, v3  }
0x3fb: {  	[tilespmem:v7+s11+$0x0] =	vst.idx.add.s32.msk vm15, v3  }
.LBB2_57:
.Ltmp38:
0x3fc: {  	(pc) =	sbr.rel @!p1 .LBB2_58-.Ltmp38, $1  }
0x3fd: {  	_ =	sdelay $0x3  }
0x3fe: {  	s0 =	sshra.s32 s23, $0x2;
	s1 =	sshll.u32 s21, $0x4  }
0x3ff: {  	s4 =	smov.u32 s20;
	s0 =	sadd.s32 $0x10000, s0;
	s2 =	ssub.s32 s22, s1  }
.LBB2_74:
0x400: {  	v7 =	vld [tilespmem:s0+$0x0];
	_ =	sdelay $0x4  }
0x401: {  	v8 =	vor.u32 s2, v0;
	v9 =	vshra.s32 v7, $0x7  }
0x402: {  	vm0 =	vlt.s32 v8, v5;
	v8 =	vmul.u32 $0x81, v0;
	vm1 =	veq.s32 v9, v6  }
0x403: {  	s4 =	sadd.s32 $0x1, s4;
	v7 =	vand.u32 $0x7F, v7;
	vm0 =	vmand vm0, vm1  }
0x404: {  	p0 =	slt.s32 s4, s19;
	v7 =	vadd.s32 v8, v7  }
.Ltmp39:
0x405: {  	_ = 	snop;
	(pc) =	sbr.rel @p0 .LBB2_74-.Ltmp39, $2  }
0x406: {  	_ =	sdelay $0x2  }
0x407: {  	s0 =	sadd.s32 $0x10, s0;
	s2 =	sadd.s32 $0x10, s2;
	[tilespmem:v7+s11+$0x0] =	vst.idx.add.s32.msk vm0, v3  }
.LBB2_58:
0x408: {  	s2 =	simm.s32 $0x18408  }
0x409: {  	v6 =	vld [tilespmem:s2+$0xFFFFFC08]  }
0x40a: {  	v7 =	vld [tilespmem:s2+$0xFFFFFC89]  }
0x40b: {  	v8 =	vld [tilespmem:s2+$0xFFFFFD0A]  }
0x40c: {  	v9 =	vld [tilespmem:s2+$0xFFFFFD8B]  }
0x40d: {  	v10 =	vld [tilespmem:s2+$0xFFFFFE0C]  }
0x40e: {  	v11 =	vld [tilespmem:s2+$0xFFFFFE8D]  }
0x40f: {  	v12 =	vld [tilespmem:s2+$0xFFFFFF0E]  }
0x410: {  	v13 =	vld [tilespmem:s2+$0xFFFFFF8F]  }
0x411: {  	v14 =	vld [tilespmem:s2+$0x10]  }
0x412: {  	v15 =	vld [tilespmem:s2+$0x91]  }
0x413: {  	v16 =	vld [tilespmem:s2+$0x112]  }
0x414: {  	v17 =	vld [tilespmem:s2+$0x193]  }
0x415: {  	v18 =	vld [tilespmem:s2+$0x214]  }
0x416: {  	v19 =	vld [tilespmem:s2+$0x295]  }
0x417: {  	v20 =	vld [tilespmem:s2+$0x316]  }
0x418: {  	v21 =	vld [tilespmem:s2+$0x397]  }
0x419: {  	v6 =	vadd.s32 v6, v7;
	v7 =	vld [tilespmem:s2+$0xFFFFFC79]  }
0x41a: {  	v6 =	vadd.s32 v8, v6;
	v8 =	vld [tilespmem:s2+$0xFFFFFBF8]  }
0x41b: {  	v6 =	vadd.s32 v9, v6;
	v9 =	vld [tilespmem:s2+$0xFFFFFCFA]  }
0x41c: {  	v6 =	vadd.s32 v10, v6;
	v10 =	vld [tilespmem:s2+$0xFFFFFD7B]  }
0x41d: {  	v6 =	vadd.s32 v11, v6;
	v11 =	vld [tilespmem:s2+$0xFFFFFDFC]  }
0x41e: {  	v61 =	vld [tilespmem:s2+$0xFFFFFE7D];
	v6 =	vadd.s32 v12, v6  }
0x41f: {  	v6 =	vadd.s32 v13, v6;
	v7 =	vadd.s32 v8, v7;
	v8 =	vld [tilespmem:s2+$0xFFFFFEFE]  }
0x420: {  	v6 =	vadd.s32 v14, v6;
	v7 =	vadd.s32 v9, v7;
	v9 =	vld [tilespmem:s2+$0xFFFFFF7F]  }
0x421: {  	v6 =	vadd.s32 v15, v6;
	v7 =	vadd.s32 v10, v7;
	v10 =	vld [tilespmem:s2+$0x0]  }
0x422: {  	v6 =	vadd.s32 v16, v6;
	v7 =	vadd.s32 v11, v7;
	v11 =	vld [tilespmem:s2+$0x81]  }
0x423: {  	v62 =	vld [tilespmem:s2+$0x102];
	v6 =	vadd.s32 v17, v6;
	v7 =	vadd.s32 v61, v7  }
0x424: {  	v63 =	vadd.s32 v18, v6;
	v7 =	vadd.s32 v8, v7;
	v6 =	vld [tilespmem:s2+$0x183]  }
0x425: {  	v8 =	vadd.s32 v19, v63;
	v9 =	vadd.s32 v9, v7;
	v7 =	vld [tilespmem:s2+$0x204]  }
0x426: {  	v13 =	vadd.s32 v20, v8;
	v9 =	vadd.s32 v10, v9;
	v8 =	vld [tilespmem:s2+$0x285]  }
0x427: {  	s0 =	ssub.s32 s28, s26;
	s26 =	simm.s32 $0x19090;
	s28 =	simm.s32 $0x0;
	v10 =	vadd.s32 v21, v13;
	v11 =	vadd.s32 v11, v9;
	v9 =	vld [tilespmem:s2+$0x306]  }
0x428: {  	s25 =	sadd.s32 s25, s0;
	s0 =	simm.s32 $0x0;
	[tilespmem:s26+$0x0] =	vst v10;
	v11 =	vadd.s32 v62, v11;
	v10 =	vld [tilespmem:s2+$0x387];
	s2 =	simm.s32 $0x18428  }
.LBB2_59:
0x429: {  	v12 =	vld [tilespmem:s2+$0xFFFFFC08];
	v6 =	vadd.s32 v6, v11  }
0x42a: {  	s0 =	sadd.s32 $0x2, s0;
	v11 =	vld [tilespmem:s2+$0xFFFFFC89];
	v6 =	vadd.s32 v7, v6  }
0x42b: {  	p1 =	slt.u32 s0, $0x6;
	v7 =	vld [tilespmem:s2+$0xFFFFFD0A];
	v6 =	vadd.s32 v8, v6  }
0x42c: {  	v8 =	vld [tilespmem:s2+$0xFFFFFD8B];
	v6 =	vadd.s32 v9, v6  }
0x42d: {  	v9 =	vld [tilespmem:s2+$0xFFFFFE0C];
	v6 =	vadd.s32 v10, v6  }
0x42e: {  	v10 =	vld [tilespmem:s2+$0xFFFFFE8D];
	[tilespmem:s26+$0xFFFFFFF0] =	vst v6  }
0x42f: {  	v6 =	vadd.s32 v12, v11;
	v11 =	vld [tilespmem:s2+$0xFFFFFF0E]  }
0x430: {  	v6 =	vadd.s32 v7, v6;
	v7 =	vld [tilespmem:s2+$0xFFFFFF8F]  }
0x431: {  	v6 =	vadd.s32 v8, v6;
	v8 =	vld [tilespmem:s2+$0x10]  }
0x432: {  	v6 =	vadd.s32 v9, v6;
	v9 =	vld [tilespmem:s2+$0x91]  }
0x433: {  	v6 =	vadd.s32 v10, v6;
	v10 =	vld [tilespmem:s2+$0x112]  }
0x434: {  	v6 =	vadd.s32 v11, v6;
	v11 =	vld [tilespmem:s2+$0x193]  }
0x435: {  	v6 =	vadd.s32 v7, v6;
	v7 =	vld [tilespmem:s2+$0x214]  }
0x436: {  	v6 =	vadd.s32 v8, v6;
	v8 =	vld [tilespmem:s2+$0x295]  }
0x437: {  	v6 =	vadd.s32 v9, v6;
	v9 =	vld [tilespmem:s2+$0x316]  }
0x438: {  	v6 =	vadd.s32 v10, v6;
	v10 =	vld [tilespmem:s2+$0x397]  }
0x439: {  	v12 =	vld [tilespmem:s2+$0xFFFFFC79];
	v6 =	vadd.s32 v11, v6  }
0x43a: {  	v11 =	vld [tilespmem:s2+$0xFFFFFBF8];
	v6 =	vadd.s32 v7, v6  }
0x43b: {  	v7 =	vld [tilespmem:s2+$0xFFFFFCFA];
	v6 =	vadd.s32 v8, v6  }
0x43c: {  	v8 =	vld [tilespmem:s2+$0xFFFFFD7B];
	v6 =	vadd.s32 v9, v6  }
0x43d: {  	s26 =	sadd.s32 $0x20, s26;
	v9 =	vld [tilespmem:s2+$0xFFFFFDFC];
	v6 =	vadd.s32 v10, v6  }
0x43e: {  	v10 =	vld [tilespmem:s2+$0xFFFFFE7D];
	[tilespmem:s26+$0x0] =	vst v6  }
0x43f: {  	v6 =	vadd.s32 v11, v12;
	v11 =	vld [tilespmem:s2+$0xFFFFFEFE]  }
0x440: {  	v6 =	vadd.s32 v7, v6;
	v7 =	vld [tilespmem:s2+$0xFFFFFF7F]  }
0x441: {  	v6 =	vadd.s32 v8, v6;
	v8 =	vld [tilespmem:s2+$0x0]  }
0x442: {  	v6 =	vadd.s32 v9, v6;
	v9 =	vld [tilespmem:s2+$0x81]  }
0x443: {  	v6 =	vadd.s32 v10, v6;
	v10 =	vld [tilespmem:s2+$0x102]  }
.Ltmp40:
0x444: {  	v11 =	vadd.s32 v11, v6;
	v6 =	vld [tilespmem:s2+$0x183];
	(pc) =	sbr.rel @p1 .LBB2_59-.Ltmp40, $4  }
0x445: {  	v11 =	vadd.s32 v7, v11;
	v7 =	vld [tilespmem:s2+$0x204]  }
0x446: {  	v11 =	vadd.s32 v8, v11;
	v8 =	vld [tilespmem:s2+$0x285]  }
0x447: {  	v11 =	vadd.s32 v9, v11;
	v9 =	vld [tilespmem:s2+$0x306]  }
0x448: {  	v11 =	vadd.s32 v10, v11;
	v10 =	vld [tilespmem:s2+$0x387];
	s2 =	sadd.s32 $0x20, s2  }
0x449: {  	v6 =	vadd.s32 v6, v11  }
0x44a: {  	v6 =	vadd.s32 v7, v6  }
0x44b: {  	v6 =	vadd.s32 v8, v6  }
0x44c: {  	v6 =	vadd.s32 v9, v6  }
0x44d: {  	v6 =	vadd.s32 v10, v6  }
0x44e: {  	[tilespmem:s26+$0xFFFFFFF0] =	vst v6  }
0x44f: {  	v6 =	vld [tilespmem:$0x190F0];
	_ =	sdelay $0x1  }
0x450: {  	v7 =	vld [tilespmem:$0x190E0]  }
0x451: {  	v8 =	vld [tilespmem:$0x190D0]  }
0x452: {  	v9 =	vld [tilespmem:$0x190C0]  }
0x453: {  	v10 =	vld [tilespmem:$0x190B0];
	(xrf0) =	vadd.scan.msk.s32 $0xffff, v6;
	_ =	sdelay $0x1  }
0x454: {  	(xrf0) =	vadd.scan.msk.s32 $0xffff, v7  }
0x455: {  	v7 =	vld [tilespmem:$0x190A0];
	(xrf0) =	vadd.scan.msk.s32 $0xffff, v8  }
0x456: {  	(xrf0) =	vadd.scan.msk.s32 $0xffff, v9  }
0x457: {  	(xrf0) =	vadd.scan.msk.s32 $0xffff, v10  }
0x458: {  	v6, _, _ =	vpop (xrf0)  }
0x459: {  	(v2sf) =	vpush v6, $0xF  }
0x45a: {  	(xrf0) =	vadd.scan.msk.s32 $0xffff, v7;
	v8, _, _ =	vpop (xrf0)  }
0x45b: {  	v6 =	vld [tilespmem:$0x19090];
	(v2sf) =	vpush v8, $0xF;
	v8, _, _ =	vpop (xrf0)  }
0x45c: {  	(v2sf) =	vpush v8, $0xF;
	v8, _, _ =	vpop (xrf0)  }
0x45d: {  	(v2sf) =	vpush v8, $0xF;
	v8, _, _ =	vpop (xrf0)  }
0x45e: {  	v9 =	vld [tilespmem:$0x19080];
	(v2sf) =	vpush v8, $0xF;
	_ =	sdelay $0x1  }
0x45f: {  	(xrf0) =	vadd.scan.msk.s32 $0xffff, v6;
	v6, _, _ =	vpop (xrf0)  }
0x460: {  	(v2sf) =	vpush v6, $0xF;
	_ =	sdelay $0x1  }
0x461: {  	(xrf0) =	vadd.scan.msk.s32 $0xffff, v9;
	_ =	sdelay $0x4  }
0x462: {  	v6, _, _ =	vpop (xrf0);
	s1 =	spop (v2sf)  }
0x463: {  	(v2sf) =	vpush v6, $0xF;
	v6, _, _ =	vpop (xrf0);
	p1 =	sge.s32 s1, s25  }
0x464: {  	(v2sf) =	vpush v6, $0xF;
	s0 =	spop (v2sf);
	s6 =	simm.s32 @!p1 $0x0  }
0x465: {  	s2 =	spop (v2sf);
	s6 =	simm.s32 @p1 $0x1  }
0x466: {  	s4 =	spop (v2sf);
	[smem:$0x7F9] =	sst s6;
	s6 =	sadd.s32 s1, s0  }
0x467: {  	s5 =	spop (v2sf);
	p0 =	sge.s32 s6, s25;
	p2 =	slt.s32 s6, s25  }
0x468: {  	s2 =	sadd.s32 s6, s2;
	s8 =	sld [smem:$0x7F9];
	s0 =	simm.s32 @!p2 $0x0  }
0x469: {  	p0 =	por p1, p0;
	p4 =	sge.s32 s2, s25;
	p3 =	slt.s32 s2, s25  }
0x46a: {  	s4 =	sadd.s32 s2, s4;
	s7 =	spop (v2sf);
	s0 =	simm.s32 @p2 $0x1  }
0x46b: {  	p1 =	por p3, p0;
	p0 =	por p0, p4;
	p5 =	sge.s32 s4, s25  }
0x46c: {  	p3 =	slt.s32 s4, s25;
	s5 =	sadd.s32 s4, s5;
	[smem:$0x7FB] =	sst s0  }
0x46d: {  	s0 =	simm.s32 @!p1 $0x0;
	p3 =	por p3, p0;
	p0 =	por p0, p5  }
0x46e: {  	p6 =	slt.s32 s5, s25;
	p4 =	seq.s32 s8, $0x1;
	s0 =	simm.s32 @p1 $0x1  }
0x46f: {  	s7 =	sadd.s32 s5, s7;
	[smem:$0x7FC] =	sst s0;
	s0 =	simm.s32 @!p3 $0x0  }
0x470: {  	p5 =	por p6, p0;
	p6 =	sge.s32 s5, s25;
	s0 =	simm.s32 @p3 $0x1  }
0x471: {  	p6 =	por p0, p6;
	[smem:$0x7FA] =	sst s0;
	s0 =	simm.s32 $0x0  }
0x472: {  	p3 =	sge.s32 s7, s25;
	s26 =	spop (v2sf);
	s0 =	simm.s32 @!p2 $0x60  }
0x473: {  	s8 =	sadd.s32 s7, s26;
	s9 =	spop (v2sf);
	s29 =	sld [smem:$0x7FA]  }
0x474: {  	p0 =	por p6, p3;
	s0 =	simm.s32 @p4 $0x70;
	s9 =	sadd.s32 s8, s9  }
0x475: {  	p2 =	por !p0, !p0;
	s0 =	simm.s32 @!p1 $0x50;
	p3 =	sge.s32 s9, s25  }
0x476: {  	p1 =	slt.s32 s7, s25;
	p2 =	por !p3, !p2;
	p3 =	seq.s32 s29, $0x1  }
0x477: {  	p6 =	por p1, p6;
	s0 =	simm.s32 @!p3 $0x40  }
0x478: {  	p1 =	por !p2, !p2;
	p2 =	slt.s32 s8, s25;
	s0 =	simm.s32 @!p5 $0x30  }
0x479: {  	p0 =	por p2, p0;
	p1 =	por !p1, !p2;
	s0 =	simm.s32 @!p6 $0x20  }
0x47a: {  	p1 =	por !p1, !p1;
	s0 =	simm.s32 @!p0 $0x10  }
0x47b: {  	s0 =	simm.s32 @p1 $0x0  }
0x47c: {  	v6 =	vld [tilespmem:s0+$0x19080];
	_ =	sdelay $0x2  }
0x47d: {  	s30 =	sld [smem:$0x7FB]  }
0x47e: {  	s31 =	sld [smem:$0x7FC]  }
0x47f: {  	v6 =	vperm.xlane v6, v4  }
0x480: {  	s1 =	simm.s32 @p4 $0x0;
	p2 =	seq.s32 s30, $0x1  }
0x481: {  	s1 =	simm.s32 @p2 $0x0;
	p2 =	seq.s32 s31, $0x1;
	(xrf0) =	vadd.scan.msk.s32 $0xffff, v6  }
0x482: {  	s6 =	smov.u32 @p2 s1  }
0x483: {  	s2 =	smov.u32 @p3 s6  }
0x484: {  	s4 =	smov.u32 @p5 s2  }
0x485: {  	s5 =	smov.u32 @p6 s4  }
0x486: {  	s7 =	smov.u32 @p0 s5  }
0x487: {  	s7 =	smov.u32 @p1 s8;
	v7, _, _ =	vpop (xrf0)  }
0x488: {  	v7 =	vadd.s32 s7, v7  }
0x489: {  	vm0 =	vge.s32 v7, s25  }
0x48a: {  	v8 =	vsel vm0, $0x1, v1  }
0x48b: {  	(xrf0) =	vadd.scan.msk.s32 $0xffff, v8;
	_ =	sdelay $0x5  }
0x48c: {  	v8, _, _ =	vpop (xrf0)  }
0x48d: {  	vm1 =	veq.s32 v8, $0x1  }
0x48e: {  	vm0 =	vmand vm0, vm1  }
0x48f: {  	v7 =	vnsel vm0, $0x0, v7  }
0x490: {  	v6 =	vnsel vm0, $0x0, v6;
	(xrf0) =	vadd.scan.msk.s32 $0xffff, v7  }
0x491: {  	(xrf0) =	vadd.scan.msk.s32 $0xffff, v6;
	v6 =	vnsel vm0, $0x0, v0  }
0x492: {  	(xrf0) =	vadd.scan.msk.s32 $0xffff, v6;
	_ =	sdelay $0x3  }
0x493: {  	v6, _, _ =	vpop (xrf0)  }
0x494: {  	v7, _, _ =	vpop (xrf0);
	(v2sf) =	vpush v6, $0xF  }
0x495: {  	(v2sf) =	vpush v7, $0xF;
	v6, _, _ =	vpop (xrf0)  }
0x496: {  	(v2sf) =	vpush v6, $0xF;
	_ =	sdelay $0x9  }
0x497: {  	s31 =	sld [smem:$0x7FD];
	_ =	sdelay $0x2  }
0x498: {  	p0 =	seq.s32 s31, $0x1;
	s16 =	spop (v2sf)  }
.Ltmp41:
0x499: {  	s26 =	spop (v2sf);
	(pc) =	sbr.rel @p0 .LBB2_61-.Ltmp41, $4  }
0x49a: {  	s0 =	sor.u32 $0xF, s0;
	s29 =	spop (v2sf)  }
0x49b: {  	s30 =	sshll.u32 s24, $0x7;
	s1 =	ssub.s32 s26, s16;
	s0 =	ssub.s32 s0, s29  }
0x49c: {  	s1 =	sadd.s32 s25, s1;
	s0 =	sor.u32 s30, s0  }
0x49d: {  	v8 =	vimm.s32 $0x0;
	v7 =	vmov s1;
	v6 =	vmov s0  }
0x49e: {  	s0 =	simm.s32 $0x10020  }
0x49f: {  	v9 =	vld [tilespmem:s0+$0xFFFFFFE0]  }
0x4a0: {  	v10 =	vld [tilespmem:s0+$0x10]  }
0x4a1: {  	s1 =	simm.s32 $0x30;
	v11 =	vld [tilespmem:s0+$0x0]  }
0x4a2: {  	s2 =	simm.s32 $0x0;
	v12 =	vor.u32 s1, v0  }
0x4a3: {  	s30 =	simm.s32 $0x20;
	v13 =	vor.u32 s2, v0;
	vm1 =	vlt.s32 v12, v5  }
0x4a4: {  	vm3 =	vlt.s32 v13, v5;
	v12 =	vor.u32 s30, v0;
	vm0 =	veq.s32 v9, v6  }
0x4a5: {  	v13 =	vld [tilespmem:s0+$0xFFFFFFF0];
	vm6 =	vlt.s32 v12, v5;
	vm2 =	veq.s32 v10, v6;
	vm0 =	vmand vm3, vm0  }
0x4a6: {  	vm4 =	veq.s32 v11, v6;
	vm2 =	vmand vm1, vm2;
	v12 =	vsel vm0, $0x1, v1  }
0x4a7: {  	vm4 =	vmand vm6, vm4;
	v14 =	vsel vm2, $0x1, v1;
	(xrf0) =	vadd.scan.msk.s32 $0xffff, v12  }
0x4a8: {  	s31 =	simm.s32 $0x10;
	v12 =	vsel vm4, $0x1, v1;
	(xrf0) =	vadd.scan.msk.s32 $0xffff, v14  }
0x4a9: {  	v15 =	vor.u32 s31, v0;
	v14 =	vmpcnt.ones.xlane vm0;
	(xrf0) =	vadd.scan.msk.s32 $0xffff, v12  }
0x4aa: {  	vm8 =	vlt.s32 v15, v5;
	vm5 =	vgt.s32 v9, v6;
	vm7 =	veq.s32 v13, v6  }
0x4ab: {  	vm13 =	vgt.s32 v10, v6;
	vm9 =	vmand vm3, vm5;
	vm5 =	vmand vm8, vm7  }
0x4ac: {  	vm3 =	vgt.s32 v13, v6;
	v9 =	vmpcnt.ones.xlane vm5;
	v12 =	vsel vm5, $0x1, v1  }
0x4ad: {  	vm7 =	vgt.s32 v11, v6;
	v13 =	vmpcnt.ones.xlane vm4;
	v11 =	vadd.s32 v8, v14;
	v14, _, _ =	vpop (xrf0);
	(xrf0) =	vadd.scan.msk.s32 $0xffff, v12  }
0x4ae: {  	vm1 =	vmand vm1, vm13;
	v9 =	vadd.s32 v11, v9;
	v12 =	vadd.s32 v8, v14;
	v14, _, _ =	vpop (xrf0)  }
0x4af: {  	vm6 =	vmand vm6, vm7;
	vm7 =	vle.s32 v12, v7;
	v12 =	vadd.s32 v9, v13;
	v10, _, _ =	vpop (xrf0)  }
0x4b0: {  	vm0 =	vmand vm0, vm7;
	v9 =	vadd.s32 v9, v10;
	v10 =	vadd.s32 v12, v14  }
0x4b1: {  	vm3 =	vmand vm8, vm3;
	vm0 =	vmor vm9, vm0;
	vm14 =	vle.s32 v10, v7  }
0x4b2: {  	vm7 =	vle.s32 v9, v7;
	v10 =	vmpcnt.ones.xlane vm2;
	vm15 =	vmand vm2, vm14  }
0x4b3: {  	p1 =	sgt.s32 s20, $0x4;
	v9 =	vmpcnt.ones.xlane vm0;
	vm2 =	vmand vm4, vm7;
	vm1 =	vmor vm1, vm15;
	v13, _, _ =	vpop (xrf0)  }
.Ltmp42:
0x4b4: {  	vm2 =	vmor vm6, vm2;
	v10 =	vadd.s32 v12, v10;
	v11 =	vadd.s32 v11, v13;
	(pc) =	sbr.rel @!p1 .LBB2_76-.Ltmp42, $4  }
0x4b5: {  	v12 =	vsel vm0, $0x1, v1;
	v14 =	vsel vm2, $0x1, v1;
	vm4 =	vle.s32 v11, v7  }
0x4b6: {  	v9 =	vadd.s32 v8, v9;
	v11 =	vsel vm1, $0x1, v1;
	(xrf0) =	vadd.scan.msk.s32 $0xffff, v14;
	vm4 =	vmand vm5, vm4  }
0x4b7: {  	s24 =	simm.s32 $0x8020;
	v13 =	vmpcnt.ones.xlane vm2;
	v14 =	vsel vm0, $0xFFFFFFFF, v1;
	(xrf0) =	vadd.scan.msk.s32 $0xffff, v11;
	vm4 =	vmor vm3, vm4  }
0x4b8: {  	p0 =	por $0x0, $0x0;
	s2 =	simm.s32 $0x40;
	s0 =	simm.s32 $0x10060;
	(xrf0) =	vadd.scan.msk.s32 $0xffff, v12;
	v11 =	vsel vm4, $0xFFFFFFFF, v1;
	v12 =	vsel vm4, $0x1, v1;
	v15 =	vmpcnt.ones.xlane vm4  }
0x4b9: {  	v16 =	vld [tilespmem:s0+$0xFFFFFFE0];
	v14 =	vadd.s32 v14, v8;
	v8 =	vmpcnt.ones.xlane vm1  }
0x4ba: {  	s1 =	simm.s32 $0x70;
	vm3 =	vmmov vm4;
	v17 =	vld [tilespmem:s0+$0x10];
	v18 =	vsel vm2, $0xFFFFFFFF, v1;
	v21 =	vsel vm1, $0xFFFFFFFF, v1  }
0x4bb: {  	v20 =	vld [tilespmem:s0+$0x0];
	v50 =	vor.u32 s2, v0;
	s30 =	simm.s32 $0x60;
	s31 =	simm.s32 $0x50;
	v15 =	vadd.s32 v9, v15;
	v19 =	vor.u32 s1, v0  }
0x4bc: {  	vm5 =	vlt.s32 v50, v5;
	v51 =	vor.u32 s30, v0;
	v57 =	vor.u32 s31, v0  }
0x4bd: {  	v18 =	vadd.s32 v18, v15;
	v13 =	vadd.s32 v15, v13;
	vm4 =	vlt.s32 v19, v5  }
0x4be: {  	vm10 =	vlt.s32 v51, v5;
	v21 =	vadd.s32 v21, v13;
	vm6 =	veq.s32 v16, v6  }
0x4bf: {  	v8 =	vadd.s32 v13, v8;
	v13 =	vld [tilespmem:s0+$0xFFFFFFF0];
	vm7 =	vmand vm5, vm6;
	vm6 =	veq.s32 v17, v6  }
0x4c0: {  	v15, _, _ =	vpop (xrf0);
	vm8 =	veq.s32 v20, v6;
	v52 =	vsel vm7, $0x1, v1;
	vm6 =	vmand vm4, vm6  }
0x4c1: {  	v9 =	vadd.s32 v11, v9;
	v22, _, _ =	vpop (xrf0);
	vm9 =	vmand vm10, vm8;
	(xrf0) =	vadd.scan.msk.s32 $0xffff, v52;
	v54 =	vsel vm6, $0x1, v1  }
0x4c2: {  	vm12 =	vlt.s32 v57, v5;
	vm14 =	vgt.s32 v16, v6;
	v55, _, _ =	vpop (xrf0);
	v16 =	vsel vm9, $0x1, v1;
	(xrf0) =	vadd.scan.msk.s32 $0xffff, v54  }
0x4c3: {  	v15 =	vadd.s32 v15, v18;
	vm13 =	vgt.s32 v17, v6;
	v53 =	vadd.s32 v22, v21;
	(xrf0) =	vadd.scan.msk.s32 $0xffff, v16  }
0x4c4: {  	vm11 =	vmand vm5, vm14;
	v14 =	vadd.s32 v55, v14;
	vm8 =	veq.s32 v13, v6;
	v16 =	vld [tilespmem:s24+$0xFFFFFFE0]  }
0x4c5: {  	v56 =	vmpcnt.ones.xlane vm7;
	v61 =	vmpcnt.ones.xlane vm9;
	vm8 =	vmand vm12, vm8;
	(xrf0) =	vadd.scan.msk.s32 $0xffff, v12  }
0x4c6: {  	vm4 =	vmand vm4, vm13;
	vm5 =	vgt.s32 v13, v6;
	v59 =	vsel vm8, $0x1, v1  }
0x4c7: {  	v63 =	vmpcnt.ones.xlane vm6;
	vm5 =	vmand vm12, vm5;
	v58 =	vmpcnt.ones.xlane vm8;
	v12 =	vld [tilespmem:s24+$0x0];
	v60, _, _ =	vpop (xrf0);
	(xrf0) =	vadd.scan.msk.s32 $0xffff, v59  }
0x4c8: {  	v62 =	vld [tilespmem:s24+$0x10];
	vm12 =	vgt.s32 v20, v6;
	v13 =	vadd.s32 v10, v56;
	v10 =	vadd.s32 v10, v60;
	v23, _, _ =	vpop (xrf0)  }
0x4c9: {  	vm10 =	vmand vm10, vm12;
	v19 =	vadd.s32 v13, v58;
	[tilespmem:v14+s14+$0x0] =	vst.idx.msk vm0, v16;
	vm12 =	vle.s32 v10, v7;
	v14, _, _ =	vpop (xrf0)  }
0x4ca: {  	v10 =	vadd.s32 v19, v61;
	vm0 =	vmand vm7, vm12;
	v14 =	vadd.s32 v19, v14  }
0x4cb: {  	v16 =	vadd.s32 v10, v23;
	v11, _, _ =	vpop (xrf0);
	vm0 =	vmor vm11, vm0;
	vm7 =	vle.s32 v14, v7  }
0x4cc: {  	[tilespmem:v15+s14+$0x0] =	vst.idx.msk vm2, v12;
	vm15 =	vle.s32 v16, v7;
	v17 =	vadd.s32 v11, v9;
	vm2 =	vmand vm9, vm7  }
0x4cd: {  	p1 =	sgt.s32 s20, $0x8;
	[tilespmem:v53+s14+$0x0] =	vst.idx.msk vm1, v62;
	v16 =	vld [tilespmem:s24+$0xFFFFFFF0];
	v14 =	vmpcnt.ones.xlane vm0;
	vm1 =	vmand vm6, vm15;
	vm2 =	vmor vm10, vm2;
	v12, _, _ =	vpop (xrf0)  }
.Ltmp43:
0x4ce: {  	vm1 =	vmor vm4, vm1;
	v11 =	vadd.s32 v13, v12;
	v12 =	vsel vm2, $0x1, v1;
	(pc) =	sbr.rel @!p1 .LBB2_78-.Ltmp43, $4  }
0x4cf: {  	v10 =	vadd.s32 v10, v63;
	vm4 =	vle.s32 v11, v7;
	v11 =	vsel vm1, $0x1, v1;
	(xrf0) =	vadd.scan.msk.s32 $0xffff, v12  }
0x4d0: {  	v9 =	vadd.s32 v8, v14;
	v12 =	vsel vm0, $0x1, v1;
	vm4 =	vmand vm8, vm4;
	(xrf0) =	vadd.scan.msk.s32 $0xffff, v11  }
0x4d1: {  	s25 =	simm.s32 $0x80;
	s26 =	simm.s32 $0x100A0;
	v13 =	vmpcnt.ones.xlane vm2;
	v14 =	vsel vm0, $0xFFFFFFFF, v1;
	vm4 =	vmor vm5, vm4;
	(xrf0) =	vadd.scan.msk.s32 $0xffff, v12  }
0x4d2: {  	p0 =	por $0x1, $0x1;
	s2 =	simm.s32 $0x8020;
	s0 =	simm.s32 $0x8;
	[tilespmem:v17+s14+$0x0] =	vst.idx.msk vm3, v16;
	v11 =	vsel vm4, $0xFFFFFFFF, v1;
	v12 =	vsel vm4, $0x1, v1;
	v15 =	vmpcnt.ones.xlane vm4  }
.LBB2_79:
0x4d3: {  	v16 =	vld [tilespmem:s26+$0xFFFFFFE0];
	s1 =	sadd.s32 $0x30, s25;
	s0 =	sadd.s32 $0x4, s0;
	v14 =	vadd.s32 v14, v8;
	v8 =	vmpcnt.ones.xlane vm1;
	s2 =	sadd.s32 $0x40, s2;
	vm3 =	vmmov vm4  }
0x4d4: {  	v19 =	vsel vm2, $0xFFFFFFFF, v1;
	v17 =	vor.u32 s1, v0;
	v18 =	vld [tilespmem:s26+$0x10];
	p1 =	slt.s32 s0, s20;
	v15 =	vadd.s32 v9, v15  }
0x4d5: {  	v24 =	vsel vm1, $0xFFFFFFFF, v1;
	v20 =	vld [tilespmem:s26+$0x0];
	v19 =	vadd.s32 v19, v15;
	v22 =	vadd.s32 v15, v13;
	v21, _, _ =	vpop (xrf0)  }
0x4d6: {  	v19 =	vadd.s32 v21, v19;
	v23 =	vadd.s32 v24, v22;
	v8 =	vadd.s32 v22, v8;
	v13, _, _ =	vpop (xrf0)  }
0x4d7: {  	s1 =	sadd.s32 $0x20, s25;
	vm4 =	vlt.s32 v17, v5;
	v21 =	vor.u32 s25, v0;
	v13 =	vadd.s32 v13, v23;
	v15, _, _ =	vpop (xrf0)  }
0x4d8: {  	vm5 =	vlt.s32 v21, v5;
	v21 =	vor.u32 s1, v0;
	vm6 =	veq.s32 v16, v6;
	v17 =	vld [tilespmem:s26+$0xFFFFFFF0]  }
0x4d9: {  	vm10 =	vlt.s32 v21, v5;
	vm8 =	vmand vm5, vm6;
	vm6 =	veq.s32 v18, v6;
	v21 =	vld [tilespmem:s2+$0x10]  }
0x4da: {  	v22 =	vsel vm8, $0x1, v1;
	vm7 =	veq.s32 v20, v6;
	vm6 =	vmand vm4, vm6;
	v23 =	vld [tilespmem:s2+$0x0]  }
0x4db: {  	s1 =	sadd.s32 $0x10, s25;
	v24 =	vmpcnt.ones.xlane vm8;
	vm9 =	vmand vm10, vm7;
	v25 =	vsel vm6, $0x1, v1;
	(xrf0) =	vadd.scan.msk.s32 $0xffff, v22  }
0x4dc: {  	v14 =	vadd.s32 v15, v14;
	vm7 =	vgt.s32 v16, v6;
	v16 =	vsel vm9, $0x1, v1;
	(xrf0) =	vadd.scan.msk.s32 $0xffff, v25;
	v22 =	vld [tilespmem:s2+$0xFFFFFFE0]  }
0x4dd: {  	v15 =	vor.u32 s1, v0;
	vm11 =	vmand vm5, vm7;
	vm7 =	veq.s32 v17, v6;
	(xrf0) =	vadd.scan.msk.s32 $0xffff, v16  }
0x4de: {  	vm12 =	vlt.s32 v15, v5;
	vm5 =	vgt.s32 v17, v6;
	[tilespmem:v13+s14+$0x0] =	vst.idx.msk vm1, v21  }
0x4df: {  	vm5 =	vmand vm12, vm5;
	vm7 =	vmand vm12, vm7;
	vm1 =	vgt.s32 v20, v6;
	[tilespmem:v19+s14+$0x0] =	vst.idx.msk vm2, v23  }
0x4e0: {  	v13 =	vadd.s32 v10, v24;
	v21 =	vmpcnt.ones.xlane vm9;
	v20 =	vmpcnt.ones.xlane vm7  }
0x4e1: {  	v17 =	vsel vm7, $0x1, v1;
	vm2 =	vmand vm10, vm1;
	v19, _, _ =	vpop (xrf0);
	[tilespmem:v14+s14+$0x0] =	vst.idx.msk vm0, v22;
	(xrf0) =	vadd.scan.msk.s32 $0xffff, v12  }
0x4e2: {  	v12 =	vadd.s32 v13, v20;
	v14 =	vmpcnt.ones.xlane vm6;
	v10 =	vadd.s32 v10, v19;
	(xrf0) =	vadd.scan.msk.s32 $0xffff, v17;
	v15, _, _ =	vpop (xrf0)  }
0x4e3: {  	vm1 =	vgt.s32 v18, v6;
	vm0 =	vle.s32 v10, v7;
	v10 =	vadd.s32 v12, v21;
	v16, _, _ =	vpop (xrf0)  }
0x4e4: {  	vm0 =	vmand vm8, vm0;
	v12 =	vadd.s32 v12, v16;
	v15 =	vadd.s32 v10, v15  }
0x4e5: {  	vm0 =	vmor vm11, vm0;
	vm8 =	vle.s32 v12, v7;
	vm10 =	vle.s32 v15, v7  }
0x4e6: {  	vm1 =	vmand vm4, vm1;
	v16 =	vmpcnt.ones.xlane vm0;
	vm4 =	vmand vm6, vm10  }
0x4e7: {  	v11 =	vadd.s32 v11, v9;
	vm6 =	vmand vm9, vm8;
	vm1 =	vmor vm1, vm4;
	v15, _, _ =	vpop (xrf0)  }
0x4e8: {  	vm2 =	vmor vm2, vm6;
	v9 =	vadd.s32 v8, v16;
	v12, _, _ =	vpop (xrf0);
	v16 =	vld [tilespmem:s2+$0xFFFFFFF0];
	v17 =	vadd.s32 v15, v11  }
.Ltmp44:
0x4e9: {  	v11 =	vadd.s32 v13, v12;
	v12 =	vsel vm2, $0x1, v1;
	v13 =	vmpcnt.ones.xlane vm2;
	(pc) =	sbr.rel @p1 .LBB2_79-.Ltmp44, $4  }
0x4ea: {  	v10 =	vadd.s32 v10, v14;
	vm4 =	vle.s32 v11, v7;
	v11 =	vsel vm1, $0x1, v1;
	(xrf0) =	vadd.scan.msk.s32 $0xffff, v12  }
0x4eb: {  	v14 =	vsel vm0, $0xFFFFFFFF, v1;
	v12 =	vsel vm0, $0x1, v1;
	vm4 =	vmand vm7, vm4;
	(xrf0) =	vadd.scan.msk.s32 $0xffff, v11  }
0x4ec: {  	vm4 =	vmor vm5, vm4;
	(xrf0) =	vadd.scan.msk.s32 $0xffff, v12  }
0x4ed: {  	s25 =	sadd.s32 $0x40, s25;
	s26 =	sadd.s32 $0x40, s26;
	v11 =	vsel vm4, $0xFFFFFFFF, v1;
	v12 =	vsel vm4, $0x1, v1;
	v15 =	vmpcnt.ones.xlane vm4;
	[tilespmem:v17+s14+$0x0] =	vst.idx.msk vm3, v16  }
.LBB2_80:
0x4ee: {  	(xrf0) =	vadd.scan.msk.s32 $0xffff, v12;
	_ =	sdelay $0x1  }
0x4ef: {  	s0 =	sadd.s32 @p0 $0x40, s2;
	v17 =	vsel vm2, $0xFFFFFFFF, v1;
	v57 =	vadd.s32 v9, v15  }
0x4f0: {  	v16 =	vsel vm1, $0xFFFFFFFF, v1;
	s24 =	smov.u32 @p0 s0;
	v58, _, _ =	vpop (xrf0);
	v13 =	vadd.s32 v57, v13;
	v12 =	vadd.s32 v17, v57  }
0x4f1: {  	v61 =	vld [tilespmem:s24+$0x0];
	v16 =	vadd.s32 v16, v13;
	v18, _, _ =	vpop (xrf0);
	v12 =	vadd.s32 v58, v12  }
0x4f2: {  	v8 =	vadd.s32 v14, v8;
	v59 =	vld [tilespmem:s24+$0x10];
	v16 =	vadd.s32 v18, v16;
	v60, _, _ =	vpop (xrf0)  }
0x4f3: {  	v9 =	vadd.s32 v11, v9;
	v62 =	vld [tilespmem:s24+$0xFFFFFFE0];
	v8 =	vadd.s32 v60, v8;
	v11, _, _ =	vpop (xrf0)  }
0x4f4: {  	v63 =	vld [tilespmem:s24+$0xFFFFFFF0];
	v9 =	vadd.s32 v11, v9  }
.Ltmp45:
0x4f5: {  	_ = 	snop;
	(pc) =	sbr.rel .LBB2_62-.Ltmp45, $4  }
0x4f6: {  	[tilespmem:v12+s14+$0x0] =	vst.idx.msk vm2, v61  }
0x4f7: {  	v11 =	vmpcnt.ones.xlane vm1;
	[tilespmem:v16+s14+$0x0] =	vst.idx.msk vm1, v59  }
0x4f8: {  	[tilespmem:v8+s14+$0x0] =	vst.idx.msk vm0, v62  }
0x4f9: {  	vm3 =	vmmov vm4;
	v8 =	vadd.s32 v13, v11;
	[tilespmem:v9+s14+$0x0] =	vst.idx.msk vm4, v63  }
.LBB2_61:
0x4fa: {  	v10 =	vimm.s32 $0x0  }
.LBB2_62:
0x4fb: {  	p0 =	slt.s32 s21, $0x1  }
.Ltmp46:
0x4fc: {  	_ = 	snop;
	(pc) =	sbr.rel @p0 .LBB2_65-.Ltmp46, $1  }
0x4fd: {  	_ =	sdelay $0x3  }
0x4fe: {  	s1 =	sshra.s32 s23, $0x2;
	s4 =	sshll.u32 s21, $0x4  }
0x4ff: {  	s0 =	sadd.s32 $0x8000, s1;
	s2 =	sadd.s32 $0x10000, s1;
	s4 =	ssub.s32 s22, s4  }
.LBB2_64:
0x500: {  	v9 =	vld [tilespmem:s2+$0x0];
	_ =	sdelay $0x3  }
0x501: {  	v11 =	vor.u32 s4, v0  }
0x502: {  	vm0 =	vlt.s32 v11, v5;
	vm1 =	veq.s32 v9, v6  }
0x503: {  	vm1 =	vmand vm0, vm1  }
0x504: {  	v11 =	vsel vm1, $0x1, v1  }
0x505: {  	(xrf0) =	vadd.scan.msk.s32 $0xffff, v11;
	_ =	sdelay $0x5  }
0x506: {  	v11, _, _ =	vpop (xrf0)  }
0x507: {  	v11 =	vadd.s32 v10, v11  }
0x508: {  	vm2 =	vgt.s32 v9, v6;
	vm3 =	vle.s32 v11, v7  }
0x509: {  	vm0 =	vmand vm0, vm2;
	vm15 =	vmand vm1, vm3  }
0x50a: {  	vm0 =	vmor vm0, vm15  }
0x50b: {  	v9 =	vsel vm0, $0x1, v1  }
0x50c: {  	(xrf0) =	vadd.scan.msk.s32 $0xffff, v9;
	_ =	sdelay $0x4  }
0x50d: {  	v9 =	vsel vm0, $0xFFFFFFFF, v1  }
0x50e: {  	s20 =	sadd.s32 $0x1, s20;
	v9 =	vadd.s32 v9, v8;
	v11, _, _ =	vpop (xrf0)  }
0x50f: {  	v12 =	vld [tilespmem:s0+$0x0];
	p0 =	slt.s32 s20, s19;
	v9 =	vadd.s32 v11, v9  }
.Ltmp47:
0x510: {  	_ = 	snop;
	(pc) =	sbr.rel @p0 .LBB2_64-.Ltmp47, $3  }
0x511: {  	_ = 	snop  }
0x512: {  	v13 =	vmpcnt.ones.xlane vm1;
	v11 =	vmpcnt.ones.xlane vm0;
	_ =	sdelay $0x1  }
0x513: {  	s0 =	sadd.s32 $0x10, s0;
	s2 =	sadd.s32 $0x10, s2;
	s4 =	sadd.s32 $0x10, s4;
	v10 =	vadd.s32 v10, v13;
	v8 =	vadd.s32 v8, v11;
	[tilespmem:v9+s14+$0x0] =	vst.idx.msk vm0, v12  }
.Ltmp48:
0x514: {  	_ = 	snop;
	(pc) =	sbr.rel .LBB2_65-.Ltmp48, $1  }
0x515: {  	_ =	sdelay $0x3  }
.LBB2_47:
.Ltmp49:
0x516: {  	(pc) =	sbr.rel .LBB2_54-.Ltmp49, $2  }
0x517: {  	_ =	sdelay $0x2  }
0x518: {  	s30 =	simm.s32 $0x8020;
	v11 =	vimm.s32 $0x0  }
.LBB2_43:
.Ltmp50:
0x519: {  	(pc) =	sbr.rel .LBB2_72-.Ltmp50, $2  }
0x51a: {  	_ =	sdelay $0x2  }
0x51b: {  	_ = 	snop  }
.LBB2_76:
.Ltmp51:
0x51c: {  	(pc) =	sbr.rel .LBB2_80-.Ltmp51, $2  }
0x51d: {  	_ =	sdelay $0x2  }
0x51e: {  	s2 =	simm.s32 $0x8020  }
.LBB2_49:
.Ltmp52:
0x51f: {  	(pc) =	sbr.rel .LBB2_54-.Ltmp52, $3  }
0x520: {  	_ =	sdelay $0x1  }
0x521: {  	v30 =	vmov v8;
	v28 =	vmov v7;
	v20 =	vmov v13  }
0x522: {  	v10 =	vmovc v11;
	v8 =	vmovc v14;
	s30 =	simm.s32 $0x8020;
	v7 =	vmov v15;
	s0 =	simm.s32 $0x8020;
	v13 =	vmov v12;
	v9 =	vmov v24  }
.LBB2_69:
.Ltmp53:
0x523: {  	(pc) =	sbr.rel .LBB2_72-.Ltmp53, $2  }
0x524: {  	_ =	sdelay $0x2  }
0x525: {  	vm6 =	vmmov vm4  }
.LBB2_78:
.Ltmp54:
0x526: {  	(pc) =	sbr.rel .LBB2_80-.Ltmp54, $2  }
0x527: {  	_ =	sdelay $0x2  }
0x528: {  	s2 =	simm.s32 $0x8020  }
.LBB2_51:
.Ltmp55:
0x529: {  	(pc) =	sbr.rel .LBB2_54-.Ltmp55, $3  }
0x52a: {  	_ =	sdelay $0x1  }
0x52b: {  	v29 =	vmovc v7;
	vm7 =	vmmov vm3;
	v30 =	vmov v14;
	v28 =	vmov v15  }
0x52c: {  	v7 =	vmovc v25;
	s0 =	simm.s32 $0x8060;
	v11 =	vmovc v10;
	v25 =	vmov v20;
	v20 =	vmov v12;
	v13 =	vmov v22  }
.LBB2_67:
0x52d: {  	_ =	sfence.sel $0x180000  }
0x52e: {  	[bflag:$0x0] =	sbarrier.arrive $0xFFFF  }
0x52f: {  	_ =	strace $0x90000047  }
0x530: {  	s0 =	stileid.u32;
	[bflag:$0x2] =	sbarrier.arrive $0xFFFF  }
0x531: {  	p0 =	sne.s32 s0, $0x0;
	s0 =	rddreg [dreg:$0x2]  }
0x532: {  	s0 =	sadd.s32 @!p0 $0x100000, s0  }
0x533: {  	[sflag:s0] =	ssyncadd.tile.s32 @!p0 $0x1;
	_ =	shalt  }
.Lfunc_end2:
_tile_overlayer_lowered:
.L_overlay_start_2:
0x534: {  	(tag) =	ssettag $0x2  }
0x535: {  	s0 =	rddreg [dreg:$0x0];
	s2 =	stileid.u32  }
0x536: {  	s1 =	rddreg [dreg:$0x1];
	p0 =	sne.s32 s2, $0x0  }
0x537: {  	s3 =	rddreg [dreg:$0x2];
	[bflag:$0x3] =	sbarrier.arrive $0xFFFF;
	s2 =	simm.s32 @!p0 $0x1C02  }
0x538: {  	[timem:s3], [sflag:s2] =	dma.local @!p0 [hbm:s0], s1  }
0x539: {  	s0 =	simm.s32 @!p0 $0x2  }
0x53a: {  	_ =	swait.ge @!p0 [sflag:s0], s1  }
0x53b: {  	s1 =	ssub.s32 @!p0 $0x0, s1;
	[sflag:s0] =	ssyncset.done @!p0 $0x0  }
0x53c: {  	[sflag:s0] =	ssyncadd.s32 @!p0 s1  }
0x53d: {  	[bflag:$0x3] =	sbarrier.arrive $0xFFFF  }
0x53e: {  	_ =	shalt  }

</sc_bundles>
